<compile_context>
chip_gen: v7x
topology: tpu7x:2x2x1
jax: 0.10.2.dev20260603
libtpu: 0.0.44.dev20260713+nightly
codegen_flags: <defaults>
</compile_context>

<pallas_src>
import functools
import math

import jax
import jax.numpy as jnp
from jax import lax
from jax.experimental import pallas as pl
from jax.experimental.pallas import tpu as pltpu
from jax.experimental.pallas import tpu_sc as plsc

_D = 2048
_N = 8192
_NC, _NS = 2, 16
_NW = _NC * _NS
_PER_W = _N // _NW
_C = 16
_NCHUNK = _PER_W // _C
_NBUF = 3
_LANES = 16
_SCALE = math.sqrt(float(_D))


def _emb_body(x_hbm, w_hbm, out_hbm, idx_v, rows, *sems):
  gsem = sems[:_NBUF]
  ssem = sems[_NBUF:]
  wid = lax.axis_index("s") * _NC + lax.axis_index("c")
  base = wid * _PER_W
  pltpu.sync_copy(x_hbm.at[pl.ds(base, _PER_W)], idx_v)

  gathers = [None] * _NCHUNK
  scatters = [None] * _NCHUNK

  def start_gather(c):
    b = c % _NBUF
    gathers[c] = pltpu.async_copy(
        w_hbm.at[idx_v.at[pl.ds(c * _C, _C)]], rows.at[b], gsem[b])

  start_gather(0)
  start_gather(1)
  for c in range(_NCHUNK):
    b = c % _NBUF
    gathers[c].wait()

    @plsc.parallel_loop(0, _C * _D, step=_LANES, unroll=8)
    def _scale(i, b=b):
      r = i // _D
      jj = i - r * _D
      rows[b, r, pl.ds(jj, _LANES)] = rows[b, r, pl.ds(jj, _LANES)] * _SCALE

    scatters[c] = pltpu.async_copy(
        rows.at[b], out_hbm.at[pl.ds(base + c * _C, _C)], ssem[b])
    nxt = c + 2
    if nxt < _NCHUNK:
      if nxt >= _NBUF:
        scatters[nxt - _NBUF].wait()
      start_gather(nxt)
  for c in range(_NCHUNK - _NBUF, _NCHUNK):
    scatters[c].wait()


@functools.lru_cache(maxsize=None)
def _build_emb():
  mesh = plsc.VectorSubcoreMesh(
      core_axis_name="c", subcore_axis_name="s",
      num_cores=_NC, num_subcores=_NS,
  )
  return pl.kernel(
      _emb_body,
      out_type=jax.ShapeDtypeStruct((_N, _D), jnp.float32),
      mesh=mesh,
      scratch_types=(
          [pltpu.VMEM((_PER_W,), jnp.int32),
           pltpu.VMEM((_NBUF, _C, _D), jnp.float32)]
          + [pltpu.SemaphoreType.DMA] * (2 * _NBUF)
      ),
  )


@jax.jit
def kernel(x, W):
  out = _build_emb()(x.reshape(_N), W)
  return out.reshape(*x.shape, _D)

# --- scband reference (transcript-rebuilt; emitter-appended) ---
"""Pipeline reference for scband-transformer-embeddings-27410481283734 (READ-ONLY COPY).

The authoritative reference and input builder live on the scoring server;
editing this copy changes nothing except your own understanding.
"""

import math
import jax, jax.numpy as jnp
import numpy as np

VOCAB = 100000
D_MODEL = 2048
BATCH = 4
SEQ = 2048


def setup_inputs(seed: int = 0) -> dict:
    key = jax.random.key(seed)
    k1, k2 = jax.random.split(key)
    x = jax.random.randint(k1, (BATCH, SEQ), 0, VOCAB, dtype=jnp.int32)
    # learned embedding table (nn.Embedding weight), default init N(0,1)
    W = jax.random.normal(k2, (VOCAB, D_MODEL), dtype=jnp.float32)
    return {"x": x, "W": W}


def reference(x, W):
    # lookup(x) * sqrt(d_model)
    emb = jnp.take(W, x, axis=0)
    return emb * math.sqrt(D_MODEL)

if __name__ == "__main__":
    import jax
    _d = setup_inputs()
    print(jax.jit(kernel)(*tuple(_d.values())))

</pallas_src>

<mosaic_0001>
#map = affine_map<(d0, d1) -> (0)>
#map1 = affine_map<(d0, d1) -> (0, 0)>
module attributes {stable_mosaic.version = 14 : i64} {
  func.func @_emb_body(%arg0: i32, %arg1: i32, %arg2: memref<8192xi32, #tpu.memory_space<hbm>>, %arg3: memref<100000x2048xf32, #tpu.memory_space<hbm>>, %arg4: memref<8192x2048xf32, #tpu.memory_space<hbm>>, %arg5: memref<256xi32, #tpu.memory_space<vmem>>, %arg6: memref<3x16x2048xf32, #tpu.memory_space<vmem>>, %arg7: memref<!tpu.dma_semaphore, #tpu.memory_space<semaphore_mem>>, %arg8: memref<!tpu.dma_semaphore, #tpu.memory_space<semaphore_mem>>, %arg9: memref<!tpu.dma_semaphore, #tpu.memory_space<semaphore_mem>>, %arg10: memref<!tpu.dma_semaphore, #tpu.memory_space<semaphore_mem>>, %arg11: memref<!tpu.dma_semaphore, #tpu.memory_space<semaphore_mem>>, %arg12: memref<!tpu.dma_semaphore, #tpu.memory_space<semaphore_mem>>) attributes {dimension_semantics = [#tpu.dimension_semantics<core_parallel>, #tpu.dimension_semantics<subcore_parallel>], iteration_bounds = array<i64: 2, 16>, scalar_prefetch = 0 : i64, scratch_operands = 8 : i64, tpu.core_type = #tpu.core_type<sc_vector_subcore>, window_params = [{transform_indices = #map}, {transform_indices = #map1}, {transform_indices = #map1}]} {
    %mul3A = arith.constant 2 : i32
    %mul3A_0 = arith.muli %arg1, %mul3A : i32
    %add3A = arith.addi %mul3A_0, %arg0 : i32
    %mul3A_1 = arith.constant 256 : i32
    %mul3A_2 = arith.muli %add3A, %mul3A_1 : i32
    "tpu.region"() ({
      %run_scoped3A = tpu.sem_alloc : memref<!tpu.dma_semaphore, #tpu.memory_space<semaphore_mem>>
      %dma_start3A_816 = tpu.memref_slice %arg2[%mul3A_2] : memref<8192xi32, #tpu.memory_space<hbm>> -> memref<256xi32, #tpu.memory_space<hbm>>
      %dma_start3A_817 = tpu.memref_slice %arg2[%mul3A_2] : memref<8192xi32, #tpu.memory_space<hbm>> -> memref<256xi32, #tpu.memory_space<hbm>>
      tpu.enqueue_dma source(%dma_start3A_817 : memref<256xi32, #tpu.memory_space<hbm>>) target(%arg5 : memref<256xi32, #tpu.memory_space<vmem>>) target_semaphore(%run_scoped3A : memref<!tpu.dma_semaphore, #tpu.memory_space<semaphore_mem>>)
      %dma_wait3A_818 = tpu.memref_slice %arg2[%mul3A_2] : memref<8192xi32, #tpu.memory_space<hbm>> -> memref<256xi32, #tpu.memory_space<hbm>>
      %dma_wait3A_819 = tpu.memref_slice %arg2[%mul3A_2] : memref<8192xi32, #tpu.memory_space<hbm>> -> memref<256xi32, #tpu.memory_space<hbm>>
      tpu.wait_dma2 semaphore(%run_scoped3A : memref<!tpu.dma_semaphore, #tpu.memory_space<semaphore_mem>>) src(%dma_wait3A_819 : memref<256xi32, #tpu.memory_space<hbm>>) dst(%arg5 : memref<256xi32, #tpu.memory_space<vmem>>)
      tpu.yield
    }) : () -> ()
    %dma_start3A = arith.constant 0 : i32
    %dma_start3A_3 = arith.constant 0 : i32
    %dma_start3A_4 = arith.constant 0 : i32
    %dma_start3A_5 = tpu.memref_slice %arg6[%dma_start3A, %dma_start3A_3, %dma_start3A_4] : memref<3x16x2048xf32, #tpu.memory_space<vmem>> -> memref<1x16x2048xf32, #tpu.memory_space<vmem>>
    %dma_start3A_6 = tpu.memref_squeeze %dma_start3A_5 : memref<1x16x2048xf32, #tpu.memory_space<vmem>> -> memref<16x2048xf32, #tpu.memory_space<vmem>>
    %dma_start3A_7 = arith.constant 0 : i32
    %dma_start3A_8 = tpu.memref_slice %arg5[%dma_start3A_7] : memref<256xi32, #tpu.memory_space<vmem>> -> memref<16xi32, #tpu.memory_space<vmem>>
    %dma_start3A_9 = arith.constant 0 : i32
    %dma_start3A_10 = arith.constant 0 : i32
    %dma_start3A_11 = tpu.memref_slice %arg3[%dma_start3A_9, %dma_start3A_10] : memref<100000x2048xf32, #tpu.memory_space<hbm>> -> memref<100000x2048xf32, #tpu.memory_space<hbm>>
    tpu.enqueue_indirect_dma source(%dma_start3A_11 : memref<100000x2048xf32, #tpu.memory_space<hbm>>) target(%dma_start3A_6 : memref<16x2048xf32, #tpu.memory_space<vmem>>) offsets(%dma_start3A_8 : memref<16xi32, #tpu.memory_space<vmem>>) semaphore(%arg7 : memref<!tpu.dma_semaphore, #tpu.memory_space<semaphore_mem>>)
    %dma_start3A_12 = arith.constant 1 : i32
    %dma_start3A_13 = arith.constant 0 : i32
    %dma_start3A_14 = arith.constant 0 : i32
    %dma_start3A_15 = tpu.memref_slice %arg6[%dma_start3A_12, %dma_start3A_13, %dma_start3A_14] : memref<3x16x2048xf32, #tpu.memory_space<vmem>> -> memref<1x16x2048xf32, #tpu.memory_space<vmem>>
    %dma_start3A_16 = tpu.memref_squeeze %dma_start3A_15 : memref<1x16x2048xf32, #tpu.memory_space<vmem>> -> memref<16x2048xf32, #tpu.memory_space<vmem>>
    %dma_start3A_17 = arith.constant 16 : i32
    %dma_start3A_18 = tpu.memref_slice %arg5[%dma_start3A_17] : memref<256xi32, #tpu.memory_space<vmem>> -> memref<16xi32, #tpu.memory_space<vmem>>
    %dma_start3A_19 = arith.constant 0 : i32
    %dma_start3A_20 = arith.constant 0 : i32
    %dma_start3A_21 = tpu.memref_slice %arg3[%dma_start3A_19, %dma_start3A_20] : memref<100000x2048xf32, #tpu.memory_space<hbm>> -> memref<100000x2048xf32, #tpu.memory_space<hbm>>
    tpu.enqueue_indirect_dma source(%dma_start3A_21 : memref<100000x2048xf32, #tpu.memory_space<hbm>>) target(%dma_start3A_16 : memref<16x2048xf32, #tpu.memory_space<vmem>>) offsets(%dma_start3A_18 : memref<16xi32, #tpu.memory_space<vmem>>) semaphore(%arg8 : memref<!tpu.dma_semaphore, #tpu.memory_space<semaphore_mem>>)
    %dma_wait3A = arith.constant 0 : i32
    %dma_wait3A_22 = arith.constant 0 : i32
    %dma_wait3A_23 = arith.constant 0 : i32
    %dma_wait3A_24 = tpu.memref_slice %arg6[%dma_wait3A, %dma_wait3A_22, %dma_wait3A_23] : memref<3x16x2048xf32, #tpu.memory_space<vmem>> -> memref<1x16x2048xf32, #tpu.memory_space<vmem>>
    %dma_wait3A_25 = tpu.memref_squeeze %dma_wait3A_24 : memref<1x16x2048xf32, #tpu.memory_space<vmem>> -> memref<16x2048xf32, #tpu.memory_space<vmem>>
    %dma_wait3A_26 = arith.constant 0 : i32
    %dma_wait3A_27 = tpu.memref_slice %arg5[%dma_wait3A_26] : memref<256xi32, #tpu.memory_space<vmem>> -> memref<16xi32, #tpu.memory_space<vmem>>
    %dma_wait3A_28 = arith.constant 0 : i32
    %dma_wait3A_29 = arith.constant 0 : i32
    %dma_wait3A_30 = tpu.memref_slice %arg3[%dma_wait3A_28, %dma_wait3A_29] : memref<100000x2048xf32, #tpu.memory_space<hbm>> -> memref<100000x2048xf32, #tpu.memory_space<hbm>>
    tpu.wait_indirect_dma semaphore(%arg7 : memref<!tpu.dma_semaphore, #tpu.memory_space<semaphore_mem>>) src(%dma_wait3A_30 : memref<100000x2048xf32, #tpu.memory_space<hbm>>) dst(%dma_wait3A_25 : memref<16x2048xf32, #tpu.memory_space<vmem>>)
    %parallel_loop3A = arith.constant 0 : i32
    %parallel_loop3A_31 = arith.constant 32768 : i32
    %parallel_loop3A_32 = arith.constant 16 : i32
    scf.for %parallel_loop3A_816 = %parallel_loop3A to %parallel_loop3A_31 step %parallel_loop3A_32  : i32 {
      %parallel_loop3A_817 = arith.constant 2048 : i32
      %parallel_loop3A_818 = arith.divsi %parallel_loop3A_816, %parallel_loop3A_817 : i32
      %parallel_loop3A_819 = arith.constant 0 : i32
      %parallel_loop3A_820 = arith.cmpi sgt, %parallel_loop3A_816, %parallel_loop3A_819 : i32
      %parallel_loop3A_821 = arith.extui %parallel_loop3A_820 : i1 to i32
      %parallel_loop3A_822 = arith.constant 0 : i32
      %parallel_loop3A_823 = arith.cmpi slt, %parallel_loop3A_816, %parallel_loop3A_822 : i32
      %parallel_loop3A_824 = arith.extui %parallel_loop3A_823 : i1 to i32
      %parallel_loop3A_825 = arith.subi %parallel_loop3A_821, %parallel_loop3A_824 : i32
      %parallel_loop3A_826 = arith.constant 0 : i32
      %parallel_loop3A_827 = arith.cmpi sgt, %parallel_loop3A_817, %parallel_loop3A_826 : i32
      %parallel_loop3A_828 = arith.extui %parallel_loop3A_827 : i1 to i32
      %parallel_loop3A_829 = arith.constant 0 : i32
      %parallel_loop3A_830 = arith.cmpi slt, %parallel_loop3A_817, %parallel_loop3A_829 : i32
      %parallel_loop3A_831 = arith.extui %parallel_loop3A_830 : i1 to i32
      %parallel_loop3A_832 = arith.subi %parallel_loop3A_828, %parallel_loop3A_831 : i32
      %parallel_loop3A_833 = arith.cmpi ne, %parallel_loop3A_825, %parallel_loop3A_832 : i32
      %parallel_loop3A_834 = arith.remsi %parallel_loop3A_816, %parallel_loop3A_817 : i32
      %parallel_loop3A_835 = arith.constant 0 : i32
      %parallel_loop3A_836 = arith.cmpi ne, %parallel_loop3A_834, %parallel_loop3A_835 : i32
      %parallel_loop3A_837 = arith.andi %parallel_loop3A_833, %parallel_loop3A_836 : i1
      %parallel_loop3A_838 = arith.constant 1 : i32
      %parallel_loop3A_839 = arith.subi %parallel_loop3A_818, %parallel_loop3A_838 : i32
      %parallel_loop3A_840 = arith.select %parallel_loop3A_837, %parallel_loop3A_839, %parallel_loop3A_818 : i32
      %parallel_loop3A_841 = arith.constant 2048 : i32
      %parallel_loop3A_842 = arith.muli %parallel_loop3A_840, %parallel_loop3A_841 : i32
      %parallel_loop3A_843 = arith.subi %parallel_loop3A_816, %parallel_loop3A_842 : i32
      %parallel_loop3A_844 = arith.constant 0 : i32
      %parallel_loop3A_845 = arith.index_cast %parallel_loop3A_844 : i32 to index
      %parallel_loop3A_846 = arith.index_cast %parallel_loop3A_840 : i32 to index
      %parallel_loop3A_847 = arith.index_cast %parallel_loop3A_843 : i32 to index
      %parallel_loop3A_848 = tpu.vector_load %arg6[%parallel_loop3A_845, %parallel_loop3A_846, %parallel_loop3A_847] {strides = array<i32>} : memref<3x16x2048xf32, #tpu.memory_space<vmem>>, vector<1x1x16xf32>,
      %parallel_loop3A_849 = vector.shape_cast %parallel_loop3A_848 : vector<1x1x16xf32> to vector<16xf32>
      %parallel_loop3A_850 = arith.constant 45.2548332 : f32
      %parallel_loop3A_851 = vector.broadcast %parallel_loop3A_850 : f32 to vector<16xf32>
      %parallel_loop3A_852 = arith.mulf %parallel_loop3A_849, %parallel_loop3A_851 : vector<16xf32>
      %parallel_loop3A_853 = arith.constant 0 : i32
      %parallel_loop3A_854 = arith.index_cast %parallel_loop3A_853 : i32 to index
      %parallel_loop3A_855 = arith.index_cast %parallel_loop3A_840 : i32 to index
      %parallel_loop3A_856 = arith.index_cast %parallel_loop3A_843 : i32 to index
      %parallel_loop3A_857 = tpu.vector_load %arg6[%parallel_loop3A_854, %parallel_loop3A_855, %parallel_loop3A_856] {strides = array<i32>} : memref<3x16x2048xf32, #tpu.memory_space<vmem>>, vector<1x1x16xf32>,
      %parallel_loop3A_858 = vector.shape_cast %parallel_loop3A_857 : vector<1x1x16xf32> to vector<16xf32>
      %parallel_loop3A_859 = vector.shape_cast %parallel_loop3A_852 : vector<16xf32> to vector<1x1x16xf32>
      tpu.vector_store %arg6[%parallel_loop3A_854, %parallel_loop3A_855, %parallel_loop3A_856], %parallel_loop3A_859 {strides = array<i32>} : memref<3x16x2048xf32, #tpu.memory_space<vmem>>, vector<1x1x16xf32>,
    } {sc.loop_unroll_factor = 8 : i64, sc.parallel_access}
    %add3A_33 = arith.constant 0 : i32
    %add3A_34 = arith.addi %mul3A_2, %add3A_33 : i32
    %dma_start3A_35 = arith.constant 0 : i32
    %dma_start3A_36 = arith.constant 0 : i32
    %dma_start3A_37 = arith.constant 0 : i32
    %dma_start3A_38 = tpu.memref_slice %arg6[%dma_start3A_35, %dma_start3A_36, %dma_start3A_37] : memref<3x16x2048xf32, #tpu.memory_space<vmem>> -> memref<1x16x2048xf32, #tpu.memory_space<vmem>>
    %dma_start3A_39 = tpu.memref_squeeze %dma_start3A_38 : memref<1x16x2048xf32, #tpu.memory_space<vmem>> -> memref<16x2048xf32, #tpu.memory_space<vmem>>
    %dma_start3A_40 = arith.constant 0 : i32
    %dma_start3A_41 = tpu.memref_slice %arg4[%add3A_34, %dma_start3A_40] : memref<8192x2048xf32, #tpu.memory_space<hbm>> -> memref<16x2048xf32, #tpu.memory_space<hbm>>
    %dma_start3A_42 = arith.constant 0 : i32
    %dma_start3A_43 = tpu.memref_slice %arg4[%add3A_34, %dma_start3A_42] : memref<8192x2048xf32, #tpu.memory_space<hbm>> -> memref<16x2048xf32, #tpu.memory_space<hbm>>
    %dma_start3A_44 = arith.constant 0 : i32
    %dma_start3A_45 = arith.constant 0 : i32
    %dma_start3A_46 = tpu.memref_slice %arg6[%dma_start3A_35, %dma_start3A_44, %dma_start3A_45] : memref<3x16x2048xf32, #tpu.memory_space<vmem>> -> memref<1x16x2048xf32, #tpu.memory_space<vmem>>
    %dma_start3A_47 = tpu.memref_squeeze %dma_start3A_46 : memref<1x16x2048xf32, #tpu.memory_space<vmem>> -> memref<16x2048xf32, #tpu.memory_space<vmem>>
    tpu.enqueue_dma source(%dma_start3A_47 : memref<16x2048xf32, #tpu.memory_space<vmem>>) target(%dma_start3A_43 : memref<16x2048xf32, #tpu.memory_space<hbm>>) target_semaphore(%arg10 : memref<!tpu.dma_semaphore, #tpu.memory_space<semaphore_mem>>)
    %dma_start3A_48 = arith.constant 2 : i32
    %dma_start3A_49 = arith.constant 0 : i32
    %dma_start3A_50 = arith.constant 0 : i32
    %dma_start3A_51 = tpu.memref_slice %arg6[%dma_start3A_48, %dma_start3A_49, %dma_start3A_50] : memref<3x16x2048xf32, #tpu.memory_space<vmem>> -> memref<1x16x2048xf32, #tpu.memory_space<vmem>>
    %dma_start3A_52 = tpu.memref_squeeze %dma_start3A_51 : memref<1x16x2048xf32, #tpu.memory_space<vmem>> -> memref<16x2048xf32, #tpu.memory_space<vmem>>
    %dma_start3A_53 = arith.constant 32 : i32
    %dma_start3A_54 = tpu.memref_slice %arg5[%dma_start3A_53] : memref<256xi32, #tpu.memory_space<vmem>> -> memref<16xi32, #tpu.memory_space<vmem>>
    %dma_start3A_55 = arith.constant 0 : i32
    %dma_start3A_56 = arith.constant 0 : i32
    %dma_start3A_57 = tpu.memref_slice %arg3[%dma_start3A_55, %dma_start3A_56] : memref<100000x2048xf32, #tpu.memory_space<hbm>> -> memref<100000x2048xf32, #tpu.memory_space<hbm>>
    tpu.enqueue_indirect_dma source(%dma_start3A_57 : memref<100000x2048xf32, #tpu.memory_space<hbm>>) target(%dma_start3A_52 : memref<16x2048xf32, #tpu.memory_space<vmem>>) offsets(%dma_start3A_54 : memref<16xi32, #tpu.memory_space<vmem>>) semaphore(%arg9 : memref<!tpu.dma_semaphore, #tpu.memory_space<semaphore_mem>>)
    %dma_wait3A_58 = arith.constant 1 : i32
    %dma_wait3A_59 = arith.constant 0 : i32
    %dma_wait3A_60 = arith.constant 0 : i32
    %dma_wait3A_61 = tpu.memref_slice %arg6[%dma_wait3A_58, %dma_wait3A_59, %dma_wait3A_60] : memref<3x16x2048xf32, #tpu.memory_space<vmem>> -> memref<1x16x2048xf32, #tpu.memory_space<vmem>>
    %dma_wait3A_62 = tpu.memref_squeeze %dma_wait3A_61 : memref<1x16x2048xf32, #tpu.memory_space<vmem>> -> memref<16x2048xf32, #tpu.memory_space<vmem>>
    %dma_wait3A_63 = arith.constant 16 : i32
    %dma_wait3A_64 = tpu.memref_slice %arg5[%dma_wait3A_63] : memref<256xi32, #tpu.memory_space<vmem>> -> memref<16xi32, #tpu.memory_space<vmem>>
    %dma_wait3A_65 = arith.constant 0 : i32
    %dma_wait3A_66 = arith.constant 0 : i32
    %dma_wait3A_67 = tpu.memref_slice %arg3[%dma_wait3A_65, %dma_wait3A_66] : memref<100000x2048xf32, #tpu.memory_space<hbm>> -> memref<100000x2048xf32, #tpu.memory_space<hbm>>
    tpu.wait_indirect_dma semaphore(%arg8 : memref<!tpu.dma_semaphore, #tpu.memory_space<semaphore_mem>>) src(%dma_wait3A_67 : memref<100000x2048xf32, #tpu.memory_space<hbm>>) dst(%dma_wait3A_62 : memref<16x2048xf32, #tpu.memory_space<vmem>>)
    %parallel_loop3A_68 = arith.constant 0 : i32
    %parallel_loop3A_69 = arith.constant 32768 : i32
    %parallel_loop3A_70 = arith.constant 16 : i32
    scf.for %parallel_loop3A_816 = %parallel_loop3A_68 to %parallel_loop3A_69 step %parallel_loop3A_70  : i32 {
      %parallel_loop3A_817 = arith.constant 2048 : i32
      %parallel_loop3A_818 = arith.divsi %parallel_loop3A_816, %parallel_loop3A_817 : i32
      %parallel_loop3A_819 = arith.constant 0 : i32
      %parallel_loop3A_820 = arith.cmpi sgt, %parallel_loop3A_816, %parallel_loop3A_819 : i32
      %parallel_loop3A_821 = arith.extui %parallel_loop3A_820 : i1 to i32
      %parallel_loop3A_822 = arith.constant 0 : i32
      %parallel_loop3A_823 = arith.cmpi slt, %parallel_loop3A_816, %parallel_loop3A_822 : i32
      %parallel_loop3A_824 = arith.extui %parallel_loop3A_823 : i1 to i32
      %parallel_loop3A_825 = arith.subi %parallel_loop3A_821, %parallel_loop3A_824 : i32
      %parallel_loop3A_826 = arith.constant 0 : i32
      %parallel_loop3A_827 = arith.cmpi sgt, %parallel_loop3A_817, %parallel_loop3A_826 : i32
      %parallel_loop3A_828 = arith.extui %parallel_loop3A_827 : i1 to i32
      %parallel_loop3A_829 = arith.constant 0 : i32
      %parallel_loop3A_830 = arith.cmpi slt, %parallel_loop3A_817, %parallel_loop3A_829 : i32
      %parallel_loop3A_831 = arith.extui %parallel_loop3A_830 : i1 to i32
      %parallel_loop3A_832 = arith.subi %parallel_loop3A_828, %parallel_loop3A_831 : i32
      %parallel_loop3A_833 = arith.cmpi ne, %parallel_loop3A_825, %parallel_loop3A_832 : i32
      %parallel_loop3A_834 = arith.remsi %parallel_loop3A_816, %parallel_loop3A_817 : i32
      %parallel_loop3A_835 = arith.constant 0 : i32
      %parallel_loop3A_836 = arith.cmpi ne, %parallel_loop3A_834, %parallel_loop3A_835 : i32
      %parallel_loop3A_837 = arith.andi %parallel_loop3A_833, %parallel_loop3A_836 : i1
      %parallel_loop3A_838 = arith.constant 1 : i32
      %parallel_loop3A_839 = arith.subi %parallel_loop3A_818, %parallel_loop3A_838 : i32
      %parallel_loop3A_840 = arith.select %parallel_loop3A_837, %parallel_loop3A_839, %parallel_loop3A_818 : i32
      %parallel_loop3A_841 = arith.constant 2048 : i32
      %parallel_loop3A_842 = arith.muli %parallel_loop3A_840, %parallel_loop3A_841 : i32
      %parallel_loop3A_843 = arith.subi %parallel_loop3A_816, %parallel_loop3A_842 : i32
      %parallel_loop3A_844 = arith.constant 1 : i32
      %parallel_loop3A_845 = arith.index_cast %parallel_loop3A_844 : i32 to index
      %parallel_loop3A_846 = arith.index_cast %parallel_loop3A_840 : i32 to index
      %parallel_loop3A_847 = arith.index_cast %parallel_loop3A_843 : i32 to index
      %parallel_loop3A_848 = tpu.vector_load %arg6[%parallel_loop3A_845, %parallel_loop3A_846, %parallel_loop3A_847] {strides = array<i32>} : memref<3x16x2048xf32, #tpu.memory_space<vmem>>, vector<1x1x16xf32>,
      %parallel_loop3A_849 = vector.shape_cast %parallel_loop3A_848 : vector<1x1x16xf32> to vector<16xf32>
      %parallel_loop3A_850 = arith.constant 45.2548332 : f32
      %parallel_loop3A_851 = vector.broadcast %parallel_loop3A_850 : f32 to vector<16xf32>
      %parallel_loop3A_852 = arith.mulf %parallel_loop3A_849, %parallel_loop3A_851 : vector<16xf32>
      %parallel_loop3A_853 = arith.constant 1 : i32
      %parallel_loop3A_854 = arith.index_cast %parallel_loop3A_853 : i32 to index
      %parallel_loop3A_855 = arith.index_cast %parallel_loop3A_840 : i32 to index
      %parallel_loop3A_856 = arith.index_cast %parallel_loop3A_843 : i32 to index
      %parallel_loop3A_857 = tpu.vector_load %arg6[%parallel_loop3A_854, %parallel_loop3A_855, %parallel_loop3A_856] {strides = array<i32>} : memref<3x16x2048xf32, #tpu.memory_space<vmem>>, vector<1x1x16xf32>,
      %parallel_loop3A_858 = vector.shape_cast %parallel_loop3A_857 : vector<1x1x16xf32> to vector<16xf32>
      %parallel_loop3A_859 = vector.shape_cast %parallel_loop3A_852 : vector<16xf32> to vector<1x1x16xf32>
      tpu.vector_store %arg6[%parallel_loop3A_854, %parallel_loop3A_855, %parallel_loop3A_856], %parallel_loop3A_859 {strides = array<i32>} : memref<3x16x2048xf32, #tpu.memory_space<vmem>>, vector<1x1x16xf32>,
    } {sc.loop_unroll_factor = 8 : i64, sc.parallel_access}
    %add3A_71 = arith.constant 16 : i32
    %add3A_72 = arith.addi %mul3A_2, %add3A_71 : i32
    %dma_start3A_73 = arith.constant 1 : i32
    %dma_start3A_74 = arith.constant 0 : i32
    %dma_start3A_75 = arith.constant 0 : i32
    %dma_start3A_76 = tpu.memref_slice %arg6[%dma_start3A_73, %dma_start3A_74, %dma_start3A_75] : memref<3x16x2048xf32, #tpu.memory_space<vmem>> -> memref<1x16x2048xf32, #tpu.memory_space<vmem>>
    %dma_start3A_77 = tpu.memref_squeeze %dma_start3A_76 : memref<1x16x2048xf32, #tpu.memory_space<vmem>> -> memref<16x2048xf32, #tpu.memory_space<vmem>>
    %dma_start3A_78 = arith.constant 0 : i32
    %dma_start3A_79 = tpu.memref_slice %arg4[%add3A_72, %dma_start3A_78] : memref<8192x2048xf32, #tpu.memory_space<hbm>> -> memref<16x2048xf32, #tpu.memory_space<hbm>>
    %dma_start3A_80 = arith.constant 0 : i32
    %dma_start3A_81 = tpu.memref_slice %arg4[%add3A_72, %dma_start3A_80] : memref<8192x2048xf32, #tpu.memory_space<hbm>> -> memref<16x2048xf32, #tpu.memory_space<hbm>>
    %dma_start3A_82 = arith.constant 0 : i32
    %dma_start3A_83 = arith.constant 0 : i32
    %dma_start3A_84 = tpu.memref_slice %arg6[%dma_start3A_73, %dma_start3A_82, %dma_start3A_83] : memref<3x16x2048xf32, #tpu.memory_space<vmem>> -> memref<1x16x2048xf32, #tpu.memory_space<vmem>>
    %dma_start3A_85 = tpu.memref_squeeze %dma_start3A_84 : memref<1x16x2048xf32, #tpu.memory_space<vmem>> -> memref<16x2048xf32, #tpu.memory_space<vmem>>
    tpu.enqueue_dma source(%dma_start3A_85 : memref<16x2048xf32, #tpu.memory_space<vmem>>) target(%dma_start3A_81 : memref<16x2048xf32, #tpu.memory_space<hbm>>) target_semaphore(%arg11 : memref<!tpu.dma_semaphore, #tpu.memory_space<semaphore_mem>>)
    %dma_wait3A_86 = arith.constant 0 : i32
    %dma_wait3A_87 = arith.constant 0 : i32
    %dma_wait3A_88 = arith.constant 0 : i32
    %dma_wait3A_89 = tpu.memref_slice %arg6[%dma_wait3A_86, %dma_wait3A_87, %dma_wait3A_88] : memref<3x16x2048xf32, #tpu.memory_space<vmem>> -> memref<1x16x2048xf32, #tpu.memory_space<vmem>>
    %dma_wait3A_90 = tpu.memref_squeeze %dma_wait3A_89 : memref<1x16x2048xf32, #tpu.memory_space<vmem>> -> memref<16x2048xf32, #tpu.memory_space<vmem>>
    %dma_wait3A_91 = arith.constant 0 : i32
    %dma_wait3A_92 = tpu.memref_slice %arg4[%add3A_34, %dma_wait3A_91] : memref<8192x2048xf32, #tpu.memory_space<hbm>> -> memref<16x2048xf32, #tpu.memory_space<hbm>>
    %dma_wait3A_93 = arith.constant 0 : i32
    %dma_wait3A_94 = tpu.memref_slice %arg4[%add3A_34, %dma_wait3A_93] : memref<8192x2048xf32, #tpu.memory_space<hbm>> -> memref<16x2048xf32, #tpu.memory_space<hbm>>
    %dma_wait3A_95 = arith.constant 0 : i32
    %dma_wait3A_96 = arith.constant 0 : i32
    %dma_wait3A_97 = tpu.memref_slice %arg6[%dma_wait3A_86, %dma_wait3A_95, %dma_wait3A_96] : memref<3x16x2048xf32, #tpu.memory_space<vmem>> -> memref<1x16x2048xf32, #tpu.memory_space<vmem>>
    %dma_wait3A_98 = tpu.memref_squeeze %dma_wait3A_97 : memref<1x16x2048xf32, #tpu.memory_space<vmem>> -> memref<16x2048xf32, #tpu.memory_space<vmem>>
    tpu.wait_dma2 semaphore(%arg10 : memref<!tpu.dma_semaphore, #tpu.memory_space<semaphore_mem>>) src(%dma_wait3A_98 : memref<16x2048xf32, #tpu.memory_space<vmem>>) dst(%dma_wait3A_94 : memref<16x2048xf32, #tpu.memory_space<hbm>>)
    %dma_start3A_99 = arith.constant 0 : i32
    %dma_start3A_100 = arith.constant 0 : i32
    %dma_start3A_101 = arith.constant 0 : i32
    %dma_start3A_102 = tpu.memref_slice %arg6[%dma_start3A_99, %dma_start3A_100, %dma_start3A_101] : memref<3x16x2048xf32, #tpu.memory_space<vmem>> -> memref<1x16x2048xf32, #tpu.memory_space<vmem>>
    %dma_start3A_103 = tpu.memref_squeeze %dma_start3A_102 : memref<1x16x2048xf32, #tpu.memory_space<vmem>> -> memref<16x2048xf32, #tpu.memory_space<vmem>>
    %dma_start3A_104 = arith.constant 48 : i32
    %dma_start3A_105 = tpu.memref_slice %arg5[%dma_start3A_104] : memref<256xi32, #tpu.memory_space<vmem>> -> memref<16xi32, #tpu.memory_space<vmem>>
    %dma_start3A_106 = arith.constant 0 : i32
    %dma_start3A_107 = arith.constant 0 : i32
    %dma_start3A_108 = tpu.memref_slice %arg3[%dma_start3A_106, %dma_start3A_107] : memref<100000x2048xf32, #tpu.memory_space<hbm>> -> memref<100000x2048xf32, #tpu.memory_space<hbm>>
    tpu.enqueue_indirect_dma source(%dma_start3A_108 : memref<100000x2048xf32, #tpu.memory_space<hbm>>) target(%dma_start3A_103 : memref<16x2048xf32, #tpu.memory_space<vmem>>) offsets(%dma_start3A_105 : memref<16xi32, #tpu.memory_space<vmem>>) semaphore(%arg7 : memref<!tpu.dma_semaphore, #tpu.memory_space<semaphore_mem>>)
    %dma_wait3A_109 = arith.constant 2 : i32
    %dma_wait3A_110 = arith.constant 0 : i32
    %dma_wait3A_111 = arith.constant 0 : i32
    %dma_wait3A_112 = tpu.memref_slice %arg6[%dma_wait3A_109, %dma_wait3A_110, %dma_wait3A_111] : memref<3x16x2048xf32, #tpu.memory_space<vmem>> -> memref<1x16x2048xf32, #tpu.memory_space<vmem>>
    %dma_wait3A_113 = tpu.memref_squeeze %dma_wait3A_112 : memref<1x16x2048xf32, #tpu.memory_space<vmem>> -> memref<16x2048xf32, #tpu.memory_space<vmem>>
    %dma_wait3A_114 = arith.constant 32 : i32
    %dma_wait3A_115 = tpu.memref_slice %arg5[%dma_wait3A_114] : memref<256xi32, #tpu.memory_space<vmem>> -> memref<16xi32, #tpu.memory_space<vmem>>
    %dma_wait3A_116 = arith.constant 0 : i32
    %dma_wait3A_117 = arith.constant 0 : i32
    %dma_wait3A_118 = tpu.memref_slice %arg3[%dma_wait3A_116, %dma_wait3A_117] : memref<100000x2048xf32, #tpu.memory_space<hbm>> -> memref<100000x2048xf32, #tpu.memory_space<hbm>>
    tpu.wait_indirect_dma semaphore(%arg9 : memref<!tpu.dma_semaphore, #tpu.memory_space<semaphore_mem>>) src(%dma_wait3A_118 : memref<100000x2048xf32, #tpu.memory_space<hbm>>) dst(%dma_wait3A_113 : memref<16x2048xf32, #tpu.memory_space<vmem>>)
    %parallel_loop3A_119 = arith.constant 0 : i32
    %parallel_loop3A_120 = arith.constant 32768 : i32
    %parallel_loop3A_121 = arith.constant 16 : i32
    scf.for %parallel_loop3A_816 = %parallel_loop3A_119 to %parallel_loop3A_120 step %parallel_loop3A_121  : i32 {
      %parallel_loop3A_817 = arith.constant 2048 : i32
      %parallel_loop3A_818 = arith.divsi %parallel_loop3A_816, %parallel_loop3A_817 : i32
      %parallel_loop3A_819 = arith.constant 0 : i32
      %parallel_loop3A_820 = arith.cmpi sgt, %parallel_loop3A_816, %parallel_loop3A_819 : i32
      %parallel_loop3A_821 = arith.extui %parallel_loop3A_820 : i1 to i32
      %parallel_loop3A_822 = arith.constant 0 : i32
      %parallel_loop3A_823 = arith.cmpi slt, %parallel_loop3A_816, %parallel_loop3A_822 : i32
      %parallel_loop3A_824 = arith.extui %parallel_loop3A_823 : i1 to i32
      %parallel_loop3A_825 = arith.subi %parallel_loop3A_821, %parallel_loop3A_824 : i32
      %parallel_loop3A_826 = arith.constant 0 : i32
      %parallel_loop3A_827 = arith.cmpi sgt, %parallel_loop3A_817, %parallel_loop3A_826 : i32
      %parallel_loop3A_828 = arith.extui %parallel_loop3A_827 : i1 to i32
      %parallel_loop3A_829 = arith.constant 0 : i32
      %parallel_loop3A_830 = arith.cmpi slt, %parallel_loop3A_817, %parallel_loop3A_829 : i32
      %parallel_loop3A_831 = arith.extui %parallel_loop3A_830 : i1 to i32
      %parallel_loop3A_832 = arith.subi %parallel_loop3A_828, %parallel_loop3A_831 : i32
      %parallel_loop3A_833 = arith.cmpi ne, %parallel_loop3A_825, %parallel_loop3A_832 : i32
      %parallel_loop3A_834 = arith.remsi %parallel_loop3A_816, %parallel_loop3A_817 : i32
      %parallel_loop3A_835 = arith.constant 0 : i32
      %parallel_loop3A_836 = arith.cmpi ne, %parallel_loop3A_834, %parallel_loop3A_835 : i32
      %parallel_loop3A_837 = arith.andi %parallel_loop3A_833, %parallel_loop3A_836 : i1
      %parallel_loop3A_838 = arith.constant 1 : i32
      %parallel_loop3A_839 = arith.subi %parallel_loop3A_818, %parallel_loop3A_838 : i32
      %parallel_loop3A_840 = arith.select %parallel_loop3A_837, %parallel_loop3A_839, %parallel_loop3A_818 : i32
      %parallel_loop3A_841 = arith.constant 2048 : i32
      %parallel_loop3A_842 = arith.muli %parallel_loop3A_840, %parallel_loop3A_841 : i32
      %parallel_loop3A_843 = arith.subi %parallel_loop3A_816, %parallel_loop3A_842 : i32
      %parallel_loop3A_844 = arith.constant 2 : i32
      %parallel_loop3A_845 = arith.index_cast %parallel_loop3A_844 : i32 to index
      %parallel_loop3A_846 = arith.index_cast %parallel_loop3A_840 : i32 to index
      %parallel_loop3A_847 = arith.index_cast %parallel_loop3A_843 : i32 to index
      %parallel_loop3A_848 = tpu.vector_load %arg6[%parallel_loop3A_845, %parallel_loop3A_846, %parallel_loop3A_847] {strides = array<i32>} : memref<3x16x2048xf32, #tpu.memory_space<vmem>>, vector<1x1x16xf32>,
      %parallel_loop3A_849 = vector.shape_cast %parallel_loop3A_848 : vector<1x1x16xf32> to vector<16xf32>
      %parallel_loop3A_850 = arith.constant 45.2548332 : f32
      %parallel_loop3A_851 = vector.broadcast %parallel_loop3A_850 : f32 to vector<16xf32>
      %parallel_loop3A_852 = arith.mulf %parallel_loop3A_849, %parallel_loop3A_851 : vector<16xf32>
      %parallel_loop3A_853 = arith.constant 2 : i32
      %parallel_loop3A_854 = arith.index_cast %parallel_loop3A_853 : i32 to index
      %parallel_loop3A_855 = arith.index_cast %parallel_loop3A_840 : i32 to index
      %parallel_loop3A_856 = arith.index_cast %parallel_loop3A_843 : i32 to index
      %parallel_loop3A_857 = tpu.vector_load %arg6[%parallel_loop3A_854, %parallel_loop3A_855, %parallel_loop3A_856] {strides = array<i32>} : memref<3x16x2048xf32, #tpu.memory_space<vmem>>, vector<1x1x16xf32>,
      %parallel_loop3A_858 = vector.shape_cast %parallel_loop3A_857 : vector<1x1x16xf32> to vector<16xf32>
      %parallel_loop3A_859 = vector.shape_cast %parallel_loop3A_852 : vector<16xf32> to vector<1x1x16xf32>
      tpu.vector_store %arg6[%parallel_loop3A_854, %parallel_loop3A_855, %parallel_loop3A_856], %parallel_loop3A_859 {strides = array<i32>} : memref<3x16x2048xf32, #tpu.memory_space<vmem>>, vector<1x1x16xf32>,
    } {sc.loop_unroll_factor = 8 : i64, sc.parallel_access}
    %add3A_122 = arith.constant 32 : i32
    %add3A_123 = arith.addi %mul3A_2, %add3A_122 : i32
    %dma_start3A_124 = arith.constant 2 : i32
    %dma_start3A_125 = arith.constant 0 : i32
    %dma_start3A_126 = arith.constant 0 : i32
    %dma_start3A_127 = tpu.memref_slice %arg6[%dma_start3A_124, %dma_start3A_125, %dma_start3A_126] : memref<3x16x2048xf32, #tpu.memory_space<vmem>> -> memref<1x16x2048xf32, #tpu.memory_space<vmem>>
    %dma_start3A_128 = tpu.memref_squeeze %dma_start3A_127 : memref<1x16x2048xf32, #tpu.memory_space<vmem>> -> memref<16x2048xf32, #tpu.memory_space<vmem>>
    %dma_start3A_129 = arith.constant 0 : i32
    %dma_start3A_130 = tpu.memref_slice %arg4[%add3A_123, %dma_start3A_129] : memref<8192x2048xf32, #tpu.memory_space<hbm>> -> memref<16x2048xf32, #tpu.memory_space<hbm>>
    %dma_start3A_131 = arith.constant 0 : i32
    %dma_start3A_132 = tpu.memref_slice %arg4[%add3A_123, %dma_start3A_131] : memref<8192x2048xf32, #tpu.memory_space<hbm>> -> memref<16x2048xf32, #tpu.memory_space<hbm>>
    %dma_start3A_133 = arith.constant 0 : i32
    %dma_start3A_134 = arith.constant 0 : i32
    %dma_start3A_135 = tpu.memref_slice %arg6[%dma_start3A_124, %dma_start3A_133, %dma_start3A_134] : memref<3x16x2048xf32, #tpu.memory_space<vmem>> -> memref<1x16x2048xf32, #tpu.memory_space<vmem>>
    %dma_start3A_136 = tpu.memref_squeeze %dma_start3A_135 : memref<1x16x2048xf32, #tpu.memory_space<vmem>> -> memref<16x2048xf32, #tpu.memory_space<vmem>>
    tpu.enqueue_dma source(%dma_start3A_136 : memref<16x2048xf32, #tpu.memory_space<vmem>>) target(%dma_start3A_132 : memref<16x2048xf32, #tpu.memory_space<hbm>>) target_semaphore(%arg12 : memref<!tpu.dma_semaphore, #tpu.memory_space<semaphore_mem>>)
    %dma_wait3A_137 = arith.constant 1 : i32
    %dma_wait3A_138 = arith.constant 0 : i32
    %dma_wait3A_139 = arith.constant 0 : i32
    %dma_wait3A_140 = tpu.memref_slice %arg6[%dma_wait3A_137, %dma_wait3A_138, %dma_wait3A_139] : memref<3x16x2048xf32, #tpu.memory_space<vmem>> -> memref<1x16x2048xf32, #tpu.memory_space<vmem>>
    %dma_wait3A_141 = tpu.memref_squeeze %dma_wait3A_140 : memref<1x16x2048xf32, #tpu.memory_space<vmem>> -> memref<16x2048xf32, #tpu.memory_space<vmem>>
    %dma_wait3A_142 = arith.constant 0 : i32
    %dma_wait3A_143 = tpu.memref_slice %arg4[%add3A_72, %dma_wait3A_142] : memref<8192x2048xf32, #tpu.memory_space<hbm>> -> memref<16x2048xf32, #tpu.memory_space<hbm>>
    %dma_wait3A_144 = arith.constant 0 : i32
    %dma_wait3A_145 = tpu.memref_slice %arg4[%add3A_72, %dma_wait3A_144] : memref<8192x2048xf32, #tpu.memory_space<hbm>> -> memref<16x2048xf32, #tpu.memory_space<hbm>>
    %dma_wait3A_146 = arith.constant 0 : i32
    %dma_wait3A_147 = arith.constant 0 : i32
    %dma_wait3A_148 = tpu.memref_slice %arg6[%dma_wait3A_137, %dma_wait3A_146, %dma_wait3A_147] : memref<3x16x2048xf32, #tpu.memory_space<vmem>> -> memref<1x16x2048xf32, #tpu.memory_space<vmem>>
    %dma_wait3A_149 = tpu.memref_squeeze %dma_wait3A_148 : memref<1x16x2048xf32, #tpu.memory_space<vmem>> -> memref<16x2048xf32, #tpu.memory_space<vmem>>
    tpu.wait_dma2 semaphore(%arg11 : memref<!tpu.dma_semaphore, #tpu.memory_space<semaphore_mem>>) src(%dma_wait3A_149 : memref<16x2048xf32, #tpu.memory_space<vmem>>) dst(%dma_wait3A_145 : memref<16x2048xf32, #tpu.memory_space<hbm>>)
    %dma_start3A_150 = arith.constant 1 : i32
    %dma_start3A_151 = arith.constant 0 : i32
    %dma_start3A_152 = arith.constant 0 : i32
    %dma_start3A_153 = tpu.memref_slice %arg6[%dma_start3A_150, %dma_start3A_151, %dma_start3A_152] : memref<3x16x2048xf32, #tpu.memory_space<vmem>> -> memref<1x16x2048xf32, #tpu.memory_space<vmem>>
    %dma_start3A_154 = tpu.memref_squeeze %dma_start3A_153 : memref<1x16x2048xf32, #tpu.memory_space<vmem>> -> memref<16x2048xf32, #tpu.memory_space<vmem>>
    %dma_start3A_155 = arith.constant 64 : i32
    %dma_start3A_156 = tpu.memref_slice %arg5[%dma_start3A_155] : memref<256xi32, #tpu.memory_space<vmem>> -> memref<16xi32, #tpu.memory_space<vmem>>
    %dma_start3A_157 = arith.constant 0 : i32
    %dma_start3A_158 = arith.constant 0 : i32
    %dma_start3A_159 = tpu.memref_slice %arg3[%dma_start3A_157, %dma_start3A_158] : memref<100000x2048xf32, #tpu.memory_space<hbm>> -> memref<100000x2048xf32, #tpu.memory_space<hbm>>
    tpu.enqueue_indirect_dma source(%dma_start3A_159 : memref<100000x2048xf32, #tpu.memory_space<hbm>>) target(%dma_start3A_154 : memref<16x2048xf32, #tpu.memory_space<vmem>>) offsets(%dma_start3A_156 : memref<16xi32, #tpu.memory_space<vmem>>) semaphore(%arg8 : memref<!tpu.dma_semaphore, #tpu.memory_space<semaphore_mem>>)
    %dma_wait3A_160 = arith.constant 0 : i32
    %dma_wait3A_161 = arith.constant 0 : i32
    %dma_wait3A_162 = arith.constant 0 : i32
    %dma_wait3A_163 = tpu.memref_slice %arg6[%dma_wait3A_160, %dma_wait3A_161, %dma_wait3A_162] : memref<3x16x2048xf32, #tpu.memory_space<vmem>> -> memref<1x16x2048xf32, #tpu.memory_space<vmem>>
    %dma_wait3A_164 = tpu.memref_squeeze %dma_wait3A_163 : memref<1x16x2048xf32, #tpu.memory_space<vmem>> -> memref<16x2048xf32, #tpu.memory_space<vmem>>
    %dma_wait3A_165 = arith.constant 48 : i32
    %dma_wait3A_166 = tpu.memref_slice %arg5[%dma_wait3A_165] : memref<256xi32, #tpu.memory_space<vmem>> -> memref<16xi32, #tpu.memory_space<vmem>>
    %dma_wait3A_167 = arith.constant 0 : i32
    %dma_wait3A_168 = arith.constant 0 : i32
    %dma_wait3A_169 = tpu.memref_slice %arg3[%dma_wait3A_167, %dma_wait3A_168] : memref<100000x2048xf32, #tpu.memory_space<hbm>> -> memref<100000x2048xf32, #tpu.memory_space<hbm>>
    tpu.wait_indirect_dma semaphore(%arg7 : memref<!tpu.dma_semaphore, #tpu.memory_space<semaphore_mem>>) src(%dma_wait3A_169 : memref<100000x2048xf32, #tpu.memory_space<hbm>>) dst(%dma_wait3A_164 : memref<16x2048xf32, #tpu.memory_space<vmem>>)
    %parallel_loop3A_170 = arith.constant 0 : i32
    %parallel_loop3A_171 = arith.constant 32768 : i32
    %parallel_loop3A_172 = arith.constant 16 : i32
    scf.for %parallel_loop3A_816 = %parallel_loop3A_170 to %parallel_loop3A_171 step %parallel_loop3A_172  : i32 {
      %parallel_loop3A_817 = arith.constant 2048 : i32
      %parallel_loop3A_818 = arith.divsi %parallel_loop3A_816, %parallel_loop3A_817 : i32
      %parallel_loop3A_819 = arith.constant 0 : i32
      %parallel_loop3A_820 = arith.cmpi sgt, %parallel_loop3A_816, %parallel_loop3A_819 : i32
      %parallel_loop3A_821 = arith.extui %parallel_loop3A_820 : i1 to i32
      %parallel_loop3A_822 = arith.constant 0 : i32
      %parallel_loop3A_823 = arith.cmpi slt, %parallel_loop3A_816, %parallel_loop3A_822 : i32
      %parallel_loop3A_824 = arith.extui %parallel_loop3A_823 : i1 to i32
      %parallel_loop3A_825 = arith.subi %parallel_loop3A_821, %parallel_loop3A_824 : i32
      %parallel_loop3A_826 = arith.constant 0 : i32
      %parallel_loop3A_827 = arith.cmpi sgt, %parallel_loop3A_817, %parallel_loop3A_826 : i32
      %parallel_loop3A_828 = arith.extui %parallel_loop3A_827 : i1 to i32
      %parallel_loop3A_829 = arith.constant 0 : i32
      %parallel_loop3A_830 = arith.cmpi slt, %parallel_loop3A_817, %parallel_loop3A_829 : i32
      %parallel_loop3A_831 = arith.extui %parallel_loop3A_830 : i1 to i32
      %parallel_loop3A_832 = arith.subi %parallel_loop3A_828, %parallel_loop3A_831 : i32
      %parallel_loop3A_833 = arith.cmpi ne, %parallel_loop3A_825, %parallel_loop3A_832 : i32
      %parallel_loop3A_834 = arith.remsi %parallel_loop3A_816, %parallel_loop3A_817 : i32
      %parallel_loop3A_835 = arith.constant 0 : i32
      %parallel_loop3A_836 = arith.cmpi ne, %parallel_loop3A_834, %parallel_loop3A_835 : i32
      %parallel_loop3A_837 = arith.andi %parallel_loop3A_833, %parallel_loop3A_836 : i1
      %parallel_loop3A_838 = arith.constant 1 : i32
      %parallel_loop3A_839 = arith.subi %parallel_loop3A_818, %parallel_loop3A_838 : i32
      %parallel_loop3A_840 = arith.select %parallel_loop3A_837, %parallel_loop3A_839, %parallel_loop3A_818 : i32
      %parallel_loop3A_841 = arith.constant 2048 : i32
      %parallel_loop3A_842 = arith.muli %parallel_loop3A_840, %parallel_loop3A_841 : i32
      %parallel_loop3A_843 = arith.subi %parallel_loop3A_816, %parallel_loop3A_842 : i32
      %parallel_loop3A_844 = arith.constant 0 : i32
      %parallel_loop3A_845 = arith.index_cast %parallel_loop3A_844 : i32 to index
      %parallel_loop3A_846 = arith.index_cast %parallel_loop3A_840 : i32 to index
      %parallel_loop3A_847 = arith.index_cast %parallel_loop3A_843 : i32 to index
      %parallel_loop3A_848 = tpu.vector_load %arg6[%parallel_loop3A_845, %parallel_loop3A_846, %parallel_loop3A_847] {strides = array<i32>} : memref<3x16x2048xf32, #tpu.memory_space<vmem>>, vector<1x1x16xf32>,
      %parallel_loop3A_849 = vector.shape_cast %parallel_loop3A_848 : vector<1x1x16xf32> to vector<16xf32>
      %parallel_loop3A_850 = arith.constant 45.2548332 : f32
      %parallel_loop3A_851 = vector.broadcast %parallel_loop3A_850 : f32 to vector<16xf32>
      %parallel_loop3A_852 = arith.mulf %parallel_loop3A_849, %parallel_loop3A_851 : vector<16xf32>
      %parallel_loop3A_853 = arith.constant 0 : i32
      %parallel_loop3A_854 = arith.index_cast %parallel_loop3A_853 : i32 to index
      %parallel_loop3A_855 = arith.index_cast %parallel_loop3A_840 : i32 to index
      %parallel_loop3A_856 = arith.index_cast %parallel_loop3A_843 : i32 to index
      %parallel_loop3A_857 = tpu.vector_load %arg6[%parallel_loop3A_854, %parallel_loop3A_855, %parallel_loop3A_856] {strides = array<i32>} : memref<3x16x2048xf32, #tpu.memory_space<vmem>>, vector<1x1x16xf32>,
      %parallel_loop3A_858 = vector.shape_cast %parallel_loop3A_857 : vector<1x1x16xf32> to vector<16xf32>
      %parallel_loop3A_859 = vector.shape_cast %parallel_loop3A_852 : vector<16xf32> to vector<1x1x16xf32>
      tpu.vector_store %arg6[%parallel_loop3A_854, %parallel_loop3A_855, %parallel_loop3A_856], %parallel_loop3A_859 {strides = array<i32>} : memref<3x16x2048xf32, #tpu.memory_space<vmem>>, vector<1x1x16xf32>,
    } {sc.loop_unroll_factor = 8 : i64, sc.parallel_access}
    %add3A_173 = arith.constant 48 : i32
    %add3A_174 = arith.addi %mul3A_2, %add3A_173 : i32
    %dma_start3A_175 = arith.constant 0 : i32
    %dma_start3A_176 = arith.constant 0 : i32
    %dma_start3A_177 = arith.constant 0 : i32
    %dma_start3A_178 = tpu.memref_slice %arg6[%dma_start3A_175, %dma_start3A_176, %dma_start3A_177] : memref<3x16x2048xf32, #tpu.memory_space<vmem>> -> memref<1x16x2048xf32, #tpu.memory_space<vmem>>
    %dma_start3A_179 = tpu.memref_squeeze %dma_start3A_178 : memref<1x16x2048xf32, #tpu.memory_space<vmem>> -> memref<16x2048xf32, #tpu.memory_space<vmem>>
    %dma_start3A_180 = arith.constant 0 : i32
    %dma_start3A_181 = tpu.memref_slice %arg4[%add3A_174, %dma_start3A_180] : memref<8192x2048xf32, #tpu.memory_space<hbm>> -> memref<16x2048xf32, #tpu.memory_space<hbm>>
    %dma_start3A_182 = arith.constant 0 : i32
    %dma_start3A_183 = tpu.memref_slice %arg4[%add3A_174, %dma_start3A_182] : memref<8192x2048xf32, #tpu.memory_space<hbm>> -> memref<16x2048xf32, #tpu.memory_space<hbm>>
    %dma_start3A_184 = arith.constant 0 : i32
    %dma_start3A_185 = arith.constant 0 : i32
    %dma_start3A_186 = tpu.memref_slice %arg6[%dma_start3A_175, %dma_start3A_184, %dma_start3A_185] : memref<3x16x2048xf32, #tpu.memory_space<vmem>> -> memref<1x16x2048xf32, #tpu.memory_space<vmem>>
    %dma_start3A_187 = tpu.memref_squeeze %dma_start3A_186 : memref<1x16x2048xf32, #tpu.memory_space<vmem>> -> memref<16x2048xf32, #tpu.memory_space<vmem>>
    tpu.enqueue_dma source(%dma_start3A_187 : memref<16x2048xf32, #tpu.memory_space<vmem>>) target(%dma_start3A_183 : memref<16x2048xf32, #tpu.memory_space<hbm>>) target_semaphore(%arg10 : memref<!tpu.dma_semaphore, #tpu.memory_space<semaphore_mem>>)
    %dma_wait3A_188 = arith.constant 2 : i32
    %dma_wait3A_189 = arith.constant 0 : i32
    %dma_wait3A_190 = arith.constant 0 : i32
    %dma_wait3A_191 = tpu.memref_slice %arg6[%dma_wait3A_188, %dma_wait3A_189, %dma_wait3A_190] : memref<3x16x2048xf32, #tpu.memory_space<vmem>> -> memref<1x16x2048xf32, #tpu.memory_space<vmem>>
    %dma_wait3A_192 = tpu.memref_squeeze %dma_wait3A_191 : memref<1x16x2048xf32, #tpu.memory_space<vmem>> -> memref<16x2048xf32, #tpu.memory_space<vmem>>
    %dma_wait3A_193 = arith.constant 0 : i32
    %dma_wait3A_194 = tpu.memref_slice %arg4[%add3A_123, %dma_wait3A_193] : memref<8192x2048xf32, #tpu.memory_space<hbm>> -> memref<16x2048xf32, #tpu.memory_space<hbm>>
    %dma_wait3A_195 = arith.constant 0 : i32
    %dma_wait3A_196 = tpu.memref_slice %arg4[%add3A_123, %dma_wait3A_195] : memref<8192x2048xf32, #tpu.memory_space<hbm>> -> memref<16x2048xf32, #tpu.memory_space<hbm>>
    %dma_wait3A_197 = arith.constant 0 : i32
    %dma_wait3A_198 = arith.constant 0 : i32
    %dma_wait3A_199 = tpu.memref_slice %arg6[%dma_wait3A_188, %dma_wait3A_197, %dma_wait3A_198] : memref<3x16x2048xf32, #tpu.memory_space<vmem>> -> memref<1x16x2048xf32, #tpu.memory_space<vmem>>
    %dma_wait3A_200 = tpu.memref_squeeze %dma_wait3A_199 : memref<1x16x2048xf32, #tpu.memory_space<vmem>> -> memref<16x2048xf32, #tpu.memory_space<vmem>>
    tpu.wait_dma2 semaphore(%arg12 : memref<!tpu.dma_semaphore, #tpu.memory_space<semaphore_mem>>) src(%dma_wait3A_200 : memref<16x2048xf32, #tpu.memory_space<vmem>>) dst(%dma_wait3A_196 : memref<16x2048xf32, #tpu.memory_space<hbm>>)
    %dma_start3A_201 = arith.constant 2 : i32
    %dma_start3A_202 = arith.constant 0 : i32
    %dma_start3A_203 = arith.constant 0 : i32
    %dma_start3A_204 = tpu.memref_slice %arg6[%dma_start3A_201, %dma_start3A_202, %dma_start3A_203] : memref<3x16x2048xf32, #tpu.memory_space<vmem>> -> memref<1x16x2048xf32, #tpu.memory_space<vmem>>
    %dma_start3A_205 = tpu.memref_squeeze %dma_start3A_204 : memref<1x16x2048xf32, #tpu.memory_space<vmem>> -> memref<16x2048xf32, #tpu.memory_space<vmem>>
    %dma_start3A_206 = arith.constant 80 : i32
    %dma_start3A_207 = tpu.memref_slice %arg5[%dma_start3A_206] : memref<256xi32, #tpu.memory_space<vmem>> -> memref<16xi32, #tpu.memory_space<vmem>>
    %dma_start3A_208 = arith.constant 0 : i32
    %dma_start3A_209 = arith.constant 0 : i32
    %dma_start3A_210 = tpu.memref_slice %arg3[%dma_start3A_208, %dma_start3A_209] : memref<100000x2048xf32, #tpu.memory_space<hbm>> -> memref<100000x2048xf32, #tpu.memory_space<hbm>>
    tpu.enqueue_indirect_dma source(%dma_start3A_210 : memref<100000x2048xf32, #tpu.memory_space<hbm>>) target(%dma_start3A_205 : memref<16x2048xf32, #tpu.memory_space<vmem>>) offsets(%dma_start3A_207 : memref<16xi32, #tpu.memory_space<vmem>>) semaphore(%arg9 : memref<!tpu.dma_semaphore, #tpu.memory_space<semaphore_mem>>)
    %dma_wait3A_211 = arith.constant 1 : i32
    %dma_wait3A_212 = arith.constant 0 : i32
    %dma_wait3A_213 = arith.constant 0 : i32
    %dma_wait3A_214 = tpu.memref_slice %arg6[%dma_wait3A_211, %dma_wait3A_212, %dma_wait3A_213] : memref<3x16x2048xf32, #tpu.memory_space<vmem>> -> memref<1x16x2048xf32, #tpu.memory_space<vmem>>
    %dma_wait3A_215 = tpu.memref_squeeze %dma_wait3A_214 : memref<1x16x2048xf32, #tpu.memory_space<vmem>> -> memref<16x2048xf32, #tpu.memory_space<vmem>>
    %dma_wait3A_216 = arith.constant 64 : i32
    %dma_wait3A_217 = tpu.memref_slice %arg5[%dma_wait3A_216] : memref<256xi32, #tpu.memory_space<vmem>> -> memref<16xi32, #tpu.memory_space<vmem>>
    %dma_wait3A_218 = arith.constant 0 : i32
    %dma_wait3A_219 = arith.constant 0 : i32
    %dma_wait3A_220 = tpu.memref_slice %arg3[%dma_wait3A_218, %dma_wait3A_219] : memref<100000x2048xf32, #tpu.memory_space<hbm>> -> memref<100000x2048xf32, #tpu.memory_space<hbm>>
    tpu.wait_indirect_dma semaphore(%arg8 : memref<!tpu.dma_semaphore, #tpu.memory_space<semaphore_mem>>) src(%dma_wait3A_220 : memref<100000x2048xf32, #tpu.memory_space<hbm>>) dst(%dma_wait3A_215 : memref<16x2048xf32, #tpu.memory_space<vmem>>)
    %parallel_loop3A_221 = arith.constant 0 : i32
    %parallel_loop3A_222 = arith.constant 32768 : i32
    %parallel_loop3A_223 = arith.constant 16 : i32
    scf.for %parallel_loop3A_816 = %parallel_loop3A_221 to %parallel_loop3A_222 step %parallel_loop3A_223  : i32 {
      %parallel_loop3A_817 = arith.constant 2048 : i32
      %parallel_loop3A_818 = arith.divsi %parallel_loop3A_816, %parallel_loop3A_817 : i32
      %parallel_loop3A_819 = arith.constant 0 : i32
      %parallel_loop3A_820 = arith.cmpi sgt, %parallel_loop3A_816, %parallel_loop3A_819 : i32
      %parallel_loop3A_821 = arith.extui %parallel_loop3A_820 : i1 to i32
      %parallel_loop3A_822 = arith.constant 0 : i32
      %parallel_loop3A_823 = arith.cmpi slt, %parallel_loop3A_816, %parallel_loop3A_822 : i32
      %parallel_loop3A_824 = arith.extui %parallel_loop3A_823 : i1 to i32
      %parallel_loop3A_825 = arith.subi %parallel_loop3A_821, %parallel_loop3A_824 : i32
      %parallel_loop3A_826 = arith.constant 0 : i32
      %parallel_loop3A_827 = arith.cmpi sgt, %parallel_loop3A_817, %parallel_loop3A_826 : i32
      %parallel_loop3A_828 = arith.extui %parallel_loop3A_827 : i1 to i32
      %parallel_loop3A_829 = arith.constant 0 : i32
      %parallel_loop3A_830 = arith.cmpi slt, %parallel_loop3A_817, %parallel_loop3A_829 : i32
      %parallel_loop3A_831 = arith.extui %parallel_loop3A_830 : i1 to i32
      %parallel_loop3A_832 = arith.subi %parallel_loop3A_828, %parallel_loop3A_831 : i32
      %parallel_loop3A_833 = arith.cmpi ne, %parallel_loop3A_825, %parallel_loop3A_832 : i32
      %parallel_loop3A_834 = arith.remsi %parallel_loop3A_816, %parallel_loop3A_817 : i32
      %parallel_loop3A_835 = arith.constant 0 : i32
      %parallel_loop3A_836 = arith.cmpi ne, %parallel_loop3A_834, %parallel_loop3A_835 : i32
      %parallel_loop3A_837 = arith.andi %parallel_loop3A_833, %parallel_loop3A_836 : i1
      %parallel_loop3A_838 = arith.constant 1 : i32
      %parallel_loop3A_839 = arith.subi %parallel_loop3A_818, %parallel_loop3A_838 : i32
      %parallel_loop3A_840 = arith.select %parallel_loop3A_837, %parallel_loop3A_839, %parallel_loop3A_818 : i32
      %parallel_loop3A_841 = arith.constant 2048 : i32
      %parallel_loop3A_842 = arith.muli %parallel_loop3A_840, %parallel_loop3A_841 : i32
      %parallel_loop3A_843 = arith.subi %parallel_loop3A_816, %parallel_loop3A_842 : i32
      %parallel_loop3A_844 = arith.constant 1 : i32
      %parallel_loop3A_845 = arith.index_cast %parallel_loop3A_844 : i32 to index
      %parallel_loop3A_846 = arith.index_cast %parallel_loop3A_840 : i32 to index
      %parallel_loop3A_847 = arith.index_cast %parallel_loop3A_843 : i32 to index
      %parallel_loop3A_848 = tpu.vector_load %arg6[%parallel_loop3A_845, %parallel_loop3A_846, %parallel_loop3A_847] {strides = array<i32>} : memref<3x16x2048xf32, #tpu.memory_space<vmem>>, vector<1x1x16xf32>,
      %parallel_loop3A_849 = vector.shape_cast %parallel_loop3A_848 : vector<1x1x16xf32> to vector<16xf32>
      %parallel_loop3A_850 = arith.constant 45.2548332 : f32
      %parallel_loop3A_851 = vector.broadcast %parallel_loop3A_850 : f32 to vector<16xf32>
      %parallel_loop3A_852 = arith.mulf %parallel_loop3A_849, %parallel_loop3A_851 : vector<16xf32>
      %parallel_loop3A_853 = arith.constant 1 : i32
      %parallel_loop3A_854 = arith.index_cast %parallel_loop3A_853 : i32 to index
      %parallel_loop3A_855 = arith.index_cast %parallel_loop3A_840 : i32 to index
      %parallel_loop3A_856 = arith.index_cast %parallel_loop3A_843 : i32 to index
      %parallel_loop3A_857 = tpu.vector_load %arg6[%parallel_loop3A_854, %parallel_loop3A_855, %parallel_loop3A_856] {strides = array<i32>} : memref<3x16x2048xf32, #tpu.memory_space<vmem>>, vector<1x1x16xf32>,
      %parallel_loop3A_858 = vector.shape_cast %parallel_loop3A_857 : vector<1x1x16xf32> to vector<16xf32>
      %parallel_loop3A_859 = vector.shape_cast %parallel_loop3A_852 : vector<16xf32> to vector<1x1x16xf32>
      tpu.vector_store %arg6[%parallel_loop3A_854, %parallel_loop3A_855, %parallel_loop3A_856], %parallel_loop3A_859 {strides = array<i32>} : memref<3x16x2048xf32, #tpu.memory_space<vmem>>, vector<1x1x16xf32>,
    } {sc.loop_unroll_factor = 8 : i64, sc.parallel_access}
    %add3A_224 = arith.constant 64 : i32
    %add3A_225 = arith.addi %mul3A_2, %add3A_224 : i32
    %dma_start3A_226 = arith.constant 1 : i32
    %dma_start3A_227 = arith.constant 0 : i32
    %dma_start3A_228 = arith.constant 0 : i32
    %dma_start3A_229 = tpu.memref_slice %arg6[%dma_start3A_226, %dma_start3A_227, %dma_start3A_228] : memref<3x16x2048xf32, #tpu.memory_space<vmem>> -> memref<1x16x2048xf32, #tpu.memory_space<vmem>>
    %dma_start3A_230 = tpu.memref_squeeze %dma_start3A_229 : memref<1x16x2048xf32, #tpu.memory_space<vmem>> -> memref<16x2048xf32, #tpu.memory_space<vmem>>
    %dma_start3A_231 = arith.constant 0 : i32
    %dma_start3A_232 = tpu.memref_slice %arg4[%add3A_225, %dma_start3A_231] : memref<8192x2048xf32, #tpu.memory_space<hbm>> -> memref<16x2048xf32, #tpu.memory_space<hbm>>
    %dma_start3A_233 = arith.constant 0 : i32
    %dma_start3A_234 = tpu.memref_slice %arg4[%add3A_225, %dma_start3A_233] : memref<8192x2048xf32, #tpu.memory_space<hbm>> -> memref<16x2048xf32, #tpu.memory_space<hbm>>
    %dma_start3A_235 = arith.constant 0 : i32
    %dma_start3A_236 = arith.constant 0 : i32
    %dma_start3A_237 = tpu.memref_slice %arg6[%dma_start3A_226, %dma_start3A_235, %dma_start3A_236] : memref<3x16x2048xf32, #tpu.memory_space<vmem>> -> memref<1x16x2048xf32, #tpu.memory_space<vmem>>
    %dma_start3A_238 = tpu.memref_squeeze %dma_start3A_237 : memref<1x16x2048xf32, #tpu.memory_space<vmem>> -> memref<16x2048xf32, #tpu.memory_space<vmem>>
    tpu.enqueue_dma source(%dma_start3A_238 : memref<16x2048xf32, #tpu.memory_space<vmem>>) target(%dma_start3A_234 : memref<16x2048xf32, #tpu.memory_space<hbm>>) target_semaphore(%arg11 : memref<!tpu.dma_semaphore, #tpu.memory_space<semaphore_mem>>)
    %dma_wait3A_239 = arith.constant 0 : i32
    %dma_wait3A_240 = arith.constant 0 : i32
    %dma_wait3A_241 = arith.constant 0 : i32
    %dma_wait3A_242 = tpu.memref_slice %arg6[%dma_wait3A_239, %dma_wait3A_240, %dma_wait3A_241] : memref<3x16x2048xf32, #tpu.memory_space<vmem>> -> memref<1x16x2048xf32, #tpu.memory_space<vmem>>
    %dma_wait3A_243 = tpu.memref_squeeze %dma_wait3A_242 : memref<1x16x2048xf32, #tpu.memory_space<vmem>> -> memref<16x2048xf32, #tpu.memory_space<vmem>>
    %dma_wait3A_244 = arith.constant 0 : i32
    %dma_wait3A_245 = tpu.memref_slice %arg4[%add3A_174, %dma_wait3A_244] : memref<8192x2048xf32, #tpu.memory_space<hbm>> -> memref<16x2048xf32, #tpu.memory_space<hbm>>
    %dma_wait3A_246 = arith.constant 0 : i32
    %dma_wait3A_247 = tpu.memref_slice %arg4[%add3A_174, %dma_wait3A_246] : memref<8192x2048xf32, #tpu.memory_space<hbm>> -> memref<16x2048xf32, #tpu.memory_space<hbm>>
    %dma_wait3A_248 = arith.constant 0 : i32
    %dma_wait3A_249 = arith.constant 0 : i32
    %dma_wait3A_250 = tpu.memref_slice %arg6[%dma_wait3A_239, %dma_wait3A_248, %dma_wait3A_249] : memref<3x16x2048xf32, #tpu.memory_space<vmem>> -> memref<1x16x2048xf32, #tpu.memory_space<vmem>>
    %dma_wait3A_251 = tpu.memref_squeeze %dma_wait3A_250 : memref<1x16x2048xf32, #tpu.memory_space<vmem>> -> memref<16x2048xf32, #tpu.memory_space<vmem>>
    tpu.wait_dma2 semaphore(%arg10 : memref<!tpu.dma_semaphore, #tpu.memory_space<semaphore_mem>>) src(%dma_wait3A_251 : memref<16x2048xf32, #tpu.memory_space<vmem>>) dst(%dma_wait3A_247 : memref<16x2048xf32, #tpu.memory_space<hbm>>)
    %dma_start3A_252 = arith.constant 0 : i32
    %dma_start3A_253 = arith.constant 0 : i32
    %dma_start3A_254 = arith.constant 0 : i32
    %dma_start3A_255 = tpu.memref_slice %arg6[%dma_start3A_252, %dma_start3A_253, %dma_start3A_254] : memref<3x16x2048xf32, #tpu.memory_space<vmem>> -> memref<1x16x2048xf32, #tpu.memory_space<vmem>>
    %dma_start3A_256 = tpu.memref_squeeze %dma_start3A_255 : memref<1x16x2048xf32, #tpu.memory_space<vmem>> -> memref<16x2048xf32, #tpu.memory_space<vmem>>
    %dma_start3A_257 = arith.constant 96 : i32
    %dma_start3A_258 = tpu.memref_slice %arg5[%dma_start3A_257] : memref<256xi32, #tpu.memory_space<vmem>> -> memref<16xi32, #tpu.memory_space<vmem>>
    %dma_start3A_259 = arith.constant 0 : i32
    %dma_start3A_260 = arith.constant 0 : i32
    %dma_start3A_261 = tpu.memref_slice %arg3[%dma_start3A_259, %dma_start3A_260] : memref<100000x2048xf32, #tpu.memory_space<hbm>> -> memref<100000x2048xf32, #tpu.memory_space<hbm>>
    tpu.enqueue_indirect_dma source(%dma_start3A_261 : memref<100000x2048xf32, #tpu.memory_space<hbm>>) target(%dma_start3A_256 : memref<16x2048xf32, #tpu.memory_space<vmem>>) offsets(%dma_start3A_258 : memref<16xi32, #tpu.memory_space<vmem>>) semaphore(%arg7 : memref<!tpu.dma_semaphore, #tpu.memory_space<semaphore_mem>>)
    %dma_wait3A_262 = arith.constant 2 : i32
    %dma_wait3A_263 = arith.constant 0 : i32
    %dma_wait3A_264 = arith.constant 0 : i32
    %dma_wait3A_265 = tpu.memref_slice %arg6[%dma_wait3A_262, %dma_wait3A_263, %dma_wait3A_264] : memref<3x16x2048xf32, #tpu.memory_space<vmem>> -> memref<1x16x2048xf32, #tpu.memory_space<vmem>>
    %dma_wait3A_266 = tpu.memref_squeeze %dma_wait3A_265 : memref<1x16x2048xf32, #tpu.memory_space<vmem>> -> memref<16x2048xf32, #tpu.memory_space<vmem>>
    %dma_wait3A_267 = arith.constant 80 : i32
    %dma_wait3A_268 = tpu.memref_slice %arg5[%dma_wait3A_267] : memref<256xi32, #tpu.memory_space<vmem>> -> memref<16xi32, #tpu.memory_space<vmem>>
    %dma_wait3A_269 = arith.constant 0 : i32
    %dma_wait3A_270 = arith.constant 0 : i32
    %dma_wait3A_271 = tpu.memref_slice %arg3[%dma_wait3A_269, %dma_wait3A_270] : memref<100000x2048xf32, #tpu.memory_space<hbm>> -> memref<100000x2048xf32, #tpu.memory_space<hbm>>
    tpu.wait_indirect_dma semaphore(%arg9 : memref<!tpu.dma_semaphore, #tpu.memory_space<semaphore_mem>>) src(%dma_wait3A_271 : memref<100000x2048xf32, #tpu.memory_space<hbm>>) dst(%dma_wait3A_266 : memref<16x2048xf32, #tpu.memory_space<vmem>>)
    %parallel_loop3A_272 = arith.constant 0 : i32
    %parallel_loop3A_273 = arith.constant 32768 : i32
    %parallel_loop3A_274 = arith.constant 16 : i32
    scf.for %parallel_loop3A_816 = %parallel_loop3A_272 to %parallel_loop3A_273 step %parallel_loop3A_274  : i32 {
      %parallel_loop3A_817 = arith.constant 2048 : i32
      %parallel_loop3A_818 = arith.divsi %parallel_loop3A_816, %parallel_loop3A_817 : i32
      %parallel_loop3A_819 = arith.constant 0 : i32
      %parallel_loop3A_820 = arith.cmpi sgt, %parallel_loop3A_816, %parallel_loop3A_819 : i32
      %parallel_loop3A_821 = arith.extui %parallel_loop3A_820 : i1 to i32
      %parallel_loop3A_822 = arith.constant 0 : i32
      %parallel_loop3A_823 = arith.cmpi slt, %parallel_loop3A_816, %parallel_loop3A_822 : i32
      %parallel_loop3A_824 = arith.extui %parallel_loop3A_823 : i1 to i32
      %parallel_loop3A_825 = arith.subi %parallel_loop3A_821, %parallel_loop3A_824 : i32
      %parallel_loop3A_826 = arith.constant 0 : i32
      %parallel_loop3A_827 = arith.cmpi sgt, %parallel_loop3A_817, %parallel_loop3A_826 : i32
      %parallel_loop3A_828 = arith.extui %parallel_loop3A_827 : i1 to i32
      %parallel_loop3A_829 = arith.constant 0 : i32
      %parallel_loop3A_830 = arith.cmpi slt, %parallel_loop3A_817, %parallel_loop3A_829 : i32
      %parallel_loop3A_831 = arith.extui %parallel_loop3A_830 : i1 to i32
      %parallel_loop3A_832 = arith.subi %parallel_loop3A_828, %parallel_loop3A_831 : i32
      %parallel_loop3A_833 = arith.cmpi ne, %parallel_loop3A_825, %parallel_loop3A_832 : i32
      %parallel_loop3A_834 = arith.remsi %parallel_loop3A_816, %parallel_loop3A_817 : i32
      %parallel_loop3A_835 = arith.constant 0 : i32
      %parallel_loop3A_836 = arith.cmpi ne, %parallel_loop3A_834, %parallel_loop3A_835 : i32
      %parallel_loop3A_837 = arith.andi %parallel_loop3A_833, %parallel_loop3A_836 : i1
      %parallel_loop3A_838 = arith.constant 1 : i32
      %parallel_loop3A_839 = arith.subi %parallel_loop3A_818, %parallel_loop3A_838 : i32
      %parallel_loop3A_840 = arith.select %parallel_loop3A_837, %parallel_loop3A_839, %parallel_loop3A_818 : i32
      %parallel_loop3A_841 = arith.constant 2048 : i32
      %parallel_loop3A_842 = arith.muli %parallel_loop3A_840, %parallel_loop3A_841 : i32
      %parallel_loop3A_843 = arith.subi %parallel_loop3A_816, %parallel_loop3A_842 : i32
      %parallel_loop3A_844 = arith.constant 2 : i32
      %parallel_loop3A_845 = arith.index_cast %parallel_loop3A_844 : i32 to index
      %parallel_loop3A_846 = arith.index_cast %parallel_loop3A_840 : i32 to index
      %parallel_loop3A_847 = arith.index_cast %parallel_loop3A_843 : i32 to index
      %parallel_loop3A_848 = tpu.vector_load %arg6[%parallel_loop3A_845, %parallel_loop3A_846, %parallel_loop3A_847] {strides = array<i32>} : memref<3x16x2048xf32, #tpu.memory_space<vmem>>, vector<1x1x16xf32>,
      %parallel_loop3A_849 = vector.shape_cast %parallel_loop3A_848 : vector<1x1x16xf32> to vector<16xf32>
      %parallel_loop3A_850 = arith.constant 45.2548332 : f32
      %parallel_loop3A_851 = vector.broadcast %parallel_loop3A_850 : f32 to vector<16xf32>
      %parallel_loop3A_852 = arith.mulf %parallel_loop3A_849, %parallel_loop3A_851 : vector<16xf32>
      %parallel_loop3A_853 = arith.constant 2 : i32
      %parallel_loop3A_854 = arith.index_cast %parallel_loop3A_853 : i32 to index
      %parallel_loop3A_855 = arith.index_cast %parallel_loop3A_840 : i32 to index
      %parallel_loop3A_856 = arith.index_cast %parallel_loop3A_843 : i32 to index
      %parallel_loop3A_857 = tpu.vector_load %arg6[%parallel_loop3A_854, %parallel_loop3A_855, %parallel_loop3A_856] {strides = array<i32>} : memref<3x16x2048xf32, #tpu.memory_space<vmem>>, vector<1x1x16xf32>,
      %parallel_loop3A_858 = vector.shape_cast %parallel_loop3A_857 : vector<1x1x16xf32> to vector<16xf32>
      %parallel_loop3A_859 = vector.shape_cast %parallel_loop3A_852 : vector<16xf32> to vector<1x1x16xf32>
      tpu.vector_store %arg6[%parallel_loop3A_854, %parallel_loop3A_855, %parallel_loop3A_856], %parallel_loop3A_859 {strides = array<i32>} : memref<3x16x2048xf32, #tpu.memory_space<vmem>>, vector<1x1x16xf32>,
    } {sc.loop_unroll_factor = 8 : i64, sc.parallel_access}
    %add3A_275 = arith.constant 80 : i32
    %add3A_276 = arith.addi %mul3A_2, %add3A_275 : i32
    %dma_start3A_277 = arith.constant 2 : i32
    %dma_start3A_278 = arith.constant 0 : i32
    %dma_start3A_279 = arith.constant 0 : i32
    %dma_start3A_280 = tpu.memref_slice %arg6[%dma_start3A_277, %dma_start3A_278, %dma_start3A_279] : memref<3x16x2048xf32, #tpu.memory_space<vmem>> -> memref<1x16x2048xf32, #tpu.memory_space<vmem>>
    %dma_start3A_281 = tpu.memref_squeeze %dma_start3A_280 : memref<1x16x2048xf32, #tpu.memory_space<vmem>> -> memref<16x2048xf32, #tpu.memory_space<vmem>>
    %dma_start3A_282 = arith.constant 0 : i32
    %dma_start3A_283 = tpu.memref_slice %arg4[%add3A_276, %dma_start3A_282] : memref<8192x2048xf32, #tpu.memory_space<hbm>> -> memref<16x2048xf32, #tpu.memory_space<hbm>>
    %dma_start3A_284 = arith.constant 0 : i32
    %dma_start3A_285 = tpu.memref_slice %arg4[%add3A_276, %dma_start3A_284] : memref<8192x2048xf32, #tpu.memory_space<hbm>> -> memref<16x2048xf32, #tpu.memory_space<hbm>>
    %dma_start3A_286 = arith.constant 0 : i32
    %dma_start3A_287 = arith.constant 0 : i32
    %dma_start3A_288 = tpu.memref_slice %arg6[%dma_start3A_277, %dma_start3A_286, %dma_start3A_287] : memref<3x16x2048xf32, #tpu.memory_space<vmem>> -> memref<1x16x2048xf32, #tpu.memory_space<vmem>>
    %dma_start3A_289 = tpu.memref_squeeze %dma_start3A_288 : memref<1x16x2048xf32, #tpu.memory_space<vmem>> -> memref<16x2048xf32, #tpu.memory_space<vmem>>
    tpu.enqueue_dma source(%dma_start3A_289 : memref<16x2048xf32, #tpu.memory_space<vmem>>) target(%dma_start3A_285 : memref<16x2048xf32, #tpu.memory_space<hbm>>) target_semaphore(%arg12 : memref<!tpu.dma_semaphore, #tpu.memory_space<semaphore_mem>>)
    %dma_wait3A_290 = arith.constant 1 : i32
    %dma_wait3A_291 = arith.constant 0 : i32
    %dma_wait3A_292 = arith.constant 0 : i32
    %dma_wait3A_293 = tpu.memref_slice %arg6[%dma_wait3A_290, %dma_wait3A_291, %dma_wait3A_292] : memref<3x16x2048xf32, #tpu.memory_space<vmem>> -> memref<1x16x2048xf32, #tpu.memory_space<vmem>>
    %dma_wait3A_294 = tpu.memref_squeeze %dma_wait3A_293 : memref<1x16x2048xf32, #tpu.memory_space<vmem>> -> memref<16x2048xf32, #tpu.memory_space<vmem>>
    %dma_wait3A_295 = arith.constant 0 : i32
    %dma_wait3A_296 = tpu.memref_slice %arg4[%add3A_225, %dma_wait3A_295] : memref<8192x2048xf32, #tpu.memory_space<hbm>> -> memref<16x2048xf32, #tpu.memory_space<hbm>>
    %dma_wait3A_297 = arith.constant 0 : i32
    %dma_wait3A_298 = tpu.memref_slice %arg4[%add3A_225, %dma_wait3A_297] : memref<8192x2048xf32, #tpu.memory_space<hbm>> -> memref<16x2048xf32, #tpu.memory_space<hbm>>
    %dma_wait3A_299 = arith.constant 0 : i32
    %dma_wait3A_300 = arith.constant 0 : i32
    %dma_wait3A_301 = tpu.memref_slice %arg6[%dma_wait3A_290, %dma_wait3A_299, %dma_wait3A_300] : memref<3x16x2048xf32, #tpu.memory_space<vmem>> -> memref<1x16x2048xf32, #tpu.memory_space<vmem>>
    %dma_wait3A_302 = tpu.memref_squeeze %dma_wait3A_301 : memref<1x16x2048xf32, #tpu.memory_space<vmem>> -> memref<16x2048xf32, #tpu.memory_space<vmem>>
    tpu.wait_dma2 semaphore(%arg11 : memref<!tpu.dma_semaphore, #tpu.memory_space<semaphore_mem>>) src(%dma_wait3A_302 : memref<16x2048xf32, #tpu.memory_space<vmem>>) dst(%dma_wait3A_298 : memref<16x2048xf32, #tpu.memory_space<hbm>>)
    %dma_start3A_303 = arith.constant 1 : i32
    %dma_start3A_304 = arith.constant 0 : i32
    %dma_start3A_305 = arith.constant 0 : i32
    %dma_start3A_306 = tpu.memref_slice %arg6[%dma_start3A_303, %dma_start3A_304, %dma_start3A_305] : memref<3x16x2048xf32, #tpu.memory_space<vmem>> -> memref<1x16x2048xf32, #tpu.memory_space<vmem>>
    %dma_start3A_307 = tpu.memref_squeeze %dma_start3A_306 : memref<1x16x2048xf32, #tpu.memory_space<vmem>> -> memref<16x2048xf32, #tpu.memory_space<vmem>>
    %dma_start3A_308 = arith.constant 112 : i32
    %dma_start3A_309 = tpu.memref_slice %arg5[%dma_start3A_308] : memref<256xi32, #tpu.memory_space<vmem>> -> memref<16xi32, #tpu.memory_space<vmem>>
    %dma_start3A_310 = arith.constant 0 : i32
    %dma_start3A_311 = arith.constant 0 : i32
    %dma_start3A_312 = tpu.memref_slice %arg3[%dma_start3A_310, %dma_start3A_311] : memref<100000x2048xf32, #tpu.memory_space<hbm>> -> memref<100000x2048xf32, #tpu.memory_space<hbm>>
    tpu.enqueue_indirect_dma source(%dma_start3A_312 : memref<100000x2048xf32, #tpu.memory_space<hbm>>) target(%dma_start3A_307 : memref<16x2048xf32, #tpu.memory_space<vmem>>) offsets(%dma_start3A_309 : memref<16xi32, #tpu.memory_space<vmem>>) semaphore(%arg8 : memref<!tpu.dma_semaphore, #tpu.memory_space<semaphore_mem>>)
    %dma_wait3A_313 = arith.constant 0 : i32
    %dma_wait3A_314 = arith.constant 0 : i32
    %dma_wait3A_315 = arith.constant 0 : i32
    %dma_wait3A_316 = tpu.memref_slice %arg6[%dma_wait3A_313, %dma_wait3A_314, %dma_wait3A_315] : memref<3x16x2048xf32, #tpu.memory_space<vmem>> -> memref<1x16x2048xf32, #tpu.memory_space<vmem>>
    %dma_wait3A_317 = tpu.memref_squeeze %dma_wait3A_316 : memref<1x16x2048xf32, #tpu.memory_space<vmem>> -> memref<16x2048xf32, #tpu.memory_space<vmem>>
    %dma_wait3A_318 = arith.constant 96 : i32
    %dma_wait3A_319 = tpu.memref_slice %arg5[%dma_wait3A_318] : memref<256xi32, #tpu.memory_space<vmem>> -> memref<16xi32, #tpu.memory_space<vmem>>
    %dma_wait3A_320 = arith.constant 0 : i32
    %dma_wait3A_321 = arith.constant 0 : i32
    %dma_wait3A_322 = tpu.memref_slice %arg3[%dma_wait3A_320, %dma_wait3A_321] : memref<100000x2048xf32, #tpu.memory_space<hbm>> -> memref<100000x2048xf32, #tpu.memory_space<hbm>>
    tpu.wait_indirect_dma semaphore(%arg7 : memref<!tpu.dma_semaphore, #tpu.memory_space<semaphore_mem>>) src(%dma_wait3A_322 : memref<100000x2048xf32, #tpu.memory_space<hbm>>) dst(%dma_wait3A_317 : memref<16x2048xf32, #tpu.memory_space<vmem>>)
    %parallel_loop3A_323 = arith.constant 0 : i32
    %parallel_loop3A_324 = arith.constant 32768 : i32
    %parallel_loop3A_325 = arith.constant 16 : i32
    scf.for %parallel_loop3A_816 = %parallel_loop3A_323 to %parallel_loop3A_324 step %parallel_loop3A_325  : i32 {
      %parallel_loop3A_817 = arith.constant 2048 : i32
      %parallel_loop3A_818 = arith.divsi %parallel_loop3A_816, %parallel_loop3A_817 : i32
      %parallel_loop3A_819 = arith.constant 0 : i32
      %parallel_loop3A_820 = arith.cmpi sgt, %parallel_loop3A_816, %parallel_loop3A_819 : i32
      %parallel_loop3A_821 = arith.extui %parallel_loop3A_820 : i1 to i32
      %parallel_loop3A_822 = arith.constant 0 : i32
      %parallel_loop3A_823 = arith.cmpi slt, %parallel_loop3A_816, %parallel_loop3A_822 : i32
      %parallel_loop3A_824 = arith.extui %parallel_loop3A_823 : i1 to i32
      %parallel_loop3A_825 = arith.subi %parallel_loop3A_821, %parallel_loop3A_824 : i32
      %parallel_loop3A_826 = arith.constant 0 : i32
      %parallel_loop3A_827 = arith.cmpi sgt, %parallel_loop3A_817, %parallel_loop3A_826 : i32
      %parallel_loop3A_828 = arith.extui %parallel_loop3A_827 : i1 to i32
      %parallel_loop3A_829 = arith.constant 0 : i32
      %parallel_loop3A_830 = arith.cmpi slt, %parallel_loop3A_817, %parallel_loop3A_829 : i32
      %parallel_loop3A_831 = arith.extui %parallel_loop3A_830 : i1 to i32
      %parallel_loop3A_832 = arith.subi %parallel_loop3A_828, %parallel_loop3A_831 : i32
      %parallel_loop3A_833 = arith.cmpi ne, %parallel_loop3A_825, %parallel_loop3A_832 : i32
      %parallel_loop3A_834 = arith.remsi %parallel_loop3A_816, %parallel_loop3A_817 : i32
      %parallel_loop3A_835 = arith.constant 0 : i32
      %parallel_loop3A_836 = arith.cmpi ne, %parallel_loop3A_834, %parallel_loop3A_835 : i32
      %parallel_loop3A_837 = arith.andi %parallel_loop3A_833, %parallel_loop3A_836 : i1
      %parallel_loop3A_838 = arith.constant 1 : i32
      %parallel_loop3A_839 = arith.subi %parallel_loop3A_818, %parallel_loop3A_838 : i32
      %parallel_loop3A_840 = arith.select %parallel_loop3A_837, %parallel_loop3A_839, %parallel_loop3A_818 : i32
      %parallel_loop3A_841 = arith.constant 2048 : i32
      %parallel_loop3A_842 = arith.muli %parallel_loop3A_840, %parallel_loop3A_841 : i32
      %parallel_loop3A_843 = arith.subi %parallel_loop3A_816, %parallel_loop3A_842 : i32
      %parallel_loop3A_844 = arith.constant 0 : i32
      %parallel_loop3A_845 = arith.index_cast %parallel_loop3A_844 : i32 to index
      %parallel_loop3A_846 = arith.index_cast %parallel_loop3A_840 : i32 to index
      %parallel_loop3A_847 = arith.index_cast %parallel_loop3A_843 : i32 to index
      %parallel_loop3A_848 = tpu.vector_load %arg6[%parallel_loop3A_845, %parallel_loop3A_846, %parallel_loop3A_847] {strides = array<i32>} : memref<3x16x2048xf32, #tpu.memory_space<vmem>>, vector<1x1x16xf32>,
      %parallel_loop3A_849 = vector.shape_cast %parallel_loop3A_848 : vector<1x1x16xf32> to vector<16xf32>
      %parallel_loop3A_850 = arith.constant 45.2548332 : f32
      %parallel_loop3A_851 = vector.broadcast %parallel_loop3A_850 : f32 to vector<16xf32>
      %parallel_loop3A_852 = arith.mulf %parallel_loop3A_849, %parallel_loop3A_851 : vector<16xf32>
      %parallel_loop3A_853 = arith.constant 0 : i32
      %parallel_loop3A_854 = arith.index_cast %parallel_loop3A_853 : i32 to index
      %parallel_loop3A_855 = arith.index_cast %parallel_loop3A_840 : i32 to index
      %parallel_loop3A_856 = arith.index_cast %parallel_loop3A_843 : i32 to index
      %parallel_loop3A_857 = tpu.vector_load %arg6[%parallel_loop3A_854, %parallel_loop3A_855, %parallel_loop3A_856] {strides = array<i32>} : memref<3x16x2048xf32, #tpu.memory_space<vmem>>, vector<1x1x16xf32>,
      %parallel_loop3A_858 = vector.shape_cast %parallel_loop3A_857 : vector<1x1x16xf32> to vector<16xf32>
      %parallel_loop3A_859 = vector.shape_cast %parallel_loop3A_852 : vector<16xf32> to vector<1x1x16xf32>
      tpu.vector_store %arg6[%parallel_loop3A_854, %parallel_loop3A_855, %parallel_loop3A_856], %parallel_loop3A_859 {strides = array<i32>} : memref<3x16x2048xf32, #tpu.memory_space<vmem>>, vector<1x1x16xf32>,
    } {sc.loop_unroll_factor = 8 : i64, sc.parallel_access}
    %add3A_326 = arith.constant 96 : i32
    %add3A_327 = arith.addi %mul3A_2, %add3A_326 : i32
    %dma_start3A_328 = arith.constant 0 : i32
    %dma_start3A_329 = arith.constant 0 : i32
    %dma_start3A_330 = arith.constant 0 : i32
    %dma_start3A_331 = tpu.memref_slice %arg6[%dma_start3A_328, %dma_start3A_329, %dma_start3A_330] : memref<3x16x2048xf32, #tpu.memory_space<vmem>> -> memref<1x16x2048xf32, #tpu.memory_space<vmem>>
    %dma_start3A_332 = tpu.memref_squeeze %dma_start3A_331 : memref<1x16x2048xf32, #tpu.memory_space<vmem>> -> memref<16x2048xf32, #tpu.memory_space<vmem>>
    %dma_start3A_333 = arith.constant 0 : i32
    %dma_start3A_334 = tpu.memref_slice %arg4[%add3A_327, %dma_start3A_333] : memref<8192x2048xf32, #tpu.memory_space<hbm>> -> memref<16x2048xf32, #tpu.memory_space<hbm>>
    %dma_start3A_335 = arith.constant 0 : i32
    %dma_start3A_336 = tpu.memref_slice %arg4[%add3A_327, %dma_start3A_335] : memref<8192x2048xf32, #tpu.memory_space<hbm>> -> memref<16x2048xf32, #tpu.memory_space<hbm>>
    %dma_start3A_337 = arith.constant 0 : i32
    %dma_start3A_338 = arith.constant 0 : i32
    %dma_start3A_339 = tpu.memref_slice %arg6[%dma_start3A_328, %dma_start3A_337, %dma_start3A_338] : memref<3x16x2048xf32, #tpu.memory_space<vmem>> -> memref<1x16x2048xf32, #tpu.memory_space<vmem>>
    %dma_start3A_340 = tpu.memref_squeeze %dma_start3A_339 : memref<1x16x2048xf32, #tpu.memory_space<vmem>> -> memref<16x2048xf32, #tpu.memory_space<vmem>>
    tpu.enqueue_dma source(%dma_start3A_340 : memref<16x2048xf32, #tpu.memory_space<vmem>>) target(%dma_start3A_336 : memref<16x2048xf32, #tpu.memory_space<hbm>>) target_semaphore(%arg10 : memref<!tpu.dma_semaphore, #tpu.memory_space<semaphore_mem>>)
    %dma_wait3A_341 = arith.constant 2 : i32
    %dma_wait3A_342 = arith.constant 0 : i32
    %dma_wait3A_343 = arith.constant 0 : i32
    %dma_wait3A_344 = tpu.memref_slice %arg6[%dma_wait3A_341, %dma_wait3A_342, %dma_wait3A_343] : memref<3x16x2048xf32, #tpu.memory_space<vmem>> -> memref<1x16x2048xf32, #tpu.memory_space<vmem>>
    %dma_wait3A_345 = tpu.memref_squeeze %dma_wait3A_344 : memref<1x16x2048xf32, #tpu.memory_space<vmem>> -> memref<16x2048xf32, #tpu.memory_space<vmem>>
    %dma_wait3A_346 = arith.constant 0 : i32
    %dma_wait3A_347 = tpu.memref_slice %arg4[%add3A_276, %dma_wait3A_346] : memref<8192x2048xf32, #tpu.memory_space<hbm>> -> memref<16x2048xf32, #tpu.memory_space<hbm>>
    %dma_wait3A_348 = arith.constant 0 : i32
    %dma_wait3A_349 = tpu.memref_slice %arg4[%add3A_276, %dma_wait3A_348] : memref<8192x2048xf32, #tpu.memory_space<hbm>> -> memref<16x2048xf32, #tpu.memory_space<hbm>>
    %dma_wait3A_350 = arith.constant 0 : i32
    %dma_wait3A_351 = arith.constant 0 : i32
    %dma_wait3A_352 = tpu.memref_slice %arg6[%dma_wait3A_341, %dma_wait3A_350, %dma_wait3A_351] : memref<3x16x2048xf32, #tpu.memory_space<vmem>> -> memref<1x16x2048xf32, #tpu.memory_space<vmem>>
    %dma_wait3A_353 = tpu.memref_squeeze %dma_wait3A_352 : memref<1x16x2048xf32, #tpu.memory_space<vmem>> -> memref<16x2048xf32, #tpu.memory_space<vmem>>
    tpu.wait_dma2 semaphore(%arg12 : memref<!tpu.dma_semaphore, #tpu.memory_space<semaphore_mem>>) src(%dma_wait3A_353 : memref<16x2048xf32, #tpu.memory_space<vmem>>) dst(%dma_wait3A_349 : memref<16x2048xf32, #tpu.memory_space<hbm>>)
    %dma_start3A_354 = arith.constant 2 : i32
    %dma_start3A_355 = arith.constant 0 : i32
    %dma_start3A_356 = arith.constant 0 : i32
    %dma_start3A_357 = tpu.memref_slice %arg6[%dma_start3A_354, %dma_start3A_355, %dma_start3A_356] : memref<3x16x2048xf32, #tpu.memory_space<vmem>> -> memref<1x16x2048xf32, #tpu.memory_space<vmem>>
    %dma_start3A_358 = tpu.memref_squeeze %dma_start3A_357 : memref<1x16x2048xf32, #tpu.memory_space<vmem>> -> memref<16x2048xf32, #tpu.memory_space<vmem>>
    %dma_start3A_359 = arith.constant 128 : i32
    %dma_start3A_360 = tpu.memref_slice %arg5[%dma_start3A_359] : memref<256xi32, #tpu.memory_space<vmem>> -> memref<16xi32, #tpu.memory_space<vmem>>
    %dma_start3A_361 = arith.constant 0 : i32
    %dma_start3A_362 = arith.constant 0 : i32
    %dma_start3A_363 = tpu.memref_slice %arg3[%dma_start3A_361, %dma_start3A_362] : memref<100000x2048xf32, #tpu.memory_space<hbm>> -> memref<100000x2048xf32, #tpu.memory_space<hbm>>
    tpu.enqueue_indirect_dma source(%dma_start3A_363 : memref<100000x2048xf32, #tpu.memory_space<hbm>>) target(%dma_start3A_358 : memref<16x2048xf32, #tpu.memory_space<vmem>>) offsets(%dma_start3A_360 : memref<16xi32, #tpu.memory_space<vmem>>) semaphore(%arg9 : memref<!tpu.dma_semaphore, #tpu.memory_space<semaphore_mem>>)
    %dma_wait3A_364 = arith.constant 1 : i32
    %dma_wait3A_365 = arith.constant 0 : i32
    %dma_wait3A_366 = arith.constant 0 : i32
    %dma_wait3A_367 = tpu.memref_slice %arg6[%dma_wait3A_364, %dma_wait3A_365, %dma_wait3A_366] : memref<3x16x2048xf32, #tpu.memory_space<vmem>> -> memref<1x16x2048xf32, #tpu.memory_space<vmem>>
    %dma_wait3A_368 = tpu.memref_squeeze %dma_wait3A_367 : memref<1x16x2048xf32, #tpu.memory_space<vmem>> -> memref<16x2048xf32, #tpu.memory_space<vmem>>
    %dma_wait3A_369 = arith.constant 112 : i32
    %dma_wait3A_370 = tpu.memref_slice %arg5[%dma_wait3A_369] : memref<256xi32, #tpu.memory_space<vmem>> -> memref<16xi32, #tpu.memory_space<vmem>>
    %dma_wait3A_371 = arith.constant 0 : i32
    %dma_wait3A_372 = arith.constant 0 : i32
    %dma_wait3A_373 = tpu.memref_slice %arg3[%dma_wait3A_371, %dma_wait3A_372] : memref<100000x2048xf32, #tpu.memory_space<hbm>> -> memref<100000x2048xf32, #tpu.memory_space<hbm>>
    tpu.wait_indirect_dma semaphore(%arg8 : memref<!tpu.dma_semaphore, #tpu.memory_space<semaphore_mem>>) src(%dma_wait3A_373 : memref<100000x2048xf32, #tpu.memory_space<hbm>>) dst(%dma_wait3A_368 : memref<16x2048xf32, #tpu.memory_space<vmem>>)
    %parallel_loop3A_374 = arith.constant 0 : i32
    %parallel_loop3A_375 = arith.constant 32768 : i32
    %parallel_loop3A_376 = arith.constant 16 : i32
    scf.for %parallel_loop3A_816 = %parallel_loop3A_374 to %parallel_loop3A_375 step %parallel_loop3A_376  : i32 {
      %parallel_loop3A_817 = arith.constant 2048 : i32
      %parallel_loop3A_818 = arith.divsi %parallel_loop3A_816, %parallel_loop3A_817 : i32
      %parallel_loop3A_819 = arith.constant 0 : i32
      %parallel_loop3A_820 = arith.cmpi sgt, %parallel_loop3A_816, %parallel_loop3A_819 : i32
      %parallel_loop3A_821 = arith.extui %parallel_loop3A_820 : i1 to i32
      %parallel_loop3A_822 = arith.constant 0 : i32
      %parallel_loop3A_823 = arith.cmpi slt, %parallel_loop3A_816, %parallel_loop3A_822 : i32
      %parallel_loop3A_824 = arith.extui %parallel_loop3A_823 : i1 to i32
      %parallel_loop3A_825 = arith.subi %parallel_loop3A_821, %parallel_loop3A_824 : i32
      %parallel_loop3A_826 = arith.constant 0 : i32
      %parallel_loop3A_827 = arith.cmpi sgt, %parallel_loop3A_817, %parallel_loop3A_826 : i32
      %parallel_loop3A_828 = arith.extui %parallel_loop3A_827 : i1 to i32
      %parallel_loop3A_829 = arith.constant 0 : i32
      %parallel_loop3A_830 = arith.cmpi slt, %parallel_loop3A_817, %parallel_loop3A_829 : i32
      %parallel_loop3A_831 = arith.extui %parallel_loop3A_830 : i1 to i32
      %parallel_loop3A_832 = arith.subi %parallel_loop3A_828, %parallel_loop3A_831 : i32
      %parallel_loop3A_833 = arith.cmpi ne, %parallel_loop3A_825, %parallel_loop3A_832 : i32
      %parallel_loop3A_834 = arith.remsi %parallel_loop3A_816, %parallel_loop3A_817 : i32
      %parallel_loop3A_835 = arith.constant 0 : i32
      %parallel_loop3A_836 = arith.cmpi ne, %parallel_loop3A_834, %parallel_loop3A_835 : i32
      %parallel_loop3A_837 = arith.andi %parallel_loop3A_833, %parallel_loop3A_836 : i1
      %parallel_loop3A_838 = arith.constant 1 : i32
      %parallel_loop3A_839 = arith.subi %parallel_loop3A_818, %parallel_loop3A_838 : i32
      %parallel_loop3A_840 = arith.select %parallel_loop3A_837, %parallel_loop3A_839, %parallel_loop3A_818 : i32
      %parallel_loop3A_841 = arith.constant 2048 : i32
      %parallel_loop3A_842 = arith.muli %parallel_loop3A_840, %parallel_loop3A_841 : i32
      %parallel_loop3A_843 = arith.subi %parallel_loop3A_816, %parallel_loop3A_842 : i32
      %parallel_loop3A_844 = arith.constant 1 : i32
      %parallel_loop3A_845 = arith.index_cast %parallel_loop3A_844 : i32 to index
      %parallel_loop3A_846 = arith.index_cast %parallel_loop3A_840 : i32 to index
      %parallel_loop3A_847 = arith.index_cast %parallel_loop3A_843 : i32 to index
      %parallel_loop3A_848 = tpu.vector_load %arg6[%parallel_loop3A_845, %parallel_loop3A_846, %parallel_loop3A_847] {strides = array<i32>} : memref<3x16x2048xf32, #tpu.memory_space<vmem>>, vector<1x1x16xf32>,
      %parallel_loop3A_849 = vector.shape_cast %parallel_loop3A_848 : vector<1x1x16xf32> to vector<16xf32>
      %parallel_loop3A_850 = arith.constant 45.2548332 : f32
      %parallel_loop3A_851 = vector.broadcast %parallel_loop3A_850 : f32 to vector<16xf32>
      %parallel_loop3A_852 = arith.mulf %parallel_loop3A_849, %parallel_loop3A_851 : vector<16xf32>
      %parallel_loop3A_853 = arith.constant 1 : i32
      %parallel_loop3A_854 = arith.index_cast %parallel_loop3A_853 : i32 to index
      %parallel_loop3A_855 = arith.index_cast %parallel_loop3A_840 : i32 to index
      %parallel_loop3A_856 = arith.index_cast %parallel_loop3A_843 : i32 to index
      %parallel_loop3A_857 = tpu.vector_load %arg6[%parallel_loop3A_854, %parallel_loop3A_855, %parallel_loop3A_856] {strides = array<i32>} : memref<3x16x2048xf32, #tpu.memory_space<vmem>>, vector<1x1x16xf32>,
      %parallel_loop3A_858 = vector.shape_cast %parallel_loop3A_857 : vector<1x1x16xf32> to vector<16xf32>
      %parallel_loop3A_859 = vector.shape_cast %parallel_loop3A_852 : vector<16xf32> to vector<1x1x16xf32>
      tpu.vector_store %arg6[%parallel_loop3A_854, %parallel_loop3A_855, %parallel_loop3A_856], %parallel_loop3A_859 {strides = array<i32>} : memref<3x16x2048xf32, #tpu.memory_space<vmem>>, vector<1x1x16xf32>,
    } {sc.loop_unroll_factor = 8 : i64, sc.parallel_access}
    %add3A_377 = arith.constant 112 : i32
    %add3A_378 = arith.addi %mul3A_2, %add3A_377 : i32
    %dma_start3A_379 = arith.constant 1 : i32
    %dma_start3A_380 = arith.constant 0 : i32
    %dma_start3A_381 = arith.constant 0 : i32
    %dma_start3A_382 = tpu.memref_slice %arg6[%dma_start3A_379, %dma_start3A_380, %dma_start3A_381] : memref<3x16x2048xf32, #tpu.memory_space<vmem>> -> memref<1x16x2048xf32, #tpu.memory_space<vmem>>
    %dma_start3A_383 = tpu.memref_squeeze %dma_start3A_382 : memref<1x16x2048xf32, #tpu.memory_space<vmem>> -> memref<16x2048xf32, #tpu.memory_space<vmem>>
    %dma_start3A_384 = arith.constant 0 : i32
    %dma_start3A_385 = tpu.memref_slice %arg4[%add3A_378, %dma_start3A_384] : memref<8192x2048xf32, #tpu.memory_space<hbm>> -> memref<16x2048xf32, #tpu.memory_space<hbm>>
    %dma_start3A_386 = arith.constant 0 : i32
    %dma_start3A_387 = tpu.memref_slice %arg4[%add3A_378, %dma_start3A_386] : memref<8192x2048xf32, #tpu.memory_space<hbm>> -> memref<16x2048xf32, #tpu.memory_space<hbm>>
    %dma_start3A_388 = arith.constant 0 : i32
    %dma_start3A_389 = arith.constant 0 : i32
    %dma_start3A_390 = tpu.memref_slice %arg6[%dma_start3A_379, %dma_start3A_388, %dma_start3A_389] : memref<3x16x2048xf32, #tpu.memory_space<vmem>> -> memref<1x16x2048xf32, #tpu.memory_space<vmem>>
    %dma_start3A_391 = tpu.memref_squeeze %dma_start3A_390 : memref<1x16x2048xf32, #tpu.memory_space<vmem>> -> memref<16x2048xf32, #tpu.memory_space<vmem>>
    tpu.enqueue_dma source(%dma_start3A_391 : memref<16x2048xf32, #tpu.memory_space<vmem>>) target(%dma_start3A_387 : memref<16x2048xf32, #tpu.memory_space<hbm>>) target_semaphore(%arg11 : memref<!tpu.dma_semaphore, #tpu.memory_space<semaphore_mem>>)
    %dma_wait3A_392 = arith.constant 0 : i32
    %dma_wait3A_393 = arith.constant 0 : i32
    %dma_wait3A_394 = arith.constant 0 : i32
    %dma_wait3A_395 = tpu.memref_slice %arg6[%dma_wait3A_392, %dma_wait3A_393, %dma_wait3A_394] : memref<3x16x2048xf32, #tpu.memory_space<vmem>> -> memref<1x16x2048xf32, #tpu.memory_space<vmem>>
    %dma_wait3A_396 = tpu.memref_squeeze %dma_wait3A_395 : memref<1x16x2048xf32, #tpu.memory_space<vmem>> -> memref<16x2048xf32, #tpu.memory_space<vmem>>
    %dma_wait3A_397 = arith.constant 0 : i32
    %dma_wait3A_398 = tpu.memref_slice %arg4[%add3A_327, %dma_wait3A_397] : memref<8192x2048xf32, #tpu.memory_space<hbm>> -> memref<16x2048xf32, #tpu.memory_space<hbm>>
    %dma_wait3A_399 = arith.constant 0 : i32
    %dma_wait3A_400 = tpu.memref_slice %arg4[%add3A_327, %dma_wait3A_399] : memref<8192x2048xf32, #tpu.memory_space<hbm>> -> memref<16x2048xf32, #tpu.memory_space<hbm>>
    %dma_wait3A_401 = arith.constant 0 : i32
    %dma_wait3A_402 = arith.constant 0 : i32
    %dma_wait3A_403 = tpu.memref_slice %arg6[%dma_wait3A_392, %dma_wait3A_401, %dma_wait3A_402] : memref<3x16x2048xf32, #tpu.memory_space<vmem>> -> memref<1x16x2048xf32, #tpu.memory_space<vmem>>
    %dma_wait3A_404 = tpu.memref_squeeze %dma_wait3A_403 : memref<1x16x2048xf32, #tpu.memory_space<vmem>> -> memref<16x2048xf32, #tpu.memory_space<vmem>>
    tpu.wait_dma2 semaphore(%arg10 : memref<!tpu.dma_semaphore, #tpu.memory_space<semaphore_mem>>) src(%dma_wait3A_404 : memref<16x2048xf32, #tpu.memory_space<vmem>>) dst(%dma_wait3A_400 : memref<16x2048xf32, #tpu.memory_space<hbm>>)
    %dma_start3A_405 = arith.constant 0 : i32
    %dma_start3A_406 = arith.constant 0 : i32
    %dma_start3A_407 = arith.constant 0 : i32
    %dma_start3A_408 = tpu.memref_slice %arg6[%dma_start3A_405, %dma_start3A_406, %dma_start3A_407] : memref<3x16x2048xf32, #tpu.memory_space<vmem>> -> memref<1x16x2048xf32, #tpu.memory_space<vmem>>
    %dma_start3A_409 = tpu.memref_squeeze %dma_start3A_408 : memref<1x16x2048xf32, #tpu.memory_space<vmem>> -> memref<16x2048xf32, #tpu.memory_space<vmem>>
    %dma_start3A_410 = arith.constant 144 : i32
    %dma_start3A_411 = tpu.memref_slice %arg5[%dma_start3A_410] : memref<256xi32, #tpu.memory_space<vmem>> -> memref<16xi32, #tpu.memory_space<vmem>>
    %dma_start3A_412 = arith.constant 0 : i32
    %dma_start3A_413 = arith.constant 0 : i32
    %dma_start3A_414 = tpu.memref_slice %arg3[%dma_start3A_412, %dma_start3A_413] : memref<100000x2048xf32, #tpu.memory_space<hbm>> -> memref<100000x2048xf32, #tpu.memory_space<hbm>>
    tpu.enqueue_indirect_dma source(%dma_start3A_414 : memref<100000x2048xf32, #tpu.memory_space<hbm>>) target(%dma_start3A_409 : memref<16x2048xf32, #tpu.memory_space<vmem>>) offsets(%dma_start3A_411 : memref<16xi32, #tpu.memory_space<vmem>>) semaphore(%arg7 : memref<!tpu.dma_semaphore, #tpu.memory_space<semaphore_mem>>)
    %dma_wait3A_415 = arith.constant 2 : i32
    %dma_wait3A_416 = arith.constant 0 : i32
    %dma_wait3A_417 = arith.constant 0 : i32
    %dma_wait3A_418 = tpu.memref_slice %arg6[%dma_wait3A_415, %dma_wait3A_416, %dma_wait3A_417] : memref<3x16x2048xf32, #tpu.memory_space<vmem>> -> memref<1x16x2048xf32, #tpu.memory_space<vmem>>
    %dma_wait3A_419 = tpu.memref_squeeze %dma_wait3A_418 : memref<1x16x2048xf32, #tpu.memory_space<vmem>> -> memref<16x2048xf32, #tpu.memory_space<vmem>>
    %dma_wait3A_420 = arith.constant 128 : i32
    %dma_wait3A_421 = tpu.memref_slice %arg5[%dma_wait3A_420] : memref<256xi32, #tpu.memory_space<vmem>> -> memref<16xi32, #tpu.memory_space<vmem>>
    %dma_wait3A_422 = arith.constant 0 : i32
    %dma_wait3A_423 = arith.constant 0 : i32
    %dma_wait3A_424 = tpu.memref_slice %arg3[%dma_wait3A_422, %dma_wait3A_423] : memref<100000x2048xf32, #tpu.memory_space<hbm>> -> memref<100000x2048xf32, #tpu.memory_space<hbm>>
    tpu.wait_indirect_dma semaphore(%arg9 : memref<!tpu.dma_semaphore, #tpu.memory_space<semaphore_mem>>) src(%dma_wait3A_424 : memref<100000x2048xf32, #tpu.memory_space<hbm>>) dst(%dma_wait3A_419 : memref<16x2048xf32, #tpu.memory_space<vmem>>)
    %parallel_loop3A_425 = arith.constant 0 : i32
    %parallel_loop3A_426 = arith.constant 32768 : i32
    %parallel_loop3A_427 = arith.constant 16 : i32
    scf.for %parallel_loop3A_816 = %parallel_loop3A_425 to %parallel_loop3A_426 step %parallel_loop3A_427  : i32 {
      %parallel_loop3A_817 = arith.constant 2048 : i32
      %parallel_loop3A_818 = arith.divsi %parallel_loop3A_816, %parallel_loop3A_817 : i32
      %parallel_loop3A_819 = arith.constant 0 : i32
      %parallel_loop3A_820 = arith.cmpi sgt, %parallel_loop3A_816, %parallel_loop3A_819 : i32
      %parallel_loop3A_821 = arith.extui %parallel_loop3A_820 : i1 to i32
      %parallel_loop3A_822 = arith.constant 0 : i32
      %parallel_loop3A_823 = arith.cmpi slt, %parallel_loop3A_816, %parallel_loop3A_822 : i32
      %parallel_loop3A_824 = arith.extui %parallel_loop3A_823 : i1 to i32
      %parallel_loop3A_825 = arith.subi %parallel_loop3A_821, %parallel_loop3A_824 : i32
      %parallel_loop3A_826 = arith.constant 0 : i32
      %parallel_loop3A_827 = arith.cmpi sgt, %parallel_loop3A_817, %parallel_loop3A_826 : i32
      %parallel_loop3A_828 = arith.extui %parallel_loop3A_827 : i1 to i32
      %parallel_loop3A_829 = arith.constant 0 : i32
      %parallel_loop3A_830 = arith.cmpi slt, %parallel_loop3A_817, %parallel_loop3A_829 : i32
      %parallel_loop3A_831 = arith.extui %parallel_loop3A_830 : i1 to i32
      %parallel_loop3A_832 = arith.subi %parallel_loop3A_828, %parallel_loop3A_831 : i32
      %parallel_loop3A_833 = arith.cmpi ne, %parallel_loop3A_825, %parallel_loop3A_832 : i32
      %parallel_loop3A_834 = arith.remsi %parallel_loop3A_816, %parallel_loop3A_817 : i32
      %parallel_loop3A_835 = arith.constant 0 : i32
      %parallel_loop3A_836 = arith.cmpi ne, %parallel_loop3A_834, %parallel_loop3A_835 : i32
      %parallel_loop3A_837 = arith.andi %parallel_loop3A_833, %parallel_loop3A_836 : i1
      %parallel_loop3A_838 = arith.constant 1 : i32
      %parallel_loop3A_839 = arith.subi %parallel_loop3A_818, %parallel_loop3A_838 : i32
      %parallel_loop3A_840 = arith.select %parallel_loop3A_837, %parallel_loop3A_839, %parallel_loop3A_818 : i32
      %parallel_loop3A_841 = arith.constant 2048 : i32
      %parallel_loop3A_842 = arith.muli %parallel_loop3A_840, %parallel_loop3A_841 : i32
      %parallel_loop3A_843 = arith.subi %parallel_loop3A_816, %parallel_loop3A_842 : i32
      %parallel_loop3A_844 = arith.constant 2 : i32
      %parallel_loop3A_845 = arith.index_cast %parallel_loop3A_844 : i32 to index
      %parallel_loop3A_846 = arith.index_cast %parallel_loop3A_840 : i32 to index
      %parallel_loop3A_847 = arith.index_cast %parallel_loop3A_843 : i32 to index
      %parallel_loop3A_848 = tpu.vector_load %arg6[%parallel_loop3A_845, %parallel_loop3A_846, %parallel_loop3A_847] {strides = array<i32>} : memref<3x16x2048xf32, #tpu.memory_space<vmem>>, vector<1x1x16xf32>,
      %parallel_loop3A_849 = vector.shape_cast %parallel_loop3A_848 : vector<1x1x16xf32> to vector<16xf32>
      %parallel_loop3A_850 = arith.constant 45.2548332 : f32
      %parallel_loop3A_851 = vector.broadcast %parallel_loop3A_850 : f32 to vector<16xf32>
      %parallel_loop3A_852 = arith.mulf %parallel_loop3A_849, %parallel_loop3A_851 : vector<16xf32>
      %parallel_loop3A_853 = arith.constant 2 : i32
      %parallel_loop3A_854 = arith.index_cast %parallel_loop3A_853 : i32 to index
      %parallel_loop3A_855 = arith.index_cast %parallel_loop3A_840 : i32 to index
      %parallel_loop3A_856 = arith.index_cast %parallel_loop3A_843 : i32 to index
      %parallel_loop3A_857 = tpu.vector_load %arg6[%parallel_loop3A_854, %parallel_loop3A_855, %parallel_loop3A_856] {strides = array<i32>} : memref<3x16x2048xf32, #tpu.memory_space<vmem>>, vector<1x1x16xf32>,
      %parallel_loop3A_858 = vector.shape_cast %parallel_loop3A_857 : vector<1x1x16xf32> to vector<16xf32>
      %parallel_loop3A_859 = vector.shape_cast %parallel_loop3A_852 : vector<16xf32> to vector<1x1x16xf32>
      tpu.vector_store %arg6[%parallel_loop3A_854, %parallel_loop3A_855, %parallel_loop3A_856], %parallel_loop3A_859 {strides = array<i32>} : memref<3x16x2048xf32, #tpu.memory_space<vmem>>, vector<1x1x16xf32>,
    } {sc.loop_unroll_factor = 8 : i64, sc.parallel_access}
    %add3A_428 = arith.constant 128 : i32
    %add3A_429 = arith.addi %mul3A_2, %add3A_428 : i32
    %dma_start3A_430 = arith.constant 2 : i32
    %dma_start3A_431 = arith.constant 0 : i32
    %dma_start3A_432 = arith.constant 0 : i32
    %dma_start3A_433 = tpu.memref_slice %arg6[%dma_start3A_430, %dma_start3A_431, %dma_start3A_432] : memref<3x16x2048xf32, #tpu.memory_space<vmem>> -> memref<1x16x2048xf32, #tpu.memory_space<vmem>>
    %dma_start3A_434 = tpu.memref_squeeze %dma_start3A_433 : memref<1x16x2048xf32, #tpu.memory_space<vmem>> -> memref<16x2048xf32, #tpu.memory_space<vmem>>
    %dma_start3A_435 = arith.constant 0 : i32
    %dma_start3A_436 = tpu.memref_slice %arg4[%add3A_429, %dma_start3A_435] : memref<8192x2048xf32, #tpu.memory_space<hbm>> -> memref<16x2048xf32, #tpu.memory_space<hbm>>
    %dma_start3A_437 = arith.constant 0 : i32
    %dma_start3A_438 = tpu.memref_slice %arg4[%add3A_429, %dma_start3A_437] : memref<8192x2048xf32, #tpu.memory_space<hbm>> -> memref<16x2048xf32, #tpu.memory_space<hbm>>
    %dma_start3A_439 = arith.constant 0 : i32
    %dma_start3A_440 = arith.constant 0 : i32
    %dma_start3A_441 = tpu.memref_slice %arg6[%dma_start3A_430, %dma_start3A_439, %dma_start3A_440] : memref<3x16x2048xf32, #tpu.memory_space<vmem>> -> memref<1x16x2048xf32, #tpu.memory_space<vmem>>
    %dma_start3A_442 = tpu.memref_squeeze %dma_start3A_441 : memref<1x16x2048xf32, #tpu.memory_space<vmem>> -> memref<16x2048xf32, #tpu.memory_space<vmem>>
    tpu.enqueue_dma source(%dma_start3A_442 : memref<16x2048xf32, #tpu.memory_space<vmem>>) target(%dma_start3A_438 : memref<16x2048xf32, #tpu.memory_space<hbm>>) target_semaphore(%arg12 : memref<!tpu.dma_semaphore, #tpu.memory_space<semaphore_mem>>)
    %dma_wait3A_443 = arith.constant 1 : i32
    %dma_wait3A_444 = arith.constant 0 : i32
    %dma_wait3A_445 = arith.constant 0 : i32
    %dma_wait3A_446 = tpu.memref_slice %arg6[%dma_wait3A_443, %dma_wait3A_444, %dma_wait3A_445] : memref<3x16x2048xf32, #tpu.memory_space<vmem>> -> memref<1x16x2048xf32, #tpu.memory_space<vmem>>
    %dma_wait3A_447 = tpu.memref_squeeze %dma_wait3A_446 : memref<1x16x2048xf32, #tpu.memory_space<vmem>> -> memref<16x2048xf32, #tpu.memory_space<vmem>>
    %dma_wait3A_448 = arith.constant 0 : i32
    %dma_wait3A_449 = tpu.memref_slice %arg4[%add3A_378, %dma_wait3A_448] : memref<8192x2048xf32, #tpu.memory_space<hbm>> -> memref<16x2048xf32, #tpu.memory_space<hbm>>
    %dma_wait3A_450 = arith.constant 0 : i32
    %dma_wait3A_451 = tpu.memref_slice %arg4[%add3A_378, %dma_wait3A_450] : memref<8192x2048xf32, #tpu.memory_space<hbm>> -> memref<16x2048xf32, #tpu.memory_space<hbm>>
    %dma_wait3A_452 = arith.constant 0 : i32
    %dma_wait3A_453 = arith.constant 0 : i32
    %dma_wait3A_454 = tpu.memref_slice %arg6[%dma_wait3A_443, %dma_wait3A_452, %dma_wait3A_453] : memref<3x16x2048xf32, #tpu.memory_space<vmem>> -> memref<1x16x2048xf32, #tpu.memory_space<vmem>>
    %dma_wait3A_455 = tpu.memref_squeeze %dma_wait3A_454 : memref<1x16x2048xf32, #tpu.memory_space<vmem>> -> memref<16x2048xf32, #tpu.memory_space<vmem>>
    tpu.wait_dma2 semaphore(%arg11 : memref<!tpu.dma_semaphore, #tpu.memory_space<semaphore_mem>>) src(%dma_wait3A_455 : memref<16x2048xf32, #tpu.memory_space<vmem>>) dst(%dma_wait3A_451 : memref<16x2048xf32, #tpu.memory_space<hbm>>)
    %dma_start3A_456 = arith.constant 1 : i32
    %dma_start3A_457 = arith.constant 0 : i32
    %dma_start3A_458 = arith.constant 0 : i32
    %dma_start3A_459 = tpu.memref_slice %arg6[%dma_start3A_456, %dma_start3A_457, %dma_start3A_458] : memref<3x16x2048xf32, #tpu.memory_space<vmem>> -> memref<1x16x2048xf32, #tpu.memory_space<vmem>>
    %dma_start3A_460 = tpu.memref_squeeze %dma_start3A_459 : memref<1x16x2048xf32, #tpu.memory_space<vmem>> -> memref<16x2048xf32, #tpu.memory_space<vmem>>
    %dma_start3A_461 = arith.constant 160 : i32
    %dma_start3A_462 = tpu.memref_slice %arg5[%dma_start3A_461] : memref<256xi32, #tpu.memory_space<vmem>> -> memref<16xi32, #tpu.memory_space<vmem>>
    %dma_start3A_463 = arith.constant 0 : i32
    %dma_start3A_464 = arith.constant 0 : i32
    %dma_start3A_465 = tpu.memref_slice %arg3[%dma_start3A_463, %dma_start3A_464] : memref<100000x2048xf32, #tpu.memory_space<hbm>> -> memref<100000x2048xf32, #tpu.memory_space<hbm>>
    tpu.enqueue_indirect_dma source(%dma_start3A_465 : memref<100000x2048xf32, #tpu.memory_space<hbm>>) target(%dma_start3A_460 : memref<16x2048xf32, #tpu.memory_space<vmem>>) offsets(%dma_start3A_462 : memref<16xi32, #tpu.memory_space<vmem>>) semaphore(%arg8 : memref<!tpu.dma_semaphore, #tpu.memory_space<semaphore_mem>>)
    %dma_wait3A_466 = arith.constant 0 : i32
    %dma_wait3A_467 = arith.constant 0 : i32
    %dma_wait3A_468 = arith.constant 0 : i32
    %dma_wait3A_469 = tpu.memref_slice %arg6[%dma_wait3A_466, %dma_wait3A_467, %dma_wait3A_468] : memref<3x16x2048xf32, #tpu.memory_space<vmem>> -> memref<1x16x2048xf32, #tpu.memory_space<vmem>>
    %dma_wait3A_470 = tpu.memref_squeeze %dma_wait3A_469 : memref<1x16x2048xf32, #tpu.memory_space<vmem>> -> memref<16x2048xf32, #tpu.memory_space<vmem>>
    %dma_wait3A_471 = arith.constant 144 : i32
    %dma_wait3A_472 = tpu.memref_slice %arg5[%dma_wait3A_471] : memref<256xi32, #tpu.memory_space<vmem>> -> memref<16xi32, #tpu.memory_space<vmem>>
    %dma_wait3A_473 = arith.constant 0 : i32
    %dma_wait3A_474 = arith.constant 0 : i32
    %dma_wait3A_475 = tpu.memref_slice %arg3[%dma_wait3A_473, %dma_wait3A_474] : memref<100000x2048xf32, #tpu.memory_space<hbm>> -> memref<100000x2048xf32, #tpu.memory_space<hbm>>
    tpu.wait_indirect_dma semaphore(%arg7 : memref<!tpu.dma_semaphore, #tpu.memory_space<semaphore_mem>>) src(%dma_wait3A_475 : memref<100000x2048xf32, #tpu.memory_space<hbm>>) dst(%dma_wait3A_470 : memref<16x2048xf32, #tpu.memory_space<vmem>>)
    %parallel_loop3A_476 = arith.constant 0 : i32
    %parallel_loop3A_477 = arith.constant 32768 : i32
    %parallel_loop3A_478 = arith.constant 16 : i32
    scf.for %parallel_loop3A_816 = %parallel_loop3A_476 to %parallel_loop3A_477 step %parallel_loop3A_478  : i32 {
      %parallel_loop3A_817 = arith.constant 2048 : i32
      %parallel_loop3A_818 = arith.divsi %parallel_loop3A_816, %parallel_loop3A_817 : i32
      %parallel_loop3A_819 = arith.constant 0 : i32
      %parallel_loop3A_820 = arith.cmpi sgt, %parallel_loop3A_816, %parallel_loop3A_819 : i32
      %parallel_loop3A_821 = arith.extui %parallel_loop3A_820 : i1 to i32
      %parallel_loop3A_822 = arith.constant 0 : i32
      %parallel_loop3A_823 = arith.cmpi slt, %parallel_loop3A_816, %parallel_loop3A_822 : i32
      %parallel_loop3A_824 = arith.extui %parallel_loop3A_823 : i1 to i32
      %parallel_loop3A_825 = arith.subi %parallel_loop3A_821, %parallel_loop3A_824 : i32
      %parallel_loop3A_826 = arith.constant 0 : i32
      %parallel_loop3A_827 = arith.cmpi sgt, %parallel_loop3A_817, %parallel_loop3A_826 : i32
      %parallel_loop3A_828 = arith.extui %parallel_loop3A_827 : i1 to i32
      %parallel_loop3A_829 = arith.constant 0 : i32
      %parallel_loop3A_830 = arith.cmpi slt, %parallel_loop3A_817, %parallel_loop3A_829 : i32
      %parallel_loop3A_831 = arith.extui %parallel_loop3A_830 : i1 to i32
      %parallel_loop3A_832 = arith.subi %parallel_loop3A_828, %parallel_loop3A_831 : i32
      %parallel_loop3A_833 = arith.cmpi ne, %parallel_loop3A_825, %parallel_loop3A_832 : i32
      %parallel_loop3A_834 = arith.remsi %parallel_loop3A_816, %parallel_loop3A_817 : i32
      %parallel_loop3A_835 = arith.constant 0 : i32
      %parallel_loop3A_836 = arith.cmpi ne, %parallel_loop3A_834, %parallel_loop3A_835 : i32
      %parallel_loop3A_837 = arith.andi %parallel_loop3A_833, %parallel_loop3A_836 : i1
      %parallel_loop3A_838 = arith.constant 1 : i32
      %parallel_loop3A_839 = arith.subi %parallel_loop3A_818, %parallel_loop3A_838 : i32
      %parallel_loop3A_840 = arith.select %parallel_loop3A_837, %parallel_loop3A_839, %parallel_loop3A_818 : i32
      %parallel_loop3A_841 = arith.constant 2048 : i32
      %parallel_loop3A_842 = arith.muli %parallel_loop3A_840, %parallel_loop3A_841 : i32
      %parallel_loop3A_843 = arith.subi %parallel_loop3A_816, %parallel_loop3A_842 : i32
      %parallel_loop3A_844 = arith.constant 0 : i32
      %parallel_loop3A_845 = arith.index_cast %parallel_loop3A_844 : i32 to index
      %parallel_loop3A_846 = arith.index_cast %parallel_loop3A_840 : i32 to index
      %parallel_loop3A_847 = arith.index_cast %parallel_loop3A_843 : i32 to index
      %parallel_loop3A_848 = tpu.vector_load %arg6[%parallel_loop3A_845, %parallel_loop3A_846, %parallel_loop3A_847] {strides = array<i32>} : memref<3x16x2048xf32, #tpu.memory_space<vmem>>, vector<1x1x16xf32>,
      %parallel_loop3A_849 = vector.shape_cast %parallel_loop3A_848 : vector<1x1x16xf32> to vector<16xf32>
      %parallel_loop3A_850 = arith.constant 45.2548332 : f32
      %parallel_loop3A_851 = vector.broadcast %parallel_loop3A_850 : f32 to vector<16xf32>
      %parallel_loop3A_852 = arith.mulf %parallel_loop3A_849, %parallel_loop3A_851 : vector<16xf32>
      %parallel_loop3A_853 = arith.constant 0 : i32
      %parallel_loop3A_854 = arith.index_cast %parallel_loop3A_853 : i32 to index
      %parallel_loop3A_855 = arith.index_cast %parallel_loop3A_840 : i32 to index
      %parallel_loop3A_856 = arith.index_cast %parallel_loop3A_843 : i32 to index
      %parallel_loop3A_857 = tpu.vector_load %arg6[%parallel_loop3A_854, %parallel_loop3A_855, %parallel_loop3A_856] {strides = array<i32>} : memref<3x16x2048xf32, #tpu.memory_space<vmem>>, vector<1x1x16xf32>,
      %parallel_loop3A_858 = vector.shape_cast %parallel_loop3A_857 : vector<1x1x16xf32> to vector<16xf32>
      %parallel_loop3A_859 = vector.shape_cast %parallel_loop3A_852 : vector<16xf32> to vector<1x1x16xf32>
      tpu.vector_store %arg6[%parallel_loop3A_854, %parallel_loop3A_855, %parallel_loop3A_856], %parallel_loop3A_859 {strides = array<i32>} : memref<3x16x2048xf32, #tpu.memory_space<vmem>>, vector<1x1x16xf32>,
    } {sc.loop_unroll_factor = 8 : i64, sc.parallel_access}
    %add3A_479 = arith.constant 144 : i32
    %add3A_480 = arith.addi %mul3A_2, %add3A_479 : i32
    %dma_start3A_481 = arith.constant 0 : i32
    %dma_start3A_482 = arith.constant 0 : i32
    %dma_start3A_483 = arith.constant 0 : i32
    %dma_start3A_484 = tpu.memref_slice %arg6[%dma_start3A_481, %dma_start3A_482, %dma_start3A_483] : memref<3x16x2048xf32, #tpu.memory_space<vmem>> -> memref<1x16x2048xf32, #tpu.memory_space<vmem>>
    %dma_start3A_485 = tpu.memref_squeeze %dma_start3A_484 : memref<1x16x2048xf32, #tpu.memory_space<vmem>> -> memref<16x2048xf32, #tpu.memory_space<vmem>>
    %dma_start3A_486 = arith.constant 0 : i32
    %dma_start3A_487 = tpu.memref_slice %arg4[%add3A_480, %dma_start3A_486] : memref<8192x2048xf32, #tpu.memory_space<hbm>> -> memref<16x2048xf32, #tpu.memory_space<hbm>>
    %dma_start3A_488 = arith.constant 0 : i32
    %dma_start3A_489 = tpu.memref_slice %arg4[%add3A_480, %dma_start3A_488] : memref<8192x2048xf32, #tpu.memory_space<hbm>> -> memref<16x2048xf32, #tpu.memory_space<hbm>>
    %dma_start3A_490 = arith.constant 0 : i32
    %dma_start3A_491 = arith.constant 0 : i32
    %dma_start3A_492 = tpu.memref_slice %arg6[%dma_start3A_481, %dma_start3A_490, %dma_start3A_491] : memref<3x16x2048xf32, #tpu.memory_space<vmem>> -> memref<1x16x2048xf32, #tpu.memory_space<vmem>>
    %dma_start3A_493 = tpu.memref_squeeze %dma_start3A_492 : memref<1x16x2048xf32, #tpu.memory_space<vmem>> -> memref<16x2048xf32, #tpu.memory_space<vmem>>
    tpu.enqueue_dma source(%dma_start3A_493 : memref<16x2048xf32, #tpu.memory_space<vmem>>) target(%dma_start3A_489 : memref<16x2048xf32, #tpu.memory_space<hbm>>) target_semaphore(%arg10 : memref<!tpu.dma_semaphore, #tpu.memory_space<semaphore_mem>>)
    %dma_wait3A_494 = arith.constant 2 : i32
    %dma_wait3A_495 = arith.constant 0 : i32
    %dma_wait3A_496 = arith.constant 0 : i32
    %dma_wait3A_497 = tpu.memref_slice %arg6[%dma_wait3A_494, %dma_wait3A_495, %dma_wait3A_496] : memref<3x16x2048xf32, #tpu.memory_space<vmem>> -> memref<1x16x2048xf32, #tpu.memory_space<vmem>>
    %dma_wait3A_498 = tpu.memref_squeeze %dma_wait3A_497 : memref<1x16x2048xf32, #tpu.memory_space<vmem>> -> memref<16x2048xf32, #tpu.memory_space<vmem>>
    %dma_wait3A_499 = arith.constant 0 : i32
    %dma_wait3A_500 = tpu.memref_slice %arg4[%add3A_429, %dma_wait3A_499] : memref<8192x2048xf32, #tpu.memory_space<hbm>> -> memref<16x2048xf32, #tpu.memory_space<hbm>>
    %dma_wait3A_501 = arith.constant 0 : i32
    %dma_wait3A_502 = tpu.memref_slice %arg4[%add3A_429, %dma_wait3A_501] : memref<8192x2048xf32, #tpu.memory_space<hbm>> -> memref<16x2048xf32, #tpu.memory_space<hbm>>
    %dma_wait3A_503 = arith.constant 0 : i32
    %dma_wait3A_504 = arith.constant 0 : i32
    %dma_wait3A_505 = tpu.memref_slice %arg6[%dma_wait3A_494, %dma_wait3A_503, %dma_wait3A_504] : memref<3x16x2048xf32, #tpu.memory_space<vmem>> -> memref<1x16x2048xf32, #tpu.memory_space<vmem>>
    %dma_wait3A_506 = tpu.memref_squeeze %dma_wait3A_505 : memref<1x16x2048xf32, #tpu.memory_space<vmem>> -> memref<16x2048xf32, #tpu.memory_space<vmem>>
    tpu.wait_dma2 semaphore(%arg12 : memref<!tpu.dma_semaphore, #tpu.memory_space<semaphore_mem>>) src(%dma_wait3A_506 : memref<16x2048xf32, #tpu.memory_space<vmem>>) dst(%dma_wait3A_502 : memref<16x2048xf32, #tpu.memory_space<hbm>>)
    %dma_start3A_507 = arith.constant 2 : i32
    %dma_start3A_508 = arith.constant 0 : i32
    %dma_start3A_509 = arith.constant 0 : i32
    %dma_start3A_510 = tpu.memref_slice %arg6[%dma_start3A_507, %dma_start3A_508, %dma_start3A_509] : memref<3x16x2048xf32, #tpu.memory_space<vmem>> -> memref<1x16x2048xf32, #tpu.memory_space<vmem>>
    %dma_start3A_511 = tpu.memref_squeeze %dma_start3A_510 : memref<1x16x2048xf32, #tpu.memory_space<vmem>> -> memref<16x2048xf32, #tpu.memory_space<vmem>>
    %dma_start3A_512 = arith.constant 176 : i32
    %dma_start3A_513 = tpu.memref_slice %arg5[%dma_start3A_512] : memref<256xi32, #tpu.memory_space<vmem>> -> memref<16xi32, #tpu.memory_space<vmem>>
    %dma_start3A_514 = arith.constant 0 : i32
    %dma_start3A_515 = arith.constant 0 : i32
    %dma_start3A_516 = tpu.memref_slice %arg3[%dma_start3A_514, %dma_start3A_515] : memref<100000x2048xf32, #tpu.memory_space<hbm>> -> memref<100000x2048xf32, #tpu.memory_space<hbm>>
    tpu.enqueue_indirect_dma source(%dma_start3A_516 : memref<100000x2048xf32, #tpu.memory_space<hbm>>) target(%dma_start3A_511 : memref<16x2048xf32, #tpu.memory_space<vmem>>) offsets(%dma_start3A_513 : memref<16xi32, #tpu.memory_space<vmem>>) semaphore(%arg9 : memref<!tpu.dma_semaphore, #tpu.memory_space<semaphore_mem>>)
    %dma_wait3A_517 = arith.constant 1 : i32
    %dma_wait3A_518 = arith.constant 0 : i32
    %dma_wait3A_519 = arith.constant 0 : i32
    %dma_wait3A_520 = tpu.memref_slice %arg6[%dma_wait3A_517, %dma_wait3A_518, %dma_wait3A_519] : memref<3x16x2048xf32, #tpu.memory_space<vmem>> -> memref<1x16x2048xf32, #tpu.memory_space<vmem>>
    %dma_wait3A_521 = tpu.memref_squeeze %dma_wait3A_520 : memref<1x16x2048xf32, #tpu.memory_space<vmem>> -> memref<16x2048xf32, #tpu.memory_space<vmem>>
    %dma_wait3A_522 = arith.constant 160 : i32
    %dma_wait3A_523 = tpu.memref_slice %arg5[%dma_wait3A_522] : memref<256xi32, #tpu.memory_space<vmem>> -> memref<16xi32, #tpu.memory_space<vmem>>
    %dma_wait3A_524 = arith.constant 0 : i32
    %dma_wait3A_525 = arith.constant 0 : i32
    %dma_wait3A_526 = tpu.memref_slice %arg3[%dma_wait3A_524, %dma_wait3A_525] : memref<100000x2048xf32, #tpu.memory_space<hbm>> -> memref<100000x2048xf32, #tpu.memory_space<hbm>>
    tpu.wait_indirect_dma semaphore(%arg8 : memref<!tpu.dma_semaphore, #tpu.memory_space<semaphore_mem>>) src(%dma_wait3A_526 : memref<100000x2048xf32, #tpu.memory_space<hbm>>) dst(%dma_wait3A_521 : memref<16x2048xf32, #tpu.memory_space<vmem>>)
    %parallel_loop3A_527 = arith.constant 0 : i32
    %parallel_loop3A_528 = arith.constant 32768 : i32
    %parallel_loop3A_529 = arith.constant 16 : i32
    scf.for %parallel_loop3A_816 = %parallel_loop3A_527 to %parallel_loop3A_528 step %parallel_loop3A_529  : i32 {
      %parallel_loop3A_817 = arith.constant 2048 : i32
      %parallel_loop3A_818 = arith.divsi %parallel_loop3A_816, %parallel_loop3A_817 : i32
      %parallel_loop3A_819 = arith.constant 0 : i32
      %parallel_loop3A_820 = arith.cmpi sgt, %parallel_loop3A_816, %parallel_loop3A_819 : i32
      %parallel_loop3A_821 = arith.extui %parallel_loop3A_820 : i1 to i32
      %parallel_loop3A_822 = arith.constant 0 : i32
      %parallel_loop3A_823 = arith.cmpi slt, %parallel_loop3A_816, %parallel_loop3A_822 : i32
      %parallel_loop3A_824 = arith.extui %parallel_loop3A_823 : i1 to i32
      %parallel_loop3A_825 = arith.subi %parallel_loop3A_821, %parallel_loop3A_824 : i32
      %parallel_loop3A_826 = arith.constant 0 : i32
      %parallel_loop3A_827 = arith.cmpi sgt, %parallel_loop3A_817, %parallel_loop3A_826 : i32
      %parallel_loop3A_828 = arith.extui %parallel_loop3A_827 : i1 to i32
      %parallel_loop3A_829 = arith.constant 0 : i32
      %parallel_loop3A_830 = arith.cmpi slt, %parallel_loop3A_817, %parallel_loop3A_829 : i32
      %parallel_loop3A_831 = arith.extui %parallel_loop3A_830 : i1 to i32
      %parallel_loop3A_832 = arith.subi %parallel_loop3A_828, %parallel_loop3A_831 : i32
      %parallel_loop3A_833 = arith.cmpi ne, %parallel_loop3A_825, %parallel_loop3A_832 : i32
      %parallel_loop3A_834 = arith.remsi %parallel_loop3A_816, %parallel_loop3A_817 : i32
      %parallel_loop3A_835 = arith.constant 0 : i32
      %parallel_loop3A_836 = arith.cmpi ne, %parallel_loop3A_834, %parallel_loop3A_835 : i32
      %parallel_loop3A_837 = arith.andi %parallel_loop3A_833, %parallel_loop3A_836 : i1
      %parallel_loop3A_838 = arith.constant 1 : i32
      %parallel_loop3A_839 = arith.subi %parallel_loop3A_818, %parallel_loop3A_838 : i32
      %parallel_loop3A_840 = arith.select %parallel_loop3A_837, %parallel_loop3A_839, %parallel_loop3A_818 : i32
      %parallel_loop3A_841 = arith.constant 2048 : i32
      %parallel_loop3A_842 = arith.muli %parallel_loop3A_840, %parallel_loop3A_841 : i32
      %parallel_loop3A_843 = arith.subi %parallel_loop3A_816, %parallel_loop3A_842 : i32
      %parallel_loop3A_844 = arith.constant 1 : i32
      %parallel_loop3A_845 = arith.index_cast %parallel_loop3A_844 : i32 to index
      %parallel_loop3A_846 = arith.index_cast %parallel_loop3A_840 : i32 to index
      %parallel_loop3A_847 = arith.index_cast %parallel_loop3A_843 : i32 to index
      %parallel_loop3A_848 = tpu.vector_load %arg6[%parallel_loop3A_845, %parallel_loop3A_846, %parallel_loop3A_847] {strides = array<i32>} : memref<3x16x2048xf32, #tpu.memory_space<vmem>>, vector<1x1x16xf32>,
      %parallel_loop3A_849 = vector.shape_cast %parallel_loop3A_848 : vector<1x1x16xf32> to vector<16xf32>
      %parallel_loop3A_850 = arith.constant 45.2548332 : f32
      %parallel_loop3A_851 = vector.broadcast %parallel_loop3A_850 : f32 to vector<16xf32>
      %parallel_loop3A_852 = arith.mulf %parallel_loop3A_849, %parallel_loop3A_851 : vector<16xf32>
      %parallel_loop3A_853 = arith.constant 1 : i32
      %parallel_loop3A_854 = arith.index_cast %parallel_loop3A_853 : i32 to index
      %parallel_loop3A_855 = arith.index_cast %parallel_loop3A_840 : i32 to index
      %parallel_loop3A_856 = arith.index_cast %parallel_loop3A_843 : i32 to index
      %parallel_loop3A_857 = tpu.vector_load %arg6[%parallel_loop3A_854, %parallel_loop3A_855, %parallel_loop3A_856] {strides = array<i32>} : memref<3x16x2048xf32, #tpu.memory_space<vmem>>, vector<1x1x16xf32>,
      %parallel_loop3A_858 = vector.shape_cast %parallel_loop3A_857 : vector<1x1x16xf32> to vector<16xf32>
      %parallel_loop3A_859 = vector.shape_cast %parallel_loop3A_852 : vector<16xf32> to vector<1x1x16xf32>
      tpu.vector_store %arg6[%parallel_loop3A_854, %parallel_loop3A_855, %parallel_loop3A_856], %parallel_loop3A_859 {strides = array<i32>} : memref<3x16x2048xf32, #tpu.memory_space<vmem>>, vector<1x1x16xf32>,
    } {sc.loop_unroll_factor = 8 : i64, sc.parallel_access}
    %add3A_530 = arith.constant 160 : i32
    %add3A_531 = arith.addi %mul3A_2, %add3A_530 : i32
    %dma_start3A_532 = arith.constant 1 : i32
    %dma_start3A_533 = arith.constant 0 : i32
    %dma_start3A_534 = arith.constant 0 : i32
    %dma_start3A_535 = tpu.memref_slice %arg6[%dma_start3A_532, %dma_start3A_533, %dma_start3A_534] : memref<3x16x2048xf32, #tpu.memory_space<vmem>> -> memref<1x16x2048xf32, #tpu.memory_space<vmem>>
    %dma_start3A_536 = tpu.memref_squeeze %dma_start3A_535 : memref<1x16x2048xf32, #tpu.memory_space<vmem>> -> memref<16x2048xf32, #tpu.memory_space<vmem>>
    %dma_start3A_537 = arith.constant 0 : i32
    %dma_start3A_538 = tpu.memref_slice %arg4[%add3A_531, %dma_start3A_537] : memref<8192x2048xf32, #tpu.memory_space<hbm>> -> memref<16x2048xf32, #tpu.memory_space<hbm>>
    %dma_start3A_539 = arith.constant 0 : i32
    %dma_start3A_540 = tpu.memref_slice %arg4[%add3A_531, %dma_start3A_539] : memref<8192x2048xf32, #tpu.memory_space<hbm>> -> memref<16x2048xf32, #tpu.memory_space<hbm>>
    %dma_start3A_541 = arith.constant 0 : i32
    %dma_start3A_542 = arith.constant 0 : i32
    %dma_start3A_543 = tpu.memref_slice %arg6[%dma_start3A_532, %dma_start3A_541, %dma_start3A_542] : memref<3x16x2048xf32, #tpu.memory_space<vmem>> -> memref<1x16x2048xf32, #tpu.memory_space<vmem>>
    %dma_start3A_544 = tpu.memref_squeeze %dma_start3A_543 : memref<1x16x2048xf32, #tpu.memory_space<vmem>> -> memref<16x2048xf32, #tpu.memory_space<vmem>>
    tpu.enqueue_dma source(%dma_start3A_544 : memref<16x2048xf32, #tpu.memory_space<vmem>>) target(%dma_start3A_540 : memref<16x2048xf32, #tpu.memory_space<hbm>>) target_semaphore(%arg11 : memref<!tpu.dma_semaphore, #tpu.memory_space<semaphore_mem>>)
    %dma_wait3A_545 = arith.constant 0 : i32
    %dma_wait3A_546 = arith.constant 0 : i32
    %dma_wait3A_547 = arith.constant 0 : i32
    %dma_wait3A_548 = tpu.memref_slice %arg6[%dma_wait3A_545, %dma_wait3A_546, %dma_wait3A_547] : memref<3x16x2048xf32, #tpu.memory_space<vmem>> -> memref<1x16x2048xf32, #tpu.memory_space<vmem>>
    %dma_wait3A_549 = tpu.memref_squeeze %dma_wait3A_548 : memref<1x16x2048xf32, #tpu.memory_space<vmem>> -> memref<16x2048xf32, #tpu.memory_space<vmem>>
    %dma_wait3A_550 = arith.constant 0 : i32
    %dma_wait3A_551 = tpu.memref_slice %arg4[%add3A_480, %dma_wait3A_550] : memref<8192x2048xf32, #tpu.memory_space<hbm>> -> memref<16x2048xf32, #tpu.memory_space<hbm>>
    %dma_wait3A_552 = arith.constant 0 : i32
    %dma_wait3A_553 = tpu.memref_slice %arg4[%add3A_480, %dma_wait3A_552] : memref<8192x2048xf32, #tpu.memory_space<hbm>> -> memref<16x2048xf32, #tpu.memory_space<hbm>>
    %dma_wait3A_554 = arith.constant 0 : i32
    %dma_wait3A_555 = arith.constant 0 : i32
    %dma_wait3A_556 = tpu.memref_slice %arg6[%dma_wait3A_545, %dma_wait3A_554, %dma_wait3A_555] : memref<3x16x2048xf32, #tpu.memory_space<vmem>> -> memref<1x16x2048xf32, #tpu.memory_space<vmem>>
    %dma_wait3A_557 = tpu.memref_squeeze %dma_wait3A_556 : memref<1x16x2048xf32, #tpu.memory_space<vmem>> -> memref<16x2048xf32, #tpu.memory_space<vmem>>
    tpu.wait_dma2 semaphore(%arg10 : memref<!tpu.dma_semaphore, #tpu.memory_space<semaphore_mem>>) src(%dma_wait3A_557 : memref<16x2048xf32, #tpu.memory_space<vmem>>) dst(%dma_wait3A_553 : memref<16x2048xf32, #tpu.memory_space<hbm>>)
    %dma_start3A_558 = arith.constant 0 : i32
    %dma_start3A_559 = arith.constant 0 : i32
    %dma_start3A_560 = arith.constant 0 : i32
    %dma_start3A_561 = tpu.memref_slice %arg6[%dma_start3A_558, %dma_start3A_559, %dma_start3A_560] : memref<3x16x2048xf32, #tpu.memory_space<vmem>> -> memref<1x16x2048xf32, #tpu.memory_space<vmem>>
    %dma_start3A_562 = tpu.memref_squeeze %dma_start3A_561 : memref<1x16x2048xf32, #tpu.memory_space<vmem>> -> memref<16x2048xf32, #tpu.memory_space<vmem>>
    %dma_start3A_563 = arith.constant 192 : i32
    %dma_start3A_564 = tpu.memref_slice %arg5[%dma_start3A_563] : memref<256xi32, #tpu.memory_space<vmem>> -> memref<16xi32, #tpu.memory_space<vmem>>
    %dma_start3A_565 = arith.constant 0 : i32
    %dma_start3A_566 = arith.constant 0 : i32
    %dma_start3A_567 = tpu.memref_slice %arg3[%dma_start3A_565, %dma_start3A_566] : memref<100000x2048xf32, #tpu.memory_space<hbm>> -> memref<100000x2048xf32, #tpu.memory_space<hbm>>
    tpu.enqueue_indirect_dma source(%dma_start3A_567 : memref<100000x2048xf32, #tpu.memory_space<hbm>>) target(%dma_start3A_562 : memref<16x2048xf32, #tpu.memory_space<vmem>>) offsets(%dma_start3A_564 : memref<16xi32, #tpu.memory_space<vmem>>) semaphore(%arg7 : memref<!tpu.dma_semaphore, #tpu.memory_space<semaphore_mem>>)
    %dma_wait3A_568 = arith.constant 2 : i32
    %dma_wait3A_569 = arith.constant 0 : i32
    %dma_wait3A_570 = arith.constant 0 : i32
    %dma_wait3A_571 = tpu.memref_slice %arg6[%dma_wait3A_568, %dma_wait3A_569, %dma_wait3A_570] : memref<3x16x2048xf32, #tpu.memory_space<vmem>> -> memref<1x16x2048xf32, #tpu.memory_space<vmem>>
    %dma_wait3A_572 = tpu.memref_squeeze %dma_wait3A_571 : memref<1x16x2048xf32, #tpu.memory_space<vmem>> -> memref<16x2048xf32, #tpu.memory_space<vmem>>
    %dma_wait3A_573 = arith.constant 176 : i32
    %dma_wait3A_574 = tpu.memref_slice %arg5[%dma_wait3A_573] : memref<256xi32, #tpu.memory_space<vmem>> -> memref<16xi32, #tpu.memory_space<vmem>>
    %dma_wait3A_575 = arith.constant 0 : i32
    %dma_wait3A_576 = arith.constant 0 : i32
    %dma_wait3A_577 = tpu.memref_slice %arg3[%dma_wait3A_575, %dma_wait3A_576] : memref<100000x2048xf32, #tpu.memory_space<hbm>> -> memref<100000x2048xf32, #tpu.memory_space<hbm>>
    tpu.wait_indirect_dma semaphore(%arg9 : memref<!tpu.dma_semaphore, #tpu.memory_space<semaphore_mem>>) src(%dma_wait3A_577 : memref<100000x2048xf32, #tpu.memory_space<hbm>>) dst(%dma_wait3A_572 : memref<16x2048xf32, #tpu.memory_space<vmem>>)
    %parallel_loop3A_578 = arith.constant 0 : i32
    %parallel_loop3A_579 = arith.constant 32768 : i32
    %parallel_loop3A_580 = arith.constant 16 : i32
    scf.for %parallel_loop3A_816 = %parallel_loop3A_578 to %parallel_loop3A_579 step %parallel_loop3A_580  : i32 {
      %parallel_loop3A_817 = arith.constant 2048 : i32
      %parallel_loop3A_818 = arith.divsi %parallel_loop3A_816, %parallel_loop3A_817 : i32
      %parallel_loop3A_819 = arith.constant 0 : i32
      %parallel_loop3A_820 = arith.cmpi sgt, %parallel_loop3A_816, %parallel_loop3A_819 : i32
      %parallel_loop3A_821 = arith.extui %parallel_loop3A_820 : i1 to i32
      %parallel_loop3A_822 = arith.constant 0 : i32
      %parallel_loop3A_823 = arith.cmpi slt, %parallel_loop3A_816, %parallel_loop3A_822 : i32
      %parallel_loop3A_824 = arith.extui %parallel_loop3A_823 : i1 to i32
      %parallel_loop3A_825 = arith.subi %parallel_loop3A_821, %parallel_loop3A_824 : i32
      %parallel_loop3A_826 = arith.constant 0 : i32
      %parallel_loop3A_827 = arith.cmpi sgt, %parallel_loop3A_817, %parallel_loop3A_826 : i32
      %parallel_loop3A_828 = arith.extui %parallel_loop3A_827 : i1 to i32
      %parallel_loop3A_829 = arith.constant 0 : i32
      %parallel_loop3A_830 = arith.cmpi slt, %parallel_loop3A_817, %parallel_loop3A_829 : i32
      %parallel_loop3A_831 = arith.extui %parallel_loop3A_830 : i1 to i32
      %parallel_loop3A_832 = arith.subi %parallel_loop3A_828, %parallel_loop3A_831 : i32
      %parallel_loop3A_833 = arith.cmpi ne, %parallel_loop3A_825, %parallel_loop3A_832 : i32
      %parallel_loop3A_834 = arith.remsi %parallel_loop3A_816, %parallel_loop3A_817 : i32
      %parallel_loop3A_835 = arith.constant 0 : i32
      %parallel_loop3A_836 = arith.cmpi ne, %parallel_loop3A_834, %parallel_loop3A_835 : i32
      %parallel_loop3A_837 = arith.andi %parallel_loop3A_833, %parallel_loop3A_836 : i1
      %parallel_loop3A_838 = arith.constant 1 : i32
      %parallel_loop3A_839 = arith.subi %parallel_loop3A_818, %parallel_loop3A_838 : i32
      %parallel_loop3A_840 = arith.select %parallel_loop3A_837, %parallel_loop3A_839, %parallel_loop3A_818 : i32
      %parallel_loop3A_841 = arith.constant 2048 : i32
      %parallel_loop3A_842 = arith.muli %parallel_loop3A_840, %parallel_loop3A_841 : i32
      %parallel_loop3A_843 = arith.subi %parallel_loop3A_816, %parallel_loop3A_842 : i32
      %parallel_loop3A_844 = arith.constant 2 : i32
      %parallel_loop3A_845 = arith.index_cast %parallel_loop3A_844 : i32 to index
      %parallel_loop3A_846 = arith.index_cast %parallel_loop3A_840 : i32 to index
      %parallel_loop3A_847 = arith.index_cast %parallel_loop3A_843 : i32 to index
      %parallel_loop3A_848 = tpu.vector_load %arg6[%parallel_loop3A_845, %parallel_loop3A_846, %parallel_loop3A_847] {strides = array<i32>} : memref<3x16x2048xf32, #tpu.memory_space<vmem>>, vector<1x1x16xf32>,
      %parallel_loop3A_849 = vector.shape_cast %parallel_loop3A_848 : vector<1x1x16xf32> to vector<16xf32>
      %parallel_loop3A_850 = arith.constant 45.2548332 : f32
      %parallel_loop3A_851 = vector.broadcast %parallel_loop3A_850 : f32 to vector<16xf32>
      %parallel_loop3A_852 = arith.mulf %parallel_loop3A_849, %parallel_loop3A_851 : vector<16xf32>
      %parallel_loop3A_853 = arith.constant 2 : i32
      %parallel_loop3A_854 = arith.index_cast %parallel_loop3A_853 : i32 to index
      %parallel_loop3A_855 = arith.index_cast %parallel_loop3A_840 : i32 to index
      %parallel_loop3A_856 = arith.index_cast %parallel_loop3A_843 : i32 to index
      %parallel_loop3A_857 = tpu.vector_load %arg6[%parallel_loop3A_854, %parallel_loop3A_855, %parallel_loop3A_856] {strides = array<i32>} : memref<3x16x2048xf32, #tpu.memory_space<vmem>>, vector<1x1x16xf32>,
      %parallel_loop3A_858 = vector.shape_cast %parallel_loop3A_857 : vector<1x1x16xf32> to vector<16xf32>
      %parallel_loop3A_859 = vector.shape_cast %parallel_loop3A_852 : vector<16xf32> to vector<1x1x16xf32>
      tpu.vector_store %arg6[%parallel_loop3A_854, %parallel_loop3A_855, %parallel_loop3A_856], %parallel_loop3A_859 {strides = array<i32>} : memref<3x16x2048xf32, #tpu.memory_space<vmem>>, vector<1x1x16xf32>,
    } {sc.loop_unroll_factor = 8 : i64, sc.parallel_access}
    %add3A_581 = arith.constant 176 : i32
    %add3A_582 = arith.addi %mul3A_2, %add3A_581 : i32
    %dma_start3A_583 = arith.constant 2 : i32
    %dma_start3A_584 = arith.constant 0 : i32
    %dma_start3A_585 = arith.constant 0 : i32
    %dma_start3A_586 = tpu.memref_slice %arg6[%dma_start3A_583, %dma_start3A_584, %dma_start3A_585] : memref<3x16x2048xf32, #tpu.memory_space<vmem>> -> memref<1x16x2048xf32, #tpu.memory_space<vmem>>
    %dma_start3A_587 = tpu.memref_squeeze %dma_start3A_586 : memref<1x16x2048xf32, #tpu.memory_space<vmem>> -> memref<16x2048xf32, #tpu.memory_space<vmem>>
    %dma_start3A_588 = arith.constant 0 : i32
    %dma_start3A_589 = tpu.memref_slice %arg4[%add3A_582, %dma_start3A_588] : memref<8192x2048xf32, #tpu.memory_space<hbm>> -> memref<16x2048xf32, #tpu.memory_space<hbm>>
    %dma_start3A_590 = arith.constant 0 : i32
    %dma_start3A_591 = tpu.memref_slice %arg4[%add3A_582, %dma_start3A_590] : memref<8192x2048xf32, #tpu.memory_space<hbm>> -> memref<16x2048xf32, #tpu.memory_space<hbm>>
    %dma_start3A_592 = arith.constant 0 : i32
    %dma_start3A_593 = arith.constant 0 : i32
    %dma_start3A_594 = tpu.memref_slice %arg6[%dma_start3A_583, %dma_start3A_592, %dma_start3A_593] : memref<3x16x2048xf32, #tpu.memory_space<vmem>> -> memref<1x16x2048xf32, #tpu.memory_space<vmem>>
    %dma_start3A_595 = tpu.memref_squeeze %dma_start3A_594 : memref<1x16x2048xf32, #tpu.memory_space<vmem>> -> memref<16x2048xf32, #tpu.memory_space<vmem>>
    tpu.enqueue_dma source(%dma_start3A_595 : memref<16x2048xf32, #tpu.memory_space<vmem>>) target(%dma_start3A_591 : memref<16x2048xf32, #tpu.memory_space<hbm>>) target_semaphore(%arg12 : memref<!tpu.dma_semaphore, #tpu.memory_space<semaphore_mem>>)
    %dma_wait3A_596 = arith.constant 1 : i32
    %dma_wait3A_597 = arith.constant 0 : i32
    %dma_wait3A_598 = arith.constant 0 : i32
    %dma_wait3A_599 = tpu.memref_slice %arg6[%dma_wait3A_596, %dma_wait3A_597, %dma_wait3A_598] : memref<3x16x2048xf32, #tpu.memory_space<vmem>> -> memref<1x16x2048xf32, #tpu.memory_space<vmem>>
    %dma_wait3A_600 = tpu.memref_squeeze %dma_wait3A_599 : memref<1x16x2048xf32, #tpu.memory_space<vmem>> -> memref<16x2048xf32, #tpu.memory_space<vmem>>
    %dma_wait3A_601 = arith.constant 0 : i32
    %dma_wait3A_602 = tpu.memref_slice %arg4[%add3A_531, %dma_wait3A_601] : memref<8192x2048xf32, #tpu.memory_space<hbm>> -> memref<16x2048xf32, #tpu.memory_space<hbm>>
    %dma_wait3A_603 = arith.constant 0 : i32
    %dma_wait3A_604 = tpu.memref_slice %arg4[%add3A_531, %dma_wait3A_603] : memref<8192x2048xf32, #tpu.memory_space<hbm>> -> memref<16x2048xf32, #tpu.memory_space<hbm>>
    %dma_wait3A_605 = arith.constant 0 : i32
    %dma_wait3A_606 = arith.constant 0 : i32
    %dma_wait3A_607 = tpu.memref_slice %arg6[%dma_wait3A_596, %dma_wait3A_605, %dma_wait3A_606] : memref<3x16x2048xf32, #tpu.memory_space<vmem>> -> memref<1x16x2048xf32, #tpu.memory_space<vmem>>
    %dma_wait3A_608 = tpu.memref_squeeze %dma_wait3A_607 : memref<1x16x2048xf32, #tpu.memory_space<vmem>> -> memref<16x2048xf32, #tpu.memory_space<vmem>>
    tpu.wait_dma2 semaphore(%arg11 : memref<!tpu.dma_semaphore, #tpu.memory_space<semaphore_mem>>) src(%dma_wait3A_608 : memref<16x2048xf32, #tpu.memory_space<vmem>>) dst(%dma_wait3A_604 : memref<16x2048xf32, #tpu.memory_space<hbm>>)
    %dma_start3A_609 = arith.constant 1 : i32
    %dma_start3A_610 = arith.constant 0 : i32
    %dma_start3A_611 = arith.constant 0 : i32
    %dma_start3A_612 = tpu.memref_slice %arg6[%dma_start3A_609, %dma_start3A_610, %dma_start3A_611] : memref<3x16x2048xf32, #tpu.memory_space<vmem>> -> memref<1x16x2048xf32, #tpu.memory_space<vmem>>
    %dma_start3A_613 = tpu.memref_squeeze %dma_start3A_612 : memref<1x16x2048xf32, #tpu.memory_space<vmem>> -> memref<16x2048xf32, #tpu.memory_space<vmem>>
    %dma_start3A_614 = arith.constant 208 : i32
    %dma_start3A_615 = tpu.memref_slice %arg5[%dma_start3A_614] : memref<256xi32, #tpu.memory_space<vmem>> -> memref<16xi32, #tpu.memory_space<vmem>>
    %dma_start3A_616 = arith.constant 0 : i32
    %dma_start3A_617 = arith.constant 0 : i32
    %dma_start3A_618 = tpu.memref_slice %arg3[%dma_start3A_616, %dma_start3A_617] : memref<100000x2048xf32, #tpu.memory_space<hbm>> -> memref<100000x2048xf32, #tpu.memory_space<hbm>>
    tpu.enqueue_indirect_dma source(%dma_start3A_618 : memref<100000x2048xf32, #tpu.memory_space<hbm>>) target(%dma_start3A_613 : memref<16x2048xf32, #tpu.memory_space<vmem>>) offsets(%dma_start3A_615 : memref<16xi32, #tpu.memory_space<vmem>>) semaphore(%arg8 : memref<!tpu.dma_semaphore, #tpu.memory_space<semaphore_mem>>)
    %dma_wait3A_619 = arith.constant 0 : i32
    %dma_wait3A_620 = arith.constant 0 : i32
    %dma_wait3A_621 = arith.constant 0 : i32
    %dma_wait3A_622 = tpu.memref_slice %arg6[%dma_wait3A_619, %dma_wait3A_620, %dma_wait3A_621] : memref<3x16x2048xf32, #tpu.memory_space<vmem>> -> memref<1x16x2048xf32, #tpu.memory_space<vmem>>
    %dma_wait3A_623 = tpu.memref_squeeze %dma_wait3A_622 : memref<1x16x2048xf32, #tpu.memory_space<vmem>> -> memref<16x2048xf32, #tpu.memory_space<vmem>>
    %dma_wait3A_624 = arith.constant 192 : i32
    %dma_wait3A_625 = tpu.memref_slice %arg5[%dma_wait3A_624] : memref<256xi32, #tpu.memory_space<vmem>> -> memref<16xi32, #tpu.memory_space<vmem>>
    %dma_wait3A_626 = arith.constant 0 : i32
    %dma_wait3A_627 = arith.constant 0 : i32
    %dma_wait3A_628 = tpu.memref_slice %arg3[%dma_wait3A_626, %dma_wait3A_627] : memref<100000x2048xf32, #tpu.memory_space<hbm>> -> memref<100000x2048xf32, #tpu.memory_space<hbm>>
    tpu.wait_indirect_dma semaphore(%arg7 : memref<!tpu.dma_semaphore, #tpu.memory_space<semaphore_mem>>) src(%dma_wait3A_628 : memref<100000x2048xf32, #tpu.memory_space<hbm>>) dst(%dma_wait3A_623 : memref<16x2048xf32, #tpu.memory_space<vmem>>)
    %parallel_loop3A_629 = arith.constant 0 : i32
    %parallel_loop3A_630 = arith.constant 32768 : i32
    %parallel_loop3A_631 = arith.constant 16 : i32
    scf.for %parallel_loop3A_816 = %parallel_loop3A_629 to %parallel_loop3A_630 step %parallel_loop3A_631  : i32 {
      %parallel_loop3A_817 = arith.constant 2048 : i32
      %parallel_loop3A_818 = arith.divsi %parallel_loop3A_816, %parallel_loop3A_817 : i32
      %parallel_loop3A_819 = arith.constant 0 : i32
      %parallel_loop3A_820 = arith.cmpi sgt, %parallel_loop3A_816, %parallel_loop3A_819 : i32
      %parallel_loop3A_821 = arith.extui %parallel_loop3A_820 : i1 to i32
      %parallel_loop3A_822 = arith.constant 0 : i32
      %parallel_loop3A_823 = arith.cmpi slt, %parallel_loop3A_816, %parallel_loop3A_822 : i32
      %parallel_loop3A_824 = arith.extui %parallel_loop3A_823 : i1 to i32
      %parallel_loop3A_825 = arith.subi %parallel_loop3A_821, %parallel_loop3A_824 : i32
      %parallel_loop3A_826 = arith.constant 0 : i32
      %parallel_loop3A_827 = arith.cmpi sgt, %parallel_loop3A_817, %parallel_loop3A_826 : i32
      %parallel_loop3A_828 = arith.extui %parallel_loop3A_827 : i1 to i32
      %parallel_loop3A_829 = arith.constant 0 : i32
      %parallel_loop3A_830 = arith.cmpi slt, %parallel_loop3A_817, %parallel_loop3A_829 : i32
      %parallel_loop3A_831 = arith.extui %parallel_loop3A_830 : i1 to i32
      %parallel_loop3A_832 = arith.subi %parallel_loop3A_828, %parallel_loop3A_831 : i32
      %parallel_loop3A_833 = arith.cmpi ne, %parallel_loop3A_825, %parallel_loop3A_832 : i32
      %parallel_loop3A_834 = arith.remsi %parallel_loop3A_816, %parallel_loop3A_817 : i32
      %parallel_loop3A_835 = arith.constant 0 : i32
      %parallel_loop3A_836 = arith.cmpi ne, %parallel_loop3A_834, %parallel_loop3A_835 : i32
      %parallel_loop3A_837 = arith.andi %parallel_loop3A_833, %parallel_loop3A_836 : i1
      %parallel_loop3A_838 = arith.constant 1 : i32
      %parallel_loop3A_839 = arith.subi %parallel_loop3A_818, %parallel_loop3A_838 : i32
      %parallel_loop3A_840 = arith.select %parallel_loop3A_837, %parallel_loop3A_839, %parallel_loop3A_818 : i32
      %parallel_loop3A_841 = arith.constant 2048 : i32
      %parallel_loop3A_842 = arith.muli %parallel_loop3A_840, %parallel_loop3A_841 : i32
      %parallel_loop3A_843 = arith.subi %parallel_loop3A_816, %parallel_loop3A_842 : i32
      %parallel_loop3A_844 = arith.constant 0 : i32
      %parallel_loop3A_845 = arith.index_cast %parallel_loop3A_844 : i32 to index
      %parallel_loop3A_846 = arith.index_cast %parallel_loop3A_840 : i32 to index
      %parallel_loop3A_847 = arith.index_cast %parallel_loop3A_843 : i32 to index
      %parallel_loop3A_848 = tpu.vector_load %arg6[%parallel_loop3A_845, %parallel_loop3A_846, %parallel_loop3A_847] {strides = array<i32>} : memref<3x16x2048xf32, #tpu.memory_space<vmem>>, vector<1x1x16xf32>,
      %parallel_loop3A_849 = vector.shape_cast %parallel_loop3A_848 : vector<1x1x16xf32> to vector<16xf32>
      %parallel_loop3A_850 = arith.constant 45.2548332 : f32
      %parallel_loop3A_851 = vector.broadcast %parallel_loop3A_850 : f32 to vector<16xf32>
      %parallel_loop3A_852 = arith.mulf %parallel_loop3A_849, %parallel_loop3A_851 : vector<16xf32>
      %parallel_loop3A_853 = arith.constant 0 : i32
      %parallel_loop3A_854 = arith.index_cast %parallel_loop3A_853 : i32 to index
      %parallel_loop3A_855 = arith.index_cast %parallel_loop3A_840 : i32 to index
      %parallel_loop3A_856 = arith.index_cast %parallel_loop3A_843 : i32 to index
      %parallel_loop3A_857 = tpu.vector_load %arg6[%parallel_loop3A_854, %parallel_loop3A_855, %parallel_loop3A_856] {strides = array<i32>} : memref<3x16x2048xf32, #tpu.memory_space<vmem>>, vector<1x1x16xf32>,
      %parallel_loop3A_858 = vector.shape_cast %parallel_loop3A_857 : vector<1x1x16xf32> to vector<16xf32>
      %parallel_loop3A_859 = vector.shape_cast %parallel_loop3A_852 : vector<16xf32> to vector<1x1x16xf32>
      tpu.vector_store %arg6[%parallel_loop3A_854, %parallel_loop3A_855, %parallel_loop3A_856], %parallel_loop3A_859 {strides = array<i32>} : memref<3x16x2048xf32, #tpu.memory_space<vmem>>, vector<1x1x16xf32>,
    } {sc.loop_unroll_factor = 8 : i64, sc.parallel_access}
    %add3A_632 = arith.constant 192 : i32
    %add3A_633 = arith.addi %mul3A_2, %add3A_632 : i32
    %dma_start3A_634 = arith.constant 0 : i32
    %dma_start3A_635 = arith.constant 0 : i32
    %dma_start3A_636 = arith.constant 0 : i32
    %dma_start3A_637 = tpu.memref_slice %arg6[%dma_start3A_634, %dma_start3A_635, %dma_start3A_636] : memref<3x16x2048xf32, #tpu.memory_space<vmem>> -> memref<1x16x2048xf32, #tpu.memory_space<vmem>>
    %dma_start3A_638 = tpu.memref_squeeze %dma_start3A_637 : memref<1x16x2048xf32, #tpu.memory_space<vmem>> -> memref<16x2048xf32, #tpu.memory_space<vmem>>
    %dma_start3A_639 = arith.constant 0 : i32
    %dma_start3A_640 = tpu.memref_slice %arg4[%add3A_633, %dma_start3A_639] : memref<8192x2048xf32, #tpu.memory_space<hbm>> -> memref<16x2048xf32, #tpu.memory_space<hbm>>
    %dma_start3A_641 = arith.constant 0 : i32
    %dma_start3A_642 = tpu.memref_slice %arg4[%add3A_633, %dma_start3A_641] : memref<8192x2048xf32, #tpu.memory_space<hbm>> -> memref<16x2048xf32, #tpu.memory_space<hbm>>
    %dma_start3A_643 = arith.constant 0 : i32
    %dma_start3A_644 = arith.constant 0 : i32
    %dma_start3A_645 = tpu.memref_slice %arg6[%dma_start3A_634, %dma_start3A_643, %dma_start3A_644] : memref<3x16x2048xf32, #tpu.memory_space<vmem>> -> memref<1x16x2048xf32, #tpu.memory_space<vmem>>
    %dma_start3A_646 = tpu.memref_squeeze %dma_start3A_645 : memref<1x16x2048xf32, #tpu.memory_space<vmem>> -> memref<16x2048xf32, #tpu.memory_space<vmem>>
    tpu.enqueue_dma source(%dma_start3A_646 : memref<16x2048xf32, #tpu.memory_space<vmem>>) target(%dma_start3A_642 : memref<16x2048xf32, #tpu.memory_space<hbm>>) target_semaphore(%arg10 : memref<!tpu.dma_semaphore, #tpu.memory_space<semaphore_mem>>)
    %dma_wait3A_647 = arith.constant 2 : i32
    %dma_wait3A_648 = arith.constant 0 : i32
    %dma_wait3A_649 = arith.constant 0 : i32
    %dma_wait3A_650 = tpu.memref_slice %arg6[%dma_wait3A_647, %dma_wait3A_648, %dma_wait3A_649] : memref<3x16x2048xf32, #tpu.memory_space<vmem>> -> memref<1x16x2048xf32, #tpu.memory_space<vmem>>
    %dma_wait3A_651 = tpu.memref_squeeze %dma_wait3A_650 : memref<1x16x2048xf32, #tpu.memory_space<vmem>> -> memref<16x2048xf32, #tpu.memory_space<vmem>>
    %dma_wait3A_652 = arith.constant 0 : i32
    %dma_wait3A_653 = tpu.memref_slice %arg4[%add3A_582, %dma_wait3A_652] : memref<8192x2048xf32, #tpu.memory_space<hbm>> -> memref<16x2048xf32, #tpu.memory_space<hbm>>
    %dma_wait3A_654 = arith.constant 0 : i32
    %dma_wait3A_655 = tpu.memref_slice %arg4[%add3A_582, %dma_wait3A_654] : memref<8192x2048xf32, #tpu.memory_space<hbm>> -> memref<16x2048xf32, #tpu.memory_space<hbm>>
    %dma_wait3A_656 = arith.constant 0 : i32
    %dma_wait3A_657 = arith.constant 0 : i32
    %dma_wait3A_658 = tpu.memref_slice %arg6[%dma_wait3A_647, %dma_wait3A_656, %dma_wait3A_657] : memref<3x16x2048xf32, #tpu.memory_space<vmem>> -> memref<1x16x2048xf32, #tpu.memory_space<vmem>>
    %dma_wait3A_659 = tpu.memref_squeeze %dma_wait3A_658 : memref<1x16x2048xf32, #tpu.memory_space<vmem>> -> memref<16x2048xf32, #tpu.memory_space<vmem>>
    tpu.wait_dma2 semaphore(%arg12 : memref<!tpu.dma_semaphore, #tpu.memory_space<semaphore_mem>>) src(%dma_wait3A_659 : memref<16x2048xf32, #tpu.memory_space<vmem>>) dst(%dma_wait3A_655 : memref<16x2048xf32, #tpu.memory_space<hbm>>)
    %dma_start3A_660 = arith.constant 2 : i32
    %dma_start3A_661 = arith.constant 0 : i32
    %dma_start3A_662 = arith.constant 0 : i32
    %dma_start3A_663 = tpu.memref_slice %arg6[%dma_start3A_660, %dma_start3A_661, %dma_start3A_662] : memref<3x16x2048xf32, #tpu.memory_space<vmem>> -> memref<1x16x2048xf32, #tpu.memory_space<vmem>>
    %dma_start3A_664 = tpu.memref_squeeze %dma_start3A_663 : memref<1x16x2048xf32, #tpu.memory_space<vmem>> -> memref<16x2048xf32, #tpu.memory_space<vmem>>
    %dma_start3A_665 = arith.constant 224 : i32
    %dma_start3A_666 = tpu.memref_slice %arg5[%dma_start3A_665] : memref<256xi32, #tpu.memory_space<vmem>> -> memref<16xi32, #tpu.memory_space<vmem>>
    %dma_start3A_667 = arith.constant 0 : i32
    %dma_start3A_668 = arith.constant 0 : i32
    %dma_start3A_669 = tpu.memref_slice %arg3[%dma_start3A_667, %dma_start3A_668] : memref<100000x2048xf32, #tpu.memory_space<hbm>> -> memref<100000x2048xf32, #tpu.memory_space<hbm>>
    tpu.enqueue_indirect_dma source(%dma_start3A_669 : memref<100000x2048xf32, #tpu.memory_space<hbm>>) target(%dma_start3A_664 : memref<16x2048xf32, #tpu.memory_space<vmem>>) offsets(%dma_start3A_666 : memref<16xi32, #tpu.memory_space<vmem>>) semaphore(%arg9 : memref<!tpu.dma_semaphore, #tpu.memory_space<semaphore_mem>>)
    %dma_wait3A_670 = arith.constant 1 : i32
    %dma_wait3A_671 = arith.constant 0 : i32
    %dma_wait3A_672 = arith.constant 0 : i32
    %dma_wait3A_673 = tpu.memref_slice %arg6[%dma_wait3A_670, %dma_wait3A_671, %dma_wait3A_672] : memref<3x16x2048xf32, #tpu.memory_space<vmem>> -> memref<1x16x2048xf32, #tpu.memory_space<vmem>>
    %dma_wait3A_674 = tpu.memref_squeeze %dma_wait3A_673 : memref<1x16x2048xf32, #tpu.memory_space<vmem>> -> memref<16x2048xf32, #tpu.memory_space<vmem>>
    %dma_wait3A_675 = arith.constant 208 : i32
    %dma_wait3A_676 = tpu.memref_slice %arg5[%dma_wait3A_675] : memref<256xi32, #tpu.memory_space<vmem>> -> memref<16xi32, #tpu.memory_space<vmem>>
    %dma_wait3A_677 = arith.constant 0 : i32
    %dma_wait3A_678 = arith.constant 0 : i32
    %dma_wait3A_679 = tpu.memref_slice %arg3[%dma_wait3A_677, %dma_wait3A_678] : memref<100000x2048xf32, #tpu.memory_space<hbm>> -> memref<100000x2048xf32, #tpu.memory_space<hbm>>
    tpu.wait_indirect_dma semaphore(%arg8 : memref<!tpu.dma_semaphore, #tpu.memory_space<semaphore_mem>>) src(%dma_wait3A_679 : memref<100000x2048xf32, #tpu.memory_space<hbm>>) dst(%dma_wait3A_674 : memref<16x2048xf32, #tpu.memory_space<vmem>>)
    %parallel_loop3A_680 = arith.constant 0 : i32
    %parallel_loop3A_681 = arith.constant 32768 : i32
    %parallel_loop3A_682 = arith.constant 16 : i32
    scf.for %parallel_loop3A_816 = %parallel_loop3A_680 to %parallel_loop3A_681 step %parallel_loop3A_682  : i32 {
      %parallel_loop3A_817 = arith.constant 2048 : i32
      %parallel_loop3A_818 = arith.divsi %parallel_loop3A_816, %parallel_loop3A_817 : i32
      %parallel_loop3A_819 = arith.constant 0 : i32
      %parallel_loop3A_820 = arith.cmpi sgt, %parallel_loop3A_816, %parallel_loop3A_819 : i32
      %parallel_loop3A_821 = arith.extui %parallel_loop3A_820 : i1 to i32
      %parallel_loop3A_822 = arith.constant 0 : i32
      %parallel_loop3A_823 = arith.cmpi slt, %parallel_loop3A_816, %parallel_loop3A_822 : i32
      %parallel_loop3A_824 = arith.extui %parallel_loop3A_823 : i1 to i32
      %parallel_loop3A_825 = arith.subi %parallel_loop3A_821, %parallel_loop3A_824 : i32
      %parallel_loop3A_826 = arith.constant 0 : i32
      %parallel_loop3A_827 = arith.cmpi sgt, %parallel_loop3A_817, %parallel_loop3A_826 : i32
      %parallel_loop3A_828 = arith.extui %parallel_loop3A_827 : i1 to i32
      %parallel_loop3A_829 = arith.constant 0 : i32
      %parallel_loop3A_830 = arith.cmpi slt, %parallel_loop3A_817, %parallel_loop3A_829 : i32
      %parallel_loop3A_831 = arith.extui %parallel_loop3A_830 : i1 to i32
      %parallel_loop3A_832 = arith.subi %parallel_loop3A_828, %parallel_loop3A_831 : i32
      %parallel_loop3A_833 = arith.cmpi ne, %parallel_loop3A_825, %parallel_loop3A_832 : i32
      %parallel_loop3A_834 = arith.remsi %parallel_loop3A_816, %parallel_loop3A_817 : i32
      %parallel_loop3A_835 = arith.constant 0 : i32
      %parallel_loop3A_836 = arith.cmpi ne, %parallel_loop3A_834, %parallel_loop3A_835 : i32
      %parallel_loop3A_837 = arith.andi %parallel_loop3A_833, %parallel_loop3A_836 : i1
      %parallel_loop3A_838 = arith.constant 1 : i32
      %parallel_loop3A_839 = arith.subi %parallel_loop3A_818, %parallel_loop3A_838 : i32
      %parallel_loop3A_840 = arith.select %parallel_loop3A_837, %parallel_loop3A_839, %parallel_loop3A_818 : i32
      %parallel_loop3A_841 = arith.constant 2048 : i32
      %parallel_loop3A_842 = arith.muli %parallel_loop3A_840, %parallel_loop3A_841 : i32
      %parallel_loop3A_843 = arith.subi %parallel_loop3A_816, %parallel_loop3A_842 : i32
      %parallel_loop3A_844 = arith.constant 1 : i32
      %parallel_loop3A_845 = arith.index_cast %parallel_loop3A_844 : i32 to index
      %parallel_loop3A_846 = arith.index_cast %parallel_loop3A_840 : i32 to index
      %parallel_loop3A_847 = arith.index_cast %parallel_loop3A_843 : i32 to index
      %parallel_loop3A_848 = tpu.vector_load %arg6[%parallel_loop3A_845, %parallel_loop3A_846, %parallel_loop3A_847] {strides = array<i32>} : memref<3x16x2048xf32, #tpu.memory_space<vmem>>, vector<1x1x16xf32>,
      %parallel_loop3A_849 = vector.shape_cast %parallel_loop3A_848 : vector<1x1x16xf32> to vector<16xf32>
      %parallel_loop3A_850 = arith.constant 45.2548332 : f32
      %parallel_loop3A_851 = vector.broadcast %parallel_loop3A_850 : f32 to vector<16xf32>
      %parallel_loop3A_852 = arith.mulf %parallel_loop3A_849, %parallel_loop3A_851 : vector<16xf32>
      %parallel_loop3A_853 = arith.constant 1 : i32
      %parallel_loop3A_854 = arith.index_cast %parallel_loop3A_853 : i32 to index
      %parallel_loop3A_855 = arith.index_cast %parallel_loop3A_840 : i32 to index
      %parallel_loop3A_856 = arith.index_cast %parallel_loop3A_843 : i32 to index
      %parallel_loop3A_857 = tpu.vector_load %arg6[%parallel_loop3A_854, %parallel_loop3A_855, %parallel_loop3A_856] {strides = array<i32>} : memref<3x16x2048xf32, #tpu.memory_space<vmem>>, vector<1x1x16xf32>,
      %parallel_loop3A_858 = vector.shape_cast %parallel_loop3A_857 : vector<1x1x16xf32> to vector<16xf32>
      %parallel_loop3A_859 = vector.shape_cast %parallel_loop3A_852 : vector<16xf32> to vector<1x1x16xf32>
      tpu.vector_store %arg6[%parallel_loop3A_854, %parallel_loop3A_855, %parallel_loop3A_856], %parallel_loop3A_859 {strides = array<i32>} : memref<3x16x2048xf32, #tpu.memory_space<vmem>>, vector<1x1x16xf32>,
    } {sc.loop_unroll_factor = 8 : i64, sc.parallel_access}
    %add3A_683 = arith.constant 208 : i32
    %add3A_684 = arith.addi %mul3A_2, %add3A_683 : i32
    %dma_start3A_685 = arith.constant 1 : i32
    %dma_start3A_686 = arith.constant 0 : i32
    %dma_start3A_687 = arith.constant 0 : i32
    %dma_start3A_688 = tpu.memref_slice %arg6[%dma_start3A_685, %dma_start3A_686, %dma_start3A_687] : memref<3x16x2048xf32, #tpu.memory_space<vmem>> -> memref<1x16x2048xf32, #tpu.memory_space<vmem>>
    %dma_start3A_689 = tpu.memref_squeeze %dma_start3A_688 : memref<1x16x2048xf32, #tpu.memory_space<vmem>> -> memref<16x2048xf32, #tpu.memory_space<vmem>>
    %dma_start3A_690 = arith.constant 0 : i32
    %dma_start3A_691 = tpu.memref_slice %arg4[%add3A_684, %dma_start3A_690] : memref<8192x2048xf32, #tpu.memory_space<hbm>> -> memref<16x2048xf32, #tpu.memory_space<hbm>>
    %dma_start3A_692 = arith.constant 0 : i32
    %dma_start3A_693 = tpu.memref_slice %arg4[%add3A_684, %dma_start3A_692] : memref<8192x2048xf32, #tpu.memory_space<hbm>> -> memref<16x2048xf32, #tpu.memory_space<hbm>>
    %dma_start3A_694 = arith.constant 0 : i32
    %dma_start3A_695 = arith.constant 0 : i32
    %dma_start3A_696 = tpu.memref_slice %arg6[%dma_start3A_685, %dma_start3A_694, %dma_start3A_695] : memref<3x16x2048xf32, #tpu.memory_space<vmem>> -> memref<1x16x2048xf32, #tpu.memory_space<vmem>>
    %dma_start3A_697 = tpu.memref_squeeze %dma_start3A_696 : memref<1x16x2048xf32, #tpu.memory_space<vmem>> -> memref<16x2048xf32, #tpu.memory_space<vmem>>
    tpu.enqueue_dma source(%dma_start3A_697 : memref<16x2048xf32, #tpu.memory_space<vmem>>) target(%dma_start3A_693 : memref<16x2048xf32, #tpu.memory_space<hbm>>) target_semaphore(%arg11 : memref<!tpu.dma_semaphore, #tpu.memory_space<semaphore_mem>>)
    %dma_wait3A_698 = arith.constant 0 : i32
    %dma_wait3A_699 = arith.constant 0 : i32
    %dma_wait3A_700 = arith.constant 0 : i32
    %dma_wait3A_701 = tpu.memref_slice %arg6[%dma_wait3A_698, %dma_wait3A_699, %dma_wait3A_700] : memref<3x16x2048xf32, #tpu.memory_space<vmem>> -> memref<1x16x2048xf32, #tpu.memory_space<vmem>>
    %dma_wait3A_702 = tpu.memref_squeeze %dma_wait3A_701 : memref<1x16x2048xf32, #tpu.memory_space<vmem>> -> memref<16x2048xf32, #tpu.memory_space<vmem>>
    %dma_wait3A_703 = arith.constant 0 : i32
    %dma_wait3A_704 = tpu.memref_slice %arg4[%add3A_633, %dma_wait3A_703] : memref<8192x2048xf32, #tpu.memory_space<hbm>> -> memref<16x2048xf32, #tpu.memory_space<hbm>>
    %dma_wait3A_705 = arith.constant 0 : i32
    %dma_wait3A_706 = tpu.memref_slice %arg4[%add3A_633, %dma_wait3A_705] : memref<8192x2048xf32, #tpu.memory_space<hbm>> -> memref<16x2048xf32, #tpu.memory_space<hbm>>
    %dma_wait3A_707 = arith.constant 0 : i32
    %dma_wait3A_708 = arith.constant 0 : i32
    %dma_wait3A_709 = tpu.memref_slice %arg6[%dma_wait3A_698, %dma_wait3A_707, %dma_wait3A_708] : memref<3x16x2048xf32, #tpu.memory_space<vmem>> -> memref<1x16x2048xf32, #tpu.memory_space<vmem>>
    %dma_wait3A_710 = tpu.memref_squeeze %dma_wait3A_709 : memref<1x16x2048xf32, #tpu.memory_space<vmem>> -> memref<16x2048xf32, #tpu.memory_space<vmem>>
    tpu.wait_dma2 semaphore(%arg10 : memref<!tpu.dma_semaphore, #tpu.memory_space<semaphore_mem>>) src(%dma_wait3A_710 : memref<16x2048xf32, #tpu.memory_space<vmem>>) dst(%dma_wait3A_706 : memref<16x2048xf32, #tpu.memory_space<hbm>>)
    %dma_start3A_711 = arith.constant 0 : i32
    %dma_start3A_712 = arith.constant 0 : i32
    %dma_start3A_713 = arith.constant 0 : i32
    %dma_start3A_714 = tpu.memref_slice %arg6[%dma_start3A_711, %dma_start3A_712, %dma_start3A_713] : memref<3x16x2048xf32, #tpu.memory_space<vmem>> -> memref<1x16x2048xf32, #tpu.memory_space<vmem>>
    %dma_start3A_715 = tpu.memref_squeeze %dma_start3A_714 : memref<1x16x2048xf32, #tpu.memory_space<vmem>> -> memref<16x2048xf32, #tpu.memory_space<vmem>>
    %dma_start3A_716 = arith.constant 240 : i32
    %dma_start3A_717 = tpu.memref_slice %arg5[%dma_start3A_716] : memref<256xi32, #tpu.memory_space<vmem>> -> memref<16xi32, #tpu.memory_space<vmem>>
    %dma_start3A_718 = arith.constant 0 : i32
    %dma_start3A_719 = arith.constant 0 : i32
    %dma_start3A_720 = tpu.memref_slice %arg3[%dma_start3A_718, %dma_start3A_719] : memref<100000x2048xf32, #tpu.memory_space<hbm>> -> memref<100000x2048xf32, #tpu.memory_space<hbm>>
    tpu.enqueue_indirect_dma source(%dma_start3A_720 : memref<100000x2048xf32, #tpu.memory_space<hbm>>) target(%dma_start3A_715 : memref<16x2048xf32, #tpu.memory_space<vmem>>) offsets(%dma_start3A_717 : memref<16xi32, #tpu.memory_space<vmem>>) semaphore(%arg7 : memref<!tpu.dma_semaphore, #tpu.memory_space<semaphore_mem>>)
    %dma_wait3A_721 = arith.constant 2 : i32
    %dma_wait3A_722 = arith.constant 0 : i32
    %dma_wait3A_723 = arith.constant 0 : i32
    %dma_wait3A_724 = tpu.memref_slice %arg6[%dma_wait3A_721, %dma_wait3A_722, %dma_wait3A_723] : memref<3x16x2048xf32, #tpu.memory_space<vmem>> -> memref<1x16x2048xf32, #tpu.memory_space<vmem>>
    %dma_wait3A_725 = tpu.memref_squeeze %dma_wait3A_724 : memref<1x16x2048xf32, #tpu.memory_space<vmem>> -> memref<16x2048xf32, #tpu.memory_space<vmem>>
    %dma_wait3A_726 = arith.constant 224 : i32
    %dma_wait3A_727 = tpu.memref_slice %arg5[%dma_wait3A_726] : memref<256xi32, #tpu.memory_space<vmem>> -> memref<16xi32, #tpu.memory_space<vmem>>
    %dma_wait3A_728 = arith.constant 0 : i32
    %dma_wait3A_729 = arith.constant 0 : i32
    %dma_wait3A_730 = tpu.memref_slice %arg3[%dma_wait3A_728, %dma_wait3A_729] : memref<100000x2048xf32, #tpu.memory_space<hbm>> -> memref<100000x2048xf32, #tpu.memory_space<hbm>>
    tpu.wait_indirect_dma semaphore(%arg9 : memref<!tpu.dma_semaphore, #tpu.memory_space<semaphore_mem>>) src(%dma_wait3A_730 : memref<100000x2048xf32, #tpu.memory_space<hbm>>) dst(%dma_wait3A_725 : memref<16x2048xf32, #tpu.memory_space<vmem>>)
    %parallel_loop3A_731 = arith.constant 0 : i32
    %parallel_loop3A_732 = arith.constant 32768 : i32
    %parallel_loop3A_733 = arith.constant 16 : i32
    scf.for %parallel_loop3A_816 = %parallel_loop3A_731 to %parallel_loop3A_732 step %parallel_loop3A_733  : i32 {
      %parallel_loop3A_817 = arith.constant 2048 : i32
      %parallel_loop3A_818 = arith.divsi %parallel_loop3A_816, %parallel_loop3A_817 : i32
      %parallel_loop3A_819 = arith.constant 0 : i32
      %parallel_loop3A_820 = arith.cmpi sgt, %parallel_loop3A_816, %parallel_loop3A_819 : i32
      %parallel_loop3A_821 = arith.extui %parallel_loop3A_820 : i1 to i32
      %parallel_loop3A_822 = arith.constant 0 : i32
      %parallel_loop3A_823 = arith.cmpi slt, %parallel_loop3A_816, %parallel_loop3A_822 : i32
      %parallel_loop3A_824 = arith.extui %parallel_loop3A_823 : i1 to i32
      %parallel_loop3A_825 = arith.subi %parallel_loop3A_821, %parallel_loop3A_824 : i32
      %parallel_loop3A_826 = arith.constant 0 : i32
      %parallel_loop3A_827 = arith.cmpi sgt, %parallel_loop3A_817, %parallel_loop3A_826 : i32
      %parallel_loop3A_828 = arith.extui %parallel_loop3A_827 : i1 to i32
      %parallel_loop3A_829 = arith.constant 0 : i32
      %parallel_loop3A_830 = arith.cmpi slt, %parallel_loop3A_817, %parallel_loop3A_829 : i32
      %parallel_loop3A_831 = arith.extui %parallel_loop3A_830 : i1 to i32
      %parallel_loop3A_832 = arith.subi %parallel_loop3A_828, %parallel_loop3A_831 : i32
      %parallel_loop3A_833 = arith.cmpi ne, %parallel_loop3A_825, %parallel_loop3A_832 : i32
      %parallel_loop3A_834 = arith.remsi %parallel_loop3A_816, %parallel_loop3A_817 : i32
      %parallel_loop3A_835 = arith.constant 0 : i32
      %parallel_loop3A_836 = arith.cmpi ne, %parallel_loop3A_834, %parallel_loop3A_835 : i32
      %parallel_loop3A_837 = arith.andi %parallel_loop3A_833, %parallel_loop3A_836 : i1
      %parallel_loop3A_838 = arith.constant 1 : i32
      %parallel_loop3A_839 = arith.subi %parallel_loop3A_818, %parallel_loop3A_838 : i32
      %parallel_loop3A_840 = arith.select %parallel_loop3A_837, %parallel_loop3A_839, %parallel_loop3A_818 : i32
      %parallel_loop3A_841 = arith.constant 2048 : i32
      %parallel_loop3A_842 = arith.muli %parallel_loop3A_840, %parallel_loop3A_841 : i32
      %parallel_loop3A_843 = arith.subi %parallel_loop3A_816, %parallel_loop3A_842 : i32
      %parallel_loop3A_844 = arith.constant 2 : i32
      %parallel_loop3A_845 = arith.index_cast %parallel_loop3A_844 : i32 to index
      %parallel_loop3A_846 = arith.index_cast %parallel_loop3A_840 : i32 to index
      %parallel_loop3A_847 = arith.index_cast %parallel_loop3A_843 : i32 to index
      %parallel_loop3A_848 = tpu.vector_load %arg6[%parallel_loop3A_845, %parallel_loop3A_846, %parallel_loop3A_847] {strides = array<i32>} : memref<3x16x2048xf32, #tpu.memory_space<vmem>>, vector<1x1x16xf32>,
      %parallel_loop3A_849 = vector.shape_cast %parallel_loop3A_848 : vector<1x1x16xf32> to vector<16xf32>
      %parallel_loop3A_850 = arith.constant 45.2548332 : f32
      %parallel_loop3A_851 = vector.broadcast %parallel_loop3A_850 : f32 to vector<16xf32>
      %parallel_loop3A_852 = arith.mulf %parallel_loop3A_849, %parallel_loop3A_851 : vector<16xf32>
      %parallel_loop3A_853 = arith.constant 2 : i32
      %parallel_loop3A_854 = arith.index_cast %parallel_loop3A_853 : i32 to index
      %parallel_loop3A_855 = arith.index_cast %parallel_loop3A_840 : i32 to index
      %parallel_loop3A_856 = arith.index_cast %parallel_loop3A_843 : i32 to index
      %parallel_loop3A_857 = tpu.vector_load %arg6[%parallel_loop3A_854, %parallel_loop3A_855, %parallel_loop3A_856] {strides = array<i32>} : memref<3x16x2048xf32, #tpu.memory_space<vmem>>, vector<1x1x16xf32>,
      %parallel_loop3A_858 = vector.shape_cast %parallel_loop3A_857 : vector<1x1x16xf32> to vector<16xf32>
      %parallel_loop3A_859 = vector.shape_cast %parallel_loop3A_852 : vector<16xf32> to vector<1x1x16xf32>
      tpu.vector_store %arg6[%parallel_loop3A_854, %parallel_loop3A_855, %parallel_loop3A_856], %parallel_loop3A_859 {strides = array<i32>} : memref<3x16x2048xf32, #tpu.memory_space<vmem>>, vector<1x1x16xf32>,
    } {sc.loop_unroll_factor = 8 : i64, sc.parallel_access}
    %add3A_734 = arith.constant 224 : i32
    %add3A_735 = arith.addi %mul3A_2, %add3A_734 : i32
    %dma_start3A_736 = arith.constant 2 : i32
    %dma_start3A_737 = arith.constant 0 : i32
    %dma_start3A_738 = arith.constant 0 : i32
    %dma_start3A_739 = tpu.memref_slice %arg6[%dma_start3A_736, %dma_start3A_737, %dma_start3A_738] : memref<3x16x2048xf32, #tpu.memory_space<vmem>> -> memref<1x16x2048xf32, #tpu.memory_space<vmem>>
    %dma_start3A_740 = tpu.memref_squeeze %dma_start3A_739 : memref<1x16x2048xf32, #tpu.memory_space<vmem>> -> memref<16x2048xf32, #tpu.memory_space<vmem>>
    %dma_start3A_741 = arith.constant 0 : i32
    %dma_start3A_742 = tpu.memref_slice %arg4[%add3A_735, %dma_start3A_741] : memref<8192x2048xf32, #tpu.memory_space<hbm>> -> memref<16x2048xf32, #tpu.memory_space<hbm>>
    %dma_start3A_743 = arith.constant 0 : i32
    %dma_start3A_744 = tpu.memref_slice %arg4[%add3A_735, %dma_start3A_743] : memref<8192x2048xf32, #tpu.memory_space<hbm>> -> memref<16x2048xf32, #tpu.memory_space<hbm>>
    %dma_start3A_745 = arith.constant 0 : i32
    %dma_start3A_746 = arith.constant 0 : i32
    %dma_start3A_747 = tpu.memref_slice %arg6[%dma_start3A_736, %dma_start3A_745, %dma_start3A_746] : memref<3x16x2048xf32, #tpu.memory_space<vmem>> -> memref<1x16x2048xf32, #tpu.memory_space<vmem>>
    %dma_start3A_748 = tpu.memref_squeeze %dma_start3A_747 : memref<1x16x2048xf32, #tpu.memory_space<vmem>> -> memref<16x2048xf32, #tpu.memory_space<vmem>>
    tpu.enqueue_dma source(%dma_start3A_748 : memref<16x2048xf32, #tpu.memory_space<vmem>>) target(%dma_start3A_744 : memref<16x2048xf32, #tpu.memory_space<hbm>>) target_semaphore(%arg12 : memref<!tpu.dma_semaphore, #tpu.memory_space<semaphore_mem>>)
    %dma_wait3A_749 = arith.constant 0 : i32
    %dma_wait3A_750 = arith.constant 0 : i32
    %dma_wait3A_751 = arith.constant 0 : i32
    %dma_wait3A_752 = tpu.memref_slice %arg6[%dma_wait3A_749, %dma_wait3A_750, %dma_wait3A_751] : memref<3x16x2048xf32, #tpu.memory_space<vmem>> -> memref<1x16x2048xf32, #tpu.memory_space<vmem>>
    %dma_wait3A_753 = tpu.memref_squeeze %dma_wait3A_752 : memref<1x16x2048xf32, #tpu.memory_space<vmem>> -> memref<16x2048xf32, #tpu.memory_space<vmem>>
    %dma_wait3A_754 = arith.constant 240 : i32
    %dma_wait3A_755 = tpu.memref_slice %arg5[%dma_wait3A_754] : memref<256xi32, #tpu.memory_space<vmem>> -> memref<16xi32, #tpu.memory_space<vmem>>
    %dma_wait3A_756 = arith.constant 0 : i32
    %dma_wait3A_757 = arith.constant 0 : i32
    %dma_wait3A_758 = tpu.memref_slice %arg3[%dma_wait3A_756, %dma_wait3A_757] : memref<100000x2048xf32, #tpu.memory_space<hbm>> -> memref<100000x2048xf32, #tpu.memory_space<hbm>>
    tpu.wait_indirect_dma semaphore(%arg7 : memref<!tpu.dma_semaphore, #tpu.memory_space<semaphore_mem>>) src(%dma_wait3A_758 : memref<100000x2048xf32, #tpu.memory_space<hbm>>) dst(%dma_wait3A_753 : memref<16x2048xf32, #tpu.memory_space<vmem>>)
    %parallel_loop3A_759 = arith.constant 0 : i32
    %parallel_loop3A_760 = arith.constant 32768 : i32
    %parallel_loop3A_761 = arith.constant 16 : i32
    scf.for %parallel_loop3A_816 = %parallel_loop3A_759 to %parallel_loop3A_760 step %parallel_loop3A_761  : i32 {
      %parallel_loop3A_817 = arith.constant 2048 : i32
      %parallel_loop3A_818 = arith.divsi %parallel_loop3A_816, %parallel_loop3A_817 : i32
      %parallel_loop3A_819 = arith.constant 0 : i32
      %parallel_loop3A_820 = arith.cmpi sgt, %parallel_loop3A_816, %parallel_loop3A_819 : i32
      %parallel_loop3A_821 = arith.extui %parallel_loop3A_820 : i1 to i32
      %parallel_loop3A_822 = arith.constant 0 : i32
      %parallel_loop3A_823 = arith.cmpi slt, %parallel_loop3A_816, %parallel_loop3A_822 : i32
      %parallel_loop3A_824 = arith.extui %parallel_loop3A_823 : i1 to i32
      %parallel_loop3A_825 = arith.subi %parallel_loop3A_821, %parallel_loop3A_824 : i32
      %parallel_loop3A_826 = arith.constant 0 : i32
      %parallel_loop3A_827 = arith.cmpi sgt, %parallel_loop3A_817, %parallel_loop3A_826 : i32
      %parallel_loop3A_828 = arith.extui %parallel_loop3A_827 : i1 to i32
      %parallel_loop3A_829 = arith.constant 0 : i32
      %parallel_loop3A_830 = arith.cmpi slt, %parallel_loop3A_817, %parallel_loop3A_829 : i32
      %parallel_loop3A_831 = arith.extui %parallel_loop3A_830 : i1 to i32
      %parallel_loop3A_832 = arith.subi %parallel_loop3A_828, %parallel_loop3A_831 : i32
      %parallel_loop3A_833 = arith.cmpi ne, %parallel_loop3A_825, %parallel_loop3A_832 : i32
      %parallel_loop3A_834 = arith.remsi %parallel_loop3A_816, %parallel_loop3A_817 : i32
      %parallel_loop3A_835 = arith.constant 0 : i32
      %parallel_loop3A_836 = arith.cmpi ne, %parallel_loop3A_834, %parallel_loop3A_835 : i32
      %parallel_loop3A_837 = arith.andi %parallel_loop3A_833, %parallel_loop3A_836 : i1
      %parallel_loop3A_838 = arith.constant 1 : i32
      %parallel_loop3A_839 = arith.subi %parallel_loop3A_818, %parallel_loop3A_838 : i32
      %parallel_loop3A_840 = arith.select %parallel_loop3A_837, %parallel_loop3A_839, %parallel_loop3A_818 : i32
      %parallel_loop3A_841 = arith.constant 2048 : i32
      %parallel_loop3A_842 = arith.muli %parallel_loop3A_840, %parallel_loop3A_841 : i32
      %parallel_loop3A_843 = arith.subi %parallel_loop3A_816, %parallel_loop3A_842 : i32
      %parallel_loop3A_844 = arith.constant 0 : i32
      %parallel_loop3A_845 = arith.index_cast %parallel_loop3A_844 : i32 to index
      %parallel_loop3A_846 = arith.index_cast %parallel_loop3A_840 : i32 to index
      %parallel_loop3A_847 = arith.index_cast %parallel_loop3A_843 : i32 to index
      %parallel_loop3A_848 = tpu.vector_load %arg6[%parallel_loop3A_845, %parallel_loop3A_846, %parallel_loop3A_847] {strides = array<i32>} : memref<3x16x2048xf32, #tpu.memory_space<vmem>>, vector<1x1x16xf32>,
      %parallel_loop3A_849 = vector.shape_cast %parallel_loop3A_848 : vector<1x1x16xf32> to vector<16xf32>
      %parallel_loop3A_850 = arith.constant 45.2548332 : f32
      %parallel_loop3A_851 = vector.broadcast %parallel_loop3A_850 : f32 to vector<16xf32>
      %parallel_loop3A_852 = arith.mulf %parallel_loop3A_849, %parallel_loop3A_851 : vector<16xf32>
      %parallel_loop3A_853 = arith.constant 0 : i32
      %parallel_loop3A_854 = arith.index_cast %parallel_loop3A_853 : i32 to index
      %parallel_loop3A_855 = arith.index_cast %parallel_loop3A_840 : i32 to index
      %parallel_loop3A_856 = arith.index_cast %parallel_loop3A_843 : i32 to index
      %parallel_loop3A_857 = tpu.vector_load %arg6[%parallel_loop3A_854, %parallel_loop3A_855, %parallel_loop3A_856] {strides = array<i32>} : memref<3x16x2048xf32, #tpu.memory_space<vmem>>, vector<1x1x16xf32>,
      %parallel_loop3A_858 = vector.shape_cast %parallel_loop3A_857 : vector<1x1x16xf32> to vector<16xf32>
      %parallel_loop3A_859 = vector.shape_cast %parallel_loop3A_852 : vector<16xf32> to vector<1x1x16xf32>
      tpu.vector_store %arg6[%parallel_loop3A_854, %parallel_loop3A_855, %parallel_loop3A_856], %parallel_loop3A_859 {strides = array<i32>} : memref<3x16x2048xf32, #tpu.memory_space<vmem>>, vector<1x1x16xf32>,
    } {sc.loop_unroll_factor = 8 : i64, sc.parallel_access}
    %add3A_762 = arith.constant 240 : i32
    %add3A_763 = arith.addi %mul3A_2, %add3A_762 : i32
    %dma_start3A_764 = arith.constant 0 : i32
    %dma_start3A_765 = arith.constant 0 : i32
    %dma_start3A_766 = arith.constant 0 : i32
    %dma_start3A_767 = tpu.memref_slice %arg6[%dma_start3A_764, %dma_start3A_765, %dma_start3A_766] : memref<3x16x2048xf32, #tpu.memory_space<vmem>> -> memref<1x16x2048xf32, #tpu.memory_space<vmem>>
    %dma_start3A_768 = tpu.memref_squeeze %dma_start3A_767 : memref<1x16x2048xf32, #tpu.memory_space<vmem>> -> memref<16x2048xf32, #tpu.memory_space<vmem>>
    %dma_start3A_769 = arith.constant 0 : i32
    %dma_start3A_770 = tpu.memref_slice %arg4[%add3A_763, %dma_start3A_769] : memref<8192x2048xf32, #tpu.memory_space<hbm>> -> memref<16x2048xf32, #tpu.memory_space<hbm>>
    %dma_start3A_771 = arith.constant 0 : i32
    %dma_start3A_772 = tpu.memref_slice %arg4[%add3A_763, %dma_start3A_771] : memref<8192x2048xf32, #tpu.memory_space<hbm>> -> memref<16x2048xf32, #tpu.memory_space<hbm>>
    %dma_start3A_773 = arith.constant 0 : i32
    %dma_start3A_774 = arith.constant 0 : i32
    %dma_start3A_775 = tpu.memref_slice %arg6[%dma_start3A_764, %dma_start3A_773, %dma_start3A_774] : memref<3x16x2048xf32, #tpu.memory_space<vmem>> -> memref<1x16x2048xf32, #tpu.memory_space<vmem>>
    %dma_start3A_776 = tpu.memref_squeeze %dma_start3A_775 : memref<1x16x2048xf32, #tpu.memory_space<vmem>> -> memref<16x2048xf32, #tpu.memory_space<vmem>>
    tpu.enqueue_dma source(%dma_start3A_776 : memref<16x2048xf32, #tpu.memory_space<vmem>>) target(%dma_start3A_772 : memref<16x2048xf32, #tpu.memory_space<hbm>>) target_semaphore(%arg10 : memref<!tpu.dma_semaphore, #tpu.memory_space<semaphore_mem>>)
    %dma_wait3A_777 = arith.constant 1 : i32
    %dma_wait3A_778 = arith.constant 0 : i32
    %dma_wait3A_779 = arith.constant 0 : i32
    %dma_wait3A_780 = tpu.memref_slice %arg6[%dma_wait3A_777, %dma_wait3A_778, %dma_wait3A_779] : memref<3x16x2048xf32, #tpu.memory_space<vmem>> -> memref<1x16x2048xf32, #tpu.memory_space<vmem>>
    %dma_wait3A_781 = tpu.memref_squeeze %dma_wait3A_780 : memref<1x16x2048xf32, #tpu.memory_space<vmem>> -> memref<16x2048xf32, #tpu.memory_space<vmem>>
    %dma_wait3A_782 = arith.constant 0 : i32
    %dma_wait3A_783 = tpu.memref_slice %arg4[%add3A_684, %dma_wait3A_782] : memref<8192x2048xf32, #tpu.memory_space<hbm>> -> memref<16x2048xf32, #tpu.memory_space<hbm>>
    %dma_wait3A_784 = arith.constant 0 : i32
    %dma_wait3A_785 = tpu.memref_slice %arg4[%add3A_684, %dma_wait3A_784] : memref<8192x2048xf32, #tpu.memory_space<hbm>> -> memref<16x2048xf32, #tpu.memory_space<hbm>>
    %dma_wait3A_786 = arith.constant 0 : i32
    %dma_wait3A_787 = arith.constant 0 : i32
    %dma_wait3A_788 = tpu.memref_slice %arg6[%dma_wait3A_777, %dma_wait3A_786, %dma_wait3A_787] : memref<3x16x2048xf32, #tpu.memory_space<vmem>> -> memref<1x16x2048xf32, #tpu.memory_space<vmem>>
    %dma_wait3A_789 = tpu.memref_squeeze %dma_wait3A_788 : memref<1x16x2048xf32, #tpu.memory_space<vmem>> -> memref<16x2048xf32, #tpu.memory_space<vmem>>
    tpu.wait_dma2 semaphore(%arg11 : memref<!tpu.dma_semaphore, #tpu.memory_space<semaphore_mem>>) src(%dma_wait3A_789 : memref<16x2048xf32, #tpu.memory_space<vmem>>) dst(%dma_wait3A_785 : memref<16x2048xf32, #tpu.memory_space<hbm>>)
    %dma_wait3A_790 = arith.constant 2 : i32
    %dma_wait3A_791 = arith.constant 0 : i32
    %dma_wait3A_792 = arith.constant 0 : i32
    %dma_wait3A_793 = tpu.memref_slice %arg6[%dma_wait3A_790, %dma_wait3A_791, %dma_wait3A_792] : memref<3x16x2048xf32, #tpu.memory_space<vmem>> -> memref<1x16x2048xf32, #tpu.memory_space<vmem>>
    %dma_wait3A_794 = tpu.memref_squeeze %dma_wait3A_793 : memref<1x16x2048xf32, #tpu.memory_space<vmem>> -> memref<16x2048xf32, #tpu.memory_space<vmem>>
    %dma_wait3A_795 = arith.constant 0 : i32
    %dma_wait3A_796 = tpu.memref_slice %arg4[%add3A_735, %dma_wait3A_795] : memref<8192x2048xf32, #tpu.memory_space<hbm>> -> memref<16x2048xf32, #tpu.memory_space<hbm>>
    %dma_wait3A_797 = arith.constant 0 : i32
    %dma_wait3A_798 = tpu.memref_slice %arg4[%add3A_735, %dma_wait3A_797] : memref<8192x2048xf32, #tpu.memory_space<hbm>> -> memref<16x2048xf32, #tpu.memory_space<hbm>>
    %dma_wait3A_799 = arith.constant 0 : i32
    %dma_wait3A_800 = arith.constant 0 : i32
    %dma_wait3A_801 = tpu.memref_slice %arg6[%dma_wait3A_790, %dma_wait3A_799, %dma_wait3A_800] : memref<3x16x2048xf32, #tpu.memory_space<vmem>> -> memref<1x16x2048xf32, #tpu.memory_space<vmem>>
    %dma_wait3A_802 = tpu.memref_squeeze %dma_wait3A_801 : memref<1x16x2048xf32, #tpu.memory_space<vmem>> -> memref<16x2048xf32, #tpu.memory_space<vmem>>
    tpu.wait_dma2 semaphore(%arg12 : memref<!tpu.dma_semaphore, #tpu.memory_space<semaphore_mem>>) src(%dma_wait3A_802 : memref<16x2048xf32, #tpu.memory_space<vmem>>) dst(%dma_wait3A_798 : memref<16x2048xf32, #tpu.memory_space<hbm>>)
    %dma_wait3A_803 = arith.constant 0 : i32
    %dma_wait3A_804 = arith.constant 0 : i32
    %dma_wait3A_805 = arith.constant 0 : i32
    %dma_wait3A_806 = tpu.memref_slice %arg6[%dma_wait3A_803, %dma_wait3A_804, %dma_wait3A_805] : memref<3x16x2048xf32, #tpu.memory_space<vmem>> -> memref<1x16x2048xf32, #tpu.memory_space<vmem>>
    %dma_wait3A_807 = tpu.memref_squeeze %dma_wait3A_806 : memref<1x16x2048xf32, #tpu.memory_space<vmem>> -> memref<16x2048xf32, #tpu.memory_space<vmem>>
    %dma_wait3A_808 = arith.constant 0 : i32
    %dma_wait3A_809 = tpu.memref_slice %arg4[%add3A_763, %dma_wait3A_808] : memref<8192x2048xf32, #tpu.memory_space<hbm>> -> memref<16x2048xf32, #tpu.memory_space<hbm>>
    %dma_wait3A_810 = arith.constant 0 : i32
    %dma_wait3A_811 = tpu.memref_slice %arg4[%add3A_763, %dma_wait3A_810] : memref<8192x2048xf32, #tpu.memory_space<hbm>> -> memref<16x2048xf32, #tpu.memory_space<hbm>>
    %dma_wait3A_812 = arith.constant 0 : i32
    %dma_wait3A_813 = arith.constant 0 : i32
    %dma_wait3A_814 = tpu.memref_slice %arg6[%dma_wait3A_803, %dma_wait3A_812, %dma_wait3A_813] : memref<3x16x2048xf32, #tpu.memory_space<vmem>> -> memref<1x16x2048xf32, #tpu.memory_space<vmem>>
    %dma_wait3A_815 = tpu.memref_squeeze %dma_wait3A_814 : memref<1x16x2048xf32, #tpu.memory_space<vmem>> -> memref<16x2048xf32, #tpu.memory_space<vmem>>
    tpu.wait_dma2 semaphore(%arg10 : memref<!tpu.dma_semaphore, #tpu.memory_space<semaphore_mem>>) src(%dma_wait3A_815 : memref<16x2048xf32, #tpu.memory_space<vmem>>) dst(%dma_wait3A_811 : memref<16x2048xf32, #tpu.memory_space<hbm>>)
    return
  }
}

</mosaic_0001>

<sc_bundles>
// kernel: kernel.3.cloned.1.call-start
scs
__scs_entry_jumppad:
0x0: {  	(pc) =	sbr.rel $0x88, $3  }
0x1: {  	(tag) =	ssettag $0x0;
	lr =	simm.s32 $0x1  }
0x2: {  	[smem:$0x3F9F] =	sst lr;
	_ =	strace $0xD0000000  }
0x3: {  	_ = 	snop  }
0x4: {  	_ = 	snop  }
0x5: {  	_ = 	snop  }
0x6: {  	_ = 	snop  }
0x7: {  	_ = 	snop  }
__scs_overlays_trampoline_lowered:
0x8: {  	[smem:$0x3FAE] =	sst s0  }
0x9: {  	[smem:$0x3FAF] =	sst s1  }
0xa: {  	[smem:$0x3FB0] =	sst s2  }
0xb: {  	[smem:$0x3FB1] =	sst s3  }
0xc: {  	[smem:$0x3FB2] =	sst s4  }
0xd: {  	[smem:$0x3FB3] =	sst s5  }
0xe: {  	[smem:$0x3FB4] =	sst s6  }
0xf: {  	[smem:$0x3FB5] =	sst s7  }
0x10: {  	[smem:$0x3FB6] =	sst s8  }
0x11: {  	[smem:$0x3FB7] =	sst s9;
	s0 =	simm.s32 @!p0 $0x0  }
0x12: {  	s1 =	sld [smem:$0x3F9D];
	s0 =	simm.s32 @p0 $0x1  }
0x13: {  	[smem:$0x3FB8] =	sst s0;
	s0 =	simm.s32 @!p1 $0x0  }
0x14: {  	s2 =	sld [smem:$0x3F9C];
	s0 =	simm.s32 @p1 $0x1  }
0x15: {  	[smem:$0x3FB9] =	sst s0;
	s0 =	simm.s32 @!p2 $0x0  }
0x16: {  	s3 =	sld [smem:$0x3FDB];
	s0 =	simm.s32 @p2 $0x1  }
0x17: {  	s4 =	simm.s32 $0x1BF5;
	[smem:$0x3FBB] =	sst s0  }
0x18: {  	s0 =	sld [smem:$0x3F9E];
	_ =	swait.ge [sflag:s4], $0x0  }
0x19: {  	s7 =	sld [smem:$0x3F9F]  }
0x1a: {  	s8 =	sadd.s32 $0xFFFFE003, lr  }
0x1b: {  	s9 =	sadd.s32 $0xFFFFFEF7, lr;
	s5 =	simm.s32 $0xFFFFFFFF;
	p2 =	slt.u32 s8, $0xFFFFF086  }
0x1c: {  	p1 =	slt.u32 s9, $0xF7A;
	s5 =	simm.s32 @!p2 $0x0  }
0x1d: {  	s5 =	simm.s32 @p1 $0x1;
	p0 =	seq.s32 s7, s2  }
0x1e: {  	s7 =	smul.u32 @!p0 $0xF7A, s2;
	p2 =	seq.s32 @!p0 s5, $0x0  }
0x1f: {  	s9 =	smul.u32 $0xF7A, s1;
	s8 =	simm.s32 @!p0 $0x1BF5;
	p2 =	por !p2, p0  }
0x20: {  	[sflag:s8] =	ssyncset.s32 @!p0 $0xFFFFF086;
	s6 =	sadd.s32 @!p0 s3, s7;
	s7 =	simm.s32 @!p0 $0x108  }
0x21: {  	s3 =	sadd.s32 s3, s9;
	s6 =	sadd.s32 @!p0 $0x88, s6;
	s7 =	simm.s32 @p2 $0x1082  }
0x22: {  	[simem:s7], [sflag:s8] =	dma.local @!p0 [hbm:s6], $0xF7A  }
0x23: {  	s9 =	sor.u32 $0xD0000000, s2;
	s6 =	simm.s32 $0x108;
	_ =	swait.ge @!p0 [sflag:s8], $0x0  }
0x24: {  	s3 =	sadd.s32 $0x88, s3;
	s6 =	simm.s32 @!p1 $0x1082;
	[sflag:s4] =	ssyncset.s32 $0xFFFFF086  }
0x25: {  	[simem:s6], [sflag:s4] =	dma.local [hbm:s3], $0xF7A  }
0x26: {  	[smem:$0x3F9F] =	sst s1;
	(tag) =	ssettag s2;
	_ =	strace s9  }
0x27: {  	s1 =	sld [smem:$0x3FAF]  }
0x28: {  	s2 =	sld [smem:$0x3FB0]  }
0x29: {  	s4 =	sld [smem:$0x3FB2]  }
0x2a: {  	p0 =	seq.s32 s5, $0x0;
	s5 =	sld [smem:$0x3FB3]  }
0x2b: {  	s6 =	sld [smem:$0x3FB4]  }
0x2c: {  	s7 =	sld [smem:$0x3FB5]  }
0x2d: {  	s3 =	simm.s32 $0x108;
	s8 =	sld [smem:$0x3FB6]  }
0x2e: {  	s3 =	simm.s32 @!p0 $0x1082;
	s9 =	sld [smem:$0x3FB7]  }
0x2f: {  	lr =	sadd.s32 s0, s3;
	s0 =	sld [smem:$0x3FAE]  }
0x30: {  	s3 =	sld [smem:$0x3FB1]  }
0x31: {  	[smem:$0x3FBA] =	sst s10  }
0x32: {  	s10 =	sld [smem:$0x3FB8];
	_ =	sdelay $0x3  }
0x33: {  	p0 =	seq.s32 s10, $0x1;
	s10 =	sld [smem:$0x3FBA];
	_ =	sdelay $0x3  }
0x34: {  	[smem:$0x3FBA] =	sst s10  }
0x35: {  	s10 =	sld [smem:$0x3FB9];
	_ =	sdelay $0x3  }
0x36: {  	p1 =	seq.s32 s10, $0x1;
	s10 =	sld [smem:$0x3FBA];
	_ =	sdelay $0x3  }
0x37: {  	[smem:$0x3FBA] =	sst s10  }
0x38: {  	s10 =	sld [smem:$0x3FBB]  }
0x39: {  	_ = 	snop;
	(pc) =	sbr.ind lr, $3  }
0x3a: {  	_ = 	snop  }
0x3b: {  	_ = 	snop  }
0x3c: {  	p2 =	seq.s32 s10, $0x1;
	s10 =	sld [smem:$0x3FBA]  }
0x3d: {  	_ =	shalt  }
0x3e: {  	_ =	shalt  }
0x3f: {  	_ =	shalt  }
0x40: {  	_ =	shalt  }
0x41: {  	_ =	shalt  }
0x42: {  	_ =	shalt  }
0x43: {  	_ =	shalt  }
0x44: {  	_ =	shalt  }
0x45: {  	_ =	shalt  }
0x46: {  	_ =	shalt  }
0x47: {  	_ =	shalt  }
0x48: {  	_ =	shalt  }
0x49: {  	_ =	shalt  }
0x4a: {  	_ =	shalt  }
0x4b: {  	_ =	shalt  }
0x4c: {  	_ =	shalt  }
0x4d: {  	_ =	shalt  }
0x4e: {  	_ =	shalt  }
0x4f: {  	_ =	shalt  }
0x50: {  	_ =	shalt  }
0x51: {  	_ =	shalt  }
0x52: {  	_ =	shalt  }
0x53: {  	_ =	shalt  }
0x54: {  	_ =	shalt  }
0x55: {  	_ =	shalt  }
0x56: {  	_ =	shalt  }
0x57: {  	_ =	shalt  }
0x58: {  	_ =	shalt  }
0x59: {  	_ =	shalt  }
0x5a: {  	_ =	shalt  }
0x5b: {  	_ =	shalt  }
0x5c: {  	_ =	shalt  }
0x5d: {  	_ =	shalt  }
0x5e: {  	_ =	shalt  }
0x5f: {  	_ =	shalt  }
0x60: {  	_ =	shalt  }
0x61: {  	_ =	shalt  }
0x62: {  	_ =	shalt  }
0x63: {  	_ =	shalt  }
0x64: {  	_ =	shalt  }
0x65: {  	_ =	shalt  }
0x66: {  	_ =	shalt  }
0x67: {  	_ =	shalt  }
0x68: {  	_ =	shalt  }
0x69: {  	_ =	shalt  }
0x6a: {  	_ =	shalt  }
0x6b: {  	_ =	shalt  }
0x6c: {  	_ =	shalt  }
0x6d: {  	_ =	shalt  }
0x6e: {  	_ =	shalt  }
0x6f: {  	_ =	shalt  }
0x70: {  	_ =	shalt  }
0x71: {  	_ =	shalt  }
0x72: {  	_ =	shalt  }
0x73: {  	_ =	shalt  }
0x74: {  	_ =	shalt  }
0x75: {  	_ =	shalt  }
0x76: {  	_ =	shalt  }
0x77: {  	_ =	shalt  }
0x78: {  	_ =	shalt  }
0x79: {  	_ =	shalt  }
0x7a: {  	_ =	shalt  }
0x7b: {  	_ =	shalt  }
0x7c: {  	_ =	shalt  }
0x7d: {  	_ =	shalt  }
0x7e: {  	_ =	shalt  }
0x7f: {  	_ =	shalt  }
0x80: {  	_ =	shalt  }
0x81: {  	_ =	shalt  }
0x82: {  	_ =	shalt  }
0x83: {  	_ =	shalt  }
0x84: {  	_ =	shalt  }
0x85: {  	_ =	shalt  }
0x86: {  	_ =	shalt  }
0x87: {  	_ =	shalt  }
.Lfunc_end0:
.L_simem_size_0:
called_computation_lowered:
.L_overlay_start_0:
0x88: {  	s2 =	sld [smem:$0x3FD9]  }
0x89: {  	s3 =	sld [smem:$0x3FFE];
	_ =	sdelay $0x1  }
0x8a: {  	s1 =	srdreg.scid  }
0x8b: {  	s0 =	sand.u32 $0x1, s1  }
0x8c: {  	s17 =	sshll.u32 s0, $0xA;
	s2 =	sadd.s32 s3, s2  }
0x8d: {  	s2 =	sadd.s32 s2, s17  }
0x8e: {  	[smem:$0x3FC6] =	sst s2  }
0x8f: {  	_ = 	snop  }
0x90: {  	s2 =	sld [smem:$0x3FC8]  }
0x91: {  	s18 =	sld [smem:$0x3FD0];
	(tm) =	ssettm $0x1  }
0x92: {  	s4 =	sld [smem:$0x3FFB];
	_ =	sdelay $0x3  }
0x93: {  	_ =	strace s4  }
0x94: {  	s4 =	sld [smem:$0x3FFC];
	_ =	sdelay $0x3  }
0x95: {  	_ =	strace s4  }
0x96: {  	s4 =	sld [smem:$0x3FFD];
	_ =	sdelay $0x3  }
0x97: {  	_ =	strace s4  }
0x98: {  	_ =	strace $0x8FFFFFFF  }
0x99: {  	s19 =	sld [smem:$0x3FDB];
	_ =	sdelay $0x1  }
0x9a: {  	s5 =	simm.s32 $_scs_section_size  }
0x9b: {  	s6 =	simm.s32 $_size__tile_overlayer_lowered;
	s7 =	simm.s32 $_tile_overlayer_lowered  }
0x9c: {  	s22 =	simm.s32 $0x1BFF;
	s21 =	sshll.u32 s7, $0x1;
	s4 =	sadd.s32 s5, s19  }
0x9d: {  	s8 =	simm.s32 $0x0;
	s20 =	sshll.u32 s6, $0x1;
	s6 =	sadd.s32 s21, s4  }
0x9e: {  	[timem:s8], [sflag:s22] =	dma.local [hbm:s6], s20  }
0x9f: {  	_ =	swait.ge [sflag:s22], s20  }
0xa0: {  	s5 =	ssub.s32 $0x0, s20;
	[sflag:s22] =	ssyncset.done $0x0  }
0xa1: {  	[sflag:s22] =	ssyncadd.s32 s5;
	_ =	sdelay $0x1  }
0xa2: {  	s23 =	simm.s32 $0x1B8B  }
0xa3: {  	_ =	swait.ge [sflag:s23], $0x1  }
0xa4: {  	[sflag:s23] =	ssyncset.done $0x0  }
0xa5: {  	s25 =	simm.s32 $0x1B8E;
	s24 =	sld [smem:$0x3FFE];
	[sflag:s23] =	ssyncadd.s32 $0xFFFFFFFF  }
0xa6: {  	s26 =	simm.s32 $execute0_lowered;
	[smem:$0x3FD2] =	sst s25  }
0xa7: {  	s6 =	sshll.u32 s26, $0x1;
	_ =	strace $0x80000046;
	[dreg:$0x1] =	wrdreg $0xFFFFFFFF  }
0xa8: {  	s28 =	simm.s32 $_size_execute0_lowered;
	s4 =	sadd.s32 s4, s6;
	[dreg:$0x0] =	wrdreg $0x0  }
0xa9: {  	s6 =	sshll.u32 s28, $0x1;
	[dreg:$0x2] =	wrdreg s4  }
0xaa: {  	[dreg:$0x3] =	wrdreg s6  }
0xab: {  	[dreg:$0x4] =	wrdreg $0xC0  }
0xac: {  	_ =	task [dreg:s8], $0x5FFFF  }
0xad: {  	[dreg:$0x1] =	wrdreg $0xFFFFFFFF  }
0xae: {  	[dreg:$0x0] =	wrdreg $0x60  }
0xaf: {  	[dreg:$0x2] =	wrdreg s24  }
0xb0: {  	[dreg:$0x3] =	wrdreg s2  }
0xb1: {  	[dreg:$0x4] =	wrdreg s18  }
0xb2: {  	[dreg:$0x5] =	wrdreg $0x9  }
0xb3: {  	_ =	task.clear_ibuf [dreg:s8], $0x6FFFF;
	_ =	strace $0x90000046  }
0xb4: {  	s29 =	simm.s32 $0x9;
	_ =	strace $0x80000048  }
0xb5: {  	_ =	swait.ge [sflag:s29], $0x1  }
0xb6: {  	[sflag:s29] =	ssyncadd.s32 $0xFFFFFFFF  }
0xb7: {  	_ =	strace $0x90000048  }
0xb8: {  	_ =	sfence  }
0xb9: {  	s30 =	sld [smem:$0x0];
	_ =	sdelay $0x2  }
0xba: {  	s31 =	sshll.u32 s1, $0xD;
	s1 =	sshrl.u32 s1, $0x2  }
0xbb: {  	s3 =	sand.u32 $0x4000, s31;
	s1 =	sadd.s32 s1, s30  }
0xbc: {  	s0 =	sor.u32 s3, s0;
	s1 =	sshll.u32 s1, $0x11  }
0xbd: {  	s0 =	sor.u32 s1, s0  }
0xbe: {  	s0 =	sadd.s32 $0x8F2B, s0  }
0xbf: {  	[sflag:s0] =	ssyncadd.remote.s32 $0x1  }
0xc0: {  	_ =	sfence.sel $0xFFFF  }
0xc1: {  	[dreg:$0x0] =	wrdreg $0xFFFFFFFF;
	(pc) =	sbr.abs _section_cstart, $3  }
0xc2: {  	[dreg:$0x1] =	wrdreg $0xFFFFFFFF  }
0xc3: {  	_ =	task.clear_ibuf [dreg:s8], $0x2FFFF;
	_ =	strace $0x9FFFFFFF  }
0xc4: {  	(tm) =	ssettm $0x7FFFFFFF  }
0xc5: {  	_ =	shalt  }
tec
execute0_lowered:
.L_overlay_start_1:
0x0: {  	(tag) =	ssettag $0x1  }
0x1: {  	s0 =	rddreg [dreg:$0x0]  }
0x2: {  	s1 =	srdreg.scid;
	s2 =	rddreg [dreg:$0x1]  }
0x3: {  	s3 =	stileid.u32;
	s4 =	rddreg [dreg:$0x2];
	s1 =	sand.u32 $0x1, s1  }
0x4: {  	s3 =	sshll.u32 s3, $0x9;
	s5 =	sshll.u32 s1, $0x8;
	s1 =	ssub.s32 $0x2, s1  }
0x5: {  	s10 =	sor.u32 s5, s3;
	s3 =	simm.s32 $0x0;
	s12 =	sshrl.u32 s1, $0x1  }
0x6: {  	s5 =	sshrl.u32 s10, $0x3;
	[smem:$0x7FF] =	sst s3;
	s1 =	ssub.s32 s1, s12  }
0x7: {  	s13 =	sshll.u32 s10, $0x8;
	s0 =	sadd.s32 s5, s0;
	s1 =	smax.u32 s1, $0x1  }
0x8: {  	_ =	strace $0x80000047;
	s0 =	sadd.s32 $0x400, s0;
	[dreg:$0x12] =	wrdreg s1  }
0x9: {  	[dreg:$0x4] =	wrdreg s0;
	s0 =	sadd.s32 s4, s13  }
0xa: {  	s4 =	sadd.s32 $0x1000, s0;
	[dreg:$0x5] =	wrdreg s0  }
0xb: {  	s14 =	sadd.s32 $0x2000, s0;
	[dreg:$0x6] =	wrdreg s4  }
0xc: {  	s15 =	sadd.s32 $0x3000, s0;
	[dreg:$0x7] =	wrdreg s14  }
0xd: {  	s31 =	simm.s32 $0x100;
	s16 =	sadd.s32 $0x4000, s0;
	[dreg:$0x8] =	wrdreg s15  }
0xe: {  	s28 =	simm.s32 $0x10100;
	s17 =	sadd.s32 $0x5000, s0;
	[dreg:$0x9] =	wrdreg s16  }
0xf: {  	s29 =	simm.s32 $0x2;
	s18 =	sadd.s32 $0x6000, s0;
	[dreg:$0xa] =	wrdreg s17  }
0x10: {  	s30 =	simm.s32 $0x3;
	s19 =	sadd.s32 $0x7000, s0;
	[dreg:$0xb] =	wrdreg s18  }
0x11: {  	s6 =	sadd.s32 $0x200, s2;
	s20 =	sadd.s32 $0x8000, s0;
	[dreg:$0xc] =	wrdreg s19  }
0x12: {  	s7 =	sadd.s32 $0x300, s2;
	s21 =	sadd.s32 $0x9000, s0;
	[dreg:$0xd] =	wrdreg s20  }
0x13: {  	s8 =	sadd.s32 $0x400, s2;
	s22 =	sadd.s32 $0xA000, s0;
	[dreg:$0xe] =	wrdreg s21  }
0x14: {  	s9 =	sadd.s32 $0x500, s2;
	s23 =	sadd.s32 $0xB000, s0;
	[dreg:$0xf] =	wrdreg s22  }
0x15: {  	s11 =	sadd.s32 $0x700, s2;
	s24 =	sadd.s32 $0xC000, s0;
	[dreg:$0x10] =	wrdreg s23  }
0x16: {  	s10 =	sadd.s32 $0x600, s2;
	s25 =	sadd.s32 $0xD000, s0;
	[dreg:$0x11] =	wrdreg s24  }
0x17: {  	s12 =	simm.s32 $0x4;
	s26 =	sadd.s32 $0xE000, s0;
	[dreg:$0x13] =	wrdreg s25  }
0x18: {  	s5 =	sadd.s32 $0x100, s2;
	s0 =	sadd.s32 $0xF000, s0;
	[dreg:$0x14] =	wrdreg s26  }
0x19: {  	v2 =	vlaneseq.u32;
	s1 =	simm.s32 $0x5;
	[dreg:$0x15] =	wrdreg s0;
	s22 =	simm.s32 $0x6900  }
0x1a: {  	vm0 =	vmmov $0xffff;
	v1 =	vshrl.u32 v2, $0x3;
	s23 =	simm.s32 $0x7100;
	s24 =	simm.s32 $0x7900;
	s25 =	simm.s32 $0x8100  }
0x1b: {  	v0 =	vand.u32 $0x7, v2;
	v2 =	vor.u32 $0x8, v2;
	v1 =	vmul.u32 $0x8, v1;
	s26 =	simm.s32 $0x1;
	s0 =	simm.s32 $0x6;
	s4 =	simm.s32 $0x0  }
.LBB2_1:
0x1c: {  	s13 =	rddreg [dreg:$0x4];
	s17 =	simm.s32 $0x7  }
0x1d: {  	[tilespmem:s3], [sflag:$0x7] =	stream.linear.gather [hbm4b:s13+s3], $0x100, $0x38;
	[tilespmem:$0x18100] =	vst v63  }
0x1e: {  	_ =	swait.ge [sflag:s17], $0x100  }
0x1f: {  	[sflag:s17] =	ssyncset.done $0x0  }
0x20: {  	[sflag:s17] =	ssyncadd.s32 $0xFFFFFF00  }
0x21: {  	v3 =	vld [tilespmem:$0x0];
	_ =	sdelay $0x4  }
0x22: {  	v4 =	vshll.u32 v3, $0x4  }
0x23: {  	v3 =	vand.u32 $0x7, v3;
	v4 =	vand.u32 $0xFFFFFF80, v4  }
0x24: {  	v3 =	vor.u32 v3, v4  }
0x25: {  	v4 =	vperm.xlane v3, v0;
	_ =	sdelay $0x1  }
0x26: {  	v4 =	vadd.s32 v1, v4;
	_ =	sdelay $0x4  }
0x27: {  	[tilespmem:s31], [sflag:$0x1] =	stream.indirect_vreg.gather [hbm4b:s2+s3], $0x80, v4, vm0, $0xb8;
	[tilespmem:$0x18100] =	vst v63  }
0x28: {  	s18 =	simm.s32 $0x900  }
0x29: {  	[tilespmem:s18], [sflag:$0x1] =	stream.indirect_vreg.gather [hbm4b:s5+s3], $0x80, v4, vm0, $0xb8;
	[tilespmem:$0x18100] =	vst v63  }
0x2a: {  	s19 =	simm.s32 $0x1100  }
0x2b: {  	[tilespmem:s19], [sflag:$0x1] =	stream.indirect_vreg.gather [hbm4b:s6+s3], $0x80, v4, vm0, $0xb8;
	[tilespmem:$0x18100] =	vst v63  }
0x2c: {  	s20 =	simm.s32 $0x1900  }
0x2d: {  	[tilespmem:s20], [sflag:$0x1] =	stream.indirect_vreg.gather [hbm4b:s7+s3], $0x80, v4, vm0, $0xb8;
	[tilespmem:$0x18100] =	vst v63  }
0x2e: {  	s21 =	simm.s32 $0x2100  }
0x2f: {  	[tilespmem:s21], [sflag:$0x1] =	stream.indirect_vreg.gather [hbm4b:s8+s3], $0x80, v4, vm0, $0xb8;
	[tilespmem:$0x18100] =	vst v63  }
0x30: {  	s14 =	simm.s32 $0x2900;
	v3 =	vperm.xlane v3, v2  }
0x31: {  	[tilespmem:s14], [sflag:$0x1] =	stream.indirect_vreg.gather [hbm4b:s9+s3], $0x80, v4, vm0, $0xb8;
	[tilespmem:$0x18100] =	vst v63  }
0x32: {  	s15 =	simm.s32 $0x3100;
	v3 =	vadd.s32 v1, v3  }
0x33: {  	[tilespmem:s15], [sflag:$0x1] =	stream.indirect_vreg.gather [hbm4b:s10+s3], $0x80, v4, vm0, $0xb8;
	[tilespmem:$0x18100] =	vst v63  }
0x34: {  	s16 =	simm.s32 $0x3900  }
0x35: {  	[tilespmem:s16], [sflag:$0x1] =	stream.indirect_vreg.gather [hbm4b:s11+s3], $0x80, v4, vm0, $0xb8;
	[tilespmem:$0x18100] =	vst v63  }
0x36: {  	s17 =	simm.s32 $0x4100  }
0x37: {  	[tilespmem:s17], [sflag:$0x1] =	stream.indirect_vreg.gather [hbm4b:s2+s3], $0x80, v3, vm0, $0xb8;
	[tilespmem:$0x18100] =	vst v63  }
0x38: {  	s18 =	simm.s32 $0x4900  }
0x39: {  	[tilespmem:s18], [sflag:$0x1] =	stream.indirect_vreg.gather [hbm4b:s5+s3], $0x80, v3, vm0, $0xb8;
	[tilespmem:$0x18100] =	vst v63  }
0x3a: {  	s19 =	simm.s32 $0x5100  }
0x3b: {  	[tilespmem:s19], [sflag:$0x1] =	stream.indirect_vreg.gather [hbm4b:s6+s3], $0x80, v3, vm0, $0xb8;
	[tilespmem:$0x18100] =	vst v63  }
0x3c: {  	s20 =	simm.s32 $0x5900  }
0x3d: {  	[tilespmem:s20], [sflag:$0x1] =	stream.indirect_vreg.gather [hbm4b:s7+s3], $0x80, v3, vm0, $0xb8;
	[tilespmem:$0x18100] =	vst v63  }
0x3e: {  	s21 =	simm.s32 $0x6100  }
0x3f: {  	[tilespmem:s21], [sflag:$0x1] =	stream.indirect_vreg.gather [hbm4b:s8+s3], $0x80, v3, vm0, $0xb8;
	[tilespmem:$0x18100] =	vst v63  }
0x40: {  	_ = 	snop  }
0x41: {  	[tilespmem:s22], [sflag:$0x1] =	stream.indirect_vreg.gather [hbm4b:s9+s3], $0x80, v3, vm0, $0xb8;
	[tilespmem:$0x18100] =	vst v63  }
0x42: {  	_ = 	snop  }
0x43: {  	[tilespmem:s23], [sflag:$0x1] =	stream.indirect_vreg.gather [hbm4b:s10+s3], $0x80, v3, vm0, $0xb8;
	[tilespmem:$0x18100] =	vst v63  }
0x44: {  	_ = 	snop  }
0x45: {  	[tilespmem:s24], [sflag:$0x1] =	stream.indirect_vreg.gather [hbm4b:s11+s3], $0x80, v3, vm0, $0xb8;
	[tilespmem:$0x18100] =	vst v63  }
0x46: {  	v3 =	vld [tilespmem:$0x10];
	_ =	sdelay $0x4  }
0x47: {  	v4 =	vshll.u32 v3, $0x4  }
0x48: {  	v3 =	vand.u32 $0x7, v3;
	v4 =	vand.u32 $0xFFFFFF80, v4  }
0x49: {  	v3 =	vor.u32 v3, v4  }
0x4a: {  	v4 =	vperm.xlane v3, v0;
	_ =	sdelay $0x1  }
0x4b: {  	v4 =	vadd.s32 v1, v4;
	_ =	sdelay $0x4  }
0x4c: {  	[tilespmem:s25], [sflag:$0x2] =	stream.indirect_vreg.gather [hbm4b:s2+s3], $0x80, v4, vm0, $0xb8;
	[tilespmem:$0x18100] =	vst v63  }
0x4d: {  	s14 =	simm.s32 $0x8900  }
0x4e: {  	[tilespmem:s14], [sflag:$0x2] =	stream.indirect_vreg.gather [hbm4b:s5+s3], $0x80, v4, vm0, $0xb8;
	[tilespmem:$0x18100] =	vst v63  }
0x4f: {  	s15 =	simm.s32 $0x9100  }
0x50: {  	[tilespmem:s15], [sflag:$0x2] =	stream.indirect_vreg.gather [hbm4b:s6+s3], $0x80, v4, vm0, $0xb8;
	[tilespmem:$0x18100] =	vst v63  }
0x51: {  	s16 =	simm.s32 $0x9900  }
0x52: {  	[tilespmem:s16], [sflag:$0x2] =	stream.indirect_vreg.gather [hbm4b:s7+s3], $0x80, v4, vm0, $0xb8;
	[tilespmem:$0x18100] =	vst v63  }
0x53: {  	s17 =	simm.s32 $0xA100  }
0x54: {  	[tilespmem:s17], [sflag:$0x2] =	stream.indirect_vreg.gather [hbm4b:s8+s3], $0x80, v4, vm0, $0xb8;
	[tilespmem:$0x18100] =	vst v63  }
0x55: {  	s18 =	simm.s32 $0xA900;
	v3 =	vperm.xlane v3, v2  }
0x56: {  	[tilespmem:s18], [sflag:$0x2] =	stream.indirect_vreg.gather [hbm4b:s9+s3], $0x80, v4, vm0, $0xb8;
	[tilespmem:$0x18100] =	vst v63  }
0x57: {  	s19 =	simm.s32 $0xB100;
	v3 =	vadd.s32 v1, v3  }
0x58: {  	[tilespmem:s19], [sflag:$0x2] =	stream.indirect_vreg.gather [hbm4b:s10+s3], $0x80, v4, vm0, $0xb8;
	[tilespmem:$0x18100] =	vst v63  }
0x59: {  	s20 =	simm.s32 $0xB900  }
0x5a: {  	[tilespmem:s20], [sflag:$0x2] =	stream.indirect_vreg.gather [hbm4b:s11+s3], $0x80, v4, vm0, $0xb8;
	[tilespmem:$0x18100] =	vst v63  }
0x5b: {  	s21 =	simm.s32 $0xC100  }
0x5c: {  	[tilespmem:s21], [sflag:$0x2] =	stream.indirect_vreg.gather [hbm4b:s2+s3], $0x80, v3, vm0, $0xb8;
	[tilespmem:$0x18100] =	vst v63  }
0x5d: {  	s14 =	simm.s32 $0xC900  }
0x5e: {  	[tilespmem:s14], [sflag:$0x2] =	stream.indirect_vreg.gather [hbm4b:s5+s3], $0x80, v3, vm0, $0xb8;
	[tilespmem:$0x18100] =	vst v63  }
0x5f: {  	s15 =	simm.s32 $0xD100  }
0x60: {  	[tilespmem:s15], [sflag:$0x2] =	stream.indirect_vreg.gather [hbm4b:s6+s3], $0x80, v3, vm0, $0xb8;
	[tilespmem:$0x18100] =	vst v63  }
0x61: {  	s16 =	simm.s32 $0xD900;
	s17 =	simm.s32 $0xE100  }
0x62: {  	[tilespmem:s16], [sflag:$0x2] =	stream.indirect_vreg.gather [hbm4b:s7+s3], $0x80, v3, vm0, $0xb8;
	[tilespmem:$0x18100] =	vst v63  }
0x63: {  	s18 =	simm.s32 $0xE900;
	s21 =	simm.s32 $0x0;
	s14 =	simm.s32 $0x0  }
0x64: {  	[tilespmem:s17], [sflag:$0x2] =	stream.indirect_vreg.gather [hbm4b:s8+s3], $0x80, v3, vm0, $0xb8;
	[tilespmem:$0x18100] =	vst v63  }
0x65: {  	s13 =	sand.u32 $0xFFFF0000, s21;
	s14 =	sand.u32 $0xE00, s14;
	s15 =	simm.s32 $0x0  }
0x66: {  	[tilespmem:s18], [sflag:$0x2] =	stream.indirect_vreg.gather [hbm4b:s9+s3], $0x80, v3, vm0, $0xb8;
	[tilespmem:$0x18100] =	vst v63  }
0x67: {  	s19 =	simm.s32 $0xF100;
	s13 =	sor.u32 s14, s13;
	s16 =	sand.u32 $0xFFFF0000, s15  }
0x68: {  	[tilespmem:s19], [sflag:$0x2] =	stream.indirect_vreg.gather [hbm4b:s10+s3], $0x80, v3, vm0, $0xb8;
	[tilespmem:$0x18100] =	vst v63  }
0x69: {  	s20 =	simm.s32 $0xF900;
	s13 =	ssub.s32 s13, s16;
	s16 =	simm.s32 $0x1000  }
0x6a: {  	[tilespmem:s20], [sflag:$0x2] =	stream.indirect_vreg.gather [hbm4b:s11+s3], $0x80, v3, vm0, $0xb8;
	[tilespmem:$0x18100] =	vst v63  }
0x6b: {  	s13 =	sshra.s32 s13, $0x2;
	s17 =	simm.s32 $0x200;
	_ =	swait.ge [sflag:s26], $0x8000  }
0x6c: {  	s13 =	sadd.s32 $0x140, s13;
	s18 =	simm.s32 $0x20;
	[sflag:s26] =	ssyncset.done $0x0  }
0x6d: {  	s14 =	sand.u32 $0xFFFF0000, s17;
	s15 =	sand.u32 $0xE00, s18;
	[sflag:s26] =	ssyncadd.s32 $0xFFFF8000  }
0x6e: {  	s14 =	sor.u32 s15, s14;
	s19 =	sand.u32 $0xFFFF0000, s16;
	v3 =	vld [tilespmem:s13+$0x30]  }
0x6f: {  	s14 =	ssub.s32 s14, s19;
	v4 =	vld [tilespmem:s13+$0xFFFFFFC0]  }
0x70: {  	s14 =	sshra.s32 s14, $0x2;
	v5 =	vld [tilespmem:s13+$0xFFFFFFD0]  }
0x71: {  	s14 =	sadd.s32 $0x540, s14;
	v6 =	vld [tilespmem:s13+$0xFFFFFFE0]  }
0x72: {  	v11 =	vld [tilespmem:s14+$0xFFFFFFC0]  }
0x73: {  	v7 =	vld [tilespmem:s13+$0xFFFFFFF0]  }
0x74: {  	v8 =	vld [tilespmem:s13+$0x0];
	v3 =	vmul.f32 $4.525483320e+01, v3  }
0x75: {  	v9 =	vld [tilespmem:s13+$0x10];
	v4 =	vmul.f32 $4.525483320e+01, v4  }
0x76: {  	v5 =	vmul.f32 $4.525483320e+01, v5;
	[tilespmem:s13+$0x30] =	vst v3;
	v3 =	vld [tilespmem:s14+$0x30]  }
0x77: {  	s17 =	simm.s32 $0x40;
	v10 =	vld [tilespmem:s13+$0x20];
	v11 =	vmul.f32 $4.525483320e+01, v11;
	[tilespmem:s13+$0xFFFFFFC0] =	vst v4  }
0x78: {  	s21 =	simm.s32 $0x400;
	s17 =	sand.u32 $0xE00, s17;
	v12 =	vld [tilespmem:s14+$0xFFFFFFD0];
	v4 =	vmul.f32 $4.525483320e+01, v6;
	[tilespmem:s13+$0xFFFFFFD0] =	vst v5  }
0x79: {  	s16 =	sand.u32 $0xFFFF0000, s21;
	s20 =	simm.s32 $0x2000;
	v13 =	vld [tilespmem:s14+$0xFFFFFFE0];
	v5 =	vmul.f32 $4.525483320e+01, v7;
	[tilespmem:s14+$0xFFFFFFC0] =	vst v11  }
0x7a: {  	s16 =	sor.u32 s17, s16;
	s15 =	sand.u32 $0xFFFF0000, s20;
	v6 =	vld [tilespmem:s14+$0xFFFFFFF0];
	[tilespmem:s13+$0xFFFFFFE0] =	vst v4;
	v4 =	vmul.f32 $4.525483320e+01, v8  }
0x7b: {  	s15 =	ssub.s32 s16, s15;
	v7 =	vld [tilespmem:s14+$0x0];
	[tilespmem:s13+$0xFFFFFFF0] =	vst v5;
	v8 =	vmul.f32 $4.525483320e+01, v9;
	v9 =	vmul.f32 $4.525483320e+01, v3  }
0x7c: {  	s15 =	sshra.s32 s15, $0x2;
	v5 =	vld [tilespmem:s14+$0x10];
	[tilespmem:s13+$0x0] =	vst v4  }
0x7d: {  	s15 =	sadd.s32 $0x940, s15;
	v3 =	vld [tilespmem:s14+$0x20];
	[tilespmem:s14+$0x30] =	vst v9;
	v9 =	vmul.f32 $4.525483320e+01, v12  }
0x7e: {  	s18 =	simm.s32 $0x180;
	s17 =	simm.s32 $0x940;
	s16 =	simm.s32 $0x100;
	[tilespmem:s13+$0x10] =	vst v8;
	v4 =	vmul.f32 $4.525483320e+01, v10;
	v8 =	vld [tilespmem:s15+$0x30];
	v10 =	vmul.f32 $4.525483320e+01, v13  }
.LBB2_2:
0x7f: {  	s19 =	sshll.u32 s18, $0x5;
	v11 =	vld [tilespmem:s15+$0xFFFFFFC0];
	[tilespmem:s14+$0xFFFFFFD0] =	vst v9;
	v6 =	vmul.f32 $4.525483320e+01, v6  }
0x80: {  	s20 =	sshll.u32 s18, $0x2;
	s21 =	sshrl.u32 s18, $0x2;
	s16 =	sadd.s32 $0x80, s16;
	v9 =	vld [tilespmem:s15+$0xFFFFFFD0];
	[tilespmem:s14+$0xFFFFFFE0] =	vst v10;
	v7 =	vmul.f32 $4.525483320e+01, v7  }
0x81: {  	s20 =	sand.u32 $0xFFFF0000, s20;
	s21 =	sand.u32 $0xE00, s21;
	p0 =	slt.u32 s16, $0x7F80;
	v10 =	vld [tilespmem:s15+$0xFFFFFFE0];
	[tilespmem:s14+$0xFFFFFFF0] =	vst v6  }
.Ltmp0:
0x82: {  	s19 =	sand.u32 $0xFFFF0000, s19;
	s20 =	sor.u32 s21, s20;
	v12 =	vmul.f32 $4.525483320e+01, v5;
	v6 =	vld [tilespmem:s15+$0xFFFFFFF0];
	[tilespmem:s14+$0x0] =	vst v7;
	v3 =	vmul.f32 $4.525483320e+01, v3;
	(pc) =	sbr.rel @p0 .LBB2_2-.Ltmp0, $4  }
0x83: {  	s19 =	ssub.s32 s20, s19;
	v7 =	vld [tilespmem:s15+$0x0];
	v8 =	vmul.f32 $4.525483320e+01, v8;
	[tilespmem:s13+$0x20] =	vst v4;
	s13 =	smov.u32 s14;
	s14 =	smov.u32 s15  }
0x84: {  	s17 =	sadd.s32 $0x400, s17;
	s15 =	sshra.s32 s19, $0x2;
	v11 =	vmul.f32 $4.525483320e+01, v11;
	v5 =	vld [tilespmem:s14+$0x10];
	[tilespmem:s13+$0x10] =	vst v12;
	v4 =	vmov v3  }
0x85: {  	s15 =	sadd.s32 s15, s17;
	v9 =	vmul.f32 $4.525483320e+01, v9;
	v3 =	vld [tilespmem:s14+$0x20];
	[tilespmem:s14+$0x30] =	vst v8  }
0x86: {  	s18 =	sadd.s32 $0x80, s18;
	v8 =	vld [tilespmem:s15+$0x30];
	[tilespmem:s14+$0xFFFFFFC0] =	vst v11;
	v10 =	vmul.f32 $4.525483320e+01, v10  }
0x87: {  	v11 =	vld [tilespmem:s15+$0xFFFFFFC0];
	[tilespmem:s14+$0xFFFFFFD0] =	vst v9  }
0x88: {  	v6 =	vmul.f32 $4.525483320e+01, v6;
	[tilespmem:s13+$0x20] =	vst v4  }
0x89: {  	[tilespmem:s14+$0xFFFFFFE0] =	vst v10;
	v7 =	vmul.f32 $4.525483320e+01, v7;
	v10 =	vld [tilespmem:s15+$0xFFFFFFE0]  }
0x8a: {  	v9 =	vld [tilespmem:s15+$0xFFFFFFD0];
	[tilespmem:s14+$0xFFFFFFF0] =	vst v6;
	v5 =	vmul.f32 $4.525483320e+01, v5  }
0x8b: {  	[tilespmem:s14+$0x0] =	vst v7;
	v7 =	vld [tilespmem:s15+$0x0];
	v8 =	vmul.f32 $4.525483320e+01, v8  }
0x8c: {  	v6 =	vld [tilespmem:s15+$0xFFFFFFF0];
	[tilespmem:s14+$0x10] =	vst v5;
	v4 =	vmul.f32 $4.525483320e+01, v11  }
0x8d: {  	v3 =	vmul.f32 $4.525483320e+01, v3;
	v5 =	vld [tilespmem:s15+$0x10];
	[tilespmem:s15+$0x30] =	vst v8  }
0x8e: {  	v8 =	vld [tilespmem:s15+$0x20];
	[tilespmem:s15+$0xFFFFFFC0] =	vst v4;
	v4 =	vmul.f32 $4.525483320e+01, v10  }
0x8f: {  	v9 =	vmul.f32 $4.525483320e+01, v9;
	[tilespmem:s14+$0x20] =	vst v3  }
0x90: {  	[tilespmem:s15+$0xFFFFFFE0] =	vst v4;
	v4 =	vmul.f32 $4.525483320e+01, v7  }
0x91: {  	[tilespmem:s15+$0xFFFFFFD0] =	vst v9;
	v6 =	vmul.f32 $4.525483320e+01, v6  }
0x92: {  	[tilespmem:s15+$0x0] =	vst v4;
	v4 =	vmul.f32 $4.525483320e+01, v5  }
0x93: {  	[tilespmem:s15+$0xFFFFFFF0] =	vst v6;
	v5 =	vmul.f32 $4.525483320e+01, v8  }
0x94: {  	[tilespmem:s15+$0x10] =	vst v4  }
0x95: {  	[tilespmem:s15+$0x20] =	vst v5  }
0x96: {  	s13 =	simm.s32 $0x0;
	s14 =	rddreg [dreg:$0x5]  }
0x97: {  	[hbm4b:s14+s13] =	stream.linear.scatter [tilespmem:s31], [sflag:$0x4], $0x8000, $0x38;
	[tilespmem:$0x18100] =	vst v63  }
0x98: {  	v3 =	vld [tilespmem:$0x20];
	_ =	sdelay $0x4  }
0x99: {  	v4 =	vshll.u32 v3, $0x4  }
0x9a: {  	v3 =	vand.u32 $0x7, v3;
	v4 =	vand.u32 $0xFFFFFF80, v4  }
0x9b: {  	v3 =	vor.u32 v3, v4  }
0x9c: {  	v4 =	vperm.xlane v3, v0;
	_ =	sdelay $0x1  }
0x9d: {  	v4 =	vadd.s32 v1, v4;
	_ =	sdelay $0x4  }
0x9e: {  	[tilespmem:s28], [sflag:$0x3] =	stream.indirect_vreg.gather [hbm4b:s2+s13], $0x80, v4, vm0, $0xb8;
	[tilespmem:$0x18100] =	vst v63  }
0x9f: {  	s18 =	simm.s32 $0x10900  }
0xa0: {  	[tilespmem:s18], [sflag:$0x3] =	stream.indirect_vreg.gather [hbm4b:s5+s13], $0x80, v4, vm0, $0xb8;
	[tilespmem:$0x18100] =	vst v63  }
0xa1: {  	s19 =	simm.s32 $0x11100  }
0xa2: {  	[tilespmem:s19], [sflag:$0x3] =	stream.indirect_vreg.gather [hbm4b:s6+s13], $0x80, v4, vm0, $0xb8;
	[tilespmem:$0x18100] =	vst v63  }
0xa3: {  	s20 =	simm.s32 $0x11900  }
0xa4: {  	[tilespmem:s20], [sflag:$0x3] =	stream.indirect_vreg.gather [hbm4b:s7+s13], $0x80, v4, vm0, $0xb8;
	[tilespmem:$0x18100] =	vst v63  }
0xa5: {  	s21 =	simm.s32 $0x12100  }
0xa6: {  	[tilespmem:s21], [sflag:$0x3] =	stream.indirect_vreg.gather [hbm4b:s8+s13], $0x80, v4, vm0, $0xb8;
	[tilespmem:$0x18100] =	vst v63  }
0xa7: {  	s15 =	simm.s32 $0x12900;
	v3 =	vperm.xlane v3, v2  }
0xa8: {  	[tilespmem:s15], [sflag:$0x3] =	stream.indirect_vreg.gather [hbm4b:s9+s13], $0x80, v4, vm0, $0xb8;
	[tilespmem:$0x18100] =	vst v63  }
0xa9: {  	s16 =	simm.s32 $0x13100;
	v3 =	vadd.s32 v1, v3  }
0xaa: {  	[tilespmem:s16], [sflag:$0x3] =	stream.indirect_vreg.gather [hbm4b:s10+s13], $0x80, v4, vm0, $0xb8;
	[tilespmem:$0x18100] =	vst v63  }
0xab: {  	s17 =	simm.s32 $0x13900  }
0xac: {  	[tilespmem:s17], [sflag:$0x3] =	stream.indirect_vreg.gather [hbm4b:s11+s13], $0x80, v4, vm0, $0xb8;
	[tilespmem:$0x18100] =	vst v63  }
0xad: {  	s18 =	simm.s32 $0x14100  }
0xae: {  	[tilespmem:s18], [sflag:$0x3] =	stream.indirect_vreg.gather [hbm4b:s2+s13], $0x80, v3, vm0, $0xb8;
	[tilespmem:$0x18100] =	vst v63  }
0xaf: {  	s19 =	simm.s32 $0x14900  }
0xb0: {  	[tilespmem:s19], [sflag:$0x3] =	stream.indirect_vreg.gather [hbm4b:s5+s13], $0x80, v3, vm0, $0xb8;
	[tilespmem:$0x18100] =	vst v63  }
0xb1: {  	s20 =	simm.s32 $0x15100  }
0xb2: {  	[tilespmem:s20], [sflag:$0x3] =	stream.indirect_vreg.gather [hbm4b:s6+s13], $0x80, v3, vm0, $0xb8;
	[tilespmem:$0x18100] =	vst v63  }
0xb3: {  	s21 =	simm.s32 $0x15900  }
0xb4: {  	[tilespmem:s21], [sflag:$0x3] =	stream.indirect_vreg.gather [hbm4b:s7+s13], $0x80, v3, vm0, $0xb8;
	[tilespmem:$0x18100] =	vst v63  }
0xb5: {  	s15 =	simm.s32 $0x16100  }
0xb6: {  	[tilespmem:s15], [sflag:$0x3] =	stream.indirect_vreg.gather [hbm4b:s8+s13], $0x80, v3, vm0, $0xb8;
	[tilespmem:$0x18100] =	vst v63  }
0xb7: {  	s16 =	simm.s32 $0x16900  }
0xb8: {  	[tilespmem:s16], [sflag:$0x3] =	stream.indirect_vreg.gather [hbm4b:s9+s13], $0x80, v3, vm0, $0xb8;
	[tilespmem:$0x18100] =	vst v63  }
0xb9: {  	s17 =	simm.s32 $0x17100  }
0xba: {  	[tilespmem:s17], [sflag:$0x3] =	stream.indirect_vreg.gather [hbm4b:s10+s13], $0x80, v3, vm0, $0xb8;
	[tilespmem:$0x18100] =	vst v63  }
0xbb: {  	s18 =	simm.s32 $0x17900;
	s19 =	simm.s32 $0x0;
	s20 =	simm.s32 $0x0  }
0xbc: {  	[tilespmem:s18], [sflag:$0x3] =	stream.indirect_vreg.gather [hbm4b:s11+s13], $0x80, v3, vm0, $0xb8;
	[tilespmem:$0x18100] =	vst v63  }
0xbd: {  	s14 =	sand.u32 $0xE00, s20;
	s21 =	simm.s32 $0x0;
	s13 =	sand.u32 $0xFFFF0000, s19  }
0xbe: {  	s16 =	sand.u32 $0xFFFF0000, s21;
	s13 =	sor.u32 s14, s13  }
0xbf: {  	_ =	swait.ge [sflag:s29], $0x8000;
	s13 =	ssub.s32 s13, s16  }
0xc0: {  	[sflag:s29] =	ssyncset.done $0x0;
	s13 =	sshra.s32 s13, $0x2  }
0xc1: {  	[sflag:s29] =	ssyncadd.s32 $0xFFFF8000;
	s13 =	sadd.s32 $0x8140, s13  }
0xc2: {  	s17 =	simm.s32 $0x200;
	s18 =	simm.s32 $0x20;
	v3 =	vld [tilespmem:s13+$0x30]  }
0xc3: {  	s14 =	sand.u32 $0xFFFF0000, s17;
	s15 =	sand.u32 $0xE00, s18;
	s16 =	simm.s32 $0x1000;
	v4 =	vld [tilespmem:s13+$0xFFFFFFC0]  }
0xc4: {  	s14 =	sor.u32 s15, s14;
	s19 =	sand.u32 $0xFFFF0000, s16;
	v5 =	vld [tilespmem:s13+$0xFFFFFFD0]  }
0xc5: {  	s14 =	ssub.s32 s14, s19;
	v6 =	vld [tilespmem:s13+$0xFFFFFFE0]  }
0xc6: {  	v7 =	vld [tilespmem:s13+$0xFFFFFFF0];
	s14 =	sshra.s32 s14, $0x2  }
0xc7: {  	v8 =	vld [tilespmem:s13+$0x0];
	s14 =	sadd.s32 $0x8540, s14  }
0xc8: {  	v11 =	vld [tilespmem:s14+$0xFFFFFFC0];
	v3 =	vmul.f32 $4.525483320e+01, v3  }
0xc9: {  	v9 =	vld [tilespmem:s13+$0x10];
	v4 =	vmul.f32 $4.525483320e+01, v4  }
0xca: {  	v5 =	vmul.f32 $4.525483320e+01, v5;
	[tilespmem:s13+$0x30] =	vst v3;
	v3 =	vld [tilespmem:s14+$0x30]  }
0xcb: {  	v10 =	vld [tilespmem:s13+$0x20];
	[tilespmem:s13+$0xFFFFFFC0] =	vst v4;
	v4 =	vmul.f32 $4.525483320e+01, v6  }
0xcc: {  	s20 =	simm.s32 $0x2000;
	s21 =	simm.s32 $0x400;
	s17 =	simm.s32 $0x40;
	v12 =	vld [tilespmem:s14+$0xFFFFFFD0];
	[tilespmem:s13+$0xFFFFFFD0] =	vst v5;
	v5 =	vmul.f32 $4.525483320e+01, v7  }
0xcd: {  	s17 =	sand.u32 $0xE00, s17;
	s16 =	sand.u32 $0xFFFF0000, s21;
	v13 =	vld [tilespmem:s14+$0xFFFFFFE0];
	v11 =	vmul.f32 $4.525483320e+01, v11;
	[tilespmem:s13+$0xFFFFFFE0] =	vst v4  }
0xce: {  	s15 =	sand.u32 $0xFFFF0000, s20;
	s16 =	sor.u32 s17, s16;
	v6 =	vld [tilespmem:s14+$0xFFFFFFF0];
	v4 =	vmul.f32 $4.525483320e+01, v8;
	[tilespmem:s13+$0xFFFFFFF0] =	vst v5  }
0xcf: {  	s15 =	ssub.s32 s16, s15;
	v7 =	vld [tilespmem:s14+$0x0];
	v8 =	vmul.f32 $4.525483320e+01, v9;
	[tilespmem:s14+$0xFFFFFFC0] =	vst v11;
	v9 =	vmul.f32 $4.525483320e+01, v3  }
0xd0: {  	s15 =	sshra.s32 s15, $0x2;
	v5 =	vld [tilespmem:s14+$0x10];
	[tilespmem:s13+$0x0] =	vst v4  }
0xd1: {  	s15 =	sadd.s32 $0x8940, s15;
	v3 =	vld [tilespmem:s14+$0x20];
	[tilespmem:s14+$0x30] =	vst v9;
	v9 =	vmul.f32 $4.525483320e+01, v12  }
0xd2: {  	s18 =	simm.s32 $0x180;
	s17 =	simm.s32 $0x8940;
	s16 =	simm.s32 $0x100;
	[tilespmem:s13+$0x10] =	vst v8;
	v4 =	vmul.f32 $4.525483320e+01, v10;
	v8 =	vld [tilespmem:s15+$0x30];
	v10 =	vmul.f32 $4.525483320e+01, v13  }
.LBB2_4:
0xd3: {  	s19 =	sshll.u32 s18, $0x5;
	v11 =	vld [tilespmem:s15+$0xFFFFFFC0];
	[tilespmem:s14+$0xFFFFFFD0] =	vst v9;
	v6 =	vmul.f32 $4.525483320e+01, v6  }
0xd4: {  	s20 =	sshll.u32 s18, $0x2;
	s21 =	sshrl.u32 s18, $0x2;
	s16 =	sadd.s32 $0x80, s16;
	v9 =	vld [tilespmem:s15+$0xFFFFFFD0];
	[tilespmem:s14+$0xFFFFFFE0] =	vst v10;
	v7 =	vmul.f32 $4.525483320e+01, v7  }
0xd5: {  	s20 =	sand.u32 $0xFFFF0000, s20;
	s21 =	sand.u32 $0xE00, s21;
	p0 =	slt.u32 s16, $0x7F80;
	v10 =	vld [tilespmem:s15+$0xFFFFFFE0];
	[tilespmem:s14+$0xFFFFFFF0] =	vst v6  }
.Ltmp1:
0xd6: {  	s19 =	sand.u32 $0xFFFF0000, s19;
	s20 =	sor.u32 s21, s20;
	v12 =	vmul.f32 $4.525483320e+01, v5;
	v6 =	vld [tilespmem:s15+$0xFFFFFFF0];
	[tilespmem:s14+$0x0] =	vst v7;
	v3 =	vmul.f32 $4.525483320e+01, v3;
	(pc) =	sbr.rel @p0 .LBB2_4-.Ltmp1, $4  }
0xd7: {  	s19 =	ssub.s32 s20, s19;
	v7 =	vld [tilespmem:s15+$0x0];
	v8 =	vmul.f32 $4.525483320e+01, v8;
	[tilespmem:s13+$0x20] =	vst v4;
	s13 =	smov.u32 s14;
	s14 =	smov.u32 s15  }
0xd8: {  	s17 =	sadd.s32 $0x400, s17;
	s15 =	sshra.s32 s19, $0x2;
	v11 =	vmul.f32 $4.525483320e+01, v11;
	v5 =	vld [tilespmem:s14+$0x10];
	[tilespmem:s13+$0x10] =	vst v12;
	v4 =	vmov v3  }
0xd9: {  	s15 =	sadd.s32 s15, s17;
	v9 =	vmul.f32 $4.525483320e+01, v9;
	v3 =	vld [tilespmem:s14+$0x20];
	[tilespmem:s14+$0x30] =	vst v8  }
0xda: {  	s18 =	sadd.s32 $0x80, s18;
	v8 =	vld [tilespmem:s15+$0x30];
	[tilespmem:s14+$0xFFFFFFC0] =	vst v11;
	v10 =	vmul.f32 $4.525483320e+01, v10  }
0xdb: {  	v11 =	vld [tilespmem:s15+$0xFFFFFFC0];
	[tilespmem:s14+$0xFFFFFFD0] =	vst v9  }
0xdc: {  	v6 =	vmul.f32 $4.525483320e+01, v6;
	[tilespmem:s13+$0x20] =	vst v4  }
0xdd: {  	[tilespmem:s14+$0xFFFFFFE0] =	vst v10;
	v7 =	vmul.f32 $4.525483320e+01, v7;
	v10 =	vld [tilespmem:s15+$0xFFFFFFE0]  }
0xde: {  	v9 =	vld [tilespmem:s15+$0xFFFFFFD0];
	[tilespmem:s14+$0xFFFFFFF0] =	vst v6;
	v5 =	vmul.f32 $4.525483320e+01, v5  }
0xdf: {  	[tilespmem:s14+$0x0] =	vst v7;
	v7 =	vld [tilespmem:s15+$0x0];
	v8 =	vmul.f32 $4.525483320e+01, v8  }
0xe0: {  	v6 =	vld [tilespmem:s15+$0xFFFFFFF0];
	[tilespmem:s14+$0x10] =	vst v5;
	v4 =	vmul.f32 $4.525483320e+01, v11  }
0xe1: {  	v3 =	vmul.f32 $4.525483320e+01, v3;
	v5 =	vld [tilespmem:s15+$0x10];
	[tilespmem:s15+$0x30] =	vst v8  }
0xe2: {  	v8 =	vld [tilespmem:s15+$0x20];
	[tilespmem:s15+$0xFFFFFFC0] =	vst v4;
	v4 =	vmul.f32 $4.525483320e+01, v10  }
0xe3: {  	v9 =	vmul.f32 $4.525483320e+01, v9;
	[tilespmem:s14+$0x20] =	vst v3  }
0xe4: {  	[tilespmem:s15+$0xFFFFFFE0] =	vst v4;
	v4 =	vmul.f32 $4.525483320e+01, v7  }
0xe5: {  	[tilespmem:s15+$0xFFFFFFD0] =	vst v9;
	v6 =	vmul.f32 $4.525483320e+01, v6  }
0xe6: {  	[tilespmem:s15+$0x0] =	vst v4;
	v4 =	vmul.f32 $4.525483320e+01, v5  }
0xe7: {  	[tilespmem:s15+$0xFFFFFFF0] =	vst v6;
	v5 =	vmul.f32 $4.525483320e+01, v8  }
0xe8: {  	[tilespmem:s15+$0x10] =	vst v4  }
0xe9: {  	[tilespmem:s15+$0x20] =	vst v5  }
0xea: {  	s13 =	simm.s32 $0x0;
	s14 =	rddreg [dreg:$0x6]  }
0xeb: {  	[hbm4b:s14+s13] =	stream.linear.scatter [tilespmem:s25], [sflag:$0x5], $0x8000, $0x38;
	[tilespmem:$0x18100] =	vst v63  }
0xec: {  	_ =	swait.ge [sflag:s12], $0x8000  }
0xed: {  	[sflag:s12] =	ssyncset.done $0x0  }
0xee: {  	[sflag:s12] =	ssyncadd.s32 $0xFFFF8000  }
0xef: {  	v3 =	vld [tilespmem:$0x30];
	_ =	sdelay $0x4  }
0xf0: {  	v4 =	vshll.u32 v3, $0x4  }
0xf1: {  	v3 =	vand.u32 $0x7, v3;
	v4 =	vand.u32 $0xFFFFFF80, v4  }
0xf2: {  	v3 =	vor.u32 v3, v4  }
0xf3: {  	v4 =	vperm.xlane v3, v0;
	_ =	sdelay $0x1  }
0xf4: {  	v4 =	vadd.s32 v1, v4;
	_ =	sdelay $0x4  }
0xf5: {  	[tilespmem:s31], [sflag:$0x1] =	stream.indirect_vreg.gather [hbm4b:s2+s13], $0x80, v4, vm0, $0xb8;
	[tilespmem:$0x18100] =	vst v63  }
0xf6: {  	s21 =	simm.s32 $0x900  }
0xf7: {  	[tilespmem:s21], [sflag:$0x1] =	stream.indirect_vreg.gather [hbm4b:s5+s13], $0x80, v4, vm0, $0xb8;
	[tilespmem:$0x18100] =	vst v63  }
0xf8: {  	s15 =	simm.s32 $0x1100  }
0xf9: {  	[tilespmem:s15], [sflag:$0x1] =	stream.indirect_vreg.gather [hbm4b:s6+s13], $0x80, v4, vm0, $0xb8;
	[tilespmem:$0x18100] =	vst v63  }
0xfa: {  	s16 =	simm.s32 $0x1900  }
0xfb: {  	[tilespmem:s16], [sflag:$0x1] =	stream.indirect_vreg.gather [hbm4b:s7+s13], $0x80, v4, vm0, $0xb8;
	[tilespmem:$0x18100] =	vst v63  }
0xfc: {  	s17 =	simm.s32 $0x2100  }
0xfd: {  	[tilespmem:s17], [sflag:$0x1] =	stream.indirect_vreg.gather [hbm4b:s8+s13], $0x80, v4, vm0, $0xb8;
	[tilespmem:$0x18100] =	vst v63  }
0xfe: {  	s18 =	simm.s32 $0x2900;
	v3 =	vperm.xlane v3, v2  }
0xff: {  	[tilespmem:s18], [sflag:$0x1] =	stream.indirect_vreg.gather [hbm4b:s9+s13], $0x80, v4, vm0, $0xb8;
	[tilespmem:$0x18100] =	vst v63  }
0x100: {  	s19 =	simm.s32 $0x3100;
	v3 =	vadd.s32 v1, v3  }
0x101: {  	[tilespmem:s19], [sflag:$0x1] =	stream.indirect_vreg.gather [hbm4b:s10+s13], $0x80, v4, vm0, $0xb8;
	[tilespmem:$0x18100] =	vst v63  }
0x102: {  	s20 =	simm.s32 $0x3900  }
0x103: {  	[tilespmem:s20], [sflag:$0x1] =	stream.indirect_vreg.gather [hbm4b:s11+s13], $0x80, v4, vm0, $0xb8;
	[tilespmem:$0x18100] =	vst v63  }
0x104: {  	s21 =	simm.s32 $0x4100  }
0x105: {  	[tilespmem:s21], [sflag:$0x1] =	stream.indirect_vreg.gather [hbm4b:s2+s13], $0x80, v3, vm0, $0xb8;
	[tilespmem:$0x18100] =	vst v63  }
0x106: {  	s15 =	simm.s32 $0x4900  }
0x107: {  	[tilespmem:s15], [sflag:$0x1] =	stream.indirect_vreg.gather [hbm4b:s5+s13], $0x80, v3, vm0, $0xb8;
	[tilespmem:$0x18100] =	vst v63  }
0x108: {  	s16 =	simm.s32 $0x5100  }
0x109: {  	[tilespmem:s16], [sflag:$0x1] =	stream.indirect_vreg.gather [hbm4b:s6+s13], $0x80, v3, vm0, $0xb8;
	[tilespmem:$0x18100] =	vst v63  }
0x10a: {  	s17 =	simm.s32 $0x5900  }
0x10b: {  	[tilespmem:s17], [sflag:$0x1] =	stream.indirect_vreg.gather [hbm4b:s7+s13], $0x80, v3, vm0, $0xb8;
	[tilespmem:$0x18100] =	vst v63  }
0x10c: {  	s18 =	simm.s32 $0x6100  }
0x10d: {  	[tilespmem:s18], [sflag:$0x1] =	stream.indirect_vreg.gather [hbm4b:s8+s13], $0x80, v3, vm0, $0xb8;
	[tilespmem:$0x18100] =	vst v63  }
0x10e: {  	_ = 	snop  }
0x10f: {  	[tilespmem:s22], [sflag:$0x1] =	stream.indirect_vreg.gather [hbm4b:s9+s13], $0x80, v3, vm0, $0xb8;
	[tilespmem:$0x18100] =	vst v63  }
0x110: {  	_ = 	snop  }
0x111: {  	[tilespmem:s23], [sflag:$0x1] =	stream.indirect_vreg.gather [hbm4b:s10+s13], $0x80, v3, vm0, $0xb8;
	[tilespmem:$0x18100] =	vst v63  }
0x112: {  	s19 =	simm.s32 $0x0;
	s20 =	simm.s32 $0x0  }
0x113: {  	[tilespmem:s24], [sflag:$0x1] =	stream.indirect_vreg.gather [hbm4b:s11+s13], $0x80, v3, vm0, $0xb8;
	[tilespmem:$0x18100] =	vst v63  }
0x114: {  	s14 =	sand.u32 $0xE00, s20;
	s21 =	simm.s32 $0x0;
	s13 =	sand.u32 $0xFFFF0000, s19  }
0x115: {  	s16 =	sand.u32 $0xFFFF0000, s21;
	s13 =	sor.u32 s14, s13  }
0x116: {  	_ =	swait.ge [sflag:s30], $0x8000;
	s13 =	ssub.s32 s13, s16  }
0x117: {  	[sflag:s30] =	ssyncset.done $0x0;
	s13 =	sshra.s32 s13, $0x2  }
0x118: {  	[sflag:s30] =	ssyncadd.s32 $0xFFFF8000;
	s13 =	sadd.s32 $0x10140, s13  }
0x119: {  	s17 =	simm.s32 $0x200;
	s18 =	simm.s32 $0x20;
	v3 =	vld [tilespmem:s13+$0x30]  }
0x11a: {  	s15 =	sand.u32 $0xE00, s18;
	s14 =	sand.u32 $0xFFFF0000, s17;
	s16 =	simm.s32 $0x1000;
	v4 =	vld [tilespmem:s13+$0xFFFFFFC0]  }
0x11b: {  	s14 =	sor.u32 s15, s14;
	s19 =	sand.u32 $0xFFFF0000, s16;
	v5 =	vld [tilespmem:s13+$0xFFFFFFD0]  }
0x11c: {  	s14 =	ssub.s32 s14, s19;
	v6 =	vld [tilespmem:s13+$0xFFFFFFE0]  }
0x11d: {  	v7 =	vld [tilespmem:s13+$0xFFFFFFF0];
	s14 =	sshra.s32 s14, $0x2  }
0x11e: {  	v8 =	vld [tilespmem:s13+$0x0];
	s14 =	sadd.s32 $0x10540, s14  }
0x11f: {  	v11 =	vld [tilespmem:s14+$0xFFFFFFC0];
	v3 =	vmul.f32 $4.525483320e+01, v3  }
0x120: {  	v9 =	vld [tilespmem:s13+$0x10];
	v4 =	vmul.f32 $4.525483320e+01, v4  }
0x121: {  	v5 =	vmul.f32 $4.525483320e+01, v5;
	[tilespmem:s13+$0x30] =	vst v3;
	v3 =	vld [tilespmem:s14+$0x30]  }
0x122: {  	v10 =	vld [tilespmem:s13+$0x20];
	[tilespmem:s13+$0xFFFFFFC0] =	vst v4;
	v4 =	vmul.f32 $4.525483320e+01, v6  }
0x123: {  	s20 =	simm.s32 $0x2000;
	s21 =	simm.s32 $0x400;
	s17 =	simm.s32 $0x40;
	v12 =	vld [tilespmem:s14+$0xFFFFFFD0];
	[tilespmem:s13+$0xFFFFFFD0] =	vst v5;
	v5 =	vmul.f32 $4.525483320e+01, v7  }
0x124: {  	s17 =	sand.u32 $0xE00, s17;
	s16 =	sand.u32 $0xFFFF0000, s21;
	v13 =	vld [tilespmem:s14+$0xFFFFFFE0];
	v11 =	vmul.f32 $4.525483320e+01, v11;
	[tilespmem:s13+$0xFFFFFFE0] =	vst v4  }
0x125: {  	s15 =	sand.u32 $0xFFFF0000, s20;
	s16 =	sor.u32 s17, s16;
	v6 =	vld [tilespmem:s14+$0xFFFFFFF0];
	v4 =	vmul.f32 $4.525483320e+01, v8;
	[tilespmem:s13+$0xFFFFFFF0] =	vst v5  }
0x126: {  	s15 =	ssub.s32 s16, s15;
	v7 =	vld [tilespmem:s14+$0x0];
	v8 =	vmul.f32 $4.525483320e+01, v9;
	[tilespmem:s14+$0xFFFFFFC0] =	vst v11;
	v9 =	vmul.f32 $4.525483320e+01, v3  }
0x127: {  	s15 =	sshra.s32 s15, $0x2;
	v5 =	vld [tilespmem:s14+$0x10];
	[tilespmem:s13+$0x0] =	vst v4  }
0x128: {  	s15 =	sadd.s32 $0x10940, s15;
	v3 =	vld [tilespmem:s14+$0x20];
	[tilespmem:s14+$0x30] =	vst v9;
	v9 =	vmul.f32 $4.525483320e+01, v12  }
0x129: {  	s18 =	simm.s32 $0x180;
	s17 =	simm.s32 $0x10940;
	s16 =	simm.s32 $0x100;
	[tilespmem:s13+$0x10] =	vst v8;
	v4 =	vmul.f32 $4.525483320e+01, v10;
	v8 =	vld [tilespmem:s15+$0x30];
	v10 =	vmul.f32 $4.525483320e+01, v13  }
.LBB2_6:
0x12a: {  	s19 =	sshll.u32 s18, $0x5;
	v11 =	vld [tilespmem:s15+$0xFFFFFFC0];
	[tilespmem:s14+$0xFFFFFFD0] =	vst v9;
	v6 =	vmul.f32 $4.525483320e+01, v6  }
0x12b: {  	s20 =	sshll.u32 s18, $0x2;
	s21 =	sshrl.u32 s18, $0x2;
	s16 =	sadd.s32 $0x80, s16;
	v9 =	vld [tilespmem:s15+$0xFFFFFFD0];
	[tilespmem:s14+$0xFFFFFFE0] =	vst v10;
	v7 =	vmul.f32 $4.525483320e+01, v7  }
0x12c: {  	s20 =	sand.u32 $0xFFFF0000, s20;
	s21 =	sand.u32 $0xE00, s21;
	p0 =	slt.u32 s16, $0x7F80;
	v10 =	vld [tilespmem:s15+$0xFFFFFFE0];
	[tilespmem:s14+$0xFFFFFFF0] =	vst v6  }
.Ltmp2:
0x12d: {  	s19 =	sand.u32 $0xFFFF0000, s19;
	s20 =	sor.u32 s21, s20;
	v12 =	vmul.f32 $4.525483320e+01, v5;
	v6 =	vld [tilespmem:s15+$0xFFFFFFF0];
	[tilespmem:s14+$0x0] =	vst v7;
	v3 =	vmul.f32 $4.525483320e+01, v3;
	(pc) =	sbr.rel @p0 .LBB2_6-.Ltmp2, $4  }
0x12e: {  	s19 =	ssub.s32 s20, s19;
	v7 =	vld [tilespmem:s15+$0x0];
	v8 =	vmul.f32 $4.525483320e+01, v8;
	[tilespmem:s13+$0x20] =	vst v4;
	s13 =	smov.u32 s14;
	s14 =	smov.u32 s15  }
0x12f: {  	s17 =	sadd.s32 $0x400, s17;
	s15 =	sshra.s32 s19, $0x2;
	v11 =	vmul.f32 $4.525483320e+01, v11;
	v5 =	vld [tilespmem:s14+$0x10];
	[tilespmem:s13+$0x10] =	vst v12;
	v4 =	vmov v3  }
0x130: {  	s15 =	sadd.s32 s15, s17;
	v9 =	vmul.f32 $4.525483320e+01, v9;
	v3 =	vld [tilespmem:s14+$0x20];
	[tilespmem:s14+$0x30] =	vst v8  }
0x131: {  	s18 =	sadd.s32 $0x80, s18;
	v8 =	vld [tilespmem:s15+$0x30];
	[tilespmem:s14+$0xFFFFFFC0] =	vst v11;
	v10 =	vmul.f32 $4.525483320e+01, v10  }
0x132: {  	v11 =	vld [tilespmem:s15+$0xFFFFFFC0];
	[tilespmem:s14+$0xFFFFFFD0] =	vst v9  }
0x133: {  	v6 =	vmul.f32 $4.525483320e+01, v6;
	[tilespmem:s13+$0x20] =	vst v4  }
0x134: {  	[tilespmem:s14+$0xFFFFFFE0] =	vst v10;
	v7 =	vmul.f32 $4.525483320e+01, v7;
	v10 =	vld [tilespmem:s15+$0xFFFFFFE0]  }
0x135: {  	v9 =	vld [tilespmem:s15+$0xFFFFFFD0];
	[tilespmem:s14+$0xFFFFFFF0] =	vst v6;
	v5 =	vmul.f32 $4.525483320e+01, v5  }
0x136: {  	[tilespmem:s14+$0x0] =	vst v7;
	v7 =	vld [tilespmem:s15+$0x0];
	v8 =	vmul.f32 $4.525483320e+01, v8  }
0x137: {  	v6 =	vld [tilespmem:s15+$0xFFFFFFF0];
	[tilespmem:s14+$0x10] =	vst v5;
	v4 =	vmul.f32 $4.525483320e+01, v11  }
0x138: {  	v3 =	vmul.f32 $4.525483320e+01, v3;
	v5 =	vld [tilespmem:s15+$0x10];
	[tilespmem:s15+$0x30] =	vst v8  }
0x139: {  	v8 =	vld [tilespmem:s15+$0x20];
	[tilespmem:s15+$0xFFFFFFC0] =	vst v4;
	v4 =	vmul.f32 $4.525483320e+01, v10  }
0x13a: {  	v9 =	vmul.f32 $4.525483320e+01, v9;
	[tilespmem:s14+$0x20] =	vst v3  }
0x13b: {  	[tilespmem:s15+$0xFFFFFFE0] =	vst v4;
	v4 =	vmul.f32 $4.525483320e+01, v7  }
0x13c: {  	[tilespmem:s15+$0xFFFFFFD0] =	vst v9;
	v6 =	vmul.f32 $4.525483320e+01, v6  }
0x13d: {  	[tilespmem:s15+$0x0] =	vst v4;
	v4 =	vmul.f32 $4.525483320e+01, v5  }
0x13e: {  	[tilespmem:s15+$0xFFFFFFF0] =	vst v6;
	v5 =	vmul.f32 $4.525483320e+01, v8  }
0x13f: {  	[tilespmem:s15+$0x10] =	vst v4  }
0x140: {  	[tilespmem:s15+$0x20] =	vst v5  }
0x141: {  	s13 =	simm.s32 $0x0;
	s14 =	rddreg [dreg:$0x7]  }
0x142: {  	[hbm4b:s14+s13] =	stream.linear.scatter [tilespmem:s28], [sflag:$0x6], $0x8000, $0x38;
	[tilespmem:$0x18100] =	vst v63  }
0x143: {  	_ =	swait.ge [sflag:s1], $0x8000  }
0x144: {  	[sflag:s1] =	ssyncset.done $0x0  }
0x145: {  	[sflag:s1] =	ssyncadd.s32 $0xFFFF8000  }
0x146: {  	v3 =	vld [tilespmem:$0x40];
	_ =	sdelay $0x4  }
0x147: {  	v4 =	vshll.u32 v3, $0x4  }
0x148: {  	v3 =	vand.u32 $0x7, v3;
	v4 =	vand.u32 $0xFFFFFF80, v4  }
0x149: {  	v3 =	vor.u32 v3, v4  }
0x14a: {  	v4 =	vperm.xlane v3, v0;
	_ =	sdelay $0x1  }
0x14b: {  	v4 =	vadd.s32 v1, v4;
	_ =	sdelay $0x4  }
0x14c: {  	[tilespmem:s25], [sflag:$0x2] =	stream.indirect_vreg.gather [hbm4b:s2+s13], $0x80, v4, vm0, $0xb8;
	[tilespmem:$0x18100] =	vst v63  }
0x14d: {  	s18 =	simm.s32 $0x8900  }
0x14e: {  	[tilespmem:s18], [sflag:$0x2] =	stream.indirect_vreg.gather [hbm4b:s5+s13], $0x80, v4, vm0, $0xb8;
	[tilespmem:$0x18100] =	vst v63  }
0x14f: {  	s19 =	simm.s32 $0x9100  }
0x150: {  	[tilespmem:s19], [sflag:$0x2] =	stream.indirect_vreg.gather [hbm4b:s6+s13], $0x80, v4, vm0, $0xb8;
	[tilespmem:$0x18100] =	vst v63  }
0x151: {  	s20 =	simm.s32 $0x9900  }
0x152: {  	[tilespmem:s20], [sflag:$0x2] =	stream.indirect_vreg.gather [hbm4b:s7+s13], $0x80, v4, vm0, $0xb8;
	[tilespmem:$0x18100] =	vst v63  }
0x153: {  	s21 =	simm.s32 $0xA100  }
0x154: {  	[tilespmem:s21], [sflag:$0x2] =	stream.indirect_vreg.gather [hbm4b:s8+s13], $0x80, v4, vm0, $0xb8;
	[tilespmem:$0x18100] =	vst v63  }
0x155: {  	s15 =	simm.s32 $0xA900;
	v3 =	vperm.xlane v3, v2  }
0x156: {  	[tilespmem:s15], [sflag:$0x2] =	stream.indirect_vreg.gather [hbm4b:s9+s13], $0x80, v4, vm0, $0xb8;
	[tilespmem:$0x18100] =	vst v63  }
0x157: {  	s16 =	simm.s32 $0xB100;
	v3 =	vadd.s32 v1, v3  }
0x158: {  	[tilespmem:s16], [sflag:$0x2] =	stream.indirect_vreg.gather [hbm4b:s10+s13], $0x80, v4, vm0, $0xb8;
	[tilespmem:$0x18100] =	vst v63  }
0x159: {  	s17 =	simm.s32 $0xB900  }
0x15a: {  	[tilespmem:s17], [sflag:$0x2] =	stream.indirect_vreg.gather [hbm4b:s11+s13], $0x80, v4, vm0, $0xb8;
	[tilespmem:$0x18100] =	vst v63  }
0x15b: {  	s18 =	simm.s32 $0xC100  }
0x15c: {  	[tilespmem:s18], [sflag:$0x2] =	stream.indirect_vreg.gather [hbm4b:s2+s13], $0x80, v3, vm0, $0xb8;
	[tilespmem:$0x18100] =	vst v63  }
0x15d: {  	s19 =	simm.s32 $0xC900  }
0x15e: {  	[tilespmem:s19], [sflag:$0x2] =	stream.indirect_vreg.gather [hbm4b:s5+s13], $0x80, v3, vm0, $0xb8;
	[tilespmem:$0x18100] =	vst v63  }
0x15f: {  	s20 =	simm.s32 $0xD100  }
0x160: {  	[tilespmem:s20], [sflag:$0x2] =	stream.indirect_vreg.gather [hbm4b:s6+s13], $0x80, v3, vm0, $0xb8;
	[tilespmem:$0x18100] =	vst v63  }
0x161: {  	s21 =	simm.s32 $0xD900  }
0x162: {  	[tilespmem:s21], [sflag:$0x2] =	stream.indirect_vreg.gather [hbm4b:s7+s13], $0x80, v3, vm0, $0xb8;
	[tilespmem:$0x18100] =	vst v63  }
0x163: {  	s15 =	simm.s32 $0xE100  }
0x164: {  	[tilespmem:s15], [sflag:$0x2] =	stream.indirect_vreg.gather [hbm4b:s8+s13], $0x80, v3, vm0, $0xb8;
	[tilespmem:$0x18100] =	vst v63  }
0x165: {  	s16 =	simm.s32 $0xE900  }
0x166: {  	[tilespmem:s16], [sflag:$0x2] =	stream.indirect_vreg.gather [hbm4b:s9+s13], $0x80, v3, vm0, $0xb8;
	[tilespmem:$0x18100] =	vst v63  }
0x167: {  	s17 =	simm.s32 $0xF100  }
0x168: {  	[tilespmem:s17], [sflag:$0x2] =	stream.indirect_vreg.gather [hbm4b:s10+s13], $0x80, v3, vm0, $0xb8;
	[tilespmem:$0x18100] =	vst v63  }
0x169: {  	s18 =	simm.s32 $0xF900;
	s19 =	simm.s32 $0x0;
	s20 =	simm.s32 $0x0  }
0x16a: {  	[tilespmem:s18], [sflag:$0x2] =	stream.indirect_vreg.gather [hbm4b:s11+s13], $0x80, v3, vm0, $0xb8;
	[tilespmem:$0x18100] =	vst v63  }
0x16b: {  	s14 =	sand.u32 $0xE00, s20;
	s21 =	simm.s32 $0x0;
	s13 =	sand.u32 $0xFFFF0000, s19  }
0x16c: {  	s16 =	sand.u32 $0xFFFF0000, s21;
	s13 =	sor.u32 s14, s13  }
0x16d: {  	_ =	swait.ge [sflag:s26], $0x8000;
	s13 =	ssub.s32 s13, s16  }
0x16e: {  	[sflag:s26] =	ssyncset.done $0x0;
	s13 =	sshra.s32 s13, $0x2  }
0x16f: {  	[sflag:s26] =	ssyncadd.s32 $0xFFFF8000;
	s13 =	sadd.s32 $0x140, s13  }
0x170: {  	s17 =	simm.s32 $0x200;
	s18 =	simm.s32 $0x20;
	v3 =	vld [tilespmem:s13+$0x30]  }
0x171: {  	s14 =	sand.u32 $0xFFFF0000, s17;
	s15 =	sand.u32 $0xE00, s18;
	s16 =	simm.s32 $0x1000;
	v4 =	vld [tilespmem:s13+$0xFFFFFFC0]  }
0x172: {  	s14 =	sor.u32 s15, s14;
	s19 =	sand.u32 $0xFFFF0000, s16;
	v5 =	vld [tilespmem:s13+$0xFFFFFFD0]  }
0x173: {  	s14 =	ssub.s32 s14, s19;
	v6 =	vld [tilespmem:s13+$0xFFFFFFE0]  }
0x174: {  	v7 =	vld [tilespmem:s13+$0xFFFFFFF0];
	s14 =	sshra.s32 s14, $0x2  }
0x175: {  	v8 =	vld [tilespmem:s13+$0x0];
	s14 =	sadd.s32 $0x540, s14  }
0x176: {  	v11 =	vld [tilespmem:s14+$0xFFFFFFC0];
	v3 =	vmul.f32 $4.525483320e+01, v3  }
0x177: {  	v9 =	vld [tilespmem:s13+$0x10];
	v4 =	vmul.f32 $4.525483320e+01, v4  }
0x178: {  	v5 =	vmul.f32 $4.525483320e+01, v5;
	[tilespmem:s13+$0x30] =	vst v3;
	v3 =	vld [tilespmem:s14+$0x30]  }
0x179: {  	v10 =	vld [tilespmem:s13+$0x20];
	[tilespmem:s13+$0xFFFFFFC0] =	vst v4;
	v4 =	vmul.f32 $4.525483320e+01, v6  }
0x17a: {  	s20 =	simm.s32 $0x2000;
	s21 =	simm.s32 $0x400;
	s17 =	simm.s32 $0x40;
	v12 =	vld [tilespmem:s14+$0xFFFFFFD0];
	[tilespmem:s13+$0xFFFFFFD0] =	vst v5;
	v5 =	vmul.f32 $4.525483320e+01, v7  }
0x17b: {  	s17 =	sand.u32 $0xE00, s17;
	s16 =	sand.u32 $0xFFFF0000, s21;
	v13 =	vld [tilespmem:s14+$0xFFFFFFE0];
	v11 =	vmul.f32 $4.525483320e+01, v11;
	[tilespmem:s13+$0xFFFFFFE0] =	vst v4  }
0x17c: {  	s15 =	sand.u32 $0xFFFF0000, s20;
	s16 =	sor.u32 s17, s16;
	v6 =	vld [tilespmem:s14+$0xFFFFFFF0];
	v4 =	vmul.f32 $4.525483320e+01, v8;
	[tilespmem:s13+$0xFFFFFFF0] =	vst v5  }
0x17d: {  	s15 =	ssub.s32 s16, s15;
	v7 =	vld [tilespmem:s14+$0x0];
	v8 =	vmul.f32 $4.525483320e+01, v9;
	[tilespmem:s14+$0xFFFFFFC0] =	vst v11;
	v9 =	vmul.f32 $4.525483320e+01, v3  }
0x17e: {  	s15 =	sshra.s32 s15, $0x2;
	v5 =	vld [tilespmem:s14+$0x10];
	[tilespmem:s13+$0x0] =	vst v4  }
0x17f: {  	s15 =	sadd.s32 $0x940, s15;
	v3 =	vld [tilespmem:s14+$0x20];
	[tilespmem:s14+$0x30] =	vst v9;
	v9 =	vmul.f32 $4.525483320e+01, v12  }
0x180: {  	s18 =	simm.s32 $0x180;
	s17 =	simm.s32 $0x940;
	s16 =	simm.s32 $0x100;
	[tilespmem:s13+$0x10] =	vst v8;
	v4 =	vmul.f32 $4.525483320e+01, v10;
	v8 =	vld [tilespmem:s15+$0x30];
	v10 =	vmul.f32 $4.525483320e+01, v13  }
.LBB2_8:
0x181: {  	s19 =	sshll.u32 s18, $0x5;
	v11 =	vld [tilespmem:s15+$0xFFFFFFC0];
	[tilespmem:s14+$0xFFFFFFD0] =	vst v9;
	v6 =	vmul.f32 $4.525483320e+01, v6  }
0x182: {  	s20 =	sshll.u32 s18, $0x2;
	s21 =	sshrl.u32 s18, $0x2;
	s16 =	sadd.s32 $0x80, s16;
	v9 =	vld [tilespmem:s15+$0xFFFFFFD0];
	[tilespmem:s14+$0xFFFFFFE0] =	vst v10;
	v7 =	vmul.f32 $4.525483320e+01, v7  }
0x183: {  	s20 =	sand.u32 $0xFFFF0000, s20;
	s21 =	sand.u32 $0xE00, s21;
	p0 =	slt.u32 s16, $0x7F80;
	v10 =	vld [tilespmem:s15+$0xFFFFFFE0];
	[tilespmem:s14+$0xFFFFFFF0] =	vst v6  }
.Ltmp3:
0x184: {  	s19 =	sand.u32 $0xFFFF0000, s19;
	s20 =	sor.u32 s21, s20;
	v12 =	vmul.f32 $4.525483320e+01, v5;
	v6 =	vld [tilespmem:s15+$0xFFFFFFF0];
	[tilespmem:s14+$0x0] =	vst v7;
	v3 =	vmul.f32 $4.525483320e+01, v3;
	(pc) =	sbr.rel @p0 .LBB2_8-.Ltmp3, $4  }
0x185: {  	s19 =	ssub.s32 s20, s19;
	v7 =	vld [tilespmem:s15+$0x0];
	v8 =	vmul.f32 $4.525483320e+01, v8;
	[tilespmem:s13+$0x20] =	vst v4;
	s13 =	smov.u32 s14;
	s14 =	smov.u32 s15  }
0x186: {  	s17 =	sadd.s32 $0x400, s17;
	s15 =	sshra.s32 s19, $0x2;
	v11 =	vmul.f32 $4.525483320e+01, v11;
	v5 =	vld [tilespmem:s14+$0x10];
	[tilespmem:s13+$0x10] =	vst v12;
	v4 =	vmov v3  }
0x187: {  	s15 =	sadd.s32 s15, s17;
	v9 =	vmul.f32 $4.525483320e+01, v9;
	v3 =	vld [tilespmem:s14+$0x20];
	[tilespmem:s14+$0x30] =	vst v8  }
0x188: {  	s18 =	sadd.s32 $0x80, s18;
	v8 =	vld [tilespmem:s15+$0x30];
	[tilespmem:s14+$0xFFFFFFC0] =	vst v11;
	v10 =	vmul.f32 $4.525483320e+01, v10  }
0x189: {  	v11 =	vld [tilespmem:s15+$0xFFFFFFC0];
	[tilespmem:s14+$0xFFFFFFD0] =	vst v9  }
0x18a: {  	v6 =	vmul.f32 $4.525483320e+01, v6;
	[tilespmem:s13+$0x20] =	vst v4  }
0x18b: {  	[tilespmem:s14+$0xFFFFFFE0] =	vst v10;
	v7 =	vmul.f32 $4.525483320e+01, v7;
	v10 =	vld [tilespmem:s15+$0xFFFFFFE0]  }
0x18c: {  	v9 =	vld [tilespmem:s15+$0xFFFFFFD0];
	[tilespmem:s14+$0xFFFFFFF0] =	vst v6;
	v5 =	vmul.f32 $4.525483320e+01, v5  }
0x18d: {  	[tilespmem:s14+$0x0] =	vst v7;
	v7 =	vld [tilespmem:s15+$0x0];
	v8 =	vmul.f32 $4.525483320e+01, v8  }
0x18e: {  	v6 =	vld [tilespmem:s15+$0xFFFFFFF0];
	[tilespmem:s14+$0x10] =	vst v5;
	v4 =	vmul.f32 $4.525483320e+01, v11  }
0x18f: {  	v3 =	vmul.f32 $4.525483320e+01, v3;
	v5 =	vld [tilespmem:s15+$0x10];
	[tilespmem:s15+$0x30] =	vst v8  }
0x190: {  	v8 =	vld [tilespmem:s15+$0x20];
	[tilespmem:s15+$0xFFFFFFC0] =	vst v4;
	v4 =	vmul.f32 $4.525483320e+01, v10  }
0x191: {  	v9 =	vmul.f32 $4.525483320e+01, v9;
	[tilespmem:s14+$0x20] =	vst v3  }
0x192: {  	[tilespmem:s15+$0xFFFFFFE0] =	vst v4;
	v4 =	vmul.f32 $4.525483320e+01, v7  }
0x193: {  	[tilespmem:s15+$0xFFFFFFD0] =	vst v9;
	v6 =	vmul.f32 $4.525483320e+01, v6  }
0x194: {  	[tilespmem:s15+$0x0] =	vst v4;
	v4 =	vmul.f32 $4.525483320e+01, v5  }
0x195: {  	[tilespmem:s15+$0xFFFFFFF0] =	vst v6;
	v5 =	vmul.f32 $4.525483320e+01, v8  }
0x196: {  	[tilespmem:s15+$0x10] =	vst v4  }
0x197: {  	[tilespmem:s15+$0x20] =	vst v5  }
0x198: {  	s13 =	simm.s32 $0x0;
	s14 =	rddreg [dreg:$0x8]  }
0x199: {  	[hbm4b:s14+s13] =	stream.linear.scatter [tilespmem:s31], [sflag:$0x4], $0x8000, $0x38;
	[tilespmem:$0x18100] =	vst v63  }
0x19a: {  	_ =	swait.ge [sflag:s0], $0x8000  }
0x19b: {  	[sflag:s0] =	ssyncset.done $0x0  }
0x19c: {  	[sflag:s0] =	ssyncadd.s32 $0xFFFF8000  }
0x19d: {  	v3 =	vld [tilespmem:$0x50];
	_ =	sdelay $0x4  }
0x19e: {  	v4 =	vshll.u32 v3, $0x4  }
0x19f: {  	v3 =	vand.u32 $0x7, v3;
	v4 =	vand.u32 $0xFFFFFF80, v4  }
0x1a0: {  	v3 =	vor.u32 v3, v4  }
0x1a1: {  	v4 =	vperm.xlane v3, v0;
	_ =	sdelay $0x1  }
0x1a2: {  	v4 =	vadd.s32 v1, v4;
	_ =	sdelay $0x4  }
0x1a3: {  	[tilespmem:s28], [sflag:$0x3] =	stream.indirect_vreg.gather [hbm4b:s2+s13], $0x80, v4, vm0, $0xb8;
	[tilespmem:$0x18100] =	vst v63  }
0x1a4: {  	s18 =	simm.s32 $0x10900  }
0x1a5: {  	[tilespmem:s18], [sflag:$0x3] =	stream.indirect_vreg.gather [hbm4b:s5+s13], $0x80, v4, vm0, $0xb8;
	[tilespmem:$0x18100] =	vst v63  }
0x1a6: {  	s19 =	simm.s32 $0x11100  }
0x1a7: {  	[tilespmem:s19], [sflag:$0x3] =	stream.indirect_vreg.gather [hbm4b:s6+s13], $0x80, v4, vm0, $0xb8;
	[tilespmem:$0x18100] =	vst v63  }
0x1a8: {  	s20 =	simm.s32 $0x11900  }
0x1a9: {  	[tilespmem:s20], [sflag:$0x3] =	stream.indirect_vreg.gather [hbm4b:s7+s13], $0x80, v4, vm0, $0xb8;
	[tilespmem:$0x18100] =	vst v63  }
0x1aa: {  	s21 =	simm.s32 $0x12100  }
0x1ab: {  	[tilespmem:s21], [sflag:$0x3] =	stream.indirect_vreg.gather [hbm4b:s8+s13], $0x80, v4, vm0, $0xb8;
	[tilespmem:$0x18100] =	vst v63  }
0x1ac: {  	s15 =	simm.s32 $0x12900;
	v3 =	vperm.xlane v3, v2  }
0x1ad: {  	[tilespmem:s15], [sflag:$0x3] =	stream.indirect_vreg.gather [hbm4b:s9+s13], $0x80, v4, vm0, $0xb8;
	[tilespmem:$0x18100] =	vst v63  }
0x1ae: {  	s16 =	simm.s32 $0x13100;
	v3 =	vadd.s32 v1, v3  }
0x1af: {  	[tilespmem:s16], [sflag:$0x3] =	stream.indirect_vreg.gather [hbm4b:s10+s13], $0x80, v4, vm0, $0xb8;
	[tilespmem:$0x18100] =	vst v63  }
0x1b0: {  	s17 =	simm.s32 $0x13900  }
0x1b1: {  	[tilespmem:s17], [sflag:$0x3] =	stream.indirect_vreg.gather [hbm4b:s11+s13], $0x80, v4, vm0, $0xb8;
	[tilespmem:$0x18100] =	vst v63  }
0x1b2: {  	s18 =	simm.s32 $0x14100  }
0x1b3: {  	[tilespmem:s18], [sflag:$0x3] =	stream.indirect_vreg.gather [hbm4b:s2+s13], $0x80, v3, vm0, $0xb8;
	[tilespmem:$0x18100] =	vst v63  }
0x1b4: {  	s19 =	simm.s32 $0x14900  }
0x1b5: {  	[tilespmem:s19], [sflag:$0x3] =	stream.indirect_vreg.gather [hbm4b:s5+s13], $0x80, v3, vm0, $0xb8;
	[tilespmem:$0x18100] =	vst v63  }
0x1b6: {  	s20 =	simm.s32 $0x15100  }
0x1b7: {  	[tilespmem:s20], [sflag:$0x3] =	stream.indirect_vreg.gather [hbm4b:s6+s13], $0x80, v3, vm0, $0xb8;
	[tilespmem:$0x18100] =	vst v63  }
0x1b8: {  	s21 =	simm.s32 $0x15900  }
0x1b9: {  	[tilespmem:s21], [sflag:$0x3] =	stream.indirect_vreg.gather [hbm4b:s7+s13], $0x80, v3, vm0, $0xb8;
	[tilespmem:$0x18100] =	vst v63  }
0x1ba: {  	s15 =	simm.s32 $0x16100  }
0x1bb: {  	[tilespmem:s15], [sflag:$0x3] =	stream.indirect_vreg.gather [hbm4b:s8+s13], $0x80, v3, vm0, $0xb8;
	[tilespmem:$0x18100] =	vst v63  }
0x1bc: {  	s16 =	simm.s32 $0x16900  }
0x1bd: {  	[tilespmem:s16], [sflag:$0x3] =	stream.indirect_vreg.gather [hbm4b:s9+s13], $0x80, v3, vm0, $0xb8;
	[tilespmem:$0x18100] =	vst v63  }
0x1be: {  	s17 =	simm.s32 $0x17100  }
0x1bf: {  	[tilespmem:s17], [sflag:$0x3] =	stream.indirect_vreg.gather [hbm4b:s10+s13], $0x80, v3, vm0, $0xb8;
	[tilespmem:$0x18100] =	vst v63  }
0x1c0: {  	s18 =	simm.s32 $0x17900;
	s19 =	simm.s32 $0x0;
	s20 =	simm.s32 $0x0  }
0x1c1: {  	[tilespmem:s18], [sflag:$0x3] =	stream.indirect_vreg.gather [hbm4b:s11+s13], $0x80, v3, vm0, $0xb8;
	[tilespmem:$0x18100] =	vst v63  }
0x1c2: {  	s14 =	sand.u32 $0xE00, s20;
	s21 =	simm.s32 $0x0;
	s13 =	sand.u32 $0xFFFF0000, s19  }
0x1c3: {  	s16 =	sand.u32 $0xFFFF0000, s21;
	s13 =	sor.u32 s14, s13  }
0x1c4: {  	_ =	swait.ge [sflag:s29], $0x8000;
	s13 =	ssub.s32 s13, s16  }
0x1c5: {  	[sflag:s29] =	ssyncset.done $0x0;
	s13 =	sshra.s32 s13, $0x2  }
0x1c6: {  	[sflag:s29] =	ssyncadd.s32 $0xFFFF8000;
	s13 =	sadd.s32 $0x8140, s13  }
0x1c7: {  	s17 =	simm.s32 $0x200;
	s18 =	simm.s32 $0x20;
	v3 =	vld [tilespmem:s13+$0x30]  }
0x1c8: {  	s14 =	sand.u32 $0xFFFF0000, s17;
	s15 =	sand.u32 $0xE00, s18;
	s16 =	simm.s32 $0x1000;
	v4 =	vld [tilespmem:s13+$0xFFFFFFC0]  }
0x1c9: {  	s14 =	sor.u32 s15, s14;
	s19 =	sand.u32 $0xFFFF0000, s16;
	v5 =	vld [tilespmem:s13+$0xFFFFFFD0]  }
0x1ca: {  	s14 =	ssub.s32 s14, s19;
	v6 =	vld [tilespmem:s13+$0xFFFFFFE0]  }
0x1cb: {  	v7 =	vld [tilespmem:s13+$0xFFFFFFF0];
	s14 =	sshra.s32 s14, $0x2  }
0x1cc: {  	v8 =	vld [tilespmem:s13+$0x0];
	s14 =	sadd.s32 $0x8540, s14  }
0x1cd: {  	v11 =	vld [tilespmem:s14+$0xFFFFFFC0];
	v3 =	vmul.f32 $4.525483320e+01, v3  }
0x1ce: {  	v9 =	vld [tilespmem:s13+$0x10];
	v4 =	vmul.f32 $4.525483320e+01, v4  }
0x1cf: {  	v5 =	vmul.f32 $4.525483320e+01, v5;
	[tilespmem:s13+$0x30] =	vst v3;
	v3 =	vld [tilespmem:s14+$0x30]  }
0x1d0: {  	v10 =	vld [tilespmem:s13+$0x20];
	[tilespmem:s13+$0xFFFFFFC0] =	vst v4;
	v4 =	vmul.f32 $4.525483320e+01, v6  }
0x1d1: {  	s20 =	simm.s32 $0x2000;
	s21 =	simm.s32 $0x400;
	s17 =	simm.s32 $0x40;
	v12 =	vld [tilespmem:s14+$0xFFFFFFD0];
	[tilespmem:s13+$0xFFFFFFD0] =	vst v5;
	v5 =	vmul.f32 $4.525483320e+01, v7  }
0x1d2: {  	s17 =	sand.u32 $0xE00, s17;
	s16 =	sand.u32 $0xFFFF0000, s21;
	v13 =	vld [tilespmem:s14+$0xFFFFFFE0];
	v11 =	vmul.f32 $4.525483320e+01, v11;
	[tilespmem:s13+$0xFFFFFFE0] =	vst v4  }
0x1d3: {  	s15 =	sand.u32 $0xFFFF0000, s20;
	s16 =	sor.u32 s17, s16;
	v6 =	vld [tilespmem:s14+$0xFFFFFFF0];
	v4 =	vmul.f32 $4.525483320e+01, v8;
	[tilespmem:s13+$0xFFFFFFF0] =	vst v5  }
0x1d4: {  	s15 =	ssub.s32 s16, s15;
	v7 =	vld [tilespmem:s14+$0x0];
	v8 =	vmul.f32 $4.525483320e+01, v9;
	[tilespmem:s14+$0xFFFFFFC0] =	vst v11;
	v9 =	vmul.f32 $4.525483320e+01, v3  }
0x1d5: {  	s15 =	sshra.s32 s15, $0x2;
	v5 =	vld [tilespmem:s14+$0x10];
	[tilespmem:s13+$0x0] =	vst v4  }
0x1d6: {  	s15 =	sadd.s32 $0x8940, s15;
	v3 =	vld [tilespmem:s14+$0x20];
	[tilespmem:s14+$0x30] =	vst v9;
	v9 =	vmul.f32 $4.525483320e+01, v12  }
0x1d7: {  	s18 =	simm.s32 $0x180;
	s17 =	simm.s32 $0x8940;
	s16 =	simm.s32 $0x100;
	[tilespmem:s13+$0x10] =	vst v8;
	v4 =	vmul.f32 $4.525483320e+01, v10;
	v8 =	vld [tilespmem:s15+$0x30];
	v10 =	vmul.f32 $4.525483320e+01, v13  }
.LBB2_10:
0x1d8: {  	s19 =	sshll.u32 s18, $0x5;
	v11 =	vld [tilespmem:s15+$0xFFFFFFC0];
	[tilespmem:s14+$0xFFFFFFD0] =	vst v9;
	v6 =	vmul.f32 $4.525483320e+01, v6  }
0x1d9: {  	s20 =	sshll.u32 s18, $0x2;
	s21 =	sshrl.u32 s18, $0x2;
	s16 =	sadd.s32 $0x80, s16;
	v9 =	vld [tilespmem:s15+$0xFFFFFFD0];
	[tilespmem:s14+$0xFFFFFFE0] =	vst v10;
	v7 =	vmul.f32 $4.525483320e+01, v7  }
0x1da: {  	s20 =	sand.u32 $0xFFFF0000, s20;
	s21 =	sand.u32 $0xE00, s21;
	p0 =	slt.u32 s16, $0x7F80;
	v10 =	vld [tilespmem:s15+$0xFFFFFFE0];
	[tilespmem:s14+$0xFFFFFFF0] =	vst v6  }
.Ltmp4:
0x1db: {  	s19 =	sand.u32 $0xFFFF0000, s19;
	s20 =	sor.u32 s21, s20;
	v12 =	vmul.f32 $4.525483320e+01, v5;
	v6 =	vld [tilespmem:s15+$0xFFFFFFF0];
	[tilespmem:s14+$0x0] =	vst v7;
	v3 =	vmul.f32 $4.525483320e+01, v3;
	(pc) =	sbr.rel @p0 .LBB2_10-.Ltmp4, $4  }
0x1dc: {  	s19 =	ssub.s32 s20, s19;
	v7 =	vld [tilespmem:s15+$0x0];
	v8 =	vmul.f32 $4.525483320e+01, v8;
	[tilespmem:s13+$0x20] =	vst v4;
	s13 =	smov.u32 s14;
	s14 =	smov.u32 s15  }
0x1dd: {  	s17 =	sadd.s32 $0x400, s17;
	s15 =	sshra.s32 s19, $0x2;
	v11 =	vmul.f32 $4.525483320e+01, v11;
	v5 =	vld [tilespmem:s14+$0x10];
	[tilespmem:s13+$0x10] =	vst v12;
	v4 =	vmov v3  }
0x1de: {  	s15 =	sadd.s32 s15, s17;
	v9 =	vmul.f32 $4.525483320e+01, v9;
	v3 =	vld [tilespmem:s14+$0x20];
	[tilespmem:s14+$0x30] =	vst v8  }
0x1df: {  	s18 =	sadd.s32 $0x80, s18;
	v8 =	vld [tilespmem:s15+$0x30];
	[tilespmem:s14+$0xFFFFFFC0] =	vst v11;
	v10 =	vmul.f32 $4.525483320e+01, v10  }
0x1e0: {  	v11 =	vld [tilespmem:s15+$0xFFFFFFC0];
	[tilespmem:s14+$0xFFFFFFD0] =	vst v9  }
0x1e1: {  	v6 =	vmul.f32 $4.525483320e+01, v6;
	[tilespmem:s13+$0x20] =	vst v4  }
0x1e2: {  	[tilespmem:s14+$0xFFFFFFE0] =	vst v10;
	v7 =	vmul.f32 $4.525483320e+01, v7;
	v10 =	vld [tilespmem:s15+$0xFFFFFFE0]  }
0x1e3: {  	v9 =	vld [tilespmem:s15+$0xFFFFFFD0];
	[tilespmem:s14+$0xFFFFFFF0] =	vst v6;
	v5 =	vmul.f32 $4.525483320e+01, v5  }
0x1e4: {  	[tilespmem:s14+$0x0] =	vst v7;
	v7 =	vld [tilespmem:s15+$0x0];
	v8 =	vmul.f32 $4.525483320e+01, v8  }
0x1e5: {  	v6 =	vld [tilespmem:s15+$0xFFFFFFF0];
	[tilespmem:s14+$0x10] =	vst v5;
	v4 =	vmul.f32 $4.525483320e+01, v11  }
0x1e6: {  	v3 =	vmul.f32 $4.525483320e+01, v3;
	v5 =	vld [tilespmem:s15+$0x10];
	[tilespmem:s15+$0x30] =	vst v8  }
0x1e7: {  	v8 =	vld [tilespmem:s15+$0x20];
	[tilespmem:s15+$0xFFFFFFC0] =	vst v4;
	v4 =	vmul.f32 $4.525483320e+01, v10  }
0x1e8: {  	v9 =	vmul.f32 $4.525483320e+01, v9;
	[tilespmem:s14+$0x20] =	vst v3  }
0x1e9: {  	[tilespmem:s15+$0xFFFFFFE0] =	vst v4;
	v4 =	vmul.f32 $4.525483320e+01, v7  }
0x1ea: {  	[tilespmem:s15+$0xFFFFFFD0] =	vst v9;
	v6 =	vmul.f32 $4.525483320e+01, v6  }
0x1eb: {  	[tilespmem:s15+$0x0] =	vst v4;
	v4 =	vmul.f32 $4.525483320e+01, v5  }
0x1ec: {  	[tilespmem:s15+$0xFFFFFFF0] =	vst v6;
	v5 =	vmul.f32 $4.525483320e+01, v8  }
0x1ed: {  	[tilespmem:s15+$0x10] =	vst v4  }
0x1ee: {  	[tilespmem:s15+$0x20] =	vst v5  }
0x1ef: {  	s13 =	simm.s32 $0x0;
	s14 =	rddreg [dreg:$0x9]  }
0x1f0: {  	[hbm4b:s14+s13] =	stream.linear.scatter [tilespmem:s25], [sflag:$0x5], $0x8000, $0x38;
	[tilespmem:$0x18100] =	vst v63  }
0x1f1: {  	_ =	swait.ge [sflag:s12], $0x8000  }
0x1f2: {  	[sflag:s12] =	ssyncset.done $0x0  }
0x1f3: {  	[sflag:s12] =	ssyncadd.s32 $0xFFFF8000  }
0x1f4: {  	v3 =	vld [tilespmem:$0x60];
	_ =	sdelay $0x4  }
0x1f5: {  	v4 =	vshll.u32 v3, $0x4  }
0x1f6: {  	v3 =	vand.u32 $0x7, v3;
	v4 =	vand.u32 $0xFFFFFF80, v4  }
0x1f7: {  	v3 =	vor.u32 v3, v4  }
0x1f8: {  	v4 =	vperm.xlane v3, v0;
	_ =	sdelay $0x1  }
0x1f9: {  	v4 =	vadd.s32 v1, v4;
	_ =	sdelay $0x4  }
0x1fa: {  	[tilespmem:s31], [sflag:$0x1] =	stream.indirect_vreg.gather [hbm4b:s2+s13], $0x80, v4, vm0, $0xb8;
	[tilespmem:$0x18100] =	vst v63  }
0x1fb: {  	s21 =	simm.s32 $0x900  }
0x1fc: {  	[tilespmem:s21], [sflag:$0x1] =	stream.indirect_vreg.gather [hbm4b:s5+s13], $0x80, v4, vm0, $0xb8;
	[tilespmem:$0x18100] =	vst v63  }
0x1fd: {  	s15 =	simm.s32 $0x1100  }
0x1fe: {  	[tilespmem:s15], [sflag:$0x1] =	stream.indirect_vreg.gather [hbm4b:s6+s13], $0x80, v4, vm0, $0xb8;
	[tilespmem:$0x18100] =	vst v63  }
0x1ff: {  	s16 =	simm.s32 $0x1900  }
0x200: {  	[tilespmem:s16], [sflag:$0x1] =	stream.indirect_vreg.gather [hbm4b:s7+s13], $0x80, v4, vm0, $0xb8;
	[tilespmem:$0x18100] =	vst v63  }
0x201: {  	s17 =	simm.s32 $0x2100  }
0x202: {  	[tilespmem:s17], [sflag:$0x1] =	stream.indirect_vreg.gather [hbm4b:s8+s13], $0x80, v4, vm0, $0xb8;
	[tilespmem:$0x18100] =	vst v63  }
0x203: {  	s18 =	simm.s32 $0x2900;
	v3 =	vperm.xlane v3, v2  }
0x204: {  	[tilespmem:s18], [sflag:$0x1] =	stream.indirect_vreg.gather [hbm4b:s9+s13], $0x80, v4, vm0, $0xb8;
	[tilespmem:$0x18100] =	vst v63  }
0x205: {  	s19 =	simm.s32 $0x3100;
	v3 =	vadd.s32 v1, v3  }
0x206: {  	[tilespmem:s19], [sflag:$0x1] =	stream.indirect_vreg.gather [hbm4b:s10+s13], $0x80, v4, vm0, $0xb8;
	[tilespmem:$0x18100] =	vst v63  }
0x207: {  	s20 =	simm.s32 $0x3900  }
0x208: {  	[tilespmem:s20], [sflag:$0x1] =	stream.indirect_vreg.gather [hbm4b:s11+s13], $0x80, v4, vm0, $0xb8;
	[tilespmem:$0x18100] =	vst v63  }
0x209: {  	s21 =	simm.s32 $0x4100  }
0x20a: {  	[tilespmem:s21], [sflag:$0x1] =	stream.indirect_vreg.gather [hbm4b:s2+s13], $0x80, v3, vm0, $0xb8;
	[tilespmem:$0x18100] =	vst v63  }
0x20b: {  	s15 =	simm.s32 $0x4900  }
0x20c: {  	[tilespmem:s15], [sflag:$0x1] =	stream.indirect_vreg.gather [hbm4b:s5+s13], $0x80, v3, vm0, $0xb8;
	[tilespmem:$0x18100] =	vst v63  }
0x20d: {  	s16 =	simm.s32 $0x5100  }
0x20e: {  	[tilespmem:s16], [sflag:$0x1] =	stream.indirect_vreg.gather [hbm4b:s6+s13], $0x80, v3, vm0, $0xb8;
	[tilespmem:$0x18100] =	vst v63  }
0x20f: {  	s17 =	simm.s32 $0x5900  }
0x210: {  	[tilespmem:s17], [sflag:$0x1] =	stream.indirect_vreg.gather [hbm4b:s7+s13], $0x80, v3, vm0, $0xb8;
	[tilespmem:$0x18100] =	vst v63  }
0x211: {  	s18 =	simm.s32 $0x6100  }
0x212: {  	[tilespmem:s18], [sflag:$0x1] =	stream.indirect_vreg.gather [hbm4b:s8+s13], $0x80, v3, vm0, $0xb8;
	[tilespmem:$0x18100] =	vst v63  }
0x213: {  	_ = 	snop  }
0x214: {  	[tilespmem:s22], [sflag:$0x1] =	stream.indirect_vreg.gather [hbm4b:s9+s13], $0x80, v3, vm0, $0xb8;
	[tilespmem:$0x18100] =	vst v63  }
0x215: {  	_ = 	snop  }
0x216: {  	[tilespmem:s23], [sflag:$0x1] =	stream.indirect_vreg.gather [hbm4b:s10+s13], $0x80, v3, vm0, $0xb8;
	[tilespmem:$0x18100] =	vst v63  }
0x217: {  	s19 =	simm.s32 $0x0;
	s20 =	simm.s32 $0x0  }
0x218: {  	[tilespmem:s24], [sflag:$0x1] =	stream.indirect_vreg.gather [hbm4b:s11+s13], $0x80, v3, vm0, $0xb8;
	[tilespmem:$0x18100] =	vst v63  }
0x219: {  	s14 =	sand.u32 $0xE00, s20;
	s21 =	simm.s32 $0x0;
	s13 =	sand.u32 $0xFFFF0000, s19  }
0x21a: {  	s16 =	sand.u32 $0xFFFF0000, s21;
	s13 =	sor.u32 s14, s13  }
0x21b: {  	_ =	swait.ge [sflag:s30], $0x8000;
	s13 =	ssub.s32 s13, s16  }
0x21c: {  	[sflag:s30] =	ssyncset.done $0x0;
	s13 =	sshra.s32 s13, $0x2  }
0x21d: {  	[sflag:s30] =	ssyncadd.s32 $0xFFFF8000;
	s13 =	sadd.s32 $0x10140, s13  }
0x21e: {  	s17 =	simm.s32 $0x200;
	s18 =	simm.s32 $0x20;
	v3 =	vld [tilespmem:s13+$0x30]  }
0x21f: {  	s15 =	sand.u32 $0xE00, s18;
	s14 =	sand.u32 $0xFFFF0000, s17;
	s16 =	simm.s32 $0x1000;
	v4 =	vld [tilespmem:s13+$0xFFFFFFC0]  }
0x220: {  	s14 =	sor.u32 s15, s14;
	s19 =	sand.u32 $0xFFFF0000, s16;
	v5 =	vld [tilespmem:s13+$0xFFFFFFD0]  }
0x221: {  	s14 =	ssub.s32 s14, s19;
	v6 =	vld [tilespmem:s13+$0xFFFFFFE0]  }
0x222: {  	v7 =	vld [tilespmem:s13+$0xFFFFFFF0];
	s14 =	sshra.s32 s14, $0x2  }
0x223: {  	v8 =	vld [tilespmem:s13+$0x0];
	s14 =	sadd.s32 $0x10540, s14  }
0x224: {  	v11 =	vld [tilespmem:s14+$0xFFFFFFC0];
	v3 =	vmul.f32 $4.525483320e+01, v3  }
0x225: {  	v9 =	vld [tilespmem:s13+$0x10];
	v4 =	vmul.f32 $4.525483320e+01, v4  }
0x226: {  	v5 =	vmul.f32 $4.525483320e+01, v5;
	[tilespmem:s13+$0x30] =	vst v3;
	v3 =	vld [tilespmem:s14+$0x30]  }
0x227: {  	v10 =	vld [tilespmem:s13+$0x20];
	[tilespmem:s13+$0xFFFFFFC0] =	vst v4;
	v4 =	vmul.f32 $4.525483320e+01, v6  }
0x228: {  	s20 =	simm.s32 $0x2000;
	s21 =	simm.s32 $0x400;
	s17 =	simm.s32 $0x40;
	v12 =	vld [tilespmem:s14+$0xFFFFFFD0];
	[tilespmem:s13+$0xFFFFFFD0] =	vst v5;
	v5 =	vmul.f32 $4.525483320e+01, v7  }
0x229: {  	s17 =	sand.u32 $0xE00, s17;
	s16 =	sand.u32 $0xFFFF0000, s21;
	v13 =	vld [tilespmem:s14+$0xFFFFFFE0];
	v11 =	vmul.f32 $4.525483320e+01, v11;
	[tilespmem:s13+$0xFFFFFFE0] =	vst v4  }
0x22a: {  	s15 =	sand.u32 $0xFFFF0000, s20;
	s16 =	sor.u32 s17, s16;
	v6 =	vld [tilespmem:s14+$0xFFFFFFF0];
	v4 =	vmul.f32 $4.525483320e+01, v8;
	[tilespmem:s13+$0xFFFFFFF0] =	vst v5  }
0x22b: {  	s15 =	ssub.s32 s16, s15;
	v7 =	vld [tilespmem:s14+$0x0];
	v8 =	vmul.f32 $4.525483320e+01, v9;
	[tilespmem:s14+$0xFFFFFFC0] =	vst v11;
	v9 =	vmul.f32 $4.525483320e+01, v3  }
0x22c: {  	s15 =	sshra.s32 s15, $0x2;
	v5 =	vld [tilespmem:s14+$0x10];
	[tilespmem:s13+$0x0] =	vst v4  }
0x22d: {  	s15 =	sadd.s32 $0x10940, s15;
	v3 =	vld [tilespmem:s14+$0x20];
	[tilespmem:s14+$0x30] =	vst v9;
	v9 =	vmul.f32 $4.525483320e+01, v12  }
0x22e: {  	s18 =	simm.s32 $0x180;
	s17 =	simm.s32 $0x10940;
	s16 =	simm.s32 $0x100;
	[tilespmem:s13+$0x10] =	vst v8;
	v4 =	vmul.f32 $4.525483320e+01, v10;
	v8 =	vld [tilespmem:s15+$0x30];
	v10 =	vmul.f32 $4.525483320e+01, v13  }
.LBB2_12:
0x22f: {  	s19 =	sshll.u32 s18, $0x5;
	v11 =	vld [tilespmem:s15+$0xFFFFFFC0];
	[tilespmem:s14+$0xFFFFFFD0] =	vst v9;
	v6 =	vmul.f32 $4.525483320e+01, v6  }
0x230: {  	s20 =	sshll.u32 s18, $0x2;
	s21 =	sshrl.u32 s18, $0x2;
	s16 =	sadd.s32 $0x80, s16;
	v9 =	vld [tilespmem:s15+$0xFFFFFFD0];
	[tilespmem:s14+$0xFFFFFFE0] =	vst v10;
	v7 =	vmul.f32 $4.525483320e+01, v7  }
0x231: {  	s20 =	sand.u32 $0xFFFF0000, s20;
	s21 =	sand.u32 $0xE00, s21;
	p0 =	slt.u32 s16, $0x7F80;
	v10 =	vld [tilespmem:s15+$0xFFFFFFE0];
	[tilespmem:s14+$0xFFFFFFF0] =	vst v6  }
.Ltmp5:
0x232: {  	s19 =	sand.u32 $0xFFFF0000, s19;
	s20 =	sor.u32 s21, s20;
	v12 =	vmul.f32 $4.525483320e+01, v5;
	v6 =	vld [tilespmem:s15+$0xFFFFFFF0];
	[tilespmem:s14+$0x0] =	vst v7;
	v3 =	vmul.f32 $4.525483320e+01, v3;
	(pc) =	sbr.rel @p0 .LBB2_12-.Ltmp5, $4  }
0x233: {  	s19 =	ssub.s32 s20, s19;
	v7 =	vld [tilespmem:s15+$0x0];
	v8 =	vmul.f32 $4.525483320e+01, v8;
	[tilespmem:s13+$0x20] =	vst v4;
	s13 =	smov.u32 s14;
	s14 =	smov.u32 s15  }
0x234: {  	s17 =	sadd.s32 $0x400, s17;
	s15 =	sshra.s32 s19, $0x2;
	v11 =	vmul.f32 $4.525483320e+01, v11;
	v5 =	vld [tilespmem:s14+$0x10];
	[tilespmem:s13+$0x10] =	vst v12;
	v4 =	vmov v3  }
0x235: {  	s15 =	sadd.s32 s15, s17;
	v9 =	vmul.f32 $4.525483320e+01, v9;
	v3 =	vld [tilespmem:s14+$0x20];
	[tilespmem:s14+$0x30] =	vst v8  }
0x236: {  	s18 =	sadd.s32 $0x80, s18;
	v8 =	vld [tilespmem:s15+$0x30];
	[tilespmem:s14+$0xFFFFFFC0] =	vst v11;
	v10 =	vmul.f32 $4.525483320e+01, v10  }
0x237: {  	v11 =	vld [tilespmem:s15+$0xFFFFFFC0];
	[tilespmem:s14+$0xFFFFFFD0] =	vst v9  }
0x238: {  	v6 =	vmul.f32 $4.525483320e+01, v6;
	[tilespmem:s13+$0x20] =	vst v4  }
0x239: {  	[tilespmem:s14+$0xFFFFFFE0] =	vst v10;
	v7 =	vmul.f32 $4.525483320e+01, v7;
	v10 =	vld [tilespmem:s15+$0xFFFFFFE0]  }
0x23a: {  	v9 =	vld [tilespmem:s15+$0xFFFFFFD0];
	[tilespmem:s14+$0xFFFFFFF0] =	vst v6;
	v5 =	vmul.f32 $4.525483320e+01, v5  }
0x23b: {  	[tilespmem:s14+$0x0] =	vst v7;
	v7 =	vld [tilespmem:s15+$0x0];
	v8 =	vmul.f32 $4.525483320e+01, v8  }
0x23c: {  	v6 =	vld [tilespmem:s15+$0xFFFFFFF0];
	[tilespmem:s14+$0x10] =	vst v5;
	v4 =	vmul.f32 $4.525483320e+01, v11  }
0x23d: {  	v3 =	vmul.f32 $4.525483320e+01, v3;
	v5 =	vld [tilespmem:s15+$0x10];
	[tilespmem:s15+$0x30] =	vst v8  }
0x23e: {  	v8 =	vld [tilespmem:s15+$0x20];
	[tilespmem:s15+$0xFFFFFFC0] =	vst v4;
	v4 =	vmul.f32 $4.525483320e+01, v10  }
0x23f: {  	v9 =	vmul.f32 $4.525483320e+01, v9;
	[tilespmem:s14+$0x20] =	vst v3  }
0x240: {  	[tilespmem:s15+$0xFFFFFFE0] =	vst v4;
	v4 =	vmul.f32 $4.525483320e+01, v7  }
0x241: {  	[tilespmem:s15+$0xFFFFFFD0] =	vst v9;
	v6 =	vmul.f32 $4.525483320e+01, v6  }
0x242: {  	[tilespmem:s15+$0x0] =	vst v4;
	v4 =	vmul.f32 $4.525483320e+01, v5  }
0x243: {  	[tilespmem:s15+$0xFFFFFFF0] =	vst v6;
	v5 =	vmul.f32 $4.525483320e+01, v8  }
0x244: {  	[tilespmem:s15+$0x10] =	vst v4  }
0x245: {  	[tilespmem:s15+$0x20] =	vst v5  }
0x246: {  	s13 =	simm.s32 $0x0;
	s14 =	rddreg [dreg:$0xa]  }
0x247: {  	[hbm4b:s14+s13] =	stream.linear.scatter [tilespmem:s28], [sflag:$0x6], $0x8000, $0x38;
	[tilespmem:$0x18100] =	vst v63  }
0x248: {  	_ =	swait.ge [sflag:s1], $0x8000  }
0x249: {  	[sflag:s1] =	ssyncset.done $0x0  }
0x24a: {  	[sflag:s1] =	ssyncadd.s32 $0xFFFF8000  }
0x24b: {  	v3 =	vld [tilespmem:$0x70];
	_ =	sdelay $0x4  }
0x24c: {  	v4 =	vshll.u32 v3, $0x4  }
0x24d: {  	v3 =	vand.u32 $0x7, v3;
	v4 =	vand.u32 $0xFFFFFF80, v4  }
0x24e: {  	v3 =	vor.u32 v3, v4  }
0x24f: {  	v4 =	vperm.xlane v3, v0;
	_ =	sdelay $0x1  }
0x250: {  	v4 =	vadd.s32 v1, v4;
	_ =	sdelay $0x4  }
0x251: {  	[tilespmem:s25], [sflag:$0x2] =	stream.indirect_vreg.gather [hbm4b:s2+s13], $0x80, v4, vm0, $0xb8;
	[tilespmem:$0x18100] =	vst v63  }
0x252: {  	s18 =	simm.s32 $0x8900  }
0x253: {  	[tilespmem:s18], [sflag:$0x2] =	stream.indirect_vreg.gather [hbm4b:s5+s13], $0x80, v4, vm0, $0xb8;
	[tilespmem:$0x18100] =	vst v63  }
0x254: {  	s19 =	simm.s32 $0x9100  }
0x255: {  	[tilespmem:s19], [sflag:$0x2] =	stream.indirect_vreg.gather [hbm4b:s6+s13], $0x80, v4, vm0, $0xb8;
	[tilespmem:$0x18100] =	vst v63  }
0x256: {  	s20 =	simm.s32 $0x9900  }
0x257: {  	[tilespmem:s20], [sflag:$0x2] =	stream.indirect_vreg.gather [hbm4b:s7+s13], $0x80, v4, vm0, $0xb8;
	[tilespmem:$0x18100] =	vst v63  }
0x258: {  	s21 =	simm.s32 $0xA100  }
0x259: {  	[tilespmem:s21], [sflag:$0x2] =	stream.indirect_vreg.gather [hbm4b:s8+s13], $0x80, v4, vm0, $0xb8;
	[tilespmem:$0x18100] =	vst v63  }
0x25a: {  	s15 =	simm.s32 $0xA900;
	v3 =	vperm.xlane v3, v2  }
0x25b: {  	[tilespmem:s15], [sflag:$0x2] =	stream.indirect_vreg.gather [hbm4b:s9+s13], $0x80, v4, vm0, $0xb8;
	[tilespmem:$0x18100] =	vst v63  }
0x25c: {  	s16 =	simm.s32 $0xB100;
	v3 =	vadd.s32 v1, v3  }
0x25d: {  	[tilespmem:s16], [sflag:$0x2] =	stream.indirect_vreg.gather [hbm4b:s10+s13], $0x80, v4, vm0, $0xb8;
	[tilespmem:$0x18100] =	vst v63  }
0x25e: {  	s17 =	simm.s32 $0xB900  }
0x25f: {  	[tilespmem:s17], [sflag:$0x2] =	stream.indirect_vreg.gather [hbm4b:s11+s13], $0x80, v4, vm0, $0xb8;
	[tilespmem:$0x18100] =	vst v63  }
0x260: {  	s18 =	simm.s32 $0xC100  }
0x261: {  	[tilespmem:s18], [sflag:$0x2] =	stream.indirect_vreg.gather [hbm4b:s2+s13], $0x80, v3, vm0, $0xb8;
	[tilespmem:$0x18100] =	vst v63  }
0x262: {  	s19 =	simm.s32 $0xC900  }
0x263: {  	[tilespmem:s19], [sflag:$0x2] =	stream.indirect_vreg.gather [hbm4b:s5+s13], $0x80, v3, vm0, $0xb8;
	[tilespmem:$0x18100] =	vst v63  }
0x264: {  	s20 =	simm.s32 $0xD100  }
0x265: {  	[tilespmem:s20], [sflag:$0x2] =	stream.indirect_vreg.gather [hbm4b:s6+s13], $0x80, v3, vm0, $0xb8;
	[tilespmem:$0x18100] =	vst v63  }
0x266: {  	s21 =	simm.s32 $0xD900  }
0x267: {  	[tilespmem:s21], [sflag:$0x2] =	stream.indirect_vreg.gather [hbm4b:s7+s13], $0x80, v3, vm0, $0xb8;
	[tilespmem:$0x18100] =	vst v63  }
0x268: {  	s15 =	simm.s32 $0xE100  }
0x269: {  	[tilespmem:s15], [sflag:$0x2] =	stream.indirect_vreg.gather [hbm4b:s8+s13], $0x80, v3, vm0, $0xb8;
	[tilespmem:$0x18100] =	vst v63  }
0x26a: {  	s16 =	simm.s32 $0xE900  }
0x26b: {  	[tilespmem:s16], [sflag:$0x2] =	stream.indirect_vreg.gather [hbm4b:s9+s13], $0x80, v3, vm0, $0xb8;
	[tilespmem:$0x18100] =	vst v63  }
0x26c: {  	s17 =	simm.s32 $0xF100  }
0x26d: {  	[tilespmem:s17], [sflag:$0x2] =	stream.indirect_vreg.gather [hbm4b:s10+s13], $0x80, v3, vm0, $0xb8;
	[tilespmem:$0x18100] =	vst v63  }
0x26e: {  	s18 =	simm.s32 $0xF900;
	s19 =	simm.s32 $0x0;
	s20 =	simm.s32 $0x0  }
0x26f: {  	[tilespmem:s18], [sflag:$0x2] =	stream.indirect_vreg.gather [hbm4b:s11+s13], $0x80, v3, vm0, $0xb8;
	[tilespmem:$0x18100] =	vst v63  }
0x270: {  	s14 =	sand.u32 $0xE00, s20;
	s21 =	simm.s32 $0x0;
	s13 =	sand.u32 $0xFFFF0000, s19  }
0x271: {  	s16 =	sand.u32 $0xFFFF0000, s21;
	s13 =	sor.u32 s14, s13  }
0x272: {  	_ =	swait.ge [sflag:s26], $0x8000;
	s13 =	ssub.s32 s13, s16  }
0x273: {  	[sflag:s26] =	ssyncset.done $0x0;
	s13 =	sshra.s32 s13, $0x2  }
0x274: {  	[sflag:s26] =	ssyncadd.s32 $0xFFFF8000;
	s13 =	sadd.s32 $0x140, s13  }
0x275: {  	s17 =	simm.s32 $0x200;
	s18 =	simm.s32 $0x20;
	v3 =	vld [tilespmem:s13+$0x30]  }
0x276: {  	s14 =	sand.u32 $0xFFFF0000, s17;
	s15 =	sand.u32 $0xE00, s18;
	s16 =	simm.s32 $0x1000;
	v4 =	vld [tilespmem:s13+$0xFFFFFFC0]  }
0x277: {  	s14 =	sor.u32 s15, s14;
	s19 =	sand.u32 $0xFFFF0000, s16;
	v5 =	vld [tilespmem:s13+$0xFFFFFFD0]  }
0x278: {  	s14 =	ssub.s32 s14, s19;
	v6 =	vld [tilespmem:s13+$0xFFFFFFE0]  }
0x279: {  	v7 =	vld [tilespmem:s13+$0xFFFFFFF0];
	s14 =	sshra.s32 s14, $0x2  }
0x27a: {  	v8 =	vld [tilespmem:s13+$0x0];
	s14 =	sadd.s32 $0x540, s14  }
0x27b: {  	v11 =	vld [tilespmem:s14+$0xFFFFFFC0];
	v3 =	vmul.f32 $4.525483320e+01, v3  }
0x27c: {  	v9 =	vld [tilespmem:s13+$0x10];
	v4 =	vmul.f32 $4.525483320e+01, v4  }
0x27d: {  	v5 =	vmul.f32 $4.525483320e+01, v5;
	[tilespmem:s13+$0x30] =	vst v3;
	v3 =	vld [tilespmem:s14+$0x30]  }
0x27e: {  	v10 =	vld [tilespmem:s13+$0x20];
	[tilespmem:s13+$0xFFFFFFC0] =	vst v4;
	v4 =	vmul.f32 $4.525483320e+01, v6  }
0x27f: {  	s20 =	simm.s32 $0x2000;
	s21 =	simm.s32 $0x400;
	s17 =	simm.s32 $0x40;
	v12 =	vld [tilespmem:s14+$0xFFFFFFD0];
	[tilespmem:s13+$0xFFFFFFD0] =	vst v5;
	v5 =	vmul.f32 $4.525483320e+01, v7  }
0x280: {  	s17 =	sand.u32 $0xE00, s17;
	s16 =	sand.u32 $0xFFFF0000, s21;
	v13 =	vld [tilespmem:s14+$0xFFFFFFE0];
	v11 =	vmul.f32 $4.525483320e+01, v11;
	[tilespmem:s13+$0xFFFFFFE0] =	vst v4  }
0x281: {  	s15 =	sand.u32 $0xFFFF0000, s20;
	s16 =	sor.u32 s17, s16;
	v6 =	vld [tilespmem:s14+$0xFFFFFFF0];
	v4 =	vmul.f32 $4.525483320e+01, v8;
	[tilespmem:s13+$0xFFFFFFF0] =	vst v5  }
0x282: {  	s15 =	ssub.s32 s16, s15;
	v7 =	vld [tilespmem:s14+$0x0];
	v8 =	vmul.f32 $4.525483320e+01, v9;
	[tilespmem:s14+$0xFFFFFFC0] =	vst v11;
	v9 =	vmul.f32 $4.525483320e+01, v3  }
0x283: {  	s15 =	sshra.s32 s15, $0x2;
	v5 =	vld [tilespmem:s14+$0x10];
	[tilespmem:s13+$0x0] =	vst v4  }
0x284: {  	s15 =	sadd.s32 $0x940, s15;
	v3 =	vld [tilespmem:s14+$0x20];
	[tilespmem:s14+$0x30] =	vst v9;
	v9 =	vmul.f32 $4.525483320e+01, v12  }
0x285: {  	s18 =	simm.s32 $0x180;
	s17 =	simm.s32 $0x940;
	s16 =	simm.s32 $0x100;
	[tilespmem:s13+$0x10] =	vst v8;
	v4 =	vmul.f32 $4.525483320e+01, v10;
	v8 =	vld [tilespmem:s15+$0x30];
	v10 =	vmul.f32 $4.525483320e+01, v13  }
.LBB2_14:
0x286: {  	s19 =	sshll.u32 s18, $0x5;
	v11 =	vld [tilespmem:s15+$0xFFFFFFC0];
	[tilespmem:s14+$0xFFFFFFD0] =	vst v9;
	v6 =	vmul.f32 $4.525483320e+01, v6  }
0x287: {  	s20 =	sshll.u32 s18, $0x2;
	s21 =	sshrl.u32 s18, $0x2;
	s16 =	sadd.s32 $0x80, s16;
	v9 =	vld [tilespmem:s15+$0xFFFFFFD0];
	[tilespmem:s14+$0xFFFFFFE0] =	vst v10;
	v7 =	vmul.f32 $4.525483320e+01, v7  }
0x288: {  	s20 =	sand.u32 $0xFFFF0000, s20;
	s21 =	sand.u32 $0xE00, s21;
	p0 =	slt.u32 s16, $0x7F80;
	v10 =	vld [tilespmem:s15+$0xFFFFFFE0];
	[tilespmem:s14+$0xFFFFFFF0] =	vst v6  }
.Ltmp6:
0x289: {  	s19 =	sand.u32 $0xFFFF0000, s19;
	s20 =	sor.u32 s21, s20;
	v12 =	vmul.f32 $4.525483320e+01, v5;
	v6 =	vld [tilespmem:s15+$0xFFFFFFF0];
	[tilespmem:s14+$0x0] =	vst v7;
	v3 =	vmul.f32 $4.525483320e+01, v3;
	(pc) =	sbr.rel @p0 .LBB2_14-.Ltmp6, $4  }
0x28a: {  	s19 =	ssub.s32 s20, s19;
	v7 =	vld [tilespmem:s15+$0x0];
	v8 =	vmul.f32 $4.525483320e+01, v8;
	[tilespmem:s13+$0x20] =	vst v4;
	s13 =	smov.u32 s14;
	s14 =	smov.u32 s15  }
0x28b: {  	s17 =	sadd.s32 $0x400, s17;
	s15 =	sshra.s32 s19, $0x2;
	v11 =	vmul.f32 $4.525483320e+01, v11;
	v5 =	vld [tilespmem:s14+$0x10];
	[tilespmem:s13+$0x10] =	vst v12;
	v4 =	vmov v3  }
0x28c: {  	s15 =	sadd.s32 s15, s17;
	v9 =	vmul.f32 $4.525483320e+01, v9;
	v3 =	vld [tilespmem:s14+$0x20];
	[tilespmem:s14+$0x30] =	vst v8  }
0x28d: {  	s18 =	sadd.s32 $0x80, s18;
	v8 =	vld [tilespmem:s15+$0x30];
	[tilespmem:s14+$0xFFFFFFC0] =	vst v11;
	v10 =	vmul.f32 $4.525483320e+01, v10  }
0x28e: {  	v11 =	vld [tilespmem:s15+$0xFFFFFFC0];
	[tilespmem:s14+$0xFFFFFFD0] =	vst v9  }
0x28f: {  	v6 =	vmul.f32 $4.525483320e+01, v6;
	[tilespmem:s13+$0x20] =	vst v4  }
0x290: {  	[tilespmem:s14+$0xFFFFFFE0] =	vst v10;
	v7 =	vmul.f32 $4.525483320e+01, v7;
	v10 =	vld [tilespmem:s15+$0xFFFFFFE0]  }
0x291: {  	v9 =	vld [tilespmem:s15+$0xFFFFFFD0];
	[tilespmem:s14+$0xFFFFFFF0] =	vst v6;
	v5 =	vmul.f32 $4.525483320e+01, v5  }
0x292: {  	[tilespmem:s14+$0x0] =	vst v7;
	v7 =	vld [tilespmem:s15+$0x0];
	v8 =	vmul.f32 $4.525483320e+01, v8  }
0x293: {  	v6 =	vld [tilespmem:s15+$0xFFFFFFF0];
	[tilespmem:s14+$0x10] =	vst v5;
	v4 =	vmul.f32 $4.525483320e+01, v11  }
0x294: {  	v3 =	vmul.f32 $4.525483320e+01, v3;
	v5 =	vld [tilespmem:s15+$0x10];
	[tilespmem:s15+$0x30] =	vst v8  }
0x295: {  	v8 =	vld [tilespmem:s15+$0x20];
	[tilespmem:s15+$0xFFFFFFC0] =	vst v4;
	v4 =	vmul.f32 $4.525483320e+01, v10  }
0x296: {  	v9 =	vmul.f32 $4.525483320e+01, v9;
	[tilespmem:s14+$0x20] =	vst v3  }
0x297: {  	[tilespmem:s15+$0xFFFFFFE0] =	vst v4;
	v4 =	vmul.f32 $4.525483320e+01, v7  }
0x298: {  	[tilespmem:s15+$0xFFFFFFD0] =	vst v9;
	v6 =	vmul.f32 $4.525483320e+01, v6  }
0x299: {  	[tilespmem:s15+$0x0] =	vst v4;
	v4 =	vmul.f32 $4.525483320e+01, v5  }
0x29a: {  	[tilespmem:s15+$0xFFFFFFF0] =	vst v6;
	v5 =	vmul.f32 $4.525483320e+01, v8  }
0x29b: {  	[tilespmem:s15+$0x10] =	vst v4  }
0x29c: {  	[tilespmem:s15+$0x20] =	vst v5  }
0x29d: {  	s13 =	simm.s32 $0x0;
	s14 =	rddreg [dreg:$0xb]  }
0x29e: {  	[hbm4b:s14+s13] =	stream.linear.scatter [tilespmem:s31], [sflag:$0x4], $0x8000, $0x38;
	[tilespmem:$0x18100] =	vst v63  }
0x29f: {  	_ =	swait.ge [sflag:s0], $0x8000  }
0x2a0: {  	[sflag:s0] =	ssyncset.done $0x0  }
0x2a1: {  	[sflag:s0] =	ssyncadd.s32 $0xFFFF8000  }
0x2a2: {  	v3 =	vld [tilespmem:$0x80];
	_ =	sdelay $0x4  }
0x2a3: {  	v4 =	vshll.u32 v3, $0x4  }
0x2a4: {  	v3 =	vand.u32 $0x7, v3;
	v4 =	vand.u32 $0xFFFFFF80, v4  }
0x2a5: {  	v3 =	vor.u32 v3, v4  }
0x2a6: {  	v4 =	vperm.xlane v3, v0;
	_ =	sdelay $0x1  }
0x2a7: {  	v4 =	vadd.s32 v1, v4;
	_ =	sdelay $0x4  }
0x2a8: {  	[tilespmem:s28], [sflag:$0x3] =	stream.indirect_vreg.gather [hbm4b:s2+s13], $0x80, v4, vm0, $0xb8;
	[tilespmem:$0x18100] =	vst v63  }
0x2a9: {  	s18 =	simm.s32 $0x10900  }
0x2aa: {  	[tilespmem:s18], [sflag:$0x3] =	stream.indirect_vreg.gather [hbm4b:s5+s13], $0x80, v4, vm0, $0xb8;
	[tilespmem:$0x18100] =	vst v63  }
0x2ab: {  	s19 =	simm.s32 $0x11100  }
0x2ac: {  	[tilespmem:s19], [sflag:$0x3] =	stream.indirect_vreg.gather [hbm4b:s6+s13], $0x80, v4, vm0, $0xb8;
	[tilespmem:$0x18100] =	vst v63  }
0x2ad: {  	s20 =	simm.s32 $0x11900  }
0x2ae: {  	[tilespmem:s20], [sflag:$0x3] =	stream.indirect_vreg.gather [hbm4b:s7+s13], $0x80, v4, vm0, $0xb8;
	[tilespmem:$0x18100] =	vst v63  }
0x2af: {  	s21 =	simm.s32 $0x12100  }
0x2b0: {  	[tilespmem:s21], [sflag:$0x3] =	stream.indirect_vreg.gather [hbm4b:s8+s13], $0x80, v4, vm0, $0xb8;
	[tilespmem:$0x18100] =	vst v63  }
0x2b1: {  	s15 =	simm.s32 $0x12900;
	v3 =	vperm.xlane v3, v2  }
0x2b2: {  	[tilespmem:s15], [sflag:$0x3] =	stream.indirect_vreg.gather [hbm4b:s9+s13], $0x80, v4, vm0, $0xb8;
	[tilespmem:$0x18100] =	vst v63  }
0x2b3: {  	s16 =	simm.s32 $0x13100;
	v3 =	vadd.s32 v1, v3  }
0x2b4: {  	[tilespmem:s16], [sflag:$0x3] =	stream.indirect_vreg.gather [hbm4b:s10+s13], $0x80, v4, vm0, $0xb8;
	[tilespmem:$0x18100] =	vst v63  }
0x2b5: {  	s17 =	simm.s32 $0x13900  }
0x2b6: {  	[tilespmem:s17], [sflag:$0x3] =	stream.indirect_vreg.gather [hbm4b:s11+s13], $0x80, v4, vm0, $0xb8;
	[tilespmem:$0x18100] =	vst v63  }
0x2b7: {  	s18 =	simm.s32 $0x14100  }
0x2b8: {  	[tilespmem:s18], [sflag:$0x3] =	stream.indirect_vreg.gather [hbm4b:s2+s13], $0x80, v3, vm0, $0xb8;
	[tilespmem:$0x18100] =	vst v63  }
0x2b9: {  	s19 =	simm.s32 $0x14900  }
0x2ba: {  	[tilespmem:s19], [sflag:$0x3] =	stream.indirect_vreg.gather [hbm4b:s5+s13], $0x80, v3, vm0, $0xb8;
	[tilespmem:$0x18100] =	vst v63  }
0x2bb: {  	s20 =	simm.s32 $0x15100  }
0x2bc: {  	[tilespmem:s20], [sflag:$0x3] =	stream.indirect_vreg.gather [hbm4b:s6+s13], $0x80, v3, vm0, $0xb8;
	[tilespmem:$0x18100] =	vst v63  }
0x2bd: {  	s21 =	simm.s32 $0x15900  }
0x2be: {  	[tilespmem:s21], [sflag:$0x3] =	stream.indirect_vreg.gather [hbm4b:s7+s13], $0x80, v3, vm0, $0xb8;
	[tilespmem:$0x18100] =	vst v63  }
0x2bf: {  	s15 =	simm.s32 $0x16100  }
0x2c0: {  	[tilespmem:s15], [sflag:$0x3] =	stream.indirect_vreg.gather [hbm4b:s8+s13], $0x80, v3, vm0, $0xb8;
	[tilespmem:$0x18100] =	vst v63  }
0x2c1: {  	s16 =	simm.s32 $0x16900  }
0x2c2: {  	[tilespmem:s16], [sflag:$0x3] =	stream.indirect_vreg.gather [hbm4b:s9+s13], $0x80, v3, vm0, $0xb8;
	[tilespmem:$0x18100] =	vst v63  }
0x2c3: {  	s17 =	simm.s32 $0x17100  }
0x2c4: {  	[tilespmem:s17], [sflag:$0x3] =	stream.indirect_vreg.gather [hbm4b:s10+s13], $0x80, v3, vm0, $0xb8;
	[tilespmem:$0x18100] =	vst v63  }
0x2c5: {  	s18 =	simm.s32 $0x17900;
	s19 =	simm.s32 $0x0;
	s20 =	simm.s32 $0x0  }
0x2c6: {  	[tilespmem:s18], [sflag:$0x3] =	stream.indirect_vreg.gather [hbm4b:s11+s13], $0x80, v3, vm0, $0xb8;
	[tilespmem:$0x18100] =	vst v63  }
0x2c7: {  	s14 =	sand.u32 $0xE00, s20;
	s21 =	simm.s32 $0x0;
	s13 =	sand.u32 $0xFFFF0000, s19  }
0x2c8: {  	s16 =	sand.u32 $0xFFFF0000, s21;
	s13 =	sor.u32 s14, s13  }
0x2c9: {  	_ =	swait.ge [sflag:s29], $0x8000;
	s13 =	ssub.s32 s13, s16  }
0x2ca: {  	[sflag:s29] =	ssyncset.done $0x0;
	s13 =	sshra.s32 s13, $0x2  }
0x2cb: {  	[sflag:s29] =	ssyncadd.s32 $0xFFFF8000;
	s13 =	sadd.s32 $0x8140, s13  }
0x2cc: {  	s17 =	simm.s32 $0x200;
	s18 =	simm.s32 $0x20;
	v3 =	vld [tilespmem:s13+$0x30]  }
0x2cd: {  	s14 =	sand.u32 $0xFFFF0000, s17;
	s15 =	sand.u32 $0xE00, s18;
	s16 =	simm.s32 $0x1000;
	v4 =	vld [tilespmem:s13+$0xFFFFFFC0]  }
0x2ce: {  	s14 =	sor.u32 s15, s14;
	s19 =	sand.u32 $0xFFFF0000, s16;
	v5 =	vld [tilespmem:s13+$0xFFFFFFD0]  }
0x2cf: {  	s14 =	ssub.s32 s14, s19;
	v6 =	vld [tilespmem:s13+$0xFFFFFFE0]  }
0x2d0: {  	v7 =	vld [tilespmem:s13+$0xFFFFFFF0];
	s14 =	sshra.s32 s14, $0x2  }
0x2d1: {  	v8 =	vld [tilespmem:s13+$0x0];
	s14 =	sadd.s32 $0x8540, s14  }
0x2d2: {  	v11 =	vld [tilespmem:s14+$0xFFFFFFC0];
	v3 =	vmul.f32 $4.525483320e+01, v3  }
0x2d3: {  	v9 =	vld [tilespmem:s13+$0x10];
	v4 =	vmul.f32 $4.525483320e+01, v4  }
0x2d4: {  	v5 =	vmul.f32 $4.525483320e+01, v5;
	[tilespmem:s13+$0x30] =	vst v3;
	v3 =	vld [tilespmem:s14+$0x30]  }
0x2d5: {  	v10 =	vld [tilespmem:s13+$0x20];
	[tilespmem:s13+$0xFFFFFFC0] =	vst v4;
	v4 =	vmul.f32 $4.525483320e+01, v6  }
0x2d6: {  	s20 =	simm.s32 $0x2000;
	s21 =	simm.s32 $0x400;
	s17 =	simm.s32 $0x40;
	v12 =	vld [tilespmem:s14+$0xFFFFFFD0];
	[tilespmem:s13+$0xFFFFFFD0] =	vst v5;
	v5 =	vmul.f32 $4.525483320e+01, v7  }
0x2d7: {  	s17 =	sand.u32 $0xE00, s17;
	s16 =	sand.u32 $0xFFFF0000, s21;
	v13 =	vld [tilespmem:s14+$0xFFFFFFE0];
	v11 =	vmul.f32 $4.525483320e+01, v11;
	[tilespmem:s13+$0xFFFFFFE0] =	vst v4  }
0x2d8: {  	s15 =	sand.u32 $0xFFFF0000, s20;
	s16 =	sor.u32 s17, s16;
	v6 =	vld [tilespmem:s14+$0xFFFFFFF0];
	v4 =	vmul.f32 $4.525483320e+01, v8;
	[tilespmem:s13+$0xFFFFFFF0] =	vst v5  }
0x2d9: {  	s15 =	ssub.s32 s16, s15;
	v7 =	vld [tilespmem:s14+$0x0];
	v8 =	vmul.f32 $4.525483320e+01, v9;
	[tilespmem:s14+$0xFFFFFFC0] =	vst v11;
	v9 =	vmul.f32 $4.525483320e+01, v3  }
0x2da: {  	s15 =	sshra.s32 s15, $0x2;
	v5 =	vld [tilespmem:s14+$0x10];
	[tilespmem:s13+$0x0] =	vst v4  }
0x2db: {  	s15 =	sadd.s32 $0x8940, s15;
	v3 =	vld [tilespmem:s14+$0x20];
	[tilespmem:s14+$0x30] =	vst v9;
	v9 =	vmul.f32 $4.525483320e+01, v12  }
0x2dc: {  	s18 =	simm.s32 $0x180;
	s17 =	simm.s32 $0x8940;
	s16 =	simm.s32 $0x100;
	[tilespmem:s13+$0x10] =	vst v8;
	v4 =	vmul.f32 $4.525483320e+01, v10;
	v8 =	vld [tilespmem:s15+$0x30];
	v10 =	vmul.f32 $4.525483320e+01, v13  }
.LBB2_16:
0x2dd: {  	s19 =	sshll.u32 s18, $0x5;
	v11 =	vld [tilespmem:s15+$0xFFFFFFC0];
	[tilespmem:s14+$0xFFFFFFD0] =	vst v9;
	v6 =	vmul.f32 $4.525483320e+01, v6  }
0x2de: {  	s20 =	sshll.u32 s18, $0x2;
	s21 =	sshrl.u32 s18, $0x2;
	s16 =	sadd.s32 $0x80, s16;
	v9 =	vld [tilespmem:s15+$0xFFFFFFD0];
	[tilespmem:s14+$0xFFFFFFE0] =	vst v10;
	v7 =	vmul.f32 $4.525483320e+01, v7  }
0x2df: {  	s20 =	sand.u32 $0xFFFF0000, s20;
	s21 =	sand.u32 $0xE00, s21;
	p0 =	slt.u32 s16, $0x7F80;
	v10 =	vld [tilespmem:s15+$0xFFFFFFE0];
	[tilespmem:s14+$0xFFFFFFF0] =	vst v6  }
.Ltmp7:
0x2e0: {  	s19 =	sand.u32 $0xFFFF0000, s19;
	s20 =	sor.u32 s21, s20;
	v12 =	vmul.f32 $4.525483320e+01, v5;
	v6 =	vld [tilespmem:s15+$0xFFFFFFF0];
	[tilespmem:s14+$0x0] =	vst v7;
	v3 =	vmul.f32 $4.525483320e+01, v3;
	(pc) =	sbr.rel @p0 .LBB2_16-.Ltmp7, $4  }
0x2e1: {  	s19 =	ssub.s32 s20, s19;
	v7 =	vld [tilespmem:s15+$0x0];
	v8 =	vmul.f32 $4.525483320e+01, v8;
	[tilespmem:s13+$0x20] =	vst v4;
	s13 =	smov.u32 s14;
	s14 =	smov.u32 s15  }
0x2e2: {  	s17 =	sadd.s32 $0x400, s17;
	s15 =	sshra.s32 s19, $0x2;
	v11 =	vmul.f32 $4.525483320e+01, v11;
	v5 =	vld [tilespmem:s14+$0x10];
	[tilespmem:s13+$0x10] =	vst v12;
	v4 =	vmov v3  }
0x2e3: {  	s15 =	sadd.s32 s15, s17;
	v9 =	vmul.f32 $4.525483320e+01, v9;
	v3 =	vld [tilespmem:s14+$0x20];
	[tilespmem:s14+$0x30] =	vst v8  }
0x2e4: {  	s18 =	sadd.s32 $0x80, s18;
	v8 =	vld [tilespmem:s15+$0x30];
	[tilespmem:s14+$0xFFFFFFC0] =	vst v11;
	v10 =	vmul.f32 $4.525483320e+01, v10  }
0x2e5: {  	v11 =	vld [tilespmem:s15+$0xFFFFFFC0];
	[tilespmem:s14+$0xFFFFFFD0] =	vst v9  }
0x2e6: {  	v6 =	vmul.f32 $4.525483320e+01, v6;
	[tilespmem:s13+$0x20] =	vst v4  }
0x2e7: {  	[tilespmem:s14+$0xFFFFFFE0] =	vst v10;
	v7 =	vmul.f32 $4.525483320e+01, v7;
	v10 =	vld [tilespmem:s15+$0xFFFFFFE0]  }
0x2e8: {  	v9 =	vld [tilespmem:s15+$0xFFFFFFD0];
	[tilespmem:s14+$0xFFFFFFF0] =	vst v6;
	v5 =	vmul.f32 $4.525483320e+01, v5  }
0x2e9: {  	[tilespmem:s14+$0x0] =	vst v7;
	v7 =	vld [tilespmem:s15+$0x0];
	v8 =	vmul.f32 $4.525483320e+01, v8  }
0x2ea: {  	v6 =	vld [tilespmem:s15+$0xFFFFFFF0];
	[tilespmem:s14+$0x10] =	vst v5;
	v4 =	vmul.f32 $4.525483320e+01, v11  }
0x2eb: {  	v3 =	vmul.f32 $4.525483320e+01, v3;
	v5 =	vld [tilespmem:s15+$0x10];
	[tilespmem:s15+$0x30] =	vst v8  }
0x2ec: {  	v8 =	vld [tilespmem:s15+$0x20];
	[tilespmem:s15+$0xFFFFFFC0] =	vst v4;
	v4 =	vmul.f32 $4.525483320e+01, v10  }
0x2ed: {  	v9 =	vmul.f32 $4.525483320e+01, v9;
	[tilespmem:s14+$0x20] =	vst v3  }
0x2ee: {  	[tilespmem:s15+$0xFFFFFFE0] =	vst v4;
	v4 =	vmul.f32 $4.525483320e+01, v7  }
0x2ef: {  	[tilespmem:s15+$0xFFFFFFD0] =	vst v9;
	v6 =	vmul.f32 $4.525483320e+01, v6  }
0x2f0: {  	[tilespmem:s15+$0x0] =	vst v4;
	v4 =	vmul.f32 $4.525483320e+01, v5  }
0x2f1: {  	[tilespmem:s15+$0xFFFFFFF0] =	vst v6;
	v5 =	vmul.f32 $4.525483320e+01, v8  }
0x2f2: {  	[tilespmem:s15+$0x10] =	vst v4  }
0x2f3: {  	[tilespmem:s15+$0x20] =	vst v5  }
0x2f4: {  	s13 =	simm.s32 $0x0;
	s14 =	rddreg [dreg:$0xc]  }
0x2f5: {  	[hbm4b:s14+s13] =	stream.linear.scatter [tilespmem:s25], [sflag:$0x5], $0x8000, $0x38;
	[tilespmem:$0x18100] =	vst v63  }
0x2f6: {  	_ =	swait.ge [sflag:s12], $0x8000  }
0x2f7: {  	[sflag:s12] =	ssyncset.done $0x0  }
0x2f8: {  	[sflag:s12] =	ssyncadd.s32 $0xFFFF8000  }
0x2f9: {  	v3 =	vld [tilespmem:$0x90];
	_ =	sdelay $0x4  }
0x2fa: {  	v4 =	vshll.u32 v3, $0x4  }
0x2fb: {  	v3 =	vand.u32 $0x7, v3;
	v4 =	vand.u32 $0xFFFFFF80, v4  }
0x2fc: {  	v3 =	vor.u32 v3, v4  }
0x2fd: {  	v4 =	vperm.xlane v3, v0;
	_ =	sdelay $0x1  }
0x2fe: {  	v4 =	vadd.s32 v1, v4;
	_ =	sdelay $0x4  }
0x2ff: {  	[tilespmem:s31], [sflag:$0x1] =	stream.indirect_vreg.gather [hbm4b:s2+s13], $0x80, v4, vm0, $0xb8;
	[tilespmem:$0x18100] =	vst v63  }
0x300: {  	s21 =	simm.s32 $0x900  }
0x301: {  	[tilespmem:s21], [sflag:$0x1] =	stream.indirect_vreg.gather [hbm4b:s5+s13], $0x80, v4, vm0, $0xb8;
	[tilespmem:$0x18100] =	vst v63  }
0x302: {  	s15 =	simm.s32 $0x1100  }
0x303: {  	[tilespmem:s15], [sflag:$0x1] =	stream.indirect_vreg.gather [hbm4b:s6+s13], $0x80, v4, vm0, $0xb8;
	[tilespmem:$0x18100] =	vst v63  }
0x304: {  	s16 =	simm.s32 $0x1900  }
0x305: {  	[tilespmem:s16], [sflag:$0x1] =	stream.indirect_vreg.gather [hbm4b:s7+s13], $0x80, v4, vm0, $0xb8;
	[tilespmem:$0x18100] =	vst v63  }
0x306: {  	s17 =	simm.s32 $0x2100  }
0x307: {  	[tilespmem:s17], [sflag:$0x1] =	stream.indirect_vreg.gather [hbm4b:s8+s13], $0x80, v4, vm0, $0xb8;
	[tilespmem:$0x18100] =	vst v63  }
0x308: {  	s18 =	simm.s32 $0x2900;
	v3 =	vperm.xlane v3, v2  }
0x309: {  	[tilespmem:s18], [sflag:$0x1] =	stream.indirect_vreg.gather [hbm4b:s9+s13], $0x80, v4, vm0, $0xb8;
	[tilespmem:$0x18100] =	vst v63  }
0x30a: {  	s19 =	simm.s32 $0x3100;
	v3 =	vadd.s32 v1, v3  }
0x30b: {  	[tilespmem:s19], [sflag:$0x1] =	stream.indirect_vreg.gather [hbm4b:s10+s13], $0x80, v4, vm0, $0xb8;
	[tilespmem:$0x18100] =	vst v63  }
0x30c: {  	s20 =	simm.s32 $0x3900  }
0x30d: {  	[tilespmem:s20], [sflag:$0x1] =	stream.indirect_vreg.gather [hbm4b:s11+s13], $0x80, v4, vm0, $0xb8;
	[tilespmem:$0x18100] =	vst v63  }
0x30e: {  	s21 =	simm.s32 $0x4100  }
0x30f: {  	[tilespmem:s21], [sflag:$0x1] =	stream.indirect_vreg.gather [hbm4b:s2+s13], $0x80, v3, vm0, $0xb8;
	[tilespmem:$0x18100] =	vst v63  }
0x310: {  	s15 =	simm.s32 $0x4900  }
0x311: {  	[tilespmem:s15], [sflag:$0x1] =	stream.indirect_vreg.gather [hbm4b:s5+s13], $0x80, v3, vm0, $0xb8;
	[tilespmem:$0x18100] =	vst v63  }
0x312: {  	s16 =	simm.s32 $0x5100  }
0x313: {  	[tilespmem:s16], [sflag:$0x1] =	stream.indirect_vreg.gather [hbm4b:s6+s13], $0x80, v3, vm0, $0xb8;
	[tilespmem:$0x18100] =	vst v63  }
0x314: {  	s17 =	simm.s32 $0x5900  }
0x315: {  	[tilespmem:s17], [sflag:$0x1] =	stream.indirect_vreg.gather [hbm4b:s7+s13], $0x80, v3, vm0, $0xb8;
	[tilespmem:$0x18100] =	vst v63  }
0x316: {  	s18 =	simm.s32 $0x6100  }
0x317: {  	[tilespmem:s18], [sflag:$0x1] =	stream.indirect_vreg.gather [hbm4b:s8+s13], $0x80, v3, vm0, $0xb8;
	[tilespmem:$0x18100] =	vst v63  }
0x318: {  	_ = 	snop  }
0x319: {  	[tilespmem:s22], [sflag:$0x1] =	stream.indirect_vreg.gather [hbm4b:s9+s13], $0x80, v3, vm0, $0xb8;
	[tilespmem:$0x18100] =	vst v63  }
0x31a: {  	_ = 	snop  }
0x31b: {  	[tilespmem:s23], [sflag:$0x1] =	stream.indirect_vreg.gather [hbm4b:s10+s13], $0x80, v3, vm0, $0xb8;
	[tilespmem:$0x18100] =	vst v63  }
0x31c: {  	s19 =	simm.s32 $0x0;
	s20 =	simm.s32 $0x0  }
0x31d: {  	[tilespmem:s24], [sflag:$0x1] =	stream.indirect_vreg.gather [hbm4b:s11+s13], $0x80, v3, vm0, $0xb8;
	[tilespmem:$0x18100] =	vst v63  }
0x31e: {  	s14 =	sand.u32 $0xE00, s20;
	s21 =	simm.s32 $0x0;
	s13 =	sand.u32 $0xFFFF0000, s19  }
0x31f: {  	s16 =	sand.u32 $0xFFFF0000, s21;
	s13 =	sor.u32 s14, s13  }
0x320: {  	_ =	swait.ge [sflag:s30], $0x8000;
	s13 =	ssub.s32 s13, s16  }
0x321: {  	[sflag:s30] =	ssyncset.done $0x0;
	s13 =	sshra.s32 s13, $0x2  }
0x322: {  	[sflag:s30] =	ssyncadd.s32 $0xFFFF8000;
	s13 =	sadd.s32 $0x10140, s13  }
0x323: {  	s17 =	simm.s32 $0x200;
	s18 =	simm.s32 $0x20;
	v3 =	vld [tilespmem:s13+$0x30]  }
0x324: {  	s15 =	sand.u32 $0xE00, s18;
	s14 =	sand.u32 $0xFFFF0000, s17;
	s16 =	simm.s32 $0x1000;
	v4 =	vld [tilespmem:s13+$0xFFFFFFC0]  }
0x325: {  	s14 =	sor.u32 s15, s14;
	s19 =	sand.u32 $0xFFFF0000, s16;
	v5 =	vld [tilespmem:s13+$0xFFFFFFD0]  }
0x326: {  	s14 =	ssub.s32 s14, s19;
	v6 =	vld [tilespmem:s13+$0xFFFFFFE0]  }
0x327: {  	v7 =	vld [tilespmem:s13+$0xFFFFFFF0];
	s14 =	sshra.s32 s14, $0x2  }
0x328: {  	v8 =	vld [tilespmem:s13+$0x0];
	s14 =	sadd.s32 $0x10540, s14  }
0x329: {  	v11 =	vld [tilespmem:s14+$0xFFFFFFC0];
	v3 =	vmul.f32 $4.525483320e+01, v3  }
0x32a: {  	v9 =	vld [tilespmem:s13+$0x10];
	v4 =	vmul.f32 $4.525483320e+01, v4  }
0x32b: {  	v5 =	vmul.f32 $4.525483320e+01, v5;
	[tilespmem:s13+$0x30] =	vst v3;
	v3 =	vld [tilespmem:s14+$0x30]  }
0x32c: {  	v10 =	vld [tilespmem:s13+$0x20];
	[tilespmem:s13+$0xFFFFFFC0] =	vst v4;
	v4 =	vmul.f32 $4.525483320e+01, v6  }
0x32d: {  	s20 =	simm.s32 $0x2000;
	s21 =	simm.s32 $0x400;
	s17 =	simm.s32 $0x40;
	v12 =	vld [tilespmem:s14+$0xFFFFFFD0];
	[tilespmem:s13+$0xFFFFFFD0] =	vst v5;
	v5 =	vmul.f32 $4.525483320e+01, v7  }
0x32e: {  	s17 =	sand.u32 $0xE00, s17;
	s16 =	sand.u32 $0xFFFF0000, s21;
	v13 =	vld [tilespmem:s14+$0xFFFFFFE0];
	v11 =	vmul.f32 $4.525483320e+01, v11;
	[tilespmem:s13+$0xFFFFFFE0] =	vst v4  }
0x32f: {  	s15 =	sand.u32 $0xFFFF0000, s20;
	s16 =	sor.u32 s17, s16;
	v6 =	vld [tilespmem:s14+$0xFFFFFFF0];
	v4 =	vmul.f32 $4.525483320e+01, v8;
	[tilespmem:s13+$0xFFFFFFF0] =	vst v5  }
0x330: {  	s15 =	ssub.s32 s16, s15;
	v7 =	vld [tilespmem:s14+$0x0];
	v8 =	vmul.f32 $4.525483320e+01, v9;
	[tilespmem:s14+$0xFFFFFFC0] =	vst v11;
	v9 =	vmul.f32 $4.525483320e+01, v3  }
0x331: {  	s15 =	sshra.s32 s15, $0x2;
	v5 =	vld [tilespmem:s14+$0x10];
	[tilespmem:s13+$0x0] =	vst v4  }
0x332: {  	s15 =	sadd.s32 $0x10940, s15;
	v3 =	vld [tilespmem:s14+$0x20];
	[tilespmem:s14+$0x30] =	vst v9;
	v9 =	vmul.f32 $4.525483320e+01, v12  }
0x333: {  	s18 =	simm.s32 $0x180;
	s17 =	simm.s32 $0x10940;
	s16 =	simm.s32 $0x100;
	[tilespmem:s13+$0x10] =	vst v8;
	v4 =	vmul.f32 $4.525483320e+01, v10;
	v8 =	vld [tilespmem:s15+$0x30];
	v10 =	vmul.f32 $4.525483320e+01, v13  }
.LBB2_18:
0x334: {  	s19 =	sshll.u32 s18, $0x5;
	v11 =	vld [tilespmem:s15+$0xFFFFFFC0];
	[tilespmem:s14+$0xFFFFFFD0] =	vst v9;
	v6 =	vmul.f32 $4.525483320e+01, v6  }
0x335: {  	s20 =	sshll.u32 s18, $0x2;
	s21 =	sshrl.u32 s18, $0x2;
	s16 =	sadd.s32 $0x80, s16;
	v9 =	vld [tilespmem:s15+$0xFFFFFFD0];
	[tilespmem:s14+$0xFFFFFFE0] =	vst v10;
	v7 =	vmul.f32 $4.525483320e+01, v7  }
0x336: {  	s20 =	sand.u32 $0xFFFF0000, s20;
	s21 =	sand.u32 $0xE00, s21;
	p0 =	slt.u32 s16, $0x7F80;
	v10 =	vld [tilespmem:s15+$0xFFFFFFE0];
	[tilespmem:s14+$0xFFFFFFF0] =	vst v6  }
.Ltmp8:
0x337: {  	s19 =	sand.u32 $0xFFFF0000, s19;
	s20 =	sor.u32 s21, s20;
	v12 =	vmul.f32 $4.525483320e+01, v5;
	v6 =	vld [tilespmem:s15+$0xFFFFFFF0];
	[tilespmem:s14+$0x0] =	vst v7;
	v3 =	vmul.f32 $4.525483320e+01, v3;
	(pc) =	sbr.rel @p0 .LBB2_18-.Ltmp8, $4  }
0x338: {  	s19 =	ssub.s32 s20, s19;
	v7 =	vld [tilespmem:s15+$0x0];
	v8 =	vmul.f32 $4.525483320e+01, v8;
	[tilespmem:s13+$0x20] =	vst v4;
	s13 =	smov.u32 s14;
	s14 =	smov.u32 s15  }
0x339: {  	s17 =	sadd.s32 $0x400, s17;
	s15 =	sshra.s32 s19, $0x2;
	v11 =	vmul.f32 $4.525483320e+01, v11;
	v5 =	vld [tilespmem:s14+$0x10];
	[tilespmem:s13+$0x10] =	vst v12;
	v4 =	vmov v3  }
0x33a: {  	s15 =	sadd.s32 s15, s17;
	v9 =	vmul.f32 $4.525483320e+01, v9;
	v3 =	vld [tilespmem:s14+$0x20];
	[tilespmem:s14+$0x30] =	vst v8  }
0x33b: {  	s18 =	sadd.s32 $0x80, s18;
	v8 =	vld [tilespmem:s15+$0x30];
	[tilespmem:s14+$0xFFFFFFC0] =	vst v11;
	v10 =	vmul.f32 $4.525483320e+01, v10  }
0x33c: {  	v11 =	vld [tilespmem:s15+$0xFFFFFFC0];
	[tilespmem:s14+$0xFFFFFFD0] =	vst v9  }
0x33d: {  	v6 =	vmul.f32 $4.525483320e+01, v6;
	[tilespmem:s13+$0x20] =	vst v4  }
0x33e: {  	[tilespmem:s14+$0xFFFFFFE0] =	vst v10;
	v7 =	vmul.f32 $4.525483320e+01, v7;
	v10 =	vld [tilespmem:s15+$0xFFFFFFE0]  }
0x33f: {  	v9 =	vld [tilespmem:s15+$0xFFFFFFD0];
	[tilespmem:s14+$0xFFFFFFF0] =	vst v6;
	v5 =	vmul.f32 $4.525483320e+01, v5  }
0x340: {  	[tilespmem:s14+$0x0] =	vst v7;
	v7 =	vld [tilespmem:s15+$0x0];
	v8 =	vmul.f32 $4.525483320e+01, v8  }
0x341: {  	v6 =	vld [tilespmem:s15+$0xFFFFFFF0];
	[tilespmem:s14+$0x10] =	vst v5;
	v4 =	vmul.f32 $4.525483320e+01, v11  }
0x342: {  	v3 =	vmul.f32 $4.525483320e+01, v3;
	v5 =	vld [tilespmem:s15+$0x10];
	[tilespmem:s15+$0x30] =	vst v8  }
0x343: {  	v8 =	vld [tilespmem:s15+$0x20];
	[tilespmem:s15+$0xFFFFFFC0] =	vst v4;
	v4 =	vmul.f32 $4.525483320e+01, v10  }
0x344: {  	v9 =	vmul.f32 $4.525483320e+01, v9;
	[tilespmem:s14+$0x20] =	vst v3  }
0x345: {  	[tilespmem:s15+$0xFFFFFFE0] =	vst v4;
	v4 =	vmul.f32 $4.525483320e+01, v7  }
0x346: {  	[tilespmem:s15+$0xFFFFFFD0] =	vst v9;
	v6 =	vmul.f32 $4.525483320e+01, v6  }
0x347: {  	[tilespmem:s15+$0x0] =	vst v4;
	v4 =	vmul.f32 $4.525483320e+01, v5  }
0x348: {  	[tilespmem:s15+$0xFFFFFFF0] =	vst v6;
	v5 =	vmul.f32 $4.525483320e+01, v8  }
0x349: {  	[tilespmem:s15+$0x10] =	vst v4  }
0x34a: {  	[tilespmem:s15+$0x20] =	vst v5  }
0x34b: {  	s13 =	simm.s32 $0x0;
	s14 =	rddreg [dreg:$0xd]  }
0x34c: {  	[hbm4b:s14+s13] =	stream.linear.scatter [tilespmem:s28], [sflag:$0x6], $0x8000, $0x38;
	[tilespmem:$0x18100] =	vst v63  }
0x34d: {  	_ =	swait.ge [sflag:s1], $0x8000  }
0x34e: {  	[sflag:s1] =	ssyncset.done $0x0  }
0x34f: {  	[sflag:s1] =	ssyncadd.s32 $0xFFFF8000  }
0x350: {  	v3 =	vld [tilespmem:$0xA0];
	_ =	sdelay $0x4  }
0x351: {  	v4 =	vshll.u32 v3, $0x4  }
0x352: {  	v3 =	vand.u32 $0x7, v3;
	v4 =	vand.u32 $0xFFFFFF80, v4  }
0x353: {  	v3 =	vor.u32 v3, v4  }
0x354: {  	v4 =	vperm.xlane v3, v0;
	_ =	sdelay $0x1  }
0x355: {  	v4 =	vadd.s32 v1, v4;
	_ =	sdelay $0x4  }
0x356: {  	[tilespmem:s25], [sflag:$0x2] =	stream.indirect_vreg.gather [hbm4b:s2+s13], $0x80, v4, vm0, $0xb8;
	[tilespmem:$0x18100] =	vst v63  }
0x357: {  	s18 =	simm.s32 $0x8900  }
0x358: {  	[tilespmem:s18], [sflag:$0x2] =	stream.indirect_vreg.gather [hbm4b:s5+s13], $0x80, v4, vm0, $0xb8;
	[tilespmem:$0x18100] =	vst v63  }
0x359: {  	s19 =	simm.s32 $0x9100  }
0x35a: {  	[tilespmem:s19], [sflag:$0x2] =	stream.indirect_vreg.gather [hbm4b:s6+s13], $0x80, v4, vm0, $0xb8;
	[tilespmem:$0x18100] =	vst v63  }
0x35b: {  	s20 =	simm.s32 $0x9900  }
0x35c: {  	[tilespmem:s20], [sflag:$0x2] =	stream.indirect_vreg.gather [hbm4b:s7+s13], $0x80, v4, vm0, $0xb8;
	[tilespmem:$0x18100] =	vst v63  }
0x35d: {  	s21 =	simm.s32 $0xA100  }
0x35e: {  	[tilespmem:s21], [sflag:$0x2] =	stream.indirect_vreg.gather [hbm4b:s8+s13], $0x80, v4, vm0, $0xb8;
	[tilespmem:$0x18100] =	vst v63  }
0x35f: {  	s15 =	simm.s32 $0xA900;
	v3 =	vperm.xlane v3, v2  }
0x360: {  	[tilespmem:s15], [sflag:$0x2] =	stream.indirect_vreg.gather [hbm4b:s9+s13], $0x80, v4, vm0, $0xb8;
	[tilespmem:$0x18100] =	vst v63  }
0x361: {  	s16 =	simm.s32 $0xB100;
	v3 =	vadd.s32 v1, v3  }
0x362: {  	[tilespmem:s16], [sflag:$0x2] =	stream.indirect_vreg.gather [hbm4b:s10+s13], $0x80, v4, vm0, $0xb8;
	[tilespmem:$0x18100] =	vst v63  }
0x363: {  	s17 =	simm.s32 $0xB900  }
0x364: {  	[tilespmem:s17], [sflag:$0x2] =	stream.indirect_vreg.gather [hbm4b:s11+s13], $0x80, v4, vm0, $0xb8;
	[tilespmem:$0x18100] =	vst v63  }
0x365: {  	s18 =	simm.s32 $0xC100  }
0x366: {  	[tilespmem:s18], [sflag:$0x2] =	stream.indirect_vreg.gather [hbm4b:s2+s13], $0x80, v3, vm0, $0xb8;
	[tilespmem:$0x18100] =	vst v63  }
0x367: {  	s19 =	simm.s32 $0xC900  }
0x368: {  	[tilespmem:s19], [sflag:$0x2] =	stream.indirect_vreg.gather [hbm4b:s5+s13], $0x80, v3, vm0, $0xb8;
	[tilespmem:$0x18100] =	vst v63  }
0x369: {  	s20 =	simm.s32 $0xD100  }
0x36a: {  	[tilespmem:s20], [sflag:$0x2] =	stream.indirect_vreg.gather [hbm4b:s6+s13], $0x80, v3, vm0, $0xb8;
	[tilespmem:$0x18100] =	vst v63  }
0x36b: {  	s21 =	simm.s32 $0xD900  }
0x36c: {  	[tilespmem:s21], [sflag:$0x2] =	stream.indirect_vreg.gather [hbm4b:s7+s13], $0x80, v3, vm0, $0xb8;
	[tilespmem:$0x18100] =	vst v63  }
0x36d: {  	s15 =	simm.s32 $0xE100  }
0x36e: {  	[tilespmem:s15], [sflag:$0x2] =	stream.indirect_vreg.gather [hbm4b:s8+s13], $0x80, v3, vm0, $0xb8;
	[tilespmem:$0x18100] =	vst v63  }
0x36f: {  	s16 =	simm.s32 $0xE900  }
0x370: {  	[tilespmem:s16], [sflag:$0x2] =	stream.indirect_vreg.gather [hbm4b:s9+s13], $0x80, v3, vm0, $0xb8;
	[tilespmem:$0x18100] =	vst v63  }
0x371: {  	s17 =	simm.s32 $0xF100  }
0x372: {  	[tilespmem:s17], [sflag:$0x2] =	stream.indirect_vreg.gather [hbm4b:s10+s13], $0x80, v3, vm0, $0xb8;
	[tilespmem:$0x18100] =	vst v63  }
0x373: {  	s18 =	simm.s32 $0xF900;
	s19 =	simm.s32 $0x0;
	s20 =	simm.s32 $0x0  }
0x374: {  	[tilespmem:s18], [sflag:$0x2] =	stream.indirect_vreg.gather [hbm4b:s11+s13], $0x80, v3, vm0, $0xb8;
	[tilespmem:$0x18100] =	vst v63  }
0x375: {  	s14 =	sand.u32 $0xE00, s20;
	s21 =	simm.s32 $0x0;
	s13 =	sand.u32 $0xFFFF0000, s19  }
0x376: {  	s16 =	sand.u32 $0xFFFF0000, s21;
	s13 =	sor.u32 s14, s13  }
0x377: {  	_ =	swait.ge [sflag:s26], $0x8000;
	s13 =	ssub.s32 s13, s16  }
0x378: {  	[sflag:s26] =	ssyncset.done $0x0;
	s13 =	sshra.s32 s13, $0x2  }
0x379: {  	[sflag:s26] =	ssyncadd.s32 $0xFFFF8000;
	s13 =	sadd.s32 $0x140, s13  }
0x37a: {  	s17 =	simm.s32 $0x200;
	s18 =	simm.s32 $0x20;
	v3 =	vld [tilespmem:s13+$0x30]  }
0x37b: {  	s14 =	sand.u32 $0xFFFF0000, s17;
	s15 =	sand.u32 $0xE00, s18;
	s16 =	simm.s32 $0x1000;
	v4 =	vld [tilespmem:s13+$0xFFFFFFC0]  }
0x37c: {  	s14 =	sor.u32 s15, s14;
	s19 =	sand.u32 $0xFFFF0000, s16;
	v5 =	vld [tilespmem:s13+$0xFFFFFFD0]  }
0x37d: {  	s14 =	ssub.s32 s14, s19;
	v6 =	vld [tilespmem:s13+$0xFFFFFFE0]  }
0x37e: {  	v7 =	vld [tilespmem:s13+$0xFFFFFFF0];
	s14 =	sshra.s32 s14, $0x2  }
0x37f: {  	v8 =	vld [tilespmem:s13+$0x0];
	s14 =	sadd.s32 $0x540, s14  }
0x380: {  	v11 =	vld [tilespmem:s14+$0xFFFFFFC0];
	v3 =	vmul.f32 $4.525483320e+01, v3  }
0x381: {  	v9 =	vld [tilespmem:s13+$0x10];
	v4 =	vmul.f32 $4.525483320e+01, v4  }
0x382: {  	v5 =	vmul.f32 $4.525483320e+01, v5;
	[tilespmem:s13+$0x30] =	vst v3;
	v3 =	vld [tilespmem:s14+$0x30]  }
0x383: {  	v10 =	vld [tilespmem:s13+$0x20];
	[tilespmem:s13+$0xFFFFFFC0] =	vst v4;
	v4 =	vmul.f32 $4.525483320e+01, v6  }
0x384: {  	s20 =	simm.s32 $0x2000;
	s21 =	simm.s32 $0x400;
	s17 =	simm.s32 $0x40;
	v12 =	vld [tilespmem:s14+$0xFFFFFFD0];
	[tilespmem:s13+$0xFFFFFFD0] =	vst v5;
	v5 =	vmul.f32 $4.525483320e+01, v7  }
0x385: {  	s17 =	sand.u32 $0xE00, s17;
	s16 =	sand.u32 $0xFFFF0000, s21;
	v13 =	vld [tilespmem:s14+$0xFFFFFFE0];
	v11 =	vmul.f32 $4.525483320e+01, v11;
	[tilespmem:s13+$0xFFFFFFE0] =	vst v4  }
0x386: {  	s15 =	sand.u32 $0xFFFF0000, s20;
	s16 =	sor.u32 s17, s16;
	v6 =	vld [tilespmem:s14+$0xFFFFFFF0];
	v4 =	vmul.f32 $4.525483320e+01, v8;
	[tilespmem:s13+$0xFFFFFFF0] =	vst v5  }
0x387: {  	s15 =	ssub.s32 s16, s15;
	v7 =	vld [tilespmem:s14+$0x0];
	v8 =	vmul.f32 $4.525483320e+01, v9;
	[tilespmem:s14+$0xFFFFFFC0] =	vst v11;
	v9 =	vmul.f32 $4.525483320e+01, v3  }
0x388: {  	s15 =	sshra.s32 s15, $0x2;
	v5 =	vld [tilespmem:s14+$0x10];
	[tilespmem:s13+$0x0] =	vst v4  }
0x389: {  	s15 =	sadd.s32 $0x940, s15;
	v3 =	vld [tilespmem:s14+$0x20];
	[tilespmem:s14+$0x30] =	vst v9;
	v9 =	vmul.f32 $4.525483320e+01, v12  }
0x38a: {  	s18 =	simm.s32 $0x180;
	s17 =	simm.s32 $0x940;
	s16 =	simm.s32 $0x100;
	[tilespmem:s13+$0x10] =	vst v8;
	v4 =	vmul.f32 $4.525483320e+01, v10;
	v8 =	vld [tilespmem:s15+$0x30];
	v10 =	vmul.f32 $4.525483320e+01, v13  }
.LBB2_20:
0x38b: {  	s19 =	sshll.u32 s18, $0x5;
	v11 =	vld [tilespmem:s15+$0xFFFFFFC0];
	[tilespmem:s14+$0xFFFFFFD0] =	vst v9;
	v6 =	vmul.f32 $4.525483320e+01, v6  }
0x38c: {  	s20 =	sshll.u32 s18, $0x2;
	s21 =	sshrl.u32 s18, $0x2;
	s16 =	sadd.s32 $0x80, s16;
	v9 =	vld [tilespmem:s15+$0xFFFFFFD0];
	[tilespmem:s14+$0xFFFFFFE0] =	vst v10;
	v7 =	vmul.f32 $4.525483320e+01, v7  }
0x38d: {  	s20 =	sand.u32 $0xFFFF0000, s20;
	s21 =	sand.u32 $0xE00, s21;
	p0 =	slt.u32 s16, $0x7F80;
	v10 =	vld [tilespmem:s15+$0xFFFFFFE0];
	[tilespmem:s14+$0xFFFFFFF0] =	vst v6  }
.Ltmp9:
0x38e: {  	s19 =	sand.u32 $0xFFFF0000, s19;
	s20 =	sor.u32 s21, s20;
	v12 =	vmul.f32 $4.525483320e+01, v5;
	v6 =	vld [tilespmem:s15+$0xFFFFFFF0];
	[tilespmem:s14+$0x0] =	vst v7;
	v3 =	vmul.f32 $4.525483320e+01, v3;
	(pc) =	sbr.rel @p0 .LBB2_20-.Ltmp9, $4  }
0x38f: {  	s19 =	ssub.s32 s20, s19;
	v7 =	vld [tilespmem:s15+$0x0];
	v8 =	vmul.f32 $4.525483320e+01, v8;
	[tilespmem:s13+$0x20] =	vst v4;
	s13 =	smov.u32 s14;
	s14 =	smov.u32 s15  }
0x390: {  	s17 =	sadd.s32 $0x400, s17;
	s15 =	sshra.s32 s19, $0x2;
	v11 =	vmul.f32 $4.525483320e+01, v11;
	v5 =	vld [tilespmem:s14+$0x10];
	[tilespmem:s13+$0x10] =	vst v12;
	v4 =	vmov v3  }
0x391: {  	s15 =	sadd.s32 s15, s17;
	v9 =	vmul.f32 $4.525483320e+01, v9;
	v3 =	vld [tilespmem:s14+$0x20];
	[tilespmem:s14+$0x30] =	vst v8  }
0x392: {  	s18 =	sadd.s32 $0x80, s18;
	v8 =	vld [tilespmem:s15+$0x30];
	[tilespmem:s14+$0xFFFFFFC0] =	vst v11;
	v10 =	vmul.f32 $4.525483320e+01, v10  }
0x393: {  	v11 =	vld [tilespmem:s15+$0xFFFFFFC0];
	[tilespmem:s14+$0xFFFFFFD0] =	vst v9  }
0x394: {  	v6 =	vmul.f32 $4.525483320e+01, v6;
	[tilespmem:s13+$0x20] =	vst v4  }
0x395: {  	[tilespmem:s14+$0xFFFFFFE0] =	vst v10;
	v7 =	vmul.f32 $4.525483320e+01, v7;
	v10 =	vld [tilespmem:s15+$0xFFFFFFE0]  }
0x396: {  	v9 =	vld [tilespmem:s15+$0xFFFFFFD0];
	[tilespmem:s14+$0xFFFFFFF0] =	vst v6;
	v5 =	vmul.f32 $4.525483320e+01, v5  }
0x397: {  	[tilespmem:s14+$0x0] =	vst v7;
	v7 =	vld [tilespmem:s15+$0x0];
	v8 =	vmul.f32 $4.525483320e+01, v8  }
0x398: {  	v6 =	vld [tilespmem:s15+$0xFFFFFFF0];
	[tilespmem:s14+$0x10] =	vst v5;
	v4 =	vmul.f32 $4.525483320e+01, v11  }
0x399: {  	v3 =	vmul.f32 $4.525483320e+01, v3;
	v5 =	vld [tilespmem:s15+$0x10];
	[tilespmem:s15+$0x30] =	vst v8  }
0x39a: {  	v8 =	vld [tilespmem:s15+$0x20];
	[tilespmem:s15+$0xFFFFFFC0] =	vst v4;
	v4 =	vmul.f32 $4.525483320e+01, v10  }
0x39b: {  	v9 =	vmul.f32 $4.525483320e+01, v9;
	[tilespmem:s14+$0x20] =	vst v3  }
0x39c: {  	[tilespmem:s15+$0xFFFFFFE0] =	vst v4;
	v4 =	vmul.f32 $4.525483320e+01, v7  }
0x39d: {  	[tilespmem:s15+$0xFFFFFFD0] =	vst v9;
	v6 =	vmul.f32 $4.525483320e+01, v6  }
0x39e: {  	[tilespmem:s15+$0x0] =	vst v4;
	v4 =	vmul.f32 $4.525483320e+01, v5  }
0x39f: {  	[tilespmem:s15+$0xFFFFFFF0] =	vst v6;
	v5 =	vmul.f32 $4.525483320e+01, v8  }
0x3a0: {  	[tilespmem:s15+$0x10] =	vst v4  }
0x3a1: {  	[tilespmem:s15+$0x20] =	vst v5  }
0x3a2: {  	s13 =	simm.s32 $0x0;
	s14 =	rddreg [dreg:$0xe]  }
0x3a3: {  	[hbm4b:s14+s13] =	stream.linear.scatter [tilespmem:s31], [sflag:$0x4], $0x8000, $0x38;
	[tilespmem:$0x18100] =	vst v63  }
0x3a4: {  	_ =	swait.ge [sflag:s0], $0x8000  }
0x3a5: {  	[sflag:s0] =	ssyncset.done $0x0  }
0x3a6: {  	[sflag:s0] =	ssyncadd.s32 $0xFFFF8000  }
0x3a7: {  	v3 =	vld [tilespmem:$0xB0];
	_ =	sdelay $0x4  }
0x3a8: {  	v4 =	vshll.u32 v3, $0x4  }
0x3a9: {  	v3 =	vand.u32 $0x7, v3;
	v4 =	vand.u32 $0xFFFFFF80, v4  }
0x3aa: {  	v3 =	vor.u32 v3, v4  }
0x3ab: {  	v4 =	vperm.xlane v3, v0;
	_ =	sdelay $0x1  }
0x3ac: {  	v4 =	vadd.s32 v1, v4;
	_ =	sdelay $0x4  }
0x3ad: {  	[tilespmem:s28], [sflag:$0x3] =	stream.indirect_vreg.gather [hbm4b:s2+s13], $0x80, v4, vm0, $0xb8;
	[tilespmem:$0x18100] =	vst v63  }
0x3ae: {  	s18 =	simm.s32 $0x10900  }
0x3af: {  	[tilespmem:s18], [sflag:$0x3] =	stream.indirect_vreg.gather [hbm4b:s5+s13], $0x80, v4, vm0, $0xb8;
	[tilespmem:$0x18100] =	vst v63  }
0x3b0: {  	s19 =	simm.s32 $0x11100  }
0x3b1: {  	[tilespmem:s19], [sflag:$0x3] =	stream.indirect_vreg.gather [hbm4b:s6+s13], $0x80, v4, vm0, $0xb8;
	[tilespmem:$0x18100] =	vst v63  }
0x3b2: {  	s20 =	simm.s32 $0x11900  }
0x3b3: {  	[tilespmem:s20], [sflag:$0x3] =	stream.indirect_vreg.gather [hbm4b:s7+s13], $0x80, v4, vm0, $0xb8;
	[tilespmem:$0x18100] =	vst v63  }
0x3b4: {  	s21 =	simm.s32 $0x12100  }
0x3b5: {  	[tilespmem:s21], [sflag:$0x3] =	stream.indirect_vreg.gather [hbm4b:s8+s13], $0x80, v4, vm0, $0xb8;
	[tilespmem:$0x18100] =	vst v63  }
0x3b6: {  	s15 =	simm.s32 $0x12900;
	v3 =	vperm.xlane v3, v2  }
0x3b7: {  	[tilespmem:s15], [sflag:$0x3] =	stream.indirect_vreg.gather [hbm4b:s9+s13], $0x80, v4, vm0, $0xb8;
	[tilespmem:$0x18100] =	vst v63  }
0x3b8: {  	s16 =	simm.s32 $0x13100;
	v3 =	vadd.s32 v1, v3  }
0x3b9: {  	[tilespmem:s16], [sflag:$0x3] =	stream.indirect_vreg.gather [hbm4b:s10+s13], $0x80, v4, vm0, $0xb8;
	[tilespmem:$0x18100] =	vst v63  }
0x3ba: {  	s17 =	simm.s32 $0x13900  }
0x3bb: {  	[tilespmem:s17], [sflag:$0x3] =	stream.indirect_vreg.gather [hbm4b:s11+s13], $0x80, v4, vm0, $0xb8;
	[tilespmem:$0x18100] =	vst v63  }
0x3bc: {  	s18 =	simm.s32 $0x14100  }
0x3bd: {  	[tilespmem:s18], [sflag:$0x3] =	stream.indirect_vreg.gather [hbm4b:s2+s13], $0x80, v3, vm0, $0xb8;
	[tilespmem:$0x18100] =	vst v63  }
0x3be: {  	s19 =	simm.s32 $0x14900  }
0x3bf: {  	[tilespmem:s19], [sflag:$0x3] =	stream.indirect_vreg.gather [hbm4b:s5+s13], $0x80, v3, vm0, $0xb8;
	[tilespmem:$0x18100] =	vst v63  }
0x3c0: {  	s20 =	simm.s32 $0x15100  }
0x3c1: {  	[tilespmem:s20], [sflag:$0x3] =	stream.indirect_vreg.gather [hbm4b:s6+s13], $0x80, v3, vm0, $0xb8;
	[tilespmem:$0x18100] =	vst v63  }
0x3c2: {  	s21 =	simm.s32 $0x15900  }
0x3c3: {  	[tilespmem:s21], [sflag:$0x3] =	stream.indirect_vreg.gather [hbm4b:s7+s13], $0x80, v3, vm0, $0xb8;
	[tilespmem:$0x18100] =	vst v63  }
0x3c4: {  	s15 =	simm.s32 $0x16100  }
0x3c5: {  	[tilespmem:s15], [sflag:$0x3] =	stream.indirect_vreg.gather [hbm4b:s8+s13], $0x80, v3, vm0, $0xb8;
	[tilespmem:$0x18100] =	vst v63  }
0x3c6: {  	s16 =	simm.s32 $0x16900  }
0x3c7: {  	[tilespmem:s16], [sflag:$0x3] =	stream.indirect_vreg.gather [hbm4b:s9+s13], $0x80, v3, vm0, $0xb8;
	[tilespmem:$0x18100] =	vst v63  }
0x3c8: {  	s17 =	simm.s32 $0x17100  }
0x3c9: {  	[tilespmem:s17], [sflag:$0x3] =	stream.indirect_vreg.gather [hbm4b:s10+s13], $0x80, v3, vm0, $0xb8;
	[tilespmem:$0x18100] =	vst v63  }
0x3ca: {  	s18 =	simm.s32 $0x17900;
	s19 =	simm.s32 $0x0;
	s20 =	simm.s32 $0x0  }
0x3cb: {  	[tilespmem:s18], [sflag:$0x3] =	stream.indirect_vreg.gather [hbm4b:s11+s13], $0x80, v3, vm0, $0xb8;
	[tilespmem:$0x18100] =	vst v63  }
0x3cc: {  	s14 =	sand.u32 $0xE00, s20;
	s21 =	simm.s32 $0x0;
	s13 =	sand.u32 $0xFFFF0000, s19  }
0x3cd: {  	s16 =	sand.u32 $0xFFFF0000, s21;
	s13 =	sor.u32 s14, s13  }
0x3ce: {  	_ =	swait.ge [sflag:s29], $0x8000;
	s13 =	ssub.s32 s13, s16  }
0x3cf: {  	[sflag:s29] =	ssyncset.done $0x0;
	s13 =	sshra.s32 s13, $0x2  }
0x3d0: {  	[sflag:s29] =	ssyncadd.s32 $0xFFFF8000;
	s13 =	sadd.s32 $0x8140, s13  }
0x3d1: {  	s17 =	simm.s32 $0x200;
	s18 =	simm.s32 $0x20;
	v3 =	vld [tilespmem:s13+$0x30]  }
0x3d2: {  	s14 =	sand.u32 $0xFFFF0000, s17;
	s15 =	sand.u32 $0xE00, s18;
	s16 =	simm.s32 $0x1000;
	v4 =	vld [tilespmem:s13+$0xFFFFFFC0]  }
0x3d3: {  	s14 =	sor.u32 s15, s14;
	s19 =	sand.u32 $0xFFFF0000, s16;
	v5 =	vld [tilespmem:s13+$0xFFFFFFD0]  }
0x3d4: {  	s14 =	ssub.s32 s14, s19;
	v6 =	vld [tilespmem:s13+$0xFFFFFFE0]  }
0x3d5: {  	v7 =	vld [tilespmem:s13+$0xFFFFFFF0];
	s14 =	sshra.s32 s14, $0x2  }
0x3d6: {  	v8 =	vld [tilespmem:s13+$0x0];
	s14 =	sadd.s32 $0x8540, s14  }
0x3d7: {  	v11 =	vld [tilespmem:s14+$0xFFFFFFC0];
	v3 =	vmul.f32 $4.525483320e+01, v3  }
0x3d8: {  	v9 =	vld [tilespmem:s13+$0x10];
	v4 =	vmul.f32 $4.525483320e+01, v4  }
0x3d9: {  	v5 =	vmul.f32 $4.525483320e+01, v5;
	[tilespmem:s13+$0x30] =	vst v3;
	v3 =	vld [tilespmem:s14+$0x30]  }
0x3da: {  	v10 =	vld [tilespmem:s13+$0x20];
	[tilespmem:s13+$0xFFFFFFC0] =	vst v4;
	v4 =	vmul.f32 $4.525483320e+01, v6  }
0x3db: {  	s20 =	simm.s32 $0x2000;
	s21 =	simm.s32 $0x400;
	s17 =	simm.s32 $0x40;
	v12 =	vld [tilespmem:s14+$0xFFFFFFD0];
	[tilespmem:s13+$0xFFFFFFD0] =	vst v5;
	v5 =	vmul.f32 $4.525483320e+01, v7  }
0x3dc: {  	s17 =	sand.u32 $0xE00, s17;
	s16 =	sand.u32 $0xFFFF0000, s21;
	v13 =	vld [tilespmem:s14+$0xFFFFFFE0];
	v11 =	vmul.f32 $4.525483320e+01, v11;
	[tilespmem:s13+$0xFFFFFFE0] =	vst v4  }
0x3dd: {  	s15 =	sand.u32 $0xFFFF0000, s20;
	s16 =	sor.u32 s17, s16;
	v6 =	vld [tilespmem:s14+$0xFFFFFFF0];
	v4 =	vmul.f32 $4.525483320e+01, v8;
	[tilespmem:s13+$0xFFFFFFF0] =	vst v5  }
0x3de: {  	s15 =	ssub.s32 s16, s15;
	v7 =	vld [tilespmem:s14+$0x0];
	v8 =	vmul.f32 $4.525483320e+01, v9;
	[tilespmem:s14+$0xFFFFFFC0] =	vst v11;
	v9 =	vmul.f32 $4.525483320e+01, v3  }
0x3df: {  	s15 =	sshra.s32 s15, $0x2;
	v5 =	vld [tilespmem:s14+$0x10];
	[tilespmem:s13+$0x0] =	vst v4  }
0x3e0: {  	s15 =	sadd.s32 $0x8940, s15;
	v3 =	vld [tilespmem:s14+$0x20];
	[tilespmem:s14+$0x30] =	vst v9;
	v9 =	vmul.f32 $4.525483320e+01, v12  }
0x3e1: {  	s18 =	simm.s32 $0x180;
	s17 =	simm.s32 $0x8940;
	s16 =	simm.s32 $0x100;
	[tilespmem:s13+$0x10] =	vst v8;
	v4 =	vmul.f32 $4.525483320e+01, v10;
	v8 =	vld [tilespmem:s15+$0x30];
	v10 =	vmul.f32 $4.525483320e+01, v13  }
.LBB2_22:
0x3e2: {  	s19 =	sshll.u32 s18, $0x5;
	v11 =	vld [tilespmem:s15+$0xFFFFFFC0];
	[tilespmem:s14+$0xFFFFFFD0] =	vst v9;
	v6 =	vmul.f32 $4.525483320e+01, v6  }
0x3e3: {  	s20 =	sshll.u32 s18, $0x2;
	s21 =	sshrl.u32 s18, $0x2;
	s16 =	sadd.s32 $0x80, s16;
	v9 =	vld [tilespmem:s15+$0xFFFFFFD0];
	[tilespmem:s14+$0xFFFFFFE0] =	vst v10;
	v7 =	vmul.f32 $4.525483320e+01, v7  }
0x3e4: {  	s20 =	sand.u32 $0xFFFF0000, s20;
	s21 =	sand.u32 $0xE00, s21;
	p0 =	slt.u32 s16, $0x7F80;
	v10 =	vld [tilespmem:s15+$0xFFFFFFE0];
	[tilespmem:s14+$0xFFFFFFF0] =	vst v6  }
.Ltmp10:
0x3e5: {  	s19 =	sand.u32 $0xFFFF0000, s19;
	s20 =	sor.u32 s21, s20;
	v12 =	vmul.f32 $4.525483320e+01, v5;
	v6 =	vld [tilespmem:s15+$0xFFFFFFF0];
	[tilespmem:s14+$0x0] =	vst v7;
	v3 =	vmul.f32 $4.525483320e+01, v3;
	(pc) =	sbr.rel @p0 .LBB2_22-.Ltmp10, $4  }
0x3e6: {  	s19 =	ssub.s32 s20, s19;
	v7 =	vld [tilespmem:s15+$0x0];
	v8 =	vmul.f32 $4.525483320e+01, v8;
	[tilespmem:s13+$0x20] =	vst v4;
	s13 =	smov.u32 s14;
	s14 =	smov.u32 s15  }
0x3e7: {  	s17 =	sadd.s32 $0x400, s17;
	s15 =	sshra.s32 s19, $0x2;
	v11 =	vmul.f32 $4.525483320e+01, v11;
	v5 =	vld [tilespmem:s14+$0x10];
	[tilespmem:s13+$0x10] =	vst v12;
	v4 =	vmov v3  }
0x3e8: {  	s15 =	sadd.s32 s15, s17;
	v9 =	vmul.f32 $4.525483320e+01, v9;
	v3 =	vld [tilespmem:s14+$0x20];
	[tilespmem:s14+$0x30] =	vst v8  }
0x3e9: {  	s18 =	sadd.s32 $0x80, s18;
	v8 =	vld [tilespmem:s15+$0x30];
	[tilespmem:s14+$0xFFFFFFC0] =	vst v11;
	v10 =	vmul.f32 $4.525483320e+01, v10  }
0x3ea: {  	v11 =	vld [tilespmem:s15+$0xFFFFFFC0];
	[tilespmem:s14+$0xFFFFFFD0] =	vst v9  }
0x3eb: {  	v6 =	vmul.f32 $4.525483320e+01, v6;
	[tilespmem:s13+$0x20] =	vst v4  }
0x3ec: {  	[tilespmem:s14+$0xFFFFFFE0] =	vst v10;
	v7 =	vmul.f32 $4.525483320e+01, v7;
	v10 =	vld [tilespmem:s15+$0xFFFFFFE0]  }
0x3ed: {  	v9 =	vld [tilespmem:s15+$0xFFFFFFD0];
	[tilespmem:s14+$0xFFFFFFF0] =	vst v6;
	v5 =	vmul.f32 $4.525483320e+01, v5  }
0x3ee: {  	[tilespmem:s14+$0x0] =	vst v7;
	v7 =	vld [tilespmem:s15+$0x0];
	v8 =	vmul.f32 $4.525483320e+01, v8  }
0x3ef: {  	v6 =	vld [tilespmem:s15+$0xFFFFFFF0];
	[tilespmem:s14+$0x10] =	vst v5;
	v4 =	vmul.f32 $4.525483320e+01, v11  }
0x3f0: {  	v3 =	vmul.f32 $4.525483320e+01, v3;
	v5 =	vld [tilespmem:s15+$0x10];
	[tilespmem:s15+$0x30] =	vst v8  }
0x3f1: {  	v8 =	vld [tilespmem:s15+$0x20];
	[tilespmem:s15+$0xFFFFFFC0] =	vst v4;
	v4 =	vmul.f32 $4.525483320e+01, v10  }
0x3f2: {  	v9 =	vmul.f32 $4.525483320e+01, v9;
	[tilespmem:s14+$0x20] =	vst v3  }
0x3f3: {  	[tilespmem:s15+$0xFFFFFFE0] =	vst v4;
	v4 =	vmul.f32 $4.525483320e+01, v7  }
0x3f4: {  	[tilespmem:s15+$0xFFFFFFD0] =	vst v9;
	v6 =	vmul.f32 $4.525483320e+01, v6  }
0x3f5: {  	[tilespmem:s15+$0x0] =	vst v4;
	v4 =	vmul.f32 $4.525483320e+01, v5  }
0x3f6: {  	[tilespmem:s15+$0xFFFFFFF0] =	vst v6;
	v5 =	vmul.f32 $4.525483320e+01, v8  }
0x3f7: {  	[tilespmem:s15+$0x10] =	vst v4  }
0x3f8: {  	[tilespmem:s15+$0x20] =	vst v5  }
0x3f9: {  	s13 =	simm.s32 $0x0;
	s14 =	rddreg [dreg:$0xf]  }
0x3fa: {  	[hbm4b:s14+s13] =	stream.linear.scatter [tilespmem:s25], [sflag:$0x5], $0x8000, $0x38;
	[tilespmem:$0x18100] =	vst v63  }
0x3fb: {  	_ =	swait.ge [sflag:s12], $0x8000  }
0x3fc: {  	[sflag:s12] =	ssyncset.done $0x0  }
0x3fd: {  	[sflag:s12] =	ssyncadd.s32 $0xFFFF8000  }
0x3fe: {  	v3 =	vld [tilespmem:$0xC0];
	_ =	sdelay $0x4  }
0x3ff: {  	v4 =	vshll.u32 v3, $0x4  }
0x400: {  	v3 =	vand.u32 $0x7, v3;
	v4 =	vand.u32 $0xFFFFFF80, v4  }
0x401: {  	v3 =	vor.u32 v3, v4  }
0x402: {  	v4 =	vperm.xlane v3, v0;
	_ =	sdelay $0x1  }
0x403: {  	v4 =	vadd.s32 v1, v4;
	_ =	sdelay $0x4  }
0x404: {  	[tilespmem:s31], [sflag:$0x1] =	stream.indirect_vreg.gather [hbm4b:s2+s13], $0x80, v4, vm0, $0xb8;
	[tilespmem:$0x18100] =	vst v63  }
0x405: {  	s21 =	simm.s32 $0x900  }
0x406: {  	[tilespmem:s21], [sflag:$0x1] =	stream.indirect_vreg.gather [hbm4b:s5+s13], $0x80, v4, vm0, $0xb8;
	[tilespmem:$0x18100] =	vst v63  }
0x407: {  	s15 =	simm.s32 $0x1100  }
0x408: {  	[tilespmem:s15], [sflag:$0x1] =	stream.indirect_vreg.gather [hbm4b:s6+s13], $0x80, v4, vm0, $0xb8;
	[tilespmem:$0x18100] =	vst v63  }
0x409: {  	s16 =	simm.s32 $0x1900  }
0x40a: {  	[tilespmem:s16], [sflag:$0x1] =	stream.indirect_vreg.gather [hbm4b:s7+s13], $0x80, v4, vm0, $0xb8;
	[tilespmem:$0x18100] =	vst v63  }
0x40b: {  	s17 =	simm.s32 $0x2100  }
0x40c: {  	[tilespmem:s17], [sflag:$0x1] =	stream.indirect_vreg.gather [hbm4b:s8+s13], $0x80, v4, vm0, $0xb8;
	[tilespmem:$0x18100] =	vst v63  }
0x40d: {  	s18 =	simm.s32 $0x2900;
	v3 =	vperm.xlane v3, v2  }
0x40e: {  	[tilespmem:s18], [sflag:$0x1] =	stream.indirect_vreg.gather [hbm4b:s9+s13], $0x80, v4, vm0, $0xb8;
	[tilespmem:$0x18100] =	vst v63  }
0x40f: {  	s19 =	simm.s32 $0x3100;
	v3 =	vadd.s32 v1, v3  }
0x410: {  	[tilespmem:s19], [sflag:$0x1] =	stream.indirect_vreg.gather [hbm4b:s10+s13], $0x80, v4, vm0, $0xb8;
	[tilespmem:$0x18100] =	vst v63  }
0x411: {  	s20 =	simm.s32 $0x3900  }
0x412: {  	[tilespmem:s20], [sflag:$0x1] =	stream.indirect_vreg.gather [hbm4b:s11+s13], $0x80, v4, vm0, $0xb8;
	[tilespmem:$0x18100] =	vst v63  }
0x413: {  	s21 =	simm.s32 $0x4100  }
0x414: {  	[tilespmem:s21], [sflag:$0x1] =	stream.indirect_vreg.gather [hbm4b:s2+s13], $0x80, v3, vm0, $0xb8;
	[tilespmem:$0x18100] =	vst v63  }
0x415: {  	s15 =	simm.s32 $0x4900  }
0x416: {  	[tilespmem:s15], [sflag:$0x1] =	stream.indirect_vreg.gather [hbm4b:s5+s13], $0x80, v3, vm0, $0xb8;
	[tilespmem:$0x18100] =	vst v63  }
0x417: {  	s16 =	simm.s32 $0x5100  }
0x418: {  	[tilespmem:s16], [sflag:$0x1] =	stream.indirect_vreg.gather [hbm4b:s6+s13], $0x80, v3, vm0, $0xb8;
	[tilespmem:$0x18100] =	vst v63  }
0x419: {  	s17 =	simm.s32 $0x5900  }
0x41a: {  	[tilespmem:s17], [sflag:$0x1] =	stream.indirect_vreg.gather [hbm4b:s7+s13], $0x80, v3, vm0, $0xb8;
	[tilespmem:$0x18100] =	vst v63  }
0x41b: {  	s18 =	simm.s32 $0x6100  }
0x41c: {  	[tilespmem:s18], [sflag:$0x1] =	stream.indirect_vreg.gather [hbm4b:s8+s13], $0x80, v3, vm0, $0xb8;
	[tilespmem:$0x18100] =	vst v63  }
0x41d: {  	_ = 	snop  }
0x41e: {  	[tilespmem:s22], [sflag:$0x1] =	stream.indirect_vreg.gather [hbm4b:s9+s13], $0x80, v3, vm0, $0xb8;
	[tilespmem:$0x18100] =	vst v63  }
0x41f: {  	_ = 	snop  }
0x420: {  	[tilespmem:s23], [sflag:$0x1] =	stream.indirect_vreg.gather [hbm4b:s10+s13], $0x80, v3, vm0, $0xb8;
	[tilespmem:$0x18100] =	vst v63  }
0x421: {  	s19 =	simm.s32 $0x0;
	s20 =	simm.s32 $0x0  }
0x422: {  	[tilespmem:s24], [sflag:$0x1] =	stream.indirect_vreg.gather [hbm4b:s11+s13], $0x80, v3, vm0, $0xb8;
	[tilespmem:$0x18100] =	vst v63  }
0x423: {  	s14 =	sand.u32 $0xE00, s20;
	s21 =	simm.s32 $0x0;
	s13 =	sand.u32 $0xFFFF0000, s19  }
0x424: {  	s16 =	sand.u32 $0xFFFF0000, s21;
	s13 =	sor.u32 s14, s13  }
0x425: {  	_ =	swait.ge [sflag:s30], $0x8000;
	s13 =	ssub.s32 s13, s16  }
0x426: {  	[sflag:s30] =	ssyncset.done $0x0;
	s13 =	sshra.s32 s13, $0x2  }
0x427: {  	[sflag:s30] =	ssyncadd.s32 $0xFFFF8000;
	s13 =	sadd.s32 $0x10140, s13  }
0x428: {  	s17 =	simm.s32 $0x200;
	s18 =	simm.s32 $0x20;
	v3 =	vld [tilespmem:s13+$0x30]  }
0x429: {  	s15 =	sand.u32 $0xE00, s18;
	s14 =	sand.u32 $0xFFFF0000, s17;
	s16 =	simm.s32 $0x1000;
	v4 =	vld [tilespmem:s13+$0xFFFFFFC0]  }
0x42a: {  	s14 =	sor.u32 s15, s14;
	s19 =	sand.u32 $0xFFFF0000, s16;
	v5 =	vld [tilespmem:s13+$0xFFFFFFD0]  }
0x42b: {  	s14 =	ssub.s32 s14, s19;
	v6 =	vld [tilespmem:s13+$0xFFFFFFE0]  }
0x42c: {  	v7 =	vld [tilespmem:s13+$0xFFFFFFF0];
	s14 =	sshra.s32 s14, $0x2  }
0x42d: {  	v8 =	vld [tilespmem:s13+$0x0];
	s14 =	sadd.s32 $0x10540, s14  }
0x42e: {  	v11 =	vld [tilespmem:s14+$0xFFFFFFC0];
	v3 =	vmul.f32 $4.525483320e+01, v3  }
0x42f: {  	v9 =	vld [tilespmem:s13+$0x10];
	v4 =	vmul.f32 $4.525483320e+01, v4  }
0x430: {  	v5 =	vmul.f32 $4.525483320e+01, v5;
	[tilespmem:s13+$0x30] =	vst v3;
	v3 =	vld [tilespmem:s14+$0x30]  }
0x431: {  	v10 =	vld [tilespmem:s13+$0x20];
	[tilespmem:s13+$0xFFFFFFC0] =	vst v4;
	v4 =	vmul.f32 $4.525483320e+01, v6  }
0x432: {  	s20 =	simm.s32 $0x2000;
	s21 =	simm.s32 $0x400;
	s17 =	simm.s32 $0x40;
	v12 =	vld [tilespmem:s14+$0xFFFFFFD0];
	[tilespmem:s13+$0xFFFFFFD0] =	vst v5;
	v5 =	vmul.f32 $4.525483320e+01, v7  }
0x433: {  	s17 =	sand.u32 $0xE00, s17;
	s16 =	sand.u32 $0xFFFF0000, s21;
	v13 =	vld [tilespmem:s14+$0xFFFFFFE0];
	v11 =	vmul.f32 $4.525483320e+01, v11;
	[tilespmem:s13+$0xFFFFFFE0] =	vst v4  }
0x434: {  	s15 =	sand.u32 $0xFFFF0000, s20;
	s16 =	sor.u32 s17, s16;
	v6 =	vld [tilespmem:s14+$0xFFFFFFF0];
	v4 =	vmul.f32 $4.525483320e+01, v8;
	[tilespmem:s13+$0xFFFFFFF0] =	vst v5  }
0x435: {  	s15 =	ssub.s32 s16, s15;
	v7 =	vld [tilespmem:s14+$0x0];
	v8 =	vmul.f32 $4.525483320e+01, v9;
	[tilespmem:s14+$0xFFFFFFC0] =	vst v11;
	v9 =	vmul.f32 $4.525483320e+01, v3  }
0x436: {  	s15 =	sshra.s32 s15, $0x2;
	v5 =	vld [tilespmem:s14+$0x10];
	[tilespmem:s13+$0x0] =	vst v4  }
0x437: {  	s15 =	sadd.s32 $0x10940, s15;
	v3 =	vld [tilespmem:s14+$0x20];
	[tilespmem:s14+$0x30] =	vst v9;
	v9 =	vmul.f32 $4.525483320e+01, v12  }
0x438: {  	s18 =	simm.s32 $0x180;
	s17 =	simm.s32 $0x10940;
	s16 =	simm.s32 $0x100;
	[tilespmem:s13+$0x10] =	vst v8;
	v4 =	vmul.f32 $4.525483320e+01, v10;
	v8 =	vld [tilespmem:s15+$0x30];
	v10 =	vmul.f32 $4.525483320e+01, v13  }
.LBB2_24:
0x439: {  	s19 =	sshll.u32 s18, $0x5;
	v11 =	vld [tilespmem:s15+$0xFFFFFFC0];
	[tilespmem:s14+$0xFFFFFFD0] =	vst v9;
	v6 =	vmul.f32 $4.525483320e+01, v6  }
0x43a: {  	s20 =	sshll.u32 s18, $0x2;
	s21 =	sshrl.u32 s18, $0x2;
	s16 =	sadd.s32 $0x80, s16;
	v9 =	vld [tilespmem:s15+$0xFFFFFFD0];
	[tilespmem:s14+$0xFFFFFFE0] =	vst v10;
	v7 =	vmul.f32 $4.525483320e+01, v7  }
0x43b: {  	s20 =	sand.u32 $0xFFFF0000, s20;
	s21 =	sand.u32 $0xE00, s21;
	p0 =	slt.u32 s16, $0x7F80;
	v10 =	vld [tilespmem:s15+$0xFFFFFFE0];
	[tilespmem:s14+$0xFFFFFFF0] =	vst v6  }
.Ltmp11:
0x43c: {  	s19 =	sand.u32 $0xFFFF0000, s19;
	s20 =	sor.u32 s21, s20;
	v12 =	vmul.f32 $4.525483320e+01, v5;
	v6 =	vld [tilespmem:s15+$0xFFFFFFF0];
	[tilespmem:s14+$0x0] =	vst v7;
	v3 =	vmul.f32 $4.525483320e+01, v3;
	(pc) =	sbr.rel @p0 .LBB2_24-.Ltmp11, $4  }
0x43d: {  	s19 =	ssub.s32 s20, s19;
	v7 =	vld [tilespmem:s15+$0x0];
	v8 =	vmul.f32 $4.525483320e+01, v8;
	[tilespmem:s13+$0x20] =	vst v4;
	s13 =	smov.u32 s14;
	s14 =	smov.u32 s15  }
0x43e: {  	s17 =	sadd.s32 $0x400, s17;
	s15 =	sshra.s32 s19, $0x2;
	v11 =	vmul.f32 $4.525483320e+01, v11;
	v5 =	vld [tilespmem:s14+$0x10];
	[tilespmem:s13+$0x10] =	vst v12;
	v4 =	vmov v3  }
0x43f: {  	s15 =	sadd.s32 s15, s17;
	v9 =	vmul.f32 $4.525483320e+01, v9;
	v3 =	vld [tilespmem:s14+$0x20];
	[tilespmem:s14+$0x30] =	vst v8  }
0x440: {  	s18 =	sadd.s32 $0x80, s18;
	v8 =	vld [tilespmem:s15+$0x30];
	[tilespmem:s14+$0xFFFFFFC0] =	vst v11;
	v10 =	vmul.f32 $4.525483320e+01, v10  }
0x441: {  	v11 =	vld [tilespmem:s15+$0xFFFFFFC0];
	[tilespmem:s14+$0xFFFFFFD0] =	vst v9  }
0x442: {  	v6 =	vmul.f32 $4.525483320e+01, v6;
	[tilespmem:s13+$0x20] =	vst v4  }
0x443: {  	[tilespmem:s14+$0xFFFFFFE0] =	vst v10;
	v7 =	vmul.f32 $4.525483320e+01, v7;
	v10 =	vld [tilespmem:s15+$0xFFFFFFE0]  }
0x444: {  	v9 =	vld [tilespmem:s15+$0xFFFFFFD0];
	[tilespmem:s14+$0xFFFFFFF0] =	vst v6;
	v5 =	vmul.f32 $4.525483320e+01, v5  }
0x445: {  	[tilespmem:s14+$0x0] =	vst v7;
	v7 =	vld [tilespmem:s15+$0x0];
	v8 =	vmul.f32 $4.525483320e+01, v8  }
0x446: {  	v6 =	vld [tilespmem:s15+$0xFFFFFFF0];
	[tilespmem:s14+$0x10] =	vst v5;
	v4 =	vmul.f32 $4.525483320e+01, v11  }
0x447: {  	v3 =	vmul.f32 $4.525483320e+01, v3;
	v5 =	vld [tilespmem:s15+$0x10];
	[tilespmem:s15+$0x30] =	vst v8  }
0x448: {  	v8 =	vld [tilespmem:s15+$0x20];
	[tilespmem:s15+$0xFFFFFFC0] =	vst v4;
	v4 =	vmul.f32 $4.525483320e+01, v10  }
0x449: {  	v9 =	vmul.f32 $4.525483320e+01, v9;
	[tilespmem:s14+$0x20] =	vst v3  }
0x44a: {  	[tilespmem:s15+$0xFFFFFFE0] =	vst v4;
	v4 =	vmul.f32 $4.525483320e+01, v7  }
0x44b: {  	[tilespmem:s15+$0xFFFFFFD0] =	vst v9;
	v6 =	vmul.f32 $4.525483320e+01, v6  }
0x44c: {  	[tilespmem:s15+$0x0] =	vst v4;
	v4 =	vmul.f32 $4.525483320e+01, v5  }
0x44d: {  	[tilespmem:s15+$0xFFFFFFF0] =	vst v6;
	v5 =	vmul.f32 $4.525483320e+01, v8  }
0x44e: {  	[tilespmem:s15+$0x10] =	vst v4  }
0x44f: {  	[tilespmem:s15+$0x20] =	vst v5  }
0x450: {  	s13 =	simm.s32 $0x0;
	s14 =	rddreg [dreg:$0x10]  }
0x451: {  	[hbm4b:s14+s13] =	stream.linear.scatter [tilespmem:s28], [sflag:$0x6], $0x8000, $0x38;
	[tilespmem:$0x18100] =	vst v63  }
0x452: {  	_ =	swait.ge [sflag:s1], $0x8000  }
0x453: {  	[sflag:s1] =	ssyncset.done $0x0  }
0x454: {  	[sflag:s1] =	ssyncadd.s32 $0xFFFF8000  }
0x455: {  	v3 =	vld [tilespmem:$0xD0];
	_ =	sdelay $0x4  }
0x456: {  	v4 =	vshll.u32 v3, $0x4  }
0x457: {  	v3 =	vand.u32 $0x7, v3;
	v4 =	vand.u32 $0xFFFFFF80, v4  }
0x458: {  	v3 =	vor.u32 v3, v4  }
0x459: {  	v4 =	vperm.xlane v3, v0;
	_ =	sdelay $0x1  }
0x45a: {  	v4 =	vadd.s32 v1, v4;
	_ =	sdelay $0x4  }
0x45b: {  	[tilespmem:s25], [sflag:$0x2] =	stream.indirect_vreg.gather [hbm4b:s2+s13], $0x80, v4, vm0, $0xb8;
	[tilespmem:$0x18100] =	vst v63  }
0x45c: {  	s18 =	simm.s32 $0x8900  }
0x45d: {  	[tilespmem:s18], [sflag:$0x2] =	stream.indirect_vreg.gather [hbm4b:s5+s13], $0x80, v4, vm0, $0xb8;
	[tilespmem:$0x18100] =	vst v63  }
0x45e: {  	s19 =	simm.s32 $0x9100  }
0x45f: {  	[tilespmem:s19], [sflag:$0x2] =	stream.indirect_vreg.gather [hbm4b:s6+s13], $0x80, v4, vm0, $0xb8;
	[tilespmem:$0x18100] =	vst v63  }
0x460: {  	s20 =	simm.s32 $0x9900  }
0x461: {  	[tilespmem:s20], [sflag:$0x2] =	stream.indirect_vreg.gather [hbm4b:s7+s13], $0x80, v4, vm0, $0xb8;
	[tilespmem:$0x18100] =	vst v63  }
0x462: {  	s21 =	simm.s32 $0xA100  }
0x463: {  	[tilespmem:s21], [sflag:$0x2] =	stream.indirect_vreg.gather [hbm4b:s8+s13], $0x80, v4, vm0, $0xb8;
	[tilespmem:$0x18100] =	vst v63  }
0x464: {  	s15 =	simm.s32 $0xA900;
	v3 =	vperm.xlane v3, v2  }
0x465: {  	[tilespmem:s15], [sflag:$0x2] =	stream.indirect_vreg.gather [hbm4b:s9+s13], $0x80, v4, vm0, $0xb8;
	[tilespmem:$0x18100] =	vst v63  }
0x466: {  	s16 =	simm.s32 $0xB100;
	v3 =	vadd.s32 v1, v3  }
0x467: {  	[tilespmem:s16], [sflag:$0x2] =	stream.indirect_vreg.gather [hbm4b:s10+s13], $0x80, v4, vm0, $0xb8;
	[tilespmem:$0x18100] =	vst v63  }
0x468: {  	s17 =	simm.s32 $0xB900  }
0x469: {  	[tilespmem:s17], [sflag:$0x2] =	stream.indirect_vreg.gather [hbm4b:s11+s13], $0x80, v4, vm0, $0xb8;
	[tilespmem:$0x18100] =	vst v63  }
0x46a: {  	s18 =	simm.s32 $0xC100  }
0x46b: {  	[tilespmem:s18], [sflag:$0x2] =	stream.indirect_vreg.gather [hbm4b:s2+s13], $0x80, v3, vm0, $0xb8;
	[tilespmem:$0x18100] =	vst v63  }
0x46c: {  	s19 =	simm.s32 $0xC900  }
0x46d: {  	[tilespmem:s19], [sflag:$0x2] =	stream.indirect_vreg.gather [hbm4b:s5+s13], $0x80, v3, vm0, $0xb8;
	[tilespmem:$0x18100] =	vst v63  }
0x46e: {  	s20 =	simm.s32 $0xD100  }
0x46f: {  	[tilespmem:s20], [sflag:$0x2] =	stream.indirect_vreg.gather [hbm4b:s6+s13], $0x80, v3, vm0, $0xb8;
	[tilespmem:$0x18100] =	vst v63  }
0x470: {  	s21 =	simm.s32 $0xD900  }
0x471: {  	[tilespmem:s21], [sflag:$0x2] =	stream.indirect_vreg.gather [hbm4b:s7+s13], $0x80, v3, vm0, $0xb8;
	[tilespmem:$0x18100] =	vst v63  }
0x472: {  	s15 =	simm.s32 $0xE100  }
0x473: {  	[tilespmem:s15], [sflag:$0x2] =	stream.indirect_vreg.gather [hbm4b:s8+s13], $0x80, v3, vm0, $0xb8;
	[tilespmem:$0x18100] =	vst v63  }
0x474: {  	s16 =	simm.s32 $0xE900  }
0x475: {  	[tilespmem:s16], [sflag:$0x2] =	stream.indirect_vreg.gather [hbm4b:s9+s13], $0x80, v3, vm0, $0xb8;
	[tilespmem:$0x18100] =	vst v63  }
0x476: {  	s17 =	simm.s32 $0xF100  }
0x477: {  	[tilespmem:s17], [sflag:$0x2] =	stream.indirect_vreg.gather [hbm4b:s10+s13], $0x80, v3, vm0, $0xb8;
	[tilespmem:$0x18100] =	vst v63  }
0x478: {  	s18 =	simm.s32 $0xF900;
	s19 =	simm.s32 $0x0;
	s20 =	simm.s32 $0x0  }
0x479: {  	[tilespmem:s18], [sflag:$0x2] =	stream.indirect_vreg.gather [hbm4b:s11+s13], $0x80, v3, vm0, $0xb8;
	[tilespmem:$0x18100] =	vst v63  }
0x47a: {  	s14 =	sand.u32 $0xE00, s20;
	s21 =	simm.s32 $0x0;
	s13 =	sand.u32 $0xFFFF0000, s19  }
0x47b: {  	s16 =	sand.u32 $0xFFFF0000, s21;
	s13 =	sor.u32 s14, s13  }
0x47c: {  	_ =	swait.ge [sflag:s26], $0x8000;
	s13 =	ssub.s32 s13, s16  }
0x47d: {  	[sflag:s26] =	ssyncset.done $0x0;
	s13 =	sshra.s32 s13, $0x2  }
0x47e: {  	[sflag:s26] =	ssyncadd.s32 $0xFFFF8000;
	s13 =	sadd.s32 $0x140, s13  }
0x47f: {  	s17 =	simm.s32 $0x200;
	s18 =	simm.s32 $0x20;
	v3 =	vld [tilespmem:s13+$0x30]  }
0x480: {  	s14 =	sand.u32 $0xFFFF0000, s17;
	s15 =	sand.u32 $0xE00, s18;
	s16 =	simm.s32 $0x1000;
	v4 =	vld [tilespmem:s13+$0xFFFFFFC0]  }
0x481: {  	s14 =	sor.u32 s15, s14;
	s19 =	sand.u32 $0xFFFF0000, s16;
	v5 =	vld [tilespmem:s13+$0xFFFFFFD0]  }
0x482: {  	s14 =	ssub.s32 s14, s19;
	v6 =	vld [tilespmem:s13+$0xFFFFFFE0]  }
0x483: {  	v7 =	vld [tilespmem:s13+$0xFFFFFFF0];
	s14 =	sshra.s32 s14, $0x2  }
0x484: {  	v8 =	vld [tilespmem:s13+$0x0];
	s14 =	sadd.s32 $0x540, s14  }
0x485: {  	v11 =	vld [tilespmem:s14+$0xFFFFFFC0];
	v3 =	vmul.f32 $4.525483320e+01, v3  }
0x486: {  	v9 =	vld [tilespmem:s13+$0x10];
	v4 =	vmul.f32 $4.525483320e+01, v4  }
0x487: {  	v5 =	vmul.f32 $4.525483320e+01, v5;
	[tilespmem:s13+$0x30] =	vst v3;
	v3 =	vld [tilespmem:s14+$0x30]  }
0x488: {  	v10 =	vld [tilespmem:s13+$0x20];
	[tilespmem:s13+$0xFFFFFFC0] =	vst v4;
	v4 =	vmul.f32 $4.525483320e+01, v6  }
0x489: {  	s20 =	simm.s32 $0x2000;
	s21 =	simm.s32 $0x400;
	s17 =	simm.s32 $0x40;
	v12 =	vld [tilespmem:s14+$0xFFFFFFD0];
	[tilespmem:s13+$0xFFFFFFD0] =	vst v5;
	v5 =	vmul.f32 $4.525483320e+01, v7  }
0x48a: {  	s17 =	sand.u32 $0xE00, s17;
	s16 =	sand.u32 $0xFFFF0000, s21;
	v13 =	vld [tilespmem:s14+$0xFFFFFFE0];
	v11 =	vmul.f32 $4.525483320e+01, v11;
	[tilespmem:s13+$0xFFFFFFE0] =	vst v4  }
0x48b: {  	s15 =	sand.u32 $0xFFFF0000, s20;
	s16 =	sor.u32 s17, s16;
	v6 =	vld [tilespmem:s14+$0xFFFFFFF0];
	v4 =	vmul.f32 $4.525483320e+01, v8;
	[tilespmem:s13+$0xFFFFFFF0] =	vst v5  }
0x48c: {  	s15 =	ssub.s32 s16, s15;
	v7 =	vld [tilespmem:s14+$0x0];
	v8 =	vmul.f32 $4.525483320e+01, v9;
	[tilespmem:s14+$0xFFFFFFC0] =	vst v11;
	v9 =	vmul.f32 $4.525483320e+01, v3  }
0x48d: {  	s15 =	sshra.s32 s15, $0x2;
	v5 =	vld [tilespmem:s14+$0x10];
	[tilespmem:s13+$0x0] =	vst v4  }
0x48e: {  	s15 =	sadd.s32 $0x940, s15;
	v3 =	vld [tilespmem:s14+$0x20];
	[tilespmem:s14+$0x30] =	vst v9;
	v9 =	vmul.f32 $4.525483320e+01, v12  }
0x48f: {  	s18 =	simm.s32 $0x180;
	s17 =	simm.s32 $0x940;
	s16 =	simm.s32 $0x100;
	[tilespmem:s13+$0x10] =	vst v8;
	v4 =	vmul.f32 $4.525483320e+01, v10;
	v8 =	vld [tilespmem:s15+$0x30];
	v10 =	vmul.f32 $4.525483320e+01, v13  }
.LBB2_26:
0x490: {  	s19 =	sshll.u32 s18, $0x5;
	v11 =	vld [tilespmem:s15+$0xFFFFFFC0];
	[tilespmem:s14+$0xFFFFFFD0] =	vst v9;
	v6 =	vmul.f32 $4.525483320e+01, v6  }
0x491: {  	s20 =	sshll.u32 s18, $0x2;
	s21 =	sshrl.u32 s18, $0x2;
	s16 =	sadd.s32 $0x80, s16;
	v9 =	vld [tilespmem:s15+$0xFFFFFFD0];
	[tilespmem:s14+$0xFFFFFFE0] =	vst v10;
	v7 =	vmul.f32 $4.525483320e+01, v7  }
0x492: {  	s20 =	sand.u32 $0xFFFF0000, s20;
	s21 =	sand.u32 $0xE00, s21;
	p0 =	slt.u32 s16, $0x7F80;
	v10 =	vld [tilespmem:s15+$0xFFFFFFE0];
	[tilespmem:s14+$0xFFFFFFF0] =	vst v6  }
.Ltmp12:
0x493: {  	s19 =	sand.u32 $0xFFFF0000, s19;
	s20 =	sor.u32 s21, s20;
	v12 =	vmul.f32 $4.525483320e+01, v5;
	v6 =	vld [tilespmem:s15+$0xFFFFFFF0];
	[tilespmem:s14+$0x0] =	vst v7;
	v3 =	vmul.f32 $4.525483320e+01, v3;
	(pc) =	sbr.rel @p0 .LBB2_26-.Ltmp12, $4  }
0x494: {  	s19 =	ssub.s32 s20, s19;
	v7 =	vld [tilespmem:s15+$0x0];
	v8 =	vmul.f32 $4.525483320e+01, v8;
	[tilespmem:s13+$0x20] =	vst v4;
	s13 =	smov.u32 s14;
	s14 =	smov.u32 s15  }
0x495: {  	s17 =	sadd.s32 $0x400, s17;
	s15 =	sshra.s32 s19, $0x2;
	v11 =	vmul.f32 $4.525483320e+01, v11;
	v5 =	vld [tilespmem:s14+$0x10];
	[tilespmem:s13+$0x10] =	vst v12;
	v4 =	vmov v3  }
0x496: {  	s15 =	sadd.s32 s15, s17;
	v9 =	vmul.f32 $4.525483320e+01, v9;
	v3 =	vld [tilespmem:s14+$0x20];
	[tilespmem:s14+$0x30] =	vst v8  }
0x497: {  	s18 =	sadd.s32 $0x80, s18;
	v8 =	vld [tilespmem:s15+$0x30];
	[tilespmem:s14+$0xFFFFFFC0] =	vst v11;
	v10 =	vmul.f32 $4.525483320e+01, v10  }
0x498: {  	v11 =	vld [tilespmem:s15+$0xFFFFFFC0];
	[tilespmem:s14+$0xFFFFFFD0] =	vst v9  }
0x499: {  	v6 =	vmul.f32 $4.525483320e+01, v6;
	[tilespmem:s13+$0x20] =	vst v4  }
0x49a: {  	[tilespmem:s14+$0xFFFFFFE0] =	vst v10;
	v7 =	vmul.f32 $4.525483320e+01, v7;
	v10 =	vld [tilespmem:s15+$0xFFFFFFE0]  }
0x49b: {  	v9 =	vld [tilespmem:s15+$0xFFFFFFD0];
	[tilespmem:s14+$0xFFFFFFF0] =	vst v6;
	v5 =	vmul.f32 $4.525483320e+01, v5  }
0x49c: {  	[tilespmem:s14+$0x0] =	vst v7;
	v7 =	vld [tilespmem:s15+$0x0];
	v8 =	vmul.f32 $4.525483320e+01, v8  }
0x49d: {  	v6 =	vld [tilespmem:s15+$0xFFFFFFF0];
	[tilespmem:s14+$0x10] =	vst v5;
	v4 =	vmul.f32 $4.525483320e+01, v11  }
0x49e: {  	v3 =	vmul.f32 $4.525483320e+01, v3;
	v5 =	vld [tilespmem:s15+$0x10];
	[tilespmem:s15+$0x30] =	vst v8  }
0x49f: {  	v8 =	vld [tilespmem:s15+$0x20];
	[tilespmem:s15+$0xFFFFFFC0] =	vst v4;
	v4 =	vmul.f32 $4.525483320e+01, v10  }
0x4a0: {  	v9 =	vmul.f32 $4.525483320e+01, v9;
	[tilespmem:s14+$0x20] =	vst v3  }
0x4a1: {  	[tilespmem:s15+$0xFFFFFFE0] =	vst v4;
	v4 =	vmul.f32 $4.525483320e+01, v7  }
0x4a2: {  	[tilespmem:s15+$0xFFFFFFD0] =	vst v9;
	v6 =	vmul.f32 $4.525483320e+01, v6  }
0x4a3: {  	[tilespmem:s15+$0x0] =	vst v4;
	v4 =	vmul.f32 $4.525483320e+01, v5  }
0x4a4: {  	[tilespmem:s15+$0xFFFFFFF0] =	vst v6;
	v5 =	vmul.f32 $4.525483320e+01, v8  }
0x4a5: {  	[tilespmem:s15+$0x10] =	vst v4  }
0x4a6: {  	[tilespmem:s15+$0x20] =	vst v5  }
0x4a7: {  	s13 =	simm.s32 $0x0;
	s14 =	rddreg [dreg:$0x11]  }
0x4a8: {  	[hbm4b:s14+s13] =	stream.linear.scatter [tilespmem:s31], [sflag:$0x4], $0x8000, $0x38;
	[tilespmem:$0x18100] =	vst v63  }
0x4a9: {  	_ =	swait.ge [sflag:s0], $0x8000  }
0x4aa: {  	[sflag:s0] =	ssyncset.done $0x0  }
0x4ab: {  	[sflag:s0] =	ssyncadd.s32 $0xFFFF8000  }
0x4ac: {  	v3 =	vld [tilespmem:$0xE0];
	_ =	sdelay $0x4  }
0x4ad: {  	v4 =	vshll.u32 v3, $0x4  }
0x4ae: {  	v3 =	vand.u32 $0x7, v3;
	v4 =	vand.u32 $0xFFFFFF80, v4  }
0x4af: {  	v3 =	vor.u32 v3, v4  }
0x4b0: {  	v4 =	vperm.xlane v3, v0;
	_ =	sdelay $0x1  }
0x4b1: {  	v4 =	vadd.s32 v1, v4;
	_ =	sdelay $0x4  }
0x4b2: {  	[tilespmem:s28], [sflag:$0x3] =	stream.indirect_vreg.gather [hbm4b:s2+s13], $0x80, v4, vm0, $0xb8;
	[tilespmem:$0x18100] =	vst v63  }
0x4b3: {  	s18 =	simm.s32 $0x10900  }
0x4b4: {  	[tilespmem:s18], [sflag:$0x3] =	stream.indirect_vreg.gather [hbm4b:s5+s13], $0x80, v4, vm0, $0xb8;
	[tilespmem:$0x18100] =	vst v63  }
0x4b5: {  	s19 =	simm.s32 $0x11100  }
0x4b6: {  	[tilespmem:s19], [sflag:$0x3] =	stream.indirect_vreg.gather [hbm4b:s6+s13], $0x80, v4, vm0, $0xb8;
	[tilespmem:$0x18100] =	vst v63  }
0x4b7: {  	s20 =	simm.s32 $0x11900  }
0x4b8: {  	[tilespmem:s20], [sflag:$0x3] =	stream.indirect_vreg.gather [hbm4b:s7+s13], $0x80, v4, vm0, $0xb8;
	[tilespmem:$0x18100] =	vst v63  }
0x4b9: {  	s21 =	simm.s32 $0x12100  }
0x4ba: {  	[tilespmem:s21], [sflag:$0x3] =	stream.indirect_vreg.gather [hbm4b:s8+s13], $0x80, v4, vm0, $0xb8;
	[tilespmem:$0x18100] =	vst v63  }
0x4bb: {  	s15 =	simm.s32 $0x12900;
	v3 =	vperm.xlane v3, v2  }
0x4bc: {  	[tilespmem:s15], [sflag:$0x3] =	stream.indirect_vreg.gather [hbm4b:s9+s13], $0x80, v4, vm0, $0xb8;
	[tilespmem:$0x18100] =	vst v63  }
0x4bd: {  	s16 =	simm.s32 $0x13100;
	v3 =	vadd.s32 v1, v3  }
0x4be: {  	[tilespmem:s16], [sflag:$0x3] =	stream.indirect_vreg.gather [hbm4b:s10+s13], $0x80, v4, vm0, $0xb8;
	[tilespmem:$0x18100] =	vst v63  }
0x4bf: {  	s17 =	simm.s32 $0x13900  }
0x4c0: {  	[tilespmem:s17], [sflag:$0x3] =	stream.indirect_vreg.gather [hbm4b:s11+s13], $0x80, v4, vm0, $0xb8;
	[tilespmem:$0x18100] =	vst v63  }
0x4c1: {  	s18 =	simm.s32 $0x14100  }
0x4c2: {  	[tilespmem:s18], [sflag:$0x3] =	stream.indirect_vreg.gather [hbm4b:s2+s13], $0x80, v3, vm0, $0xb8;
	[tilespmem:$0x18100] =	vst v63  }
0x4c3: {  	s19 =	simm.s32 $0x14900  }
0x4c4: {  	[tilespmem:s19], [sflag:$0x3] =	stream.indirect_vreg.gather [hbm4b:s5+s13], $0x80, v3, vm0, $0xb8;
	[tilespmem:$0x18100] =	vst v63  }
0x4c5: {  	s20 =	simm.s32 $0x15100  }
0x4c6: {  	[tilespmem:s20], [sflag:$0x3] =	stream.indirect_vreg.gather [hbm4b:s6+s13], $0x80, v3, vm0, $0xb8;
	[tilespmem:$0x18100] =	vst v63  }
0x4c7: {  	s21 =	simm.s32 $0x15900  }
0x4c8: {  	[tilespmem:s21], [sflag:$0x3] =	stream.indirect_vreg.gather [hbm4b:s7+s13], $0x80, v3, vm0, $0xb8;
	[tilespmem:$0x18100] =	vst v63  }
0x4c9: {  	s15 =	simm.s32 $0x16100  }
0x4ca: {  	[tilespmem:s15], [sflag:$0x3] =	stream.indirect_vreg.gather [hbm4b:s8+s13], $0x80, v3, vm0, $0xb8;
	[tilespmem:$0x18100] =	vst v63  }
0x4cb: {  	s16 =	simm.s32 $0x16900  }
0x4cc: {  	[tilespmem:s16], [sflag:$0x3] =	stream.indirect_vreg.gather [hbm4b:s9+s13], $0x80, v3, vm0, $0xb8;
	[tilespmem:$0x18100] =	vst v63  }
0x4cd: {  	s17 =	simm.s32 $0x17100  }
0x4ce: {  	[tilespmem:s17], [sflag:$0x3] =	stream.indirect_vreg.gather [hbm4b:s10+s13], $0x80, v3, vm0, $0xb8;
	[tilespmem:$0x18100] =	vst v63  }
0x4cf: {  	s18 =	simm.s32 $0x17900;
	s19 =	simm.s32 $0x0;
	s20 =	simm.s32 $0x0  }
0x4d0: {  	[tilespmem:s18], [sflag:$0x3] =	stream.indirect_vreg.gather [hbm4b:s11+s13], $0x80, v3, vm0, $0xb8;
	[tilespmem:$0x18100] =	vst v63  }
0x4d1: {  	s14 =	sand.u32 $0xE00, s20;
	s21 =	simm.s32 $0x0;
	s13 =	sand.u32 $0xFFFF0000, s19  }
0x4d2: {  	s16 =	sand.u32 $0xFFFF0000, s21;
	s13 =	sor.u32 s14, s13  }
0x4d3: {  	_ =	swait.ge [sflag:s29], $0x8000;
	s13 =	ssub.s32 s13, s16  }
0x4d4: {  	[sflag:s29] =	ssyncset.done $0x0;
	s13 =	sshra.s32 s13, $0x2  }
0x4d5: {  	[sflag:s29] =	ssyncadd.s32 $0xFFFF8000;
	s13 =	sadd.s32 $0x8140, s13  }
0x4d6: {  	s17 =	simm.s32 $0x200;
	s18 =	simm.s32 $0x20;
	v3 =	vld [tilespmem:s13+$0x30]  }
0x4d7: {  	s14 =	sand.u32 $0xFFFF0000, s17;
	s15 =	sand.u32 $0xE00, s18;
	s16 =	simm.s32 $0x1000;
	v4 =	vld [tilespmem:s13+$0xFFFFFFC0]  }
0x4d8: {  	s14 =	sor.u32 s15, s14;
	s19 =	sand.u32 $0xFFFF0000, s16;
	v5 =	vld [tilespmem:s13+$0xFFFFFFD0]  }
0x4d9: {  	s14 =	ssub.s32 s14, s19;
	v6 =	vld [tilespmem:s13+$0xFFFFFFE0]  }
0x4da: {  	v7 =	vld [tilespmem:s13+$0xFFFFFFF0];
	s14 =	sshra.s32 s14, $0x2  }
0x4db: {  	v8 =	vld [tilespmem:s13+$0x0];
	s14 =	sadd.s32 $0x8540, s14  }
0x4dc: {  	v11 =	vld [tilespmem:s14+$0xFFFFFFC0];
	v3 =	vmul.f32 $4.525483320e+01, v3  }
0x4dd: {  	v9 =	vld [tilespmem:s13+$0x10];
	v4 =	vmul.f32 $4.525483320e+01, v4  }
0x4de: {  	v5 =	vmul.f32 $4.525483320e+01, v5;
	[tilespmem:s13+$0x30] =	vst v3;
	v3 =	vld [tilespmem:s14+$0x30]  }
0x4df: {  	v10 =	vld [tilespmem:s13+$0x20];
	[tilespmem:s13+$0xFFFFFFC0] =	vst v4;
	v4 =	vmul.f32 $4.525483320e+01, v6  }
0x4e0: {  	s20 =	simm.s32 $0x2000;
	s21 =	simm.s32 $0x400;
	s17 =	simm.s32 $0x40;
	v12 =	vld [tilespmem:s14+$0xFFFFFFD0];
	[tilespmem:s13+$0xFFFFFFD0] =	vst v5;
	v5 =	vmul.f32 $4.525483320e+01, v7  }
0x4e1: {  	s17 =	sand.u32 $0xE00, s17;
	s16 =	sand.u32 $0xFFFF0000, s21;
	v13 =	vld [tilespmem:s14+$0xFFFFFFE0];
	v11 =	vmul.f32 $4.525483320e+01, v11;
	[tilespmem:s13+$0xFFFFFFE0] =	vst v4  }
0x4e2: {  	s15 =	sand.u32 $0xFFFF0000, s20;
	s16 =	sor.u32 s17, s16;
	v6 =	vld [tilespmem:s14+$0xFFFFFFF0];
	v4 =	vmul.f32 $4.525483320e+01, v8;
	[tilespmem:s13+$0xFFFFFFF0] =	vst v5  }
0x4e3: {  	s15 =	ssub.s32 s16, s15;
	v7 =	vld [tilespmem:s14+$0x0];
	v8 =	vmul.f32 $4.525483320e+01, v9;
	[tilespmem:s14+$0xFFFFFFC0] =	vst v11;
	v9 =	vmul.f32 $4.525483320e+01, v3  }
0x4e4: {  	s15 =	sshra.s32 s15, $0x2;
	v5 =	vld [tilespmem:s14+$0x10];
	[tilespmem:s13+$0x0] =	vst v4  }
0x4e5: {  	s15 =	sadd.s32 $0x8940, s15;
	v3 =	vld [tilespmem:s14+$0x20];
	[tilespmem:s14+$0x30] =	vst v9;
	v9 =	vmul.f32 $4.525483320e+01, v12  }
0x4e6: {  	s18 =	simm.s32 $0x180;
	s17 =	simm.s32 $0x8940;
	s16 =	simm.s32 $0x100;
	[tilespmem:s13+$0x10] =	vst v8;
	v4 =	vmul.f32 $4.525483320e+01, v10;
	v8 =	vld [tilespmem:s15+$0x30];
	v10 =	vmul.f32 $4.525483320e+01, v13  }
.LBB2_28:
0x4e7: {  	s19 =	sshll.u32 s18, $0x5;
	v11 =	vld [tilespmem:s15+$0xFFFFFFC0];
	[tilespmem:s14+$0xFFFFFFD0] =	vst v9;
	v6 =	vmul.f32 $4.525483320e+01, v6  }
0x4e8: {  	s20 =	sshll.u32 s18, $0x2;
	s21 =	sshrl.u32 s18, $0x2;
	s16 =	sadd.s32 $0x80, s16;
	v9 =	vld [tilespmem:s15+$0xFFFFFFD0];
	[tilespmem:s14+$0xFFFFFFE0] =	vst v10;
	v7 =	vmul.f32 $4.525483320e+01, v7  }
0x4e9: {  	s20 =	sand.u32 $0xFFFF0000, s20;
	s21 =	sand.u32 $0xE00, s21;
	p0 =	slt.u32 s16, $0x7F80;
	v10 =	vld [tilespmem:s15+$0xFFFFFFE0];
	[tilespmem:s14+$0xFFFFFFF0] =	vst v6  }
.Ltmp13:
0x4ea: {  	s19 =	sand.u32 $0xFFFF0000, s19;
	s20 =	sor.u32 s21, s20;
	v12 =	vmul.f32 $4.525483320e+01, v5;
	v6 =	vld [tilespmem:s15+$0xFFFFFFF0];
	[tilespmem:s14+$0x0] =	vst v7;
	v3 =	vmul.f32 $4.525483320e+01, v3;
	(pc) =	sbr.rel @p0 .LBB2_28-.Ltmp13, $4  }
0x4eb: {  	s19 =	ssub.s32 s20, s19;
	v7 =	vld [tilespmem:s15+$0x0];
	v8 =	vmul.f32 $4.525483320e+01, v8;
	[tilespmem:s13+$0x20] =	vst v4;
	s13 =	smov.u32 s14;
	s14 =	smov.u32 s15  }
0x4ec: {  	s17 =	sadd.s32 $0x400, s17;
	s15 =	sshra.s32 s19, $0x2;
	v11 =	vmul.f32 $4.525483320e+01, v11;
	v5 =	vld [tilespmem:s14+$0x10];
	[tilespmem:s13+$0x10] =	vst v12;
	v4 =	vmov v3  }
0x4ed: {  	s15 =	sadd.s32 s15, s17;
	v9 =	vmul.f32 $4.525483320e+01, v9;
	v3 =	vld [tilespmem:s14+$0x20];
	[tilespmem:s14+$0x30] =	vst v8  }
0x4ee: {  	s18 =	sadd.s32 $0x80, s18;
	v8 =	vld [tilespmem:s15+$0x30];
	[tilespmem:s14+$0xFFFFFFC0] =	vst v11;
	v10 =	vmul.f32 $4.525483320e+01, v10  }
0x4ef: {  	v11 =	vld [tilespmem:s15+$0xFFFFFFC0];
	[tilespmem:s14+$0xFFFFFFD0] =	vst v9  }
0x4f0: {  	v6 =	vmul.f32 $4.525483320e+01, v6;
	[tilespmem:s13+$0x20] =	vst v4  }
0x4f1: {  	[tilespmem:s14+$0xFFFFFFE0] =	vst v10;
	v7 =	vmul.f32 $4.525483320e+01, v7;
	v10 =	vld [tilespmem:s15+$0xFFFFFFE0]  }
0x4f2: {  	v9 =	vld [tilespmem:s15+$0xFFFFFFD0];
	[tilespmem:s14+$0xFFFFFFF0] =	vst v6;
	v5 =	vmul.f32 $4.525483320e+01, v5  }
0x4f3: {  	[tilespmem:s14+$0x0] =	vst v7;
	v7 =	vld [tilespmem:s15+$0x0];
	v8 =	vmul.f32 $4.525483320e+01, v8  }
0x4f4: {  	v6 =	vld [tilespmem:s15+$0xFFFFFFF0];
	[tilespmem:s14+$0x10] =	vst v5;
	v4 =	vmul.f32 $4.525483320e+01, v11  }
0x4f5: {  	v3 =	vmul.f32 $4.525483320e+01, v3;
	v5 =	vld [tilespmem:s15+$0x10];
	[tilespmem:s15+$0x30] =	vst v8  }
0x4f6: {  	v8 =	vld [tilespmem:s15+$0x20];
	[tilespmem:s15+$0xFFFFFFC0] =	vst v4;
	v4 =	vmul.f32 $4.525483320e+01, v10  }
0x4f7: {  	v9 =	vmul.f32 $4.525483320e+01, v9;
	[tilespmem:s14+$0x20] =	vst v3  }
0x4f8: {  	[tilespmem:s15+$0xFFFFFFE0] =	vst v4;
	v4 =	vmul.f32 $4.525483320e+01, v7  }
0x4f9: {  	[tilespmem:s15+$0xFFFFFFD0] =	vst v9;
	v6 =	vmul.f32 $4.525483320e+01, v6  }
0x4fa: {  	[tilespmem:s15+$0x0] =	vst v4;
	v4 =	vmul.f32 $4.525483320e+01, v5  }
0x4fb: {  	[tilespmem:s15+$0xFFFFFFF0] =	vst v6;
	v5 =	vmul.f32 $4.525483320e+01, v8  }
0x4fc: {  	[tilespmem:s15+$0x10] =	vst v4  }
0x4fd: {  	[tilespmem:s15+$0x20] =	vst v5  }
0x4fe: {  	s13 =	simm.s32 $0x0;
	s14 =	rddreg [dreg:$0x13]  }
0x4ff: {  	[hbm4b:s14+s13] =	stream.linear.scatter [tilespmem:s25], [sflag:$0x5], $0x8000, $0x38;
	[tilespmem:$0x18100] =	vst v63  }
0x500: {  	_ =	swait.ge [sflag:s12], $0x8000  }
0x501: {  	[sflag:s12] =	ssyncset.done $0x0  }
0x502: {  	[sflag:s12] =	ssyncadd.s32 $0xFFFF8000  }
0x503: {  	v3 =	vld [tilespmem:$0xF0];
	_ =	sdelay $0x4  }
0x504: {  	v4 =	vshll.u32 v3, $0x4  }
0x505: {  	v3 =	vand.u32 $0x7, v3;
	v4 =	vand.u32 $0xFFFFFF80, v4  }
0x506: {  	v3 =	vor.u32 v3, v4  }
0x507: {  	v4 =	vperm.xlane v3, v0;
	_ =	sdelay $0x1  }
0x508: {  	v4 =	vadd.s32 v1, v4;
	_ =	sdelay $0x4  }
0x509: {  	[tilespmem:s31], [sflag:$0x1] =	stream.indirect_vreg.gather [hbm4b:s2+s13], $0x80, v4, vm0, $0xb8;
	[tilespmem:$0x18100] =	vst v63  }
0x50a: {  	s21 =	simm.s32 $0x900  }
0x50b: {  	[tilespmem:s21], [sflag:$0x1] =	stream.indirect_vreg.gather [hbm4b:s5+s13], $0x80, v4, vm0, $0xb8;
	[tilespmem:$0x18100] =	vst v63  }
0x50c: {  	s15 =	simm.s32 $0x1100  }
0x50d: {  	[tilespmem:s15], [sflag:$0x1] =	stream.indirect_vreg.gather [hbm4b:s6+s13], $0x80, v4, vm0, $0xb8;
	[tilespmem:$0x18100] =	vst v63  }
0x50e: {  	s16 =	simm.s32 $0x1900  }
0x50f: {  	[tilespmem:s16], [sflag:$0x1] =	stream.indirect_vreg.gather [hbm4b:s7+s13], $0x80, v4, vm0, $0xb8;
	[tilespmem:$0x18100] =	vst v63  }
0x510: {  	s17 =	simm.s32 $0x2100  }
0x511: {  	[tilespmem:s17], [sflag:$0x1] =	stream.indirect_vreg.gather [hbm4b:s8+s13], $0x80, v4, vm0, $0xb8;
	[tilespmem:$0x18100] =	vst v63  }
0x512: {  	s18 =	simm.s32 $0x2900;
	v3 =	vperm.xlane v3, v2  }
0x513: {  	[tilespmem:s18], [sflag:$0x1] =	stream.indirect_vreg.gather [hbm4b:s9+s13], $0x80, v4, vm0, $0xb8;
	[tilespmem:$0x18100] =	vst v63  }
0x514: {  	s19 =	simm.s32 $0x3100;
	v3 =	vadd.s32 v1, v3  }
0x515: {  	[tilespmem:s19], [sflag:$0x1] =	stream.indirect_vreg.gather [hbm4b:s10+s13], $0x80, v4, vm0, $0xb8;
	[tilespmem:$0x18100] =	vst v63  }
0x516: {  	s20 =	simm.s32 $0x3900  }
0x517: {  	[tilespmem:s20], [sflag:$0x1] =	stream.indirect_vreg.gather [hbm4b:s11+s13], $0x80, v4, vm0, $0xb8;
	[tilespmem:$0x18100] =	vst v63  }
0x518: {  	s21 =	simm.s32 $0x4100  }
0x519: {  	[tilespmem:s21], [sflag:$0x1] =	stream.indirect_vreg.gather [hbm4b:s2+s13], $0x80, v3, vm0, $0xb8;
	[tilespmem:$0x18100] =	vst v63  }
0x51a: {  	s15 =	simm.s32 $0x4900  }
0x51b: {  	[tilespmem:s15], [sflag:$0x1] =	stream.indirect_vreg.gather [hbm4b:s5+s13], $0x80, v3, vm0, $0xb8;
	[tilespmem:$0x18100] =	vst v63  }
0x51c: {  	s16 =	simm.s32 $0x5100  }
0x51d: {  	[tilespmem:s16], [sflag:$0x1] =	stream.indirect_vreg.gather [hbm4b:s6+s13], $0x80, v3, vm0, $0xb8;
	[tilespmem:$0x18100] =	vst v63  }
0x51e: {  	s17 =	simm.s32 $0x5900  }
0x51f: {  	[tilespmem:s17], [sflag:$0x1] =	stream.indirect_vreg.gather [hbm4b:s7+s13], $0x80, v3, vm0, $0xb8;
	[tilespmem:$0x18100] =	vst v63  }
0x520: {  	s18 =	simm.s32 $0x6100  }
0x521: {  	[tilespmem:s18], [sflag:$0x1] =	stream.indirect_vreg.gather [hbm4b:s8+s13], $0x80, v3, vm0, $0xb8;
	[tilespmem:$0x18100] =	vst v63  }
0x522: {  	_ = 	snop  }
0x523: {  	[tilespmem:s22], [sflag:$0x1] =	stream.indirect_vreg.gather [hbm4b:s9+s13], $0x80, v3, vm0, $0xb8;
	[tilespmem:$0x18100] =	vst v63  }
0x524: {  	_ = 	snop  }
0x525: {  	[tilespmem:s23], [sflag:$0x1] =	stream.indirect_vreg.gather [hbm4b:s10+s13], $0x80, v3, vm0, $0xb8;
	[tilespmem:$0x18100] =	vst v63  }
0x526: {  	s19 =	simm.s32 $0x0;
	s20 =	simm.s32 $0x0  }
0x527: {  	[tilespmem:s24], [sflag:$0x1] =	stream.indirect_vreg.gather [hbm4b:s11+s13], $0x80, v3, vm0, $0xb8;
	[tilespmem:$0x18100] =	vst v63  }
0x528: {  	s14 =	sand.u32 $0xE00, s20;
	s21 =	simm.s32 $0x0;
	s13 =	sand.u32 $0xFFFF0000, s19  }
0x529: {  	s16 =	sand.u32 $0xFFFF0000, s21;
	s13 =	sor.u32 s14, s13  }
0x52a: {  	_ =	swait.ge [sflag:s30], $0x8000;
	s13 =	ssub.s32 s13, s16  }
0x52b: {  	[sflag:s30] =	ssyncset.done $0x0;
	s13 =	sshra.s32 s13, $0x2  }
0x52c: {  	[sflag:s30] =	ssyncadd.s32 $0xFFFF8000;
	s13 =	sadd.s32 $0x10140, s13  }
0x52d: {  	s17 =	simm.s32 $0x200;
	s18 =	simm.s32 $0x20;
	v3 =	vld [tilespmem:s13+$0x30]  }
0x52e: {  	s15 =	sand.u32 $0xE00, s18;
	s14 =	sand.u32 $0xFFFF0000, s17;
	s16 =	simm.s32 $0x1000;
	v4 =	vld [tilespmem:s13+$0xFFFFFFC0]  }
0x52f: {  	s14 =	sor.u32 s15, s14;
	s19 =	sand.u32 $0xFFFF0000, s16;
	v5 =	vld [tilespmem:s13+$0xFFFFFFD0]  }
0x530: {  	s14 =	ssub.s32 s14, s19;
	v6 =	vld [tilespmem:s13+$0xFFFFFFE0]  }
0x531: {  	v7 =	vld [tilespmem:s13+$0xFFFFFFF0];
	s14 =	sshra.s32 s14, $0x2  }
0x532: {  	v8 =	vld [tilespmem:s13+$0x0];
	s14 =	sadd.s32 $0x10540, s14  }
0x533: {  	v11 =	vld [tilespmem:s14+$0xFFFFFFC0];
	v3 =	vmul.f32 $4.525483320e+01, v3  }
0x534: {  	v9 =	vld [tilespmem:s13+$0x10];
	v4 =	vmul.f32 $4.525483320e+01, v4  }
0x535: {  	v5 =	vmul.f32 $4.525483320e+01, v5;
	[tilespmem:s13+$0x30] =	vst v3;
	v3 =	vld [tilespmem:s14+$0x30]  }
0x536: {  	v10 =	vld [tilespmem:s13+$0x20];
	[tilespmem:s13+$0xFFFFFFC0] =	vst v4;
	v4 =	vmul.f32 $4.525483320e+01, v6  }
0x537: {  	s20 =	simm.s32 $0x2000;
	s21 =	simm.s32 $0x400;
	s17 =	simm.s32 $0x40;
	v12 =	vld [tilespmem:s14+$0xFFFFFFD0];
	[tilespmem:s13+$0xFFFFFFD0] =	vst v5;
	v5 =	vmul.f32 $4.525483320e+01, v7  }
0x538: {  	s17 =	sand.u32 $0xE00, s17;
	s16 =	sand.u32 $0xFFFF0000, s21;
	v13 =	vld [tilespmem:s14+$0xFFFFFFE0];
	v11 =	vmul.f32 $4.525483320e+01, v11;
	[tilespmem:s13+$0xFFFFFFE0] =	vst v4  }
0x539: {  	s15 =	sand.u32 $0xFFFF0000, s20;
	s16 =	sor.u32 s17, s16;
	v6 =	vld [tilespmem:s14+$0xFFFFFFF0];
	v4 =	vmul.f32 $4.525483320e+01, v8;
	[tilespmem:s13+$0xFFFFFFF0] =	vst v5  }
0x53a: {  	s15 =	ssub.s32 s16, s15;
	v7 =	vld [tilespmem:s14+$0x0];
	v8 =	vmul.f32 $4.525483320e+01, v9;
	[tilespmem:s14+$0xFFFFFFC0] =	vst v11;
	v9 =	vmul.f32 $4.525483320e+01, v3  }
0x53b: {  	s15 =	sshra.s32 s15, $0x2;
	v5 =	vld [tilespmem:s14+$0x10];
	[tilespmem:s13+$0x0] =	vst v4  }
0x53c: {  	s15 =	sadd.s32 $0x10940, s15;
	v3 =	vld [tilespmem:s14+$0x20];
	[tilespmem:s14+$0x30] =	vst v9;
	v9 =	vmul.f32 $4.525483320e+01, v12  }
0x53d: {  	s18 =	simm.s32 $0x180;
	s17 =	simm.s32 $0x10940;
	s16 =	simm.s32 $0x100;
	[tilespmem:s13+$0x10] =	vst v8;
	v4 =	vmul.f32 $4.525483320e+01, v10;
	v8 =	vld [tilespmem:s15+$0x30];
	v10 =	vmul.f32 $4.525483320e+01, v13  }
.LBB2_30:
0x53e: {  	s19 =	sshll.u32 s18, $0x5;
	v11 =	vld [tilespmem:s15+$0xFFFFFFC0];
	[tilespmem:s14+$0xFFFFFFD0] =	vst v9;
	v6 =	vmul.f32 $4.525483320e+01, v6  }
0x53f: {  	s20 =	sshll.u32 s18, $0x2;
	s21 =	sshrl.u32 s18, $0x2;
	s16 =	sadd.s32 $0x80, s16;
	v9 =	vld [tilespmem:s15+$0xFFFFFFD0];
	[tilespmem:s14+$0xFFFFFFE0] =	vst v10;
	v7 =	vmul.f32 $4.525483320e+01, v7  }
0x540: {  	s20 =	sand.u32 $0xFFFF0000, s20;
	s21 =	sand.u32 $0xE00, s21;
	p0 =	slt.u32 s16, $0x7F80;
	v10 =	vld [tilespmem:s15+$0xFFFFFFE0];
	[tilespmem:s14+$0xFFFFFFF0] =	vst v6  }
.Ltmp14:
0x541: {  	s19 =	sand.u32 $0xFFFF0000, s19;
	s20 =	sor.u32 s21, s20;
	v12 =	vmul.f32 $4.525483320e+01, v5;
	v6 =	vld [tilespmem:s15+$0xFFFFFFF0];
	[tilespmem:s14+$0x0] =	vst v7;
	v3 =	vmul.f32 $4.525483320e+01, v3;
	(pc) =	sbr.rel @p0 .LBB2_30-.Ltmp14, $4  }
0x542: {  	s19 =	ssub.s32 s20, s19;
	v7 =	vld [tilespmem:s15+$0x0];
	v8 =	vmul.f32 $4.525483320e+01, v8;
	[tilespmem:s13+$0x20] =	vst v4;
	s13 =	smov.u32 s14;
	s14 =	smov.u32 s15  }
0x543: {  	s17 =	sadd.s32 $0x400, s17;
	s15 =	sshra.s32 s19, $0x2;
	v11 =	vmul.f32 $4.525483320e+01, v11;
	v5 =	vld [tilespmem:s14+$0x10];
	[tilespmem:s13+$0x10] =	vst v12;
	v4 =	vmov v3  }
0x544: {  	s15 =	sadd.s32 s15, s17;
	v9 =	vmul.f32 $4.525483320e+01, v9;
	v3 =	vld [tilespmem:s14+$0x20];
	[tilespmem:s14+$0x30] =	vst v8  }
0x545: {  	s18 =	sadd.s32 $0x80, s18;
	v8 =	vld [tilespmem:s15+$0x30];
	[tilespmem:s14+$0xFFFFFFC0] =	vst v11;
	v10 =	vmul.f32 $4.525483320e+01, v10  }
0x546: {  	v11 =	vld [tilespmem:s15+$0xFFFFFFC0];
	[tilespmem:s14+$0xFFFFFFD0] =	vst v9  }
0x547: {  	v6 =	vmul.f32 $4.525483320e+01, v6;
	[tilespmem:s13+$0x20] =	vst v4  }
0x548: {  	[tilespmem:s14+$0xFFFFFFE0] =	vst v10;
	v7 =	vmul.f32 $4.525483320e+01, v7;
	v10 =	vld [tilespmem:s15+$0xFFFFFFE0]  }
0x549: {  	v9 =	vld [tilespmem:s15+$0xFFFFFFD0];
	[tilespmem:s14+$0xFFFFFFF0] =	vst v6;
	v5 =	vmul.f32 $4.525483320e+01, v5  }
0x54a: {  	[tilespmem:s14+$0x0] =	vst v7;
	v7 =	vld [tilespmem:s15+$0x0];
	v8 =	vmul.f32 $4.525483320e+01, v8  }
0x54b: {  	v6 =	vld [tilespmem:s15+$0xFFFFFFF0];
	[tilespmem:s14+$0x10] =	vst v5;
	v4 =	vmul.f32 $4.525483320e+01, v11  }
0x54c: {  	v3 =	vmul.f32 $4.525483320e+01, v3;
	v5 =	vld [tilespmem:s15+$0x10];
	[tilespmem:s15+$0x30] =	vst v8  }
0x54d: {  	v8 =	vld [tilespmem:s15+$0x20];
	[tilespmem:s15+$0xFFFFFFC0] =	vst v4;
	v4 =	vmul.f32 $4.525483320e+01, v10  }
0x54e: {  	v9 =	vmul.f32 $4.525483320e+01, v9;
	[tilespmem:s14+$0x20] =	vst v3  }
0x54f: {  	[tilespmem:s15+$0xFFFFFFE0] =	vst v4;
	v4 =	vmul.f32 $4.525483320e+01, v7  }
0x550: {  	[tilespmem:s15+$0xFFFFFFD0] =	vst v9;
	v6 =	vmul.f32 $4.525483320e+01, v6  }
0x551: {  	[tilespmem:s15+$0x0] =	vst v4;
	v4 =	vmul.f32 $4.525483320e+01, v5  }
0x552: {  	[tilespmem:s15+$0xFFFFFFF0] =	vst v6;
	v5 =	vmul.f32 $4.525483320e+01, v8  }
0x553: {  	[tilespmem:s15+$0x10] =	vst v4  }
0x554: {  	s18 =	simm.s32 $0x0;
	[tilespmem:s15+$0x20] =	vst v5  }
0x555: {  	s19 =	simm.s32 $0x0;
	s20 =	simm.s32 $0x0;
	s14 =	rddreg [dreg:$0x14]  }
0x556: {  	[hbm4b:s14+s18] =	stream.linear.scatter [tilespmem:s28], [sflag:$0x6], $0x8000, $0x38;
	[tilespmem:$0x18100] =	vst v63  }
0x557: {  	s21 =	simm.s32 $0x0;
	s13 =	sand.u32 $0xFFFF0000, s19;
	s14 =	sand.u32 $0xE00, s20  }
0x558: {  	s16 =	sand.u32 $0xFFFF0000, s21;
	s13 =	sor.u32 s14, s13  }
0x559: {  	_ =	swait.ge [sflag:s26], $0x8000;
	s13 =	ssub.s32 s13, s16  }
0x55a: {  	[sflag:s26] =	ssyncset.done $0x0;
	s13 =	sshra.s32 s13, $0x2  }
0x55b: {  	[sflag:s26] =	ssyncadd.s32 $0xFFFF8000;
	s13 =	sadd.s32 $0x140, s13  }
0x55c: {  	s17 =	simm.s32 $0x200;
	s18 =	simm.s32 $0x20;
	v3 =	vld [tilespmem:s13+$0x30]  }
0x55d: {  	s14 =	sand.u32 $0xFFFF0000, s17;
	s15 =	sand.u32 $0xE00, s18;
	s16 =	simm.s32 $0x1000;
	v4 =	vld [tilespmem:s13+$0xFFFFFFC0]  }
0x55e: {  	s14 =	sor.u32 s15, s14;
	s19 =	sand.u32 $0xFFFF0000, s16;
	v5 =	vld [tilespmem:s13+$0xFFFFFFD0]  }
0x55f: {  	s14 =	ssub.s32 s14, s19;
	v6 =	vld [tilespmem:s13+$0xFFFFFFE0]  }
0x560: {  	v7 =	vld [tilespmem:s13+$0xFFFFFFF0];
	s14 =	sshra.s32 s14, $0x2  }
0x561: {  	v8 =	vld [tilespmem:s13+$0x0];
	s14 =	sadd.s32 $0x540, s14  }
0x562: {  	v11 =	vld [tilespmem:s14+$0xFFFFFFC0];
	v3 =	vmul.f32 $4.525483320e+01, v3  }
0x563: {  	v9 =	vld [tilespmem:s13+$0x10];
	v4 =	vmul.f32 $4.525483320e+01, v4  }
0x564: {  	v5 =	vmul.f32 $4.525483320e+01, v5;
	[tilespmem:s13+$0x30] =	vst v3;
	v3 =	vld [tilespmem:s14+$0x30]  }
0x565: {  	v10 =	vld [tilespmem:s13+$0x20];
	[tilespmem:s13+$0xFFFFFFC0] =	vst v4;
	v4 =	vmul.f32 $4.525483320e+01, v6  }
0x566: {  	s21 =	simm.s32 $0x400;
	s20 =	simm.s32 $0x2000;
	s17 =	simm.s32 $0x40;
	v12 =	vld [tilespmem:s14+$0xFFFFFFD0];
	[tilespmem:s13+$0xFFFFFFD0] =	vst v5;
	v5 =	vmul.f32 $4.525483320e+01, v7  }
0x567: {  	s17 =	sand.u32 $0xE00, s17;
	s16 =	sand.u32 $0xFFFF0000, s21;
	v13 =	vld [tilespmem:s14+$0xFFFFFFE0];
	v11 =	vmul.f32 $4.525483320e+01, v11;
	[tilespmem:s13+$0xFFFFFFE0] =	vst v4  }
0x568: {  	s15 =	sand.u32 $0xFFFF0000, s20;
	s16 =	sor.u32 s17, s16;
	v6 =	vld [tilespmem:s14+$0xFFFFFFF0];
	v4 =	vmul.f32 $4.525483320e+01, v8;
	[tilespmem:s13+$0xFFFFFFF0] =	vst v5  }
0x569: {  	s15 =	ssub.s32 s16, s15;
	v7 =	vld [tilespmem:s14+$0x0];
	v8 =	vmul.f32 $4.525483320e+01, v9;
	[tilespmem:s14+$0xFFFFFFC0] =	vst v11;
	v9 =	vmul.f32 $4.525483320e+01, v3  }
0x56a: {  	s15 =	sshra.s32 s15, $0x2;
	v5 =	vld [tilespmem:s14+$0x10];
	[tilespmem:s13+$0x0] =	vst v4  }
0x56b: {  	s15 =	sadd.s32 $0x940, s15;
	v3 =	vld [tilespmem:s14+$0x20];
	[tilespmem:s14+$0x30] =	vst v9;
	v9 =	vmul.f32 $4.525483320e+01, v12  }
0x56c: {  	s18 =	simm.s32 $0x180;
	s17 =	simm.s32 $0x940;
	s16 =	simm.s32 $0x100;
	[tilespmem:s13+$0x10] =	vst v8;
	v4 =	vmul.f32 $4.525483320e+01, v10;
	v8 =	vld [tilespmem:s15+$0x30];
	v10 =	vmul.f32 $4.525483320e+01, v13  }
.LBB2_32:
0x56d: {  	s19 =	sshll.u32 s18, $0x5;
	v11 =	vld [tilespmem:s15+$0xFFFFFFC0];
	[tilespmem:s14+$0xFFFFFFD0] =	vst v9;
	v6 =	vmul.f32 $4.525483320e+01, v6  }
0x56e: {  	s20 =	sshll.u32 s18, $0x2;
	s21 =	sshrl.u32 s18, $0x2;
	s16 =	sadd.s32 $0x80, s16;
	v9 =	vld [tilespmem:s15+$0xFFFFFFD0];
	[tilespmem:s14+$0xFFFFFFE0] =	vst v10;
	v7 =	vmul.f32 $4.525483320e+01, v7  }
0x56f: {  	s20 =	sand.u32 $0xFFFF0000, s20;
	s21 =	sand.u32 $0xE00, s21;
	p0 =	slt.u32 s16, $0x7F80;
	v10 =	vld [tilespmem:s15+$0xFFFFFFE0];
	[tilespmem:s14+$0xFFFFFFF0] =	vst v6  }
.Ltmp15:
0x570: {  	s19 =	sand.u32 $0xFFFF0000, s19;
	s20 =	sor.u32 s21, s20;
	v12 =	vmul.f32 $4.525483320e+01, v5;
	v6 =	vld [tilespmem:s15+$0xFFFFFFF0];
	[tilespmem:s14+$0x0] =	vst v7;
	v3 =	vmul.f32 $4.525483320e+01, v3;
	(pc) =	sbr.rel @p0 .LBB2_32-.Ltmp15, $4  }
0x571: {  	s19 =	ssub.s32 s20, s19;
	v7 =	vld [tilespmem:s15+$0x0];
	v8 =	vmul.f32 $4.525483320e+01, v8;
	[tilespmem:s13+$0x20] =	vst v4;
	s13 =	smov.u32 s14;
	s14 =	smov.u32 s15  }
0x572: {  	s17 =	sadd.s32 $0x400, s17;
	s15 =	sshra.s32 s19, $0x2;
	v11 =	vmul.f32 $4.525483320e+01, v11;
	v5 =	vld [tilespmem:s14+$0x10];
	[tilespmem:s13+$0x10] =	vst v12;
	v4 =	vmov v3  }
0x573: {  	s15 =	sadd.s32 s15, s17;
	v9 =	vmul.f32 $4.525483320e+01, v9;
	v3 =	vld [tilespmem:s14+$0x20];
	[tilespmem:s14+$0x30] =	vst v8  }
0x574: {  	s18 =	sadd.s32 $0x80, s18;
	v8 =	vld [tilespmem:s15+$0x30];
	[tilespmem:s14+$0xFFFFFFC0] =	vst v11;
	v10 =	vmul.f32 $4.525483320e+01, v10  }
0x575: {  	[tilespmem:s14+$0xFFFFFFD0] =	vst v9  }
0x576: {  	v11 =	vld [tilespmem:s15+$0xFFFFFFC0];
	v6 =	vmul.f32 $4.525483320e+01, v6;
	[tilespmem:s13+$0x20] =	vst v4  }
0x577: {  	v53 =	vld [tilespmem:s15+$0xFFFFFFD0];
	[tilespmem:s14+$0xFFFFFFE0] =	vst v10;
	v7 =	vmul.f32 $4.525483320e+01, v7  }
0x578: {  	v54 =	vld [tilespmem:s15+$0xFFFFFFE0];
	[tilespmem:s14+$0xFFFFFFF0] =	vst v6;
	v5 =	vmul.f32 $4.525483320e+01, v5  }
0x579: {  	v55 =	vld [tilespmem:s15+$0xFFFFFFF0];
	[tilespmem:s14+$0x0] =	vst v7;
	v3 =	vmul.f32 $4.525483320e+01, v3  }
0x57a: {  	v56 =	vld [tilespmem:s15+$0x0];
	v8 =	vmul.f32 $4.525483320e+01, v8;
	[tilespmem:s14+$0x10] =	vst v5  }
0x57b: {  	v58 =	vld [tilespmem:s15+$0x10];
	v57 =	vmul.f32 $4.525483320e+01, v11;
	[tilespmem:s14+$0x20] =	vst v3  }
0x57c: {  	v59 =	vld [tilespmem:s15+$0x20];
	v9 =	vmul.f32 $4.525483320e+01, v53;
	[tilespmem:s15+$0x30] =	vst v8  }
0x57d: {  	v60 =	vmul.f32 $4.525483320e+01, v54;
	[tilespmem:s15+$0xFFFFFFC0] =	vst v57  }
0x57e: {  	v6 =	vmul.f32 $4.525483320e+01, v55;
	[tilespmem:s15+$0xFFFFFFD0] =	vst v9  }
0x57f: {  	v61 =	vmul.f32 $4.525483320e+01, v56;
	[tilespmem:s15+$0xFFFFFFE0] =	vst v60  }
0x580: {  	v62 =	vmul.f32 $4.525483320e+01, v58;
	[tilespmem:s15+$0xFFFFFFF0] =	vst v6  }
0x581: {  	v63 =	vmul.f32 $4.525483320e+01, v59;
	[tilespmem:s15+$0x0] =	vst v61  }
0x582: {  	[tilespmem:s15+$0x10] =	vst v62  }
0x583: {  	[tilespmem:s15+$0x20] =	vst v63  }
0x584: {  	s13 =	rddreg [dreg:$0x15]  }
0x585: {  	[hbm4b:s13+s3] =	stream.linear.scatter [tilespmem:s31], [sflag:$0x4], $0x8000, $0x38;
	[tilespmem:$0x18100] =	vst v63  }
0x586: {  	_ =	swait.ge [sflag:s1], $0x8000  }
0x587: {  	[sflag:s1] =	ssyncset.done $0x0  }
0x588: {  	[sflag:s1] =	ssyncadd.s32 $0xFFFF8000  }
0x589: {  	_ =	swait.ge [sflag:s0], $0x8000  }
0x58a: {  	[sflag:s0] =	ssyncset.done $0x0  }
0x58b: {  	[sflag:s0] =	ssyncadd.s32 $0xFFFF8000  }
0x58c: {  	_ =	swait.ge [sflag:s12], $0x8000  }
0x58d: {  	s4 =	sadd.s32 $0x1, s4;
	s21 =	rddreg [dreg:$0x12]  }
0x58e: {  	p0 =	sne.s32 s4, s21  }
.Ltmp16:
0x58f: {  	_ = 	snop;
	(pc) =	sbr.rel @p0 .LBB2_1-.Ltmp16, $3  }
0x590: {  	_ =	sdelay $0x1  }
0x591: {  	[sflag:s12] =	ssyncset.done $0x0  }
0x592: {  	[sflag:s12] =	ssyncadd.s32 $0xFFFF8000  }
0x593: {  	_ =	sfence.sel $0x180000  }
0x594: {  	[bflag:$0x0] =	sbarrier.arrive $0xFFFF  }
0x595: {  	_ =	strace $0x90000047  }
0x596: {  	s0 =	stileid.u32;
	[bflag:$0x2] =	sbarrier.arrive $0xFFFF  }
0x597: {  	p0 =	sne.s32 s0, $0x0;
	s0 =	rddreg [dreg:$0x3]  }
0x598: {  	s0 =	sadd.s32 @!p0 $0x100000, s0  }
0x599: {  	[sflag:s0] =	ssyncadd.tile.s32 @!p0 $0x1;
	_ =	shalt  }
.Lfunc_end2:
_tile_overlayer_lowered:
.L_overlay_start_2:
0x59a: {  	(tag) =	ssettag $0x2  }
0x59b: {  	s0 =	rddreg [dreg:$0x0];
	s2 =	stileid.u32  }
0x59c: {  	s1 =	rddreg [dreg:$0x1];
	p0 =	sne.s32 s2, $0x0  }
0x59d: {  	s3 =	rddreg [dreg:$0x2];
	[bflag:$0x3] =	sbarrier.arrive $0xFFFF;
	s2 =	simm.s32 @!p0 $0x1C07  }
0x59e: {  	[timem:s3], [sflag:s2] =	dma.local @!p0 [hbm:s0], s1  }
0x59f: {  	s0 =	simm.s32 @!p0 $0x7  }
0x5a0: {  	_ =	swait.ge @!p0 [sflag:s0], s1  }
0x5a1: {  	s1 =	ssub.s32 @!p0 $0x0, s1;
	[sflag:s0] =	ssyncset.done @!p0 $0x0  }
0x5a2: {  	[sflag:s0] =	ssyncadd.s32 @!p0 s1  }
0x5a3: {  	[bflag:$0x3] =	sbarrier.arrive $0xFFFF  }
0x5a4: {  	_ =	shalt  }

</sc_bundles>
